<compile_context>
chip_gen: v7x
topology: tpu7x:2x2x1
jax: 0.10.2.dev20260603
libtpu: 0.0.44.dev20260713+nightly
codegen_flags: <defaults>
</compile_context>

<pallas_src>
import functools
import math

import jax
import jax.numpy as jnp
from jax import lax
from jax.experimental import pallas as pl
from jax.experimental.pallas import tpu as pltpu
from jax.experimental.pallas import tpu_sc as plsc

N_PAD = 10240
R_KNN = 256
R_XC = 512
KNN_K = 3
INV = 1.0 / math.sqrt(1.0 + 1e-5)

LAYERS = [
    (57, 114, 64, 128),
    (114, 228, 128, 240),
    (228, 300, 240, 304),
    (300, 300, 304, 304),
]


def _mm(a, b, precision=lax.Precision.HIGHEST):
    return lax.dot_general(a, b, (((1,), (0,)), ((), ())),
                           precision=precision,
                           preferred_element_type=jnp.float32)


def _mmb(a, b):
    return lax.dot_general(a.astype(jnp.bfloat16), b.astype(jnp.bfloat16),
                           (((1,), (0,)), ((), ())),
                           preferred_element_type=jnp.float32)


def _bf(v):
    return v.astype(jnp.bfloat16).astype(jnp.float32)


def _elu(x):
    return jnp.where(x > 0, x, jnp.exp(jnp.minimum(x, 0.0)) - 1.0)



def _knn_body(posb_ref, post_ref, sqr_ref, sqc_ref, batb_ref, batr_ref,
              out_ref):
    posb = posb_ref[...]
    post = post_ref[...]
    bb = batb_ref[...]
    br = batr_ref[...]
    d2 = sqr_ref[...] + sqc_ref[...] - 2.0 * _mm(
        posb, post, precision=lax.Precision.DEFAULT)
    d2 = jnp.where(bb == br, d2, jnp.inf)
    iota = lax.broadcasted_iota(jnp.int32, d2.shape, 1)
    cols = []
    for _ in range(KNN_K):
        m = jnp.min(d2, axis=1, keepdims=True)
        idx = jnp.min(jnp.where(d2 == m, iota, jnp.int32(2 ** 30)), axis=1)
        cols.append(idx[:, None])
        d2 = jnp.where(iota == idx[:, None], jnp.inf, d2)
    out_ref[...] = jnp.concatenate(cols, axis=1)


def _knn(pos16, post, sqcol, sqrow, batcol, batrow):
    return pl.pallas_call(
        _knn_body,
        grid=(N_PAD // R_KNN,),
        in_specs=[
            pl.BlockSpec((R_KNN, 16), lambda i: (i, 0)),
            pl.BlockSpec((16, N_PAD), lambda i: (0, 0)),
            pl.BlockSpec((R_KNN, 1), lambda i: (i, 0)),
            pl.BlockSpec((1, N_PAD), lambda i: (0, 0)),
            pl.BlockSpec((R_KNN, 1), lambda i: (i, 0)),
            pl.BlockSpec((1, N_PAD), lambda i: (0, 0)),
        ],
        out_specs=pl.BlockSpec((R_KNN, KNN_K), lambda i: (i, 0)),
        out_shape=jax.ShapeDtypeStruct((N_PAD, KNN_K), jnp.int32),
    )(pos16, post, sqcol, sqrow, batcol, batrow)



def _sc_gather(table, idx, cp):
    b_total = idx.shape[0]
    n_workers = 32
    bpw = b_total // n_workers
    chunk = 240
    nch = bpw // chunk

    @functools.partial(
        pl.kernel,
        out_type=jax.ShapeDtypeStruct((b_total, cp), jnp.float32),
        mesh=plsc.VectorSubcoreMesh(core_axis_name="c", subcore_axis_name="s"),
        scratch_types=[
            pltpu.VMEM((chunk,), jnp.int32),
            pltpu.VMEM((chunk, cp), jnp.float32),
            pltpu.SemaphoreType.DMA,
        ],
        compiler_params=pltpu.CompilerParams(use_tc_tiling_on_sc=False),
    )
    def gk(table_hbm, idx_hbm, out_hbm, idx_v, rows_v, sem):
        wid = lax.axis_index("s") * 2 + lax.axis_index("c")
        base = wid * bpw

        def body(c, carry):
            off = base + c * chunk
            pltpu.sync_copy(idx_hbm.at[pl.ds(off, chunk)], idx_v)
            pltpu.async_copy(table_hbm.at[idx_v], rows_v, sem).wait()
            pltpu.sync_copy(rows_v, out_hbm.at[pl.ds(off, chunk)])
            return carry

        lax.fori_loop(0, nch, body, 0)

    return gk(table, idx)



def _make_xconv_body(c_in, c_mid, dm, cp_in):
    def body(pos_ref, posg_ref, xg_ref, w1_ref, w2_ref, mw_ref, ma_ref,
             mb_ref, pcd_ref, p9_ref, dwv_ref, flw_ref, pout_ref, out_ref):
        pos = pos_ref[...]
        rel = posg_ref[...] - jnp.concatenate([pos, pos, pos], axis=1)
        pcd = pcd_ref[...]
        p9 = p9_ref[...]
        w1 = w1_ref[...]
        w2 = w2_ref[...]
        hs = []
        for k in range(3):
            z = _mmb(rel[:, 16 * k:16 * k + 16], w1) + pcd[0:1]
            z = pcd[1:2] * _elu(z) * INV + pcd[2:3]
            z = _mmb(z, w2) + pcd[3:4]
            z = pcd[4:5] * _elu(z) * INV + pcd[5:6]
            hs.append(z)
        t = _mmb(rel, mw_ref[...]) + p9[0:1]
        t = p9[1:2] * _elu(t) * INV + p9[2:3]
        t = _mm(t, ma_ref[...]) + p9[3:4]
        t = p9[4:5] * _elu(t) * INV + p9[5:6]
        t = _mm(t, mb_ref[...]) + p9[6:7]
        t = p9[7:8] * t * INV + p9[8:9]
        xg = xg_ref[...]
        xs = [jnp.concatenate(
            [hs[k], xg[:, cp_in * k:cp_in * k + c_in]], axis=1)
            for k in range(3)]
        xts = []
        for k in range(3):
            acc = xs[0] * t[:, k:k + 1]
            acc = acc + xs[1] * t[:, 3 + k:4 + k]
            acc = acc + xs[2] * t[:, 6 + k:7 + k]
            xts.append(acc)
        dwv = dwv_ref[...]
        pout = pout_ref[...]
        out = None
        for j in range(dm):
            o = (xts[0] * dwv[3 * j:3 * j + 1]
                 + xts[1] * dwv[3 * j + 1:3 * j + 2]
                 + xts[2] * dwv[3 * j + 2:3 * j + 3]
                 + dwv[6 + j:7 + j])
            m = _mmb(o, flw_ref[j * c_mid:(j + 1) * c_mid, :])
            out = m if out is None else out + m
        out = out + pout[0:1]
        out = pout[1:2] * out * INV + pout[2:3]
        out_ref[...] = jnp.maximum(out, 0.0)

    return body


def _prep_xconv(p, outer_g, outer_b, c_in, c_out, c_out_pad):
    cd = c_in // 4
    c_mid = c_in + cd
    dm = -(-c_out // c_mid)
    z32 = jnp.float32
    w1 = jnp.zeros((16, cd), z32).at[:3].set(p['l1_W'].T)
    w2 = p['l2_W'].T
    mw = jnp.zeros((3, 16, 9), z32).at[:, :3, :].set(
        p['m_W'].T.reshape(3, 3, 9)).reshape(48, 9)

    def blockdiag(cw):
        a = jnp.transpose(cw.reshape(3, 3, 3), (0, 2, 1))
        r = jnp.arange(3)
        return jnp.zeros((3, 3, 3, 3), z32).at[r, :, r, :].set(a).reshape(9, 9)

    ma = blockdiag(p['cA_W'])
    mb = blockdiag(p['cB_W'])
    pcd = jnp.zeros((8, cd), z32)
    for i, v in enumerate([p['l1_b'], p['bn1_g'], p['bn1_b'],
                           p['l2_b'], p['bn2_g'], p['bn2_b']]):
        pcd = pcd.at[i].set(v)
    p9 = jnp.zeros((16, 9), z32)
    for i, v in enumerate([p['m_b'], p['mbn_g'], p['mbn_b'],
                           p['cA_b'], p['bnA_g'], p['bnA_b'],
                           p['cB_b'], p['bnB_g'], p['bnB_b']]):
        p9 = p9.at[i].set(v)
    dwr = jnp.transpose(p['dw_W'].reshape(c_mid, dm, 3), (1, 2, 0))
    dwv = jnp.zeros((8, c_mid), z32).at[0:3 * dm].set(dwr.reshape(dm * 3, c_mid))
    dwv = dwv.at[6:6 + dm].set(p['dw_b'].reshape(c_mid, dm).T)
    flr = jnp.transpose(p['fl_W'].T.reshape(c_mid, dm, c_out),
                        (1, 0, 2)).reshape(dm * c_mid, c_out)
    flw = jnp.zeros((dm * c_mid, c_out_pad), z32).at[:, :c_out].set(flr)
    pout = jnp.zeros((8, c_out_pad), z32)
    pout = pout.at[0, :c_out].set(p['fl_b'])
    pout = pout.at[1, :c_out].set(outer_g)
    pout = pout.at[2, :c_out].set(outer_b)
    return (w1, w2, mw, ma, mb, pcd, p9, dwv, flw, pout), cd, c_mid, dm


def _xconv(pos16, posg, xg, prep, c_in, cd, c_mid, dm, cp_in, c_out_pad):
    w1, w2, mw, ma, mb, pcd, p9, dwv, flw, pout = prep

    def full(shape):
        return pl.BlockSpec(shape, lambda i: tuple(0 for _ in shape))

    return pl.pallas_call(
        _make_xconv_body(c_in, c_mid, dm, cp_in),
        grid=(N_PAD // R_XC,),
        in_specs=[
            pl.BlockSpec((R_XC, 16), lambda i: (i, 0)),
            pl.BlockSpec((R_XC, 48), lambda i: (i, 0)),
            pl.BlockSpec((R_XC, 3 * cp_in), lambda i: (i, 0)),
            full((16, cd)), full((cd, cd)), full((48, 9)), full((9, 9)),
            full((9, 9)), full((8, cd)), full((16, 9)), full((8, c_mid)),
            full((dm * c_mid, c_out_pad)), full((8, c_out_pad)),
        ],
        out_specs=pl.BlockSpec((R_XC, c_out_pad), lambda i: (i, 0)),
        out_shape=jax.ShapeDtypeStruct((N_PAD, c_out_pad), jnp.float32),
    )(pos16, posg, xg, w1, w2, mw, ma, mb, pcd, p9, dwv, flw, pout)



def _pool_body(h_ref, b_ref, out_ref):
    @pl.when(pl.program_id(0) == 0)
    def _init():
        out_ref[...] = jnp.zeros_like(out_ref)

    br = b_ref[0]
    gi = lax.broadcasted_iota(jnp.int32, (32, br.shape[1]), 0)
    oh = (gi == br).astype(jnp.float32)
    out_ref[...] += _mm(oh, h_ref[...])


def _pool(h, batr3, c):
    nb = N_PAD // R_XC
    return pl.pallas_call(
        _pool_body,
        grid=(nb,),
        in_specs=[
            pl.BlockSpec((R_XC, c), lambda i: (i, 0)),
            pl.BlockSpec((1, 1, R_XC), lambda i: (i, 0, 0)),
        ],
        out_specs=pl.BlockSpec((32, c), lambda i: (0, 0)),
        out_shape=jax.ShapeDtypeStruct((32, c), jnp.float32),
    )(h, batr3)


def _head_body(g_ref, d_ref, xw_ref, xb_ref, f1a_ref, f1b_ref, b1_ref,
               w2_ref, b2_ref, w3_ref, b3_ref, w4_ref, b4_ref, w5_ref,
               b5_ref, out_ref):
    z = jnp.maximum(_mmb(g_ref[...], xw_ref[...]) + xb_ref[...], 0.0)
    z = jnp.maximum(_mmb(z, f1a_ref[...]) + _mmb(d_ref[...], f1b_ref[...])
                    + b1_ref[...], 0.0)
    z = jnp.maximum(_mmb(z, w2_ref[...]) + b2_ref[...], 0.0)
    z = jnp.maximum(_mmb(z, w3_ref[...]) + b3_ref[...], 0.0)
    z = jnp.maximum(_mmb(z, w4_ref[...]) + b4_ref[...], 0.0)
    out_ref[...] = _mmb(z, w5_ref[...]) + b5_ref[...]


def _head(g, descriptor, params):
    xw = jnp.zeros((g.shape[1], 1024), jnp.float32).at[:300].set(
        params['xfc_W'].T)
    f1 = params['f1_W'].T
    args = (
        g, descriptor, xw, params['xfc_b'][None, :],
        f1[:1024], f1[1024:], params['f1_b'][None, :],
        params['f2_W'].T, params['f2_b'][None, :],
        params['f3_W'].T, params['f3_b'][None, :],
        params['f4_W'].T, params['f4_b'][None, :],
        params['f5_W'].T, params['f5_b'][None, :],
    )
    return pl.pallas_call(
        _head_body,
        out_shape=jax.ShapeDtypeStruct((32, 1), jnp.float32),
    )(*args)



def kernel(x, pos, descriptor, params, batch):
    n = x.shape[0]
    f32 = jnp.float32
    pos16 = jnp.zeros((N_PAD, 16), f32).at[:n, :3].set(pos)
    post = pos16.T
    batch_p = jnp.full((N_PAD,), 99, jnp.int32).at[:n].set(batch)
    batcol = batch_p.reshape(N_PAD, 1)
    batrow = batch_p.reshape(1, N_PAD)
    batr3 = batch_p.reshape(N_PAD // R_XC, 1, R_XC)

    sq = jnp.sum(pos * pos, axis=1)
    sq_p = jnp.zeros((N_PAD,), f32).at[:n].set(sq)
    nbr = _knn(pos16, post, sq_p.reshape(N_PAD, 1), sq_p.reshape(1, N_PAD),
               batcol, batrow)
    idx = jnp.concatenate(
        [nbr[:n].reshape(-1), jnp.zeros((KNN_K * (N_PAD - n),), jnp.int32)])

    posg = _sc_gather(pos16, idx, 16).reshape(N_PAD, 48)

    h = jnp.zeros((N_PAD, LAYERS[0][2]), f32).at[:n, :57].set(x)
    for li, (c_in, c_out, cp_in, c_out_pad) in enumerate(LAYERS):
        lp = params[f'c{li + 1}']
        prep, cd, c_mid, dm = _prep_xconv(
            lp, params[f'bn{li + 1}_g'], params[f'bn{li + 1}_b'],
            c_in, c_out, c_out_pad)
        xg = _sc_gather(h, idx, cp_in).reshape(N_PAD, 3 * cp_in)
        h = _xconv(pos16, posg, xg, prep, c_in, cd, c_mid, dm,
                   cp_in, c_out_pad)

    g = _pool(h, batr3, h.shape[1])
    return _head(g, descriptor, params)

# --- scband reference (transcript-rebuilt; emitter-appended) ---
"""Pipeline reference for scband-xconv-model-63977832841473 (READ-ONLY COPY).

The authoritative reference and input builder live on the scoring server;
editing this copy changes nothing except your own understanding.
"""

import jax, jax.numpy as jnp
import numpy as np
import math

EPS = 1e-5
N_NODES = 10000
NUM_GRAPHS = 32
K = 3
D = 3


def bn(x, g, b):
    # eval-mode BatchNorm1d with running_mean=0, running_var=1
    return g * x / jnp.sqrt(1.0 + EPS) + b


def lin(x, W, b):
    return x @ W.T + b


def make_xconv_params(key, C_in, C_out):
    C_delta = C_in // 4
    C_mid = C_in + C_delta
    dm = int(math.ceil(C_out / C_mid))
    ks = jax.random.split(key, 6)
    def w(k, shape, fan_in):
        return jax.random.normal(k, shape, dtype=jnp.float32) / np.sqrt(fan_in)
    return {
        'l1_W': w(ks[0], (C_delta, D), D), 'l1_b': jnp.zeros((C_delta,), jnp.float32),
        'bn1_g': jnp.ones((C_delta,), jnp.float32), 'bn1_b': jnp.zeros((C_delta,), jnp.float32),
        'l2_W': w(ks[1], (C_delta, C_delta), C_delta), 'l2_b': jnp.zeros((C_delta,), jnp.float32),
        'bn2_g': jnp.ones((C_delta,), jnp.float32), 'bn2_b': jnp.zeros((C_delta,), jnp.float32),
        'm_W': w(ks[2], (K * K, D * K), D * K), 'm_b': jnp.zeros((K * K,), jnp.float32),
        'mbn_g': jnp.ones((K * K,), jnp.float32), 'mbn_b': jnp.zeros((K * K,), jnp.float32),
        'cA_W': w(ks[3], (K * K, 1, K), K), 'cA_b': jnp.zeros((K * K,), jnp.float32),
        'bnA_g': jnp.ones((K * K,), jnp.float32), 'bnA_b': jnp.zeros((K * K,), jnp.float32),
        'cB_W': w(ks[4], (K * K, 1, K), K), 'cB_b': jnp.zeros((K * K,), jnp.float32),
        'bnB_g': jnp.ones((K * K,), jnp.float32), 'bnB_b': jnp.zeros((K * K,), jnp.float32),
        'dw_W': w(ks[5], (C_mid * dm, 1, K), K), 'dw_b': jnp.zeros((C_mid * dm,), jnp.float32),
        'fl_W': w(jax.random.fold_in(key, 99), (C_out, C_mid * dm), C_mid * dm),
        'fl_b': jnp.zeros((C_out,), jnp.float32),
    }


def xconv_apply(p, x, pos, nbr, C_in, C_out):
    # Faithful port of torch_geometric.nn.XConv (dilation=1, kernel_size=3, dim=3)
    N = pos.shape[0]
    C_delta = C_in // 4
    C_mid = C_in + C_delta
    dm = int(math.ceil(C_out / C_mid))
    rel = pos[nbr] - pos[:, None, :]  # (N, K, D) relative positions pos[col]-pos[row]
    # mlp1: lift relative positions to C_delta features
    h = rel.reshape(N * K, D)
    h = bn(jax.nn.elu(lin(h, p['l1_W'], p['l1_b'])), p['bn1_g'], p['bn1_b'])
    h = bn(jax.nn.elu(lin(h, p['l2_W'], p['l2_b'])), p['bn2_g'], p['bn2_b'])
    x_star = jnp.concatenate([h.reshape(N, K, C_delta), x[nbr]], axis=-1)  # (N, K, C_mid)
    x_star = jnp.transpose(x_star, (0, 2, 1))  # (N, C_mid, K)
    # mlp2: learn the KxK X-transformation matrix
    t = bn(jax.nn.elu(lin(rel.reshape(N, K * D), p['m_W'], p['m_b'])), p['mbn_g'], p['mbn_b'])
    T = t.reshape(N, K, K)
    # grouped Conv1d(K, K*K, K, groups=K): out channel g*K+j from input channel g
    t = jnp.einsum('ngt,gjt->ngj', T, p['cA_W'].reshape(K, K, K)).reshape(N, K * K) + p['cA_b']
    t = bn(jax.nn.elu(t), p['bnA_g'], p['bnA_b'])
    T = t.reshape(N, K, K)
    t = jnp.einsum('ngt,gjt->ngj', T, p['cB_W'].reshape(K, K, K)).reshape(N, K * K) + p['cB_b']
    t = bn(t, p['bnB_g'], p['bnB_b'])
    transform = t.reshape(N, K, K)
    xt = jnp.matmul(x_star, transform)  # (N, C_mid, K)
    # depthwise-separable conv: Conv1d(C_mid, C_mid*dm, K, groups=C_mid) + Linear
    o = jnp.einsum('nct,cjt->ncj', xt, p['dw_W'].reshape(C_mid, dm, K)).reshape(N, C_mid * dm) + p['dw_b']
    return lin(o, p['fl_W'], p['fl_b'])


def knn_idx(pos, batch, k, chunk=2000):
    # knn_graph(pos, k, batch, loop=True): per-node k nearest neighbors within graph
    pos = jax.lax.stop_gradient(pos)
    batch = jax.lax.stop_gradient(batch)
    N = pos.shape[0]
    sq = jnp.sum(pos * pos, axis=1)
    out = []
    for s in range(0, N, chunk):
        d2 = sq[s:s + chunk, None] + sq[None, :] - 2.0 * (pos[s:s + chunk] @ pos.T)
        same = batch[s:s + chunk, None] == batch[None, :]
        d2 = jnp.where(same, d2, jnp.inf)
        out.append(jax.lax.top_k(-d2, k)[1])
    return jnp.concatenate(out, axis=0)  # (N, K)


def make_params(key):
    ks = jax.random.split(key, 12)
    def w(k, o, i):
        return jax.random.normal(k, (o, i), dtype=jnp.float32) / np.sqrt(i)
    return {
        'c1': make_xconv_params(ks[0], 57, 114),
        'c2': make_xconv_params(ks[1], 114, 228),
        'c3': make_xconv_params(ks[2], 228, 300),
        'c4': make_xconv_params(ks[3], 300, 300),
        'bn1_g': jnp.ones((114,), jnp.float32), 'bn1_b': jnp.zeros((114,), jnp.float32),
        'bn2_g': jnp.ones((228,), jnp.float32), 'bn2_b': jnp.zeros((228,), jnp.float32),
        'bn3_g': jnp.ones((300,), jnp.float32), 'bn3_b': jnp.zeros((300,), jnp.float32),
        'bn4_g': jnp.ones((300,), jnp.float32), 'bn4_b': jnp.zeros((300,), jnp.float32),
        'xfc_W': w(ks[4], 1024, 300), 'xfc_b': jnp.zeros((1024,), jnp.float32),
        'f1_W': w(ks[5], 2048, 1024 + 1217), 'f1_b': jnp.zeros((2048,), jnp.float32),
        'f2_W': w(ks[6], 1024, 2048), 'f2_b': jnp.zeros((1024,), jnp.float32),
        'f3_W': w(ks[7], 512, 1024), 'f3_b': jnp.zeros((512,), jnp.float32),
        'f4_W': w(ks[8], 256, 512), 'f4_b': jnp.zeros((256,), jnp.float32),
        'f5_W': w(ks[9], 1, 256), 'f5_b': jnp.zeros((1,), jnp.float32),
    }


def model_forward(x, pos, descriptor, params, batch):
    nbr = knn_idx(pos, batch, K)
    h = jax.nn.relu(bn(xconv_apply(params['c1'], x, pos, nbr, 57, 114), params['bn1_g'], params['bn1_b']))
    h = jax.nn.relu(bn(xconv_apply(params['c2'], h, pos, nbr, 114, 228), params['bn2_g'], params['bn2_b']))
    h = jax.nn.relu(bn(xconv_apply(params['c3'], h, pos, nbr, 228, 300), params['bn3_g'], params['bn3_b']))
    h = jax.nn.relu(bn(xconv_apply(params['c4'], h, pos, nbr, 300, 300), params['bn4_g'], params['bn4_b']))
    g = jax.ops.segment_sum(h, batch, num_segments=NUM_GRAPHS)  # global_add_pool
    g = jax.nn.relu(lin(g, params['xfc_W'], params['xfc_b']))
    z = jnp.concatenate([g, descriptor], axis=1)
    z = jax.nn.relu(lin(z, params['f1_W'], params['f1_b']))
    z = jax.nn.relu(lin(z, params['f2_W'], params['f2_b']))
    z = jax.nn.relu(lin(z, params['f3_W'], params['f3_b']))
    z = jax.nn.relu(lin(z, params['f4_W'], params['f4_b']))
    return lin(z, params['f5_W'], params['f5_b'])


def setup_inputs(seed: int = 0):
    key = jax.random.key(seed)
    k1, k2, k3, k4, k5 = jax.random.split(key, 5)
    x = jax.random.normal(k1, (N_NODES, 57), dtype=jnp.float32)
    pos = jax.random.normal(k2, (N_NODES, 3), dtype=jnp.float32)
    batch = jnp.sort(jax.random.randint(k3, (N_NODES,), 0, NUM_GRAPHS))
    descriptor = jax.random.normal(k4, (NUM_GRAPHS, 1217), dtype=jnp.float32)
    params = make_params(k5)
    return {'x': x, 'pos': pos, 'descriptor': descriptor, 'params': params, 'batch': batch}


def reference(x, pos, descriptor, params, batch):
    return model_forward(x, pos, descriptor, params, batch)

if __name__ == "__main__":
    import jax
    _d = setup_inputs()
    print(jax.jit(kernel)(*tuple(_d.values())))

</pallas_src>

<mosaic_0001>
#map = affine_map<(d0, d1) -> (0, 0)>
#map1 = affine_map<(d0, d1) -> (0)>
module attributes {stable_mosaic.version = 14 : i64} {
  func.func @gk(%arg0: i32, %arg1: i32, %arg2: memref<10240x16xf32, #tpu.memory_space<hbm>>, %arg3: memref<30720xi32, #tpu.memory_space<hbm>>, %arg4: memref<30720x16xf32, #tpu.memory_space<hbm>>, %arg5: memref<240xi32, #tpu.memory_space<vmem>>, %arg6: memref<240x16xf32, #tpu.memory_space<vmem>>, %arg7: memref<!tpu.dma_semaphore, #tpu.memory_space<semaphore_mem>>) attributes {dimension_semantics = [#tpu.dimension_semantics<core_parallel>, #tpu.dimension_semantics<subcore_parallel>], iteration_bounds = array<i64: 2, 16>, scalar_prefetch = 0 : i64, scratch_operands = 3 : i64, tpu.core_type = #tpu.core_type<sc_vector_subcore>, window_params = [{transform_indices = #map}, {transform_indices = #map1}, {transform_indices = #map}]} {
    %mul3A = arith.constant 2 : i32
    %mul3A_0 = arith.muli %arg1, %mul3A : i32
    %add3A = arith.addi %mul3A_0, %arg0 : i32
    %mul3A_1 = arith.constant 960 : i32
    %mul3A_2 = arith.muli %add3A, %mul3A_1 : i32
    %scan3A = arith.constant 0 : i32
    %scan3A_3 = arith.constant 0 : i32
    %scan3A_4 = arith.constant 4 : i32
    %scan3A_5 = arith.addi %scan3A_3, %scan3A_4 : i32
    %scan3A_6 = arith.constant 1 : i32
    scf.for %scan3A_8 = %scan3A_3 to %scan3A_5 step %scan3A_6  : i32 {
      %mul3A_9 = arith.constant 240 : i32
      %mul3A_10 = arith.muli %scan3A_8, %mul3A_9 : i32
      %add3A_11 = arith.addi %mul3A_2, %mul3A_10 : i32
      "tpu.region"() ({
        %run_scoped3A = tpu.sem_alloc : memref<!tpu.dma_semaphore, #tpu.memory_space<semaphore_mem>>
        %dma_start3A_16 = tpu.memref_slice %arg3[%add3A_11] : memref<30720xi32, #tpu.memory_space<hbm>> -> memref<240xi32, #tpu.memory_space<hbm>>
        %dma_start3A_17 = tpu.memref_slice %arg3[%add3A_11] : memref<30720xi32, #tpu.memory_space<hbm>> -> memref<240xi32, #tpu.memory_space<hbm>>
        tpu.enqueue_dma source(%dma_start3A_17 : memref<240xi32, #tpu.memory_space<hbm>>) target(%arg5 : memref<240xi32, #tpu.memory_space<vmem>>) target_semaphore(%run_scoped3A : memref<!tpu.dma_semaphore, #tpu.memory_space<semaphore_mem>>)
        %dma_wait3A_18 = tpu.memref_slice %arg3[%add3A_11] : memref<30720xi32, #tpu.memory_space<hbm>> -> memref<240xi32, #tpu.memory_space<hbm>>
        %dma_wait3A_19 = tpu.memref_slice %arg3[%add3A_11] : memref<30720xi32, #tpu.memory_space<hbm>> -> memref<240xi32, #tpu.memory_space<hbm>>
        tpu.wait_dma2 semaphore(%run_scoped3A : memref<!tpu.dma_semaphore, #tpu.memory_space<semaphore_mem>>) src(%dma_wait3A_19 : memref<240xi32, #tpu.memory_space<hbm>>) dst(%arg5 : memref<240xi32, #tpu.memory_space<vmem>>)
        tpu.yield
      }) : () -> ()
      %dma_start3A = arith.constant 0 : i32
      %dma_start3A_12 = arith.constant 0 : i32
      %dma_start3A_13 = tpu.memref_slice %arg2[%dma_start3A, %dma_start3A_12] : memref<10240x16xf32, #tpu.memory_space<hbm>> -> memref<10240x16xf32, #tpu.memory_space<hbm>>
      tpu.enqueue_indirect_dma source(%dma_start3A_13 : memref<10240x16xf32, #tpu.memory_space<hbm>>) target(%arg6 : memref<240x16xf32, #tpu.memory_space<vmem>>) offsets(%arg5 : memref<240xi32, #tpu.memory_space<vmem>>) semaphore(%arg7 : memref<!tpu.dma_semaphore, #tpu.memory_space<semaphore_mem>>)
      %dma_wait3A = arith.constant 0 : i32
      %dma_wait3A_14 = arith.constant 0 : i32
      %dma_wait3A_15 = tpu.memref_slice %arg2[%dma_wait3A, %dma_wait3A_14] : memref<10240x16xf32, #tpu.memory_space<hbm>> -> memref<10240x16xf32, #tpu.memory_space<hbm>>
      tpu.wait_indirect_dma semaphore(%arg7 : memref<!tpu.dma_semaphore, #tpu.memory_space<semaphore_mem>>) src(%dma_wait3A_15 : memref<10240x16xf32, #tpu.memory_space<hbm>>) dst(%arg6 : memref<240x16xf32, #tpu.memory_space<vmem>>)
      "tpu.region"() ({
        %run_scoped3A = tpu.sem_alloc : memref<!tpu.dma_semaphore, #tpu.memory_space<semaphore_mem>>
        %dma_start3A_16 = arith.constant 0 : i32
        %dma_start3A_17 = tpu.memref_slice %arg4[%add3A_11, %dma_start3A_16] : memref<30720x16xf32, #tpu.memory_space<hbm>> -> memref<240x16xf32, #tpu.memory_space<hbm>>
        %dma_start3A_18 = arith.constant 0 : i32
        %dma_start3A_19 = tpu.memref_slice %arg4[%add3A_11, %dma_start3A_18] : memref<30720x16xf32, #tpu.memory_space<hbm>> -> memref<240x16xf32, #tpu.memory_space<hbm>>
        tpu.enqueue_dma source(%arg6 : memref<240x16xf32, #tpu.memory_space<vmem>>) target(%dma_start3A_19 : memref<240x16xf32, #tpu.memory_space<hbm>>) target_semaphore(%run_scoped3A : memref<!tpu.dma_semaphore, #tpu.memory_space<semaphore_mem>>)
        %dma_wait3A_20 = arith.constant 0 : i32
        %dma_wait3A_21 = tpu.memref_slice %arg4[%add3A_11, %dma_wait3A_20] : memref<30720x16xf32, #tpu.memory_space<hbm>> -> memref<240x16xf32, #tpu.memory_space<hbm>>
        %dma_wait3A_22 = arith.constant 0 : i32
        %dma_wait3A_23 = tpu.memref_slice %arg4[%add3A_11, %dma_wait3A_22] : memref<30720x16xf32, #tpu.memory_space<hbm>> -> memref<240x16xf32, #tpu.memory_space<hbm>>
        tpu.wait_dma2 semaphore(%run_scoped3A : memref<!tpu.dma_semaphore, #tpu.memory_space<semaphore_mem>>) src(%arg6 : memref<240x16xf32, #tpu.memory_space<vmem>>) dst(%dma_wait3A_23 : memref<240x16xf32, #tpu.memory_space<hbm>>)
        tpu.yield
      }) : () -> ()
    }
    %scan3A_7 = arith.constant 4 : i32
    return
  }
}

#map = affine_map<(d0, d1) -> (0, 0)>
#map1 = affine_map<(d0, d1) -> (0)>
module attributes {stable_mosaic.version = 14 : i64} {
  func.func @gk(%arg0: i32, %arg1: i32, %arg2: memref<10240x64xf32, #tpu.memory_space<hbm>>, %arg3: memref<30720xi32, #tpu.memory_space<hbm>>, %arg4: memref<30720x64xf32, #tpu.memory_space<hbm>>, %arg5: memref<240xi32, #tpu.memory_space<vmem>>, %arg6: memref<240x64xf32, #tpu.memory_space<vmem>>, %arg7: memref<!tpu.dma_semaphore, #tpu.memory_space<semaphore_mem>>) attributes {dimension_semantics = [#tpu.dimension_semantics<core_parallel>, #tpu.dimension_semantics<subcore_parallel>], iteration_bounds = array<i64: 2, 16>, scalar_prefetch = 0 : i64, scratch_operands = 3 : i64, tpu.core_type = #tpu.core_type<sc_vector_subcore>, window_params = [{transform_indices = #map}, {transform_indices = #map1}, {transform_indices = #map}]} {
    %mul3A = arith.constant 2 : i32
    %mul3A_0 = arith.muli %arg1, %mul3A : i32
    %add3A = arith.addi %mul3A_0, %arg0 : i32
    %mul3A_1 = arith.constant 960 : i32
    %mul3A_2 = arith.muli %add3A, %mul3A_1 : i32
    %scan3A = arith.constant 0 : i32
    %scan3A_3 = arith.constant 0 : i32
    %scan3A_4 = arith.constant 4 : i32
    %scan3A_5 = arith.addi %scan3A_3, %scan3A_4 : i32
    %scan3A_6 = arith.constant 1 : i32
    scf.for %scan3A_8 = %scan3A_3 to %scan3A_5 step %scan3A_6  : i32 {
      %mul3A_9 = arith.constant 240 : i32
      %mul3A_10 = arith.muli %scan3A_8, %mul3A_9 : i32
      %add3A_11 = arith.addi %mul3A_2, %mul3A_10 : i32
      "tpu.region"() ({
        %run_scoped3A = tpu.sem_alloc : memref<!tpu.dma_semaphore, #tpu.memory_space<semaphore_mem>>
        %dma_start3A_16 = tpu.memref_slice %arg3[%add3A_11] : memref<30720xi32, #tpu.memory_space<hbm>> -> memref<240xi32, #tpu.memory_space<hbm>>
        %dma_start3A_17 = tpu.memref_slice %arg3[%add3A_11] : memref<30720xi32, #tpu.memory_space<hbm>> -> memref<240xi32, #tpu.memory_space<hbm>>
        tpu.enqueue_dma source(%dma_start3A_17 : memref<240xi32, #tpu.memory_space<hbm>>) target(%arg5 : memref<240xi32, #tpu.memory_space<vmem>>) target_semaphore(%run_scoped3A : memref<!tpu.dma_semaphore, #tpu.memory_space<semaphore_mem>>)
        %dma_wait3A_18 = tpu.memref_slice %arg3[%add3A_11] : memref<30720xi32, #tpu.memory_space<hbm>> -> memref<240xi32, #tpu.memory_space<hbm>>
        %dma_wait3A_19 = tpu.memref_slice %arg3[%add3A_11] : memref<30720xi32, #tpu.memory_space<hbm>> -> memref<240xi32, #tpu.memory_space<hbm>>
        tpu.wait_dma2 semaphore(%run_scoped3A : memref<!tpu.dma_semaphore, #tpu.memory_space<semaphore_mem>>) src(%dma_wait3A_19 : memref<240xi32, #tpu.memory_space<hbm>>) dst(%arg5 : memref<240xi32, #tpu.memory_space<vmem>>)
        tpu.yield
      }) : () -> ()
      %dma_start3A = arith.constant 0 : i32
      %dma_start3A_12 = arith.constant 0 : i32
      %dma_start3A_13 = tpu.memref_slice %arg2[%dma_start3A, %dma_start3A_12] : memref<10240x64xf32, #tpu.memory_space<hbm>> -> memref<10240x64xf32, #tpu.memory_space<hbm>>
      tpu.enqueue_indirect_dma source(%dma_start3A_13 : memref<10240x64xf32, #tpu.memory_space<hbm>>) target(%arg6 : memref<240x64xf32, #tpu.memory_space<vmem>>) offsets(%arg5 : memref<240xi32, #tpu.memory_space<vmem>>) semaphore(%arg7 : memref<!tpu.dma_semaphore, #tpu.memory_space<semaphore_mem>>)
      %dma_wait3A = arith.constant 0 : i32
      %dma_wait3A_14 = arith.constant 0 : i32
      %dma_wait3A_15 = tpu.memref_slice %arg2[%dma_wait3A, %dma_wait3A_14] : memref<10240x64xf32, #tpu.memory_space<hbm>> -> memref<10240x64xf32, #tpu.memory_space<hbm>>
      tpu.wait_indirect_dma semaphore(%arg7 : memref<!tpu.dma_semaphore, #tpu.memory_space<semaphore_mem>>) src(%dma_wait3A_15 : memref<10240x64xf32, #tpu.memory_space<hbm>>) dst(%arg6 : memref<240x64xf32, #tpu.memory_space<vmem>>)
      "tpu.region"() ({
        %run_scoped3A = tpu.sem_alloc : memref<!tpu.dma_semaphore, #tpu.memory_space<semaphore_mem>>
        %dma_start3A_16 = arith.constant 0 : i32
        %dma_start3A_17 = tpu.memref_slice %arg4[%add3A_11, %dma_start3A_16] : memref<30720x64xf32, #tpu.memory_space<hbm>> -> memref<240x64xf32, #tpu.memory_space<hbm>>
        %dma_start3A_18 = arith.constant 0 : i32
        %dma_start3A_19 = tpu.memref_slice %arg4[%add3A_11, %dma_start3A_18] : memref<30720x64xf32, #tpu.memory_space<hbm>> -> memref<240x64xf32, #tpu.memory_space<hbm>>
        tpu.enqueue_dma source(%arg6 : memref<240x64xf32, #tpu.memory_space<vmem>>) target(%dma_start3A_19 : memref<240x64xf32, #tpu.memory_space<hbm>>) target_semaphore(%run_scoped3A : memref<!tpu.dma_semaphore, #tpu.memory_space<semaphore_mem>>)
        %dma_wait3A_20 = arith.constant 0 : i32
        %dma_wait3A_21 = tpu.memref_slice %arg4[%add3A_11, %dma_wait3A_20] : memref<30720x64xf32, #tpu.memory_space<hbm>> -> memref<240x64xf32, #tpu.memory_space<hbm>>
        %dma_wait3A_22 = arith.constant 0 : i32
        %dma_wait3A_23 = tpu.memref_slice %arg4[%add3A_11, %dma_wait3A_22] : memref<30720x64xf32, #tpu.memory_space<hbm>> -> memref<240x64xf32, #tpu.memory_space<hbm>>
        tpu.wait_dma2 semaphore(%run_scoped3A : memref<!tpu.dma_semaphore, #tpu.memory_space<semaphore_mem>>) src(%arg6 : memref<240x64xf32, #tpu.memory_space<vmem>>) dst(%dma_wait3A_23 : memref<240x64xf32, #tpu.memory_space<hbm>>)
        tpu.yield
      }) : () -> ()
    }
    %scan3A_7 = arith.constant 4 : i32
    return
  }
}

#map = affine_map<(d0, d1) -> (0, 0)>
#map1 = affine_map<(d0, d1) -> (0)>
module attributes {stable_mosaic.version = 14 : i64} {
  func.func @gk(%arg0: i32, %arg1: i32, %arg2: memref<10240x240xf32, #tpu.memory_space<hbm>>, %arg3: memref<30720xi32, #tpu.memory_space<hbm>>, %arg4: memref<30720x240xf32, #tpu.memory_space<hbm>>, %arg5: memref<240xi32, #tpu.memory_space<vmem>>, %arg6: memref<240x240xf32, #tpu.memory_space<vmem>>, %arg7: memref<!tpu.dma_semaphore, #tpu.memory_space<semaphore_mem>>) attributes {dimension_semantics = [#tpu.dimension_semantics<core_parallel>, #tpu.dimension_semantics<subcore_parallel>], iteration_bounds = array<i64: 2, 16>, scalar_prefetch = 0 : i64, scratch_operands = 3 : i64, tpu.core_type = #tpu.core_type<sc_vector_subcore>, window_params = [{transform_indices = #map}, {transform_indices = #map1}, {transform_indices = #map}]} {
    %mul3A = arith.constant 2 : i32
    %mul3A_0 = arith.muli %arg1, %mul3A : i32
    %add3A = arith.addi %mul3A_0, %arg0 : i32
    %mul3A_1 = arith.constant 960 : i32
    %mul3A_2 = arith.muli %add3A, %mul3A_1 : i32
    %scan3A = arith.constant 0 : i32
    %scan3A_3 = arith.constant 0 : i32
    %scan3A_4 = arith.constant 4 : i32
    %scan3A_5 = arith.addi %scan3A_3, %scan3A_4 : i32
    %scan3A_6 = arith.constant 1 : i32
    scf.for %scan3A_8 = %scan3A_3 to %scan3A_5 step %scan3A_6  : i32 {
      %mul3A_9 = arith.constant 240 : i32
      %mul3A_10 = arith.muli %scan3A_8, %mul3A_9 : i32
      %add3A_11 = arith.addi %mul3A_2, %mul3A_10 : i32
      "tpu.region"() ({
        %run_scoped3A = tpu.sem_alloc : memref<!tpu.dma_semaphore, #tpu.memory_space<semaphore_mem>>
        %dma_start3A_16 = tpu.memref_slice %arg3[%add3A_11] : memref<30720xi32, #tpu.memory_space<hbm>> -> memref<240xi32, #tpu.memory_space<hbm>>
        %dma_start3A_17 = tpu.memref_slice %arg3[%add3A_11] : memref<30720xi32, #tpu.memory_space<hbm>> -> memref<240xi32, #tpu.memory_space<hbm>>
        tpu.enqueue_dma source(%dma_start3A_17 : memref<240xi32, #tpu.memory_space<hbm>>) target(%arg5 : memref<240xi32, #tpu.memory_space<vmem>>) target_semaphore(%run_scoped3A : memref<!tpu.dma_semaphore, #tpu.memory_space<semaphore_mem>>)
        %dma_wait3A_18 = tpu.memref_slice %arg3[%add3A_11] : memref<30720xi32, #tpu.memory_space<hbm>> -> memref<240xi32, #tpu.memory_space<hbm>>
        %dma_wait3A_19 = tpu.memref_slice %arg3[%add3A_11] : memref<30720xi32, #tpu.memory_space<hbm>> -> memref<240xi32, #tpu.memory_space<hbm>>
        tpu.wait_dma2 semaphore(%run_scoped3A : memref<!tpu.dma_semaphore, #tpu.memory_space<semaphore_mem>>) src(%dma_wait3A_19 : memref<240xi32, #tpu.memory_space<hbm>>) dst(%arg5 : memref<240xi32, #tpu.memory_space<vmem>>)
        tpu.yield
      }) : () -> ()
      %dma_start3A = arith.constant 0 : i32
      %dma_start3A_12 = arith.constant 0 : i32
      %dma_start3A_13 = tpu.memref_slice %arg2[%dma_start3A, %dma_start3A_12] : memref<10240x240xf32, #tpu.memory_space<hbm>> -> memref<10240x240xf32, #tpu.memory_space<hbm>>
      tpu.enqueue_indirect_dma source(%dma_start3A_13 : memref<10240x240xf32, #tpu.memory_space<hbm>>) target(%arg6 : memref<240x240xf32, #tpu.memory_space<vmem>>) offsets(%arg5 : memref<240xi32, #tpu.memory_space<vmem>>) semaphore(%arg7 : memref<!tpu.dma_semaphore, #tpu.memory_space<semaphore_mem>>)
      %dma_wait3A = arith.constant 0 : i32
      %dma_wait3A_14 = arith.constant 0 : i32
      %dma_wait3A_15 = tpu.memref_slice %arg2[%dma_wait3A, %dma_wait3A_14] : memref<10240x240xf32, #tpu.memory_space<hbm>> -> memref<10240x240xf32, #tpu.memory_space<hbm>>
      tpu.wait_indirect_dma semaphore(%arg7 : memref<!tpu.dma_semaphore, #tpu.memory_space<semaphore_mem>>) src(%dma_wait3A_15 : memref<10240x240xf32, #tpu.memory_space<hbm>>) dst(%arg6 : memref<240x240xf32, #tpu.memory_space<vmem>>)
      "tpu.region"() ({
        %run_scoped3A = tpu.sem_alloc : memref<!tpu.dma_semaphore, #tpu.memory_space<semaphore_mem>>
        %dma_start3A_16 = arith.constant 0 : i32
        %dma_start3A_17 = tpu.memref_slice %arg4[%add3A_11, %dma_start3A_16] : memref<30720x240xf32, #tpu.memory_space<hbm>> -> memref<240x240xf32, #tpu.memory_space<hbm>>
        %dma_start3A_18 = arith.constant 0 : i32
        %dma_start3A_19 = tpu.memref_slice %arg4[%add3A_11, %dma_start3A_18] : memref<30720x240xf32, #tpu.memory_space<hbm>> -> memref<240x240xf32, #tpu.memory_space<hbm>>
        tpu.enqueue_dma source(%arg6 : memref<240x240xf32, #tpu.memory_space<vmem>>) target(%dma_start3A_19 : memref<240x240xf32, #tpu.memory_space<hbm>>) target_semaphore(%run_scoped3A : memref<!tpu.dma_semaphore, #tpu.memory_space<semaphore_mem>>)
        %dma_wait3A_20 = arith.constant 0 : i32
        %dma_wait3A_21 = tpu.memref_slice %arg4[%add3A_11, %dma_wait3A_20] : memref<30720x240xf32, #tpu.memory_space<hbm>> -> memref<240x240xf32, #tpu.memory_space<hbm>>
        %dma_wait3A_22 = arith.constant 0 : i32
        %dma_wait3A_23 = tpu.memref_slice %arg4[%add3A_11, %dma_wait3A_22] : memref<30720x240xf32, #tpu.memory_space<hbm>> -> memref<240x240xf32, #tpu.memory_space<hbm>>
        tpu.wait_dma2 semaphore(%run_scoped3A : memref<!tpu.dma_semaphore, #tpu.memory_space<semaphore_mem>>) src(%arg6 : memref<240x240xf32, #tpu.memory_space<vmem>>) dst(%dma_wait3A_23 : memref<240x240xf32, #tpu.memory_space<hbm>>)
        tpu.yield
      }) : () -> ()
    }
    %scan3A_7 = arith.constant 4 : i32
    return
  }
}

#map = affine_map<(d0, d1) -> (0, 0)>
#map1 = affine_map<(d0, d1) -> (0)>
module attributes {stable_mosaic.version = 14 : i64} {
  func.func @gk(%arg0: i32, %arg1: i32, %arg2: memref<10240x128xf32, #tpu.memory_space<hbm>>, %arg3: memref<30720xi32, #tpu.memory_space<hbm>>, %arg4: memref<30720x128xf32, #tpu.memory_space<hbm>>, %arg5: memref<240xi32, #tpu.memory_space<vmem>>, %arg6: memref<240x128xf32, #tpu.memory_space<vmem>>, %arg7: memref<!tpu.dma_semaphore, #tpu.memory_space<semaphore_mem>>) attributes {dimension_semantics = [#tpu.dimension_semantics<core_parallel>, #tpu.dimension_semantics<subcore_parallel>], iteration_bounds = array<i64: 2, 16>, scalar_prefetch = 0 : i64, scratch_operands = 3 : i64, tpu.core_type = #tpu.core_type<sc_vector_subcore>, window_params = [{transform_indices = #map}, {transform_indices = #map1}, {transform_indices = #map}]} {
    %mul3A = arith.constant 2 : i32
    %mul3A_0 = arith.muli %arg1, %mul3A : i32
    %add3A = arith.addi %mul3A_0, %arg0 : i32
    %mul3A_1 = arith.constant 960 : i32
    %mul3A_2 = arith.muli %add3A, %mul3A_1 : i32
    %scan3A = arith.constant 0 : i32
    %scan3A_3 = arith.constant 0 : i32
    %scan3A_4 = arith.constant 4 : i32
    %scan3A_5 = arith.addi %scan3A_3, %scan3A_4 : i32
    %scan3A_6 = arith.constant 1 : i32
    scf.for %scan3A_8 = %scan3A_3 to %scan3A_5 step %scan3A_6  : i32 {
      %mul3A_9 = arith.constant 240 : i32
      %mul3A_10 = arith.muli %scan3A_8, %mul3A_9 : i32
      %add3A_11 = arith.addi %mul3A_2, %mul3A_10 : i32
      "tpu.region"() ({
        %run_scoped3A = tpu.sem_alloc : memref<!tpu.dma_semaphore, #tpu.memory_space<semaphore_mem>>
        %dma_start3A_16 = tpu.memref_slice %arg3[%add3A_11] : memref<30720xi32, #tpu.memory_space<hbm>> -> memref<240xi32, #tpu.memory_space<hbm>>
        %dma_start3A_17 = tpu.memref_slice %arg3[%add3A_11] : memref<30720xi32, #tpu.memory_space<hbm>> -> memref<240xi32, #tpu.memory_space<hbm>>
        tpu.enqueue_dma source(%dma_start3A_17 : memref<240xi32, #tpu.memory_space<hbm>>) target(%arg5 : memref<240xi32, #tpu.memory_space<vmem>>) target_semaphore(%run_scoped3A : memref<!tpu.dma_semaphore, #tpu.memory_space<semaphore_mem>>)
        %dma_wait3A_18 = tpu.memref_slice %arg3[%add3A_11] : memref<30720xi32, #tpu.memory_space<hbm>> -> memref<240xi32, #tpu.memory_space<hbm>>
        %dma_wait3A_19 = tpu.memref_slice %arg3[%add3A_11] : memref<30720xi32, #tpu.memory_space<hbm>> -> memref<240xi32, #tpu.memory_space<hbm>>
        tpu.wait_dma2 semaphore(%run_scoped3A : memref<!tpu.dma_semaphore, #tpu.memory_space<semaphore_mem>>) src(%dma_wait3A_19 : memref<240xi32, #tpu.memory_space<hbm>>) dst(%arg5 : memref<240xi32, #tpu.memory_space<vmem>>)
        tpu.yield
      }) : () -> ()
      %dma_start3A = arith.constant 0 : i32
      %dma_start3A_12 = arith.constant 0 : i32
      %dma_start3A_13 = tpu.memref_slice %arg2[%dma_start3A, %dma_start3A_12] : memref<10240x128xf32, #tpu.memory_space<hbm>> -> memref<10240x128xf32, #tpu.memory_space<hbm>>
      tpu.enqueue_indirect_dma source(%dma_start3A_13 : memref<10240x128xf32, #tpu.memory_space<hbm>>) target(%arg6 : memref<240x128xf32, #tpu.memory_space<vmem>>) offsets(%arg5 : memref<240xi32, #tpu.memory_space<vmem>>) semaphore(%arg7 : memref<!tpu.dma_semaphore, #tpu.memory_space<semaphore_mem>>)
      %dma_wait3A = arith.constant 0 : i32
      %dma_wait3A_14 = arith.constant 0 : i32
      %dma_wait3A_15 = tpu.memref_slice %arg2[%dma_wait3A, %dma_wait3A_14] : memref<10240x128xf32, #tpu.memory_space<hbm>> -> memref<10240x128xf32, #tpu.memory_space<hbm>>
      tpu.wait_indirect_dma semaphore(%arg7 : memref<!tpu.dma_semaphore, #tpu.memory_space<semaphore_mem>>) src(%dma_wait3A_15 : memref<10240x128xf32, #tpu.memory_space<hbm>>) dst(%arg6 : memref<240x128xf32, #tpu.memory_space<vmem>>)
      "tpu.region"() ({
        %run_scoped3A = tpu.sem_alloc : memref<!tpu.dma_semaphore, #tpu.memory_space<semaphore_mem>>
        %dma_start3A_16 = arith.constant 0 : i32
        %dma_start3A_17 = tpu.memref_slice %arg4[%add3A_11, %dma_start3A_16] : memref<30720x128xf32, #tpu.memory_space<hbm>> -> memref<240x128xf32, #tpu.memory_space<hbm>>
        %dma_start3A_18 = arith.constant 0 : i32
        %dma_start3A_19 = tpu.memref_slice %arg4[%add3A_11, %dma_start3A_18] : memref<30720x128xf32, #tpu.memory_space<hbm>> -> memref<240x128xf32, #tpu.memory_space<hbm>>
        tpu.enqueue_dma source(%arg6 : memref<240x128xf32, #tpu.memory_space<vmem>>) target(%dma_start3A_19 : memref<240x128xf32, #tpu.memory_space<hbm>>) target_semaphore(%run_scoped3A : memref<!tpu.dma_semaphore, #tpu.memory_space<semaphore_mem>>)
        %dma_wait3A_20 = arith.constant 0 : i32
        %dma_wait3A_21 = tpu.memref_slice %arg4[%add3A_11, %dma_wait3A_20] : memref<30720x128xf32, #tpu.memory_space<hbm>> -> memref<240x128xf32, #tpu.memory_space<hbm>>
        %dma_wait3A_22 = arith.constant 0 : i32
        %dma_wait3A_23 = tpu.memref_slice %arg4[%add3A_11, %dma_wait3A_22] : memref<30720x128xf32, #tpu.memory_space<hbm>> -> memref<240x128xf32, #tpu.memory_space<hbm>>
        tpu.wait_dma2 semaphore(%run_scoped3A : memref<!tpu.dma_semaphore, #tpu.memory_space<semaphore_mem>>) src(%arg6 : memref<240x128xf32, #tpu.memory_space<vmem>>) dst(%dma_wait3A_23 : memref<240x128xf32, #tpu.memory_space<hbm>>)
        tpu.yield
      }) : () -> ()
    }
    %scan3A_7 = arith.constant 4 : i32
    return
  }
}

#map = affine_map<(d0, d1) -> (0, 0)>
#map1 = affine_map<(d0, d1) -> (0)>
module attributes {stable_mosaic.version = 14 : i64} {
  func.func @gk(%arg0: i32, %arg1: i32, %arg2: memref<10240x304xf32, #tpu.memory_space<hbm>>, %arg3: memref<30720xi32, #tpu.memory_space<hbm>>, %arg4: memref<30720x304xf32, #tpu.memory_space<hbm>>, %arg5: memref<240xi32, #tpu.memory_space<vmem>>, %arg6: memref<240x304xf32, #tpu.memory_space<vmem>>, %arg7: memref<!tpu.dma_semaphore, #tpu.memory_space<semaphore_mem>>) attributes {dimension_semantics = [#tpu.dimension_semantics<core_parallel>, #tpu.dimension_semantics<subcore_parallel>], iteration_bounds = array<i64: 2, 16>, scalar_prefetch = 0 : i64, scratch_operands = 3 : i64, tpu.core_type = #tpu.core_type<sc_vector_subcore>, window_params = [{transform_indices = #map}, {transform_indices = #map1}, {transform_indices = #map}]} {
    %mul3A = arith.constant 2 : i32
    %mul3A_0 = arith.muli %arg1, %mul3A : i32
    %add3A = arith.addi %mul3A_0, %arg0 : i32
    %mul3A_1 = arith.constant 960 : i32
    %mul3A_2 = arith.muli %add3A, %mul3A_1 : i32
    %scan3A = arith.constant 0 : i32
    %scan3A_3 = arith.constant 0 : i32
    %scan3A_4 = arith.constant 4 : i32
    %scan3A_5 = arith.addi %scan3A_3, %scan3A_4 : i32
    %scan3A_6 = arith.constant 1 : i32
    scf.for %scan3A_8 = %scan3A_3 to %scan3A_5 step %scan3A_6  : i32 {
      %mul3A_9 = arith.constant 240 : i32
      %mul3A_10 = arith.muli %scan3A_8, %mul3A_9 : i32
      %add3A_11 = arith.addi %mul3A_2, %mul3A_10 : i32
      "tpu.region"() ({
        %run_scoped3A = tpu.sem_alloc : memref<!tpu.dma_semaphore, #tpu.memory_space<semaphore_mem>>
        %dma_start3A_16 = tpu.memref_slice %arg3[%add3A_11] : memref<30720xi32, #tpu.memory_space<hbm>> -> memref<240xi32, #tpu.memory_space<hbm>>
        %dma_start3A_17 = tpu.memref_slice %arg3[%add3A_11] : memref<30720xi32, #tpu.memory_space<hbm>> -> memref<240xi32, #tpu.memory_space<hbm>>
        tpu.enqueue_dma source(%dma_start3A_17 : memref<240xi32, #tpu.memory_space<hbm>>) target(%arg5 : memref<240xi32, #tpu.memory_space<vmem>>) target_semaphore(%run_scoped3A : memref<!tpu.dma_semaphore, #tpu.memory_space<semaphore_mem>>)
        %dma_wait3A_18 = tpu.memref_slice %arg3[%add3A_11] : memref<30720xi32, #tpu.memory_space<hbm>> -> memref<240xi32, #tpu.memory_space<hbm>>
        %dma_wait3A_19 = tpu.memref_slice %arg3[%add3A_11] : memref<30720xi32, #tpu.memory_space<hbm>> -> memref<240xi32, #tpu.memory_space<hbm>>
        tpu.wait_dma2 semaphore(%run_scoped3A : memref<!tpu.dma_semaphore, #tpu.memory_space<semaphore_mem>>) src(%dma_wait3A_19 : memref<240xi32, #tpu.memory_space<hbm>>) dst(%arg5 : memref<240xi32, #tpu.memory_space<vmem>>)
        tpu.yield
      }) : () -> ()
      %dma_start3A = arith.constant 0 : i32
      %dma_start3A_12 = arith.constant 0 : i32
      %dma_start3A_13 = tpu.memref_slice %arg2[%dma_start3A, %dma_start3A_12] : memref<10240x304xf32, #tpu.memory_space<hbm>> -> memref<10240x304xf32, #tpu.memory_space<hbm>>
      tpu.enqueue_indirect_dma source(%dma_start3A_13 : memref<10240x304xf32, #tpu.memory_space<hbm>>) target(%arg6 : memref<240x304xf32, #tpu.memory_space<vmem>>) offsets(%arg5 : memref<240xi32, #tpu.memory_space<vmem>>) semaphore(%arg7 : memref<!tpu.dma_semaphore, #tpu.memory_space<semaphore_mem>>)
      %dma_wait3A = arith.constant 0 : i32
      %dma_wait3A_14 = arith.constant 0 : i32
      %dma_wait3A_15 = tpu.memref_slice %arg2[%dma_wait3A, %dma_wait3A_14] : memref<10240x304xf32, #tpu.memory_space<hbm>> -> memref<10240x304xf32, #tpu.memory_space<hbm>>
      tpu.wait_indirect_dma semaphore(%arg7 : memref<!tpu.dma_semaphore, #tpu.memory_space<semaphore_mem>>) src(%dma_wait3A_15 : memref<10240x304xf32, #tpu.memory_space<hbm>>) dst(%arg6 : memref<240x304xf32, #tpu.memory_space<vmem>>)
      "tpu.region"() ({
        %run_scoped3A = tpu.sem_alloc : memref<!tpu.dma_semaphore, #tpu.memory_space<semaphore_mem>>
        %dma_start3A_16 = arith.constant 0 : i32
        %dma_start3A_17 = tpu.memref_slice %arg4[%add3A_11, %dma_start3A_16] : memref<30720x304xf32, #tpu.memory_space<hbm>> -> memref<240x304xf32, #tpu.memory_space<hbm>>
        %dma_start3A_18 = arith.constant 0 : i32
        %dma_start3A_19 = tpu.memref_slice %arg4[%add3A_11, %dma_start3A_18] : memref<30720x304xf32, #tpu.memory_space<hbm>> -> memref<240x304xf32, #tpu.memory_space<hbm>>
        tpu.enqueue_dma source(%arg6 : memref<240x304xf32, #tpu.memory_space<vmem>>) target(%dma_start3A_19 : memref<240x304xf32, #tpu.memory_space<hbm>>) target_semaphore(%run_scoped3A : memref<!tpu.dma_semaphore, #tpu.memory_space<semaphore_mem>>)
        %dma_wait3A_20 = arith.constant 0 : i32
        %dma_wait3A_21 = tpu.memref_slice %arg4[%add3A_11, %dma_wait3A_20] : memref<30720x304xf32, #tpu.memory_space<hbm>> -> memref<240x304xf32, #tpu.memory_space<hbm>>
        %dma_wait3A_22 = arith.constant 0 : i32
        %dma_wait3A_23 = tpu.memref_slice %arg4[%add3A_11, %dma_wait3A_22] : memref<30720x304xf32, #tpu.memory_space<hbm>> -> memref<240x304xf32, #tpu.memory_space<hbm>>
        tpu.wait_dma2 semaphore(%run_scoped3A : memref<!tpu.dma_semaphore, #tpu.memory_space<semaphore_mem>>) src(%arg6 : memref<240x304xf32, #tpu.memory_space<vmem>>) dst(%dma_wait3A_23 : memref<240x304xf32, #tpu.memory_space<hbm>>)
        tpu.yield
      }) : () -> ()
    }
    %scan3A_7 = arith.constant 4 : i32
    return
  }
}

module attributes {stable_mosaic.version = 14 : i64} {
  func.func @_knn_body(%arg0: i32, %arg1: memref<256x16xf32, #tpu.memory_space<vmem>>, %arg2: memref<16x10240xf32, #tpu.memory_space<vmem>>, %arg3: memref<256x1xf32, #tpu.memory_space<vmem>>, %arg4: memref<1x10240xf32, #tpu.memory_space<vmem>>, %arg5: memref<256x1xi32, #tpu.memory_space<vmem>>, %arg6: memref<1x10240xi32, #tpu.memory_space<vmem>>, %arg7: memref<256x3xi32, #tpu.memory_space<vmem>>) attributes {dimension_semantics = [#tpu.dimension_semantics<arbitrary>], iteration_bounds = array<i64: 40>, scalar_prefetch = 0 : i64, scratch_operands = 0 : i64, tpu.core_type = #tpu.core_type<tc>, window_params = [{transform_indices = @transform_0, window_bounds = array<i64: 256, 16>}, {pipeline_mode = #tpu.pipeline_mode<synchronous>, transform_indices = @transform_1, window_bounds = array<i64: 16, 10240>}, {transform_indices = @transform_2, window_bounds = array<i64: 256, 1>}, {pipeline_mode = #tpu.pipeline_mode<synchronous>, transform_indices = @transform_3, window_bounds = array<i64: 1, 10240>}, {transform_indices = @transform_4, window_bounds = array<i64: 256, 1>}, {pipeline_mode = #tpu.pipeline_mode<synchronous>, transform_indices = @transform_5, window_bounds = array<i64: 1, 10240>}, {transform_indices = @transform_6, window_bounds = array<i64: 256, 3>}]} {
    %get3A = arith.constant 0 : index
    %get3A_0 = arith.constant 0 : index
    %get3A_1 = vector.load %arg1[%get3A, %get3A_0] : memref<256x16xf32, #tpu.memory_space<vmem>>, vector<256x16xf32>
    %get3A_2 = arith.constant 0 : index
    %get3A_3 = arith.constant 0 : index
    %get3A_4 = vector.load %arg2[%get3A_2, %get3A_3] : memref<16x10240xf32, #tpu.memory_space<vmem>>, vector<16x10240xf32>
    %get3A_5 = arith.constant 0 : index
    %get3A_6 = arith.constant 0 : index
    %get3A_7 = vector.load %arg5[%get3A_5, %get3A_6] : memref<256x1xi32, #tpu.memory_space<vmem>>, vector<256x1xi32>
    %get3A_8 = arith.constant 0 : index
    %get3A_9 = arith.constant 0 : index
    %get3A_10 = vector.load %arg6[%get3A_8, %get3A_9] : memref<1x10240xi32, #tpu.memory_space<vmem>>, vector<1x10240xi32>
    %get3A_11 = arith.constant 0 : index
    %get3A_12 = arith.constant 0 : index
    %get3A_13 = vector.load %arg3[%get3A_11, %get3A_12] : memref<256x1xf32, #tpu.memory_space<vmem>>, vector<256x1xf32>
    %get3A_14 = arith.constant 0 : index
    %get3A_15 = arith.constant 0 : index
    %get3A_16 = vector.load %arg4[%get3A_14, %get3A_15] : memref<1x10240xf32, #tpu.memory_space<vmem>>, vector<1x10240xf32>
    %add3A = vector.broadcast %get3A_13 : vector<256x1xf32> to vector<256x10240xf32>
    %add3A_17 = vector.broadcast %get3A_16 : vector<1x10240xf32> to vector<256x10240xf32>
    %add3A_18 = arith.addf %add3A, %add3A_17 : vector<256x10240xf32>
    %dot_general3A = arith.constant dense<0.000000e+00> : vector<256x10240xf32>
    %dot_general3A_19 = tpu.matmul %get3A_1, %get3A_4, %dot_general3A {dimension_numbers = #tpu.dot_dimension_numbers<[1], [0], [0], [1], [0, 0, 1, 1], [], []>, transpose_lhs_hint = false} : vector<256x16xf32>, vector<16x10240xf32>, vector<256x10240xf32> -> vector<256x10240xf32>
    %mul3A = arith.constant 2.000000e+00 : f32
    %mul3A_20 = vector.broadcast %mul3A : f32 to vector<256x10240xf32>
    %mul3A_21 = arith.mulf %mul3A_20, %dot_general3A_19 : vector<256x10240xf32>
    %sub3A = arith.subf %add3A_18, %mul3A_21 : vector<256x10240xf32>
    %eq3A = vector.broadcast %get3A_7 : vector<256x1xi32> to vector<256x10240xi32>
    %eq3A_22 = vector.broadcast %get3A_10 : vector<1x10240xi32> to vector<256x10240xi32>
    %eq3A_23 = arith.cmpi eq, %eq3A, %eq3A_22 : vector<256x10240xi32>
    %jit3A = arith.constant 0x7F800000 : f32
    %broadcast_in_dim3A = vector.broadcast %jit3A : f32 to vector<256x10240xf32>
    %select_n3A = arith.select %eq3A_23, %sub3A, %broadcast_in_dim3A : vector<256x10240xi1>, vector<256x10240xf32>
    %iota3A = tpu.iota {dimensions = array<i32: 1>} : vector<256x10240xi32>
    %reduce_min3A = arith.constant dense<0x7F800000> : vector<256xf32>
    %reduce_min3A_24 = vector.multi_reduction <minimumf>, %select_n3A, %reduce_min3A [1] : vector<256x10240xf32> to vector<256xf32>
    %broadcast_in_dim3A_25 = vector.shape_cast %reduce_min3A_24 : vector<256xf32> to vector<256x1xf32>
    %eq3A_26 = vector.broadcast %broadcast_in_dim3A_25 : vector<256x1xf32> to vector<256x10240xf32>
    %eq3A_27 = arith.cmpf oeq, %select_n3A, %eq3A_26 : vector<256x10240xf32>
    %jit3A_28 = arith.constant 1073741824 : i32
    %broadcast_in_dim3A_29 = vector.broadcast %jit3A_28 : i32 to vector<256x10240xi32>
    %select_n3A_30 = arith.select %eq3A_27, %iota3A, %broadcast_in_dim3A_29 : vector<256x10240xi1>, vector<256x10240xi32>
    %reduce_min3A_31 = arith.constant dense<2147483647> : vector<256xi32>
    %reduce_min3A_32 = vector.multi_reduction <minsi>, %select_n3A_30, %reduce_min3A_31 [1] : vector<256x10240xi32> to vector<256xi32>
    %broadcast_in_dim3A_33 = vector.shape_cast %reduce_min3A_32 : vector<256xi32> to vector<256x1xi32>
    %broadcast_in_dim3A_34 = vector.shape_cast %reduce_min3A_32 : vector<256xi32> to vector<256x1xi32>
    %eq3A_35 = vector.broadcast %broadcast_in_dim3A_34 : vector<256x1xi32> to vector<256x10240xi32>
    %eq3A_36 = arith.cmpi eq, %iota3A, %eq3A_35 : vector<256x10240xi32>
    %jit3A_37 = arith.constant 0x7F800000 : f32
    %broadcast_in_dim3A_38 = vector.broadcast %jit3A_37 : f32 to vector<256x10240xf32>
    %select_n3A_39 = arith.select %eq3A_36, %broadcast_in_dim3A_38, %select_n3A : vector<256x10240xi1>, vector<256x10240xf32>
    %reduce_min3A_40 = arith.constant dense<0x7F800000> : vector<256xf32>
    %reduce_min3A_41 = vector.multi_reduction <minimumf>, %select_n3A_39, %reduce_min3A_40 [1] : vector<256x10240xf32> to vector<256xf32>
    %broadcast_in_dim3A_42 = vector.shape_cast %reduce_min3A_41 : vector<256xf32> to vector<256x1xf32>
    %eq3A_43 = vector.broadcast %broadcast_in_dim3A_42 : vector<256x1xf32> to vector<256x10240xf32>
    %eq3A_44 = arith.cmpf oeq, %select_n3A_39, %eq3A_43 : vector<256x10240xf32>
    %jit3A_45 = arith.constant 1073741824 : i32
    %broadcast_in_dim3A_46 = vector.broadcast %jit3A_45 : i32 to vector<256x10240xi32>
    %select_n3A_47 = arith.select %eq3A_44, %iota3A, %broadcast_in_dim3A_46 : vector<256x10240xi1>, vector<256x10240xi32>
    %reduce_min3A_48 = arith.constant dense<2147483647> : vector<256xi32>
    %reduce_min3A_49 = vector.multi_reduction <minsi>, %select_n3A_47, %reduce_min3A_48 [1] : vector<256x10240xi32> to vector<256xi32>
    %broadcast_in_dim3A_50 = vector.shape_cast %reduce_min3A_49 : vector<256xi32> to vector<256x1xi32>
    %broadcast_in_dim3A_51 = vector.shape_cast %reduce_min3A_49 : vector<256xi32> to vector<256x1xi32>
    %eq3A_52 = vector.broadcast %broadcast_in_dim3A_51 : vector<256x1xi32> to vector<256x10240xi32>
    %eq3A_53 = arith.cmpi eq, %iota3A, %eq3A_52 : vector<256x10240xi32>
    %jit3A_54 = arith.constant 0x7F800000 : f32
    %broadcast_in_dim3A_55 = vector.broadcast %jit3A_54 : f32 to vector<256x10240xf32>
    %select_n3A_56 = arith.select %eq3A_53, %broadcast_in_dim3A_55, %select_n3A_39 : vector<256x10240xi1>, vector<256x10240xf32>
    %reduce_min3A_57 = arith.constant dense<0x7F800000> : vector<256xf32>
    %reduce_min3A_58 = vector.multi_reduction <minimumf>, %select_n3A_56, %reduce_min3A_57 [1] : vector<256x10240xf32> to vector<256xf32>
    %broadcast_in_dim3A_59 = vector.shape_cast %reduce_min3A_58 : vector<256xf32> to vector<256x1xf32>
    %eq3A_60 = vector.broadcast %broadcast_in_dim3A_59 : vector<256x1xf32> to vector<256x10240xf32>
    %eq3A_61 = arith.cmpf oeq, %select_n3A_56, %eq3A_60 : vector<256x10240xf32>
    %jit3A_62 = arith.constant 1073741824 : i32
    %broadcast_in_dim3A_63 = vector.broadcast %jit3A_62 : i32 to vector<256x10240xi32>
    %select_n3A_64 = arith.select %eq3A_61, %iota3A, %broadcast_in_dim3A_63 : vector<256x10240xi1>, vector<256x10240xi32>
    %reduce_min3A_65 = arith.constant dense<2147483647> : vector<256xi32>
    %reduce_min3A_66 = vector.multi_reduction <minsi>, %select_n3A_64, %reduce_min3A_65 [1] : vector<256x10240xi32> to vector<256xi32>
    %broadcast_in_dim3A_67 = vector.shape_cast %reduce_min3A_66 : vector<256xi32> to vector<256x1xi32>
    %concatenate3A = tpu.concatenate %broadcast_in_dim3A_33, %broadcast_in_dim3A_50, %broadcast_in_dim3A_67 in 1 : vector<256x1xi32>, vector<256x1xi32>, vector<256x1xi32> -> vector<256x3xi32>
    %swap3A = arith.constant 0 : index
    %swap3A_68 = arith.constant 0 : index
    %swap3A_69 = vector.load %arg7[%swap3A, %swap3A_68] : memref<256x3xi32, #tpu.memory_space<vmem>>, vector<256x3xi32>
    tpu.vector_store %arg7[%swap3A, %swap3A_68], %concatenate3A {strides = array<i32>} : memref<256x3xi32, #tpu.memory_space<vmem>>, vector<256x3xi32>,
    return
  }
  func.func @transform_0(%arg0: i32) -> (i32, i32) {
    %c0_i32 = arith.constant 0 : i32
    %c0_i32_0 = arith.constant 0 : i32
    return %arg0, %c0_i32 : i32, i32
  }
  func.func @transform_1(%arg0: i32) -> (i32, i32) {
    %c0_i32 = arith.constant 0 : i32
    %c0_i32_0 = arith.constant 0 : i32
    %c0_i32_1 = arith.constant 0 : i32
    return %c0_i32, %c0_i32_0 : i32, i32
  }
  func.func @transform_2(%arg0: i32) -> (i32, i32) {
    %c0_i32 = arith.constant 0 : i32
    %c0_i32_0 = arith.constant 0 : i32
    return %arg0, %c0_i32 : i32, i32
  }
  func.func @transform_3(%arg0: i32) -> (i32, i32) {
    %c0_i32 = arith.constant 0 : i32
    %c0_i32_0 = arith.constant 0 : i32
    %c0_i32_1 = arith.constant 0 : i32
    return %c0_i32, %c0_i32_0 : i32, i32
  }
  func.func @transform_4(%arg0: i32) -> (i32, i32) {
    %c0_i32 = arith.constant 0 : i32
    %c0_i32_0 = arith.constant 0 : i32
    return %arg0, %c0_i32 : i32, i32
  }
  func.func @transform_5(%arg0: i32) -> (i32, i32) {
    %c0_i32 = arith.constant 0 : i32
    %c0_i32_0 = arith.constant 0 : i32
    %c0_i32_1 = arith.constant 0 : i32
    return %c0_i32, %c0_i32_0 : i32, i32
  }
  func.func @transform_6(%arg0: i32) -> (i32, i32) {
    %c0_i32 = arith.constant 0 : i32
    %c0_i32_0 = arith.constant 0 : i32
    return %arg0, %c0_i32 : i32, i32
  }
}

module attributes {stable_mosaic.version = 14 : i64} {
  func.func @body(%arg0: i32, %arg1: memref<512x16xf32, #tpu.memory_space<vmem>>, %arg2: memref<512x48xf32, #tpu.memory_space<vmem>>, %arg3: memref<512x192xf32, #tpu.memory_space<vmem>>, %arg4: memref<16x14xf32, #tpu.memory_space<vmem>>, %arg5: memref<14x14xf32, #tpu.memory_space<vmem>>, %arg6: memref<48x9xf32, #tpu.memory_space<vmem>>, %arg7: memref<9x9xf32, #tpu.memory_space<vmem>>, %arg8: memref<9x9xf32, #tpu.memory_space<vmem>>, %arg9: memref<8x14xf32, #tpu.memory_space<vmem>>, %arg10: memref<16x9xf32, #tpu.memory_space<vmem>>, %arg11: memref<8x71xf32, #tpu.memory_space<vmem>>, %arg12: memref<142x128xf32, #tpu.memory_space<vmem>>, %arg13: memref<8x128xf32, #tpu.memory_space<vmem>>, %arg14: memref<512x128xf32, #tpu.memory_space<vmem>>) attributes {dimension_semantics = [#tpu.dimension_semantics<arbitrary>], iteration_bounds = array<i64: 20>, scalar_prefetch = 0 : i64, scratch_operands = 0 : i64, tpu.core_type = #tpu.core_type<tc>, window_params = [{transform_indices = @transform_0, window_bounds = array<i64: 512, 16>}, {transform_indices = @transform_1, window_bounds = array<i64: 512, 48>}, {transform_indices = @transform_2, window_bounds = array<i64: 512, 192>}, {pipeline_mode = #tpu.pipeline_mode<synchronous>, transform_indices = @transform_3, window_bounds = array<i64: 16, 14>}, {pipeline_mode = #tpu.pipeline_mode<synchronous>, transform_indices = @transform_4, window_bounds = array<i64: 14, 14>}, {pipeline_mode = #tpu.pipeline_mode<synchronous>, transform_indices = @transform_5, window_bounds = array<i64: 48, 9>}, {pipeline_mode = #tpu.pipeline_mode<synchronous>, transform_indices = @transform_6, window_bounds = array<i64: 9, 9>}, {pipeline_mode = #tpu.pipeline_mode<synchronous>, transform_indices = @transform_7, window_bounds = array<i64: 9, 9>}, {pipeline_mode = #tpu.pipeline_mode<synchronous>, transform_indices = @transform_8, window_bounds = array<i64: 8, 14>}, {pipeline_mode = #tpu.pipeline_mode<synchronous>, transform_indices = @transform_9, window_bounds = array<i64: 16, 9>}, {pipeline_mode = #tpu.pipeline_mode<synchronous>, transform_indices = @transform_10, window_bounds = array<i64: 8, 71>}, {pipeline_mode = #tpu.pipeline_mode<synchronous>, transform_indices = @transform_11, window_bounds = array<i64: 142, 128>}, {pipeline_mode = #tpu.pipeline_mode<synchronous>, transform_indices = @transform_12, window_bounds = array<i64: 8, 128>}, {transform_indices = @transform_13, window_bounds = array<i64: 512, 128>}]} {
    %get3A = arith.constant 0 : index
    %get3A_0 = arith.constant 0 : index
    %get3A_1 = vector.load %arg1[%get3A, %get3A_0] : memref<512x16xf32, #tpu.memory_space<vmem>>, vector<512x16xf32>
    %get3A_2 = arith.constant 0 : index
    %get3A_3 = arith.constant 0 : index
    %get3A_4 = vector.load %arg2[%get3A_2, %get3A_3] : memref<512x48xf32, #tpu.memory_space<vmem>>, vector<512x48xf32>
    %concatenate3A = tpu.concatenate %get3A_1, %get3A_1, %get3A_1 in 1 : vector<512x16xf32>, vector<512x16xf32>, vector<512x16xf32> -> vector<512x48xf32>
    %sub3A = arith.subf %get3A_4, %concatenate3A : vector<512x48xf32>
    %get3A_5 = arith.constant 0 : index
    %get3A_6 = arith.constant 0 : index
    %get3A_7 = vector.load %arg9[%get3A_5, %get3A_6] : memref<8x14xf32, #tpu.memory_space<vmem>>, vector<8x14xf32>
    %get3A_8 = arith.constant 0 : index
    %get3A_9 = arith.constant 0 : index
    %get3A_10 = vector.load %arg10[%get3A_8, %get3A_9] : memref<16x9xf32, #tpu.memory_space<vmem>>, vector<16x9xf32>
    %get3A_11 = arith.constant 0 : index
    %get3A_12 = arith.constant 0 : index
    %get3A_13 = vector.load %arg4[%get3A_11, %get3A_12] : memref<16x14xf32, #tpu.memory_space<vmem>>, vector<16x14xf32>
    %get3A_14 = arith.constant 0 : index
    %get3A_15 = arith.constant 0 : index
    %get3A_16 = vector.load %arg5[%get3A_14, %get3A_15] : memref<14x14xf32, #tpu.memory_space<vmem>>, vector<14x14xf32>
    %slice3A = vector.extract_strided_slice %sub3A {offsets = [0, 0], sizes = [512, 16], strides = [1, 1]} : vector<512x48xf32> to vector<512x16xf32>
    %convert_element_type3A = arith.truncf %slice3A : vector<512x16xf32> to vector<512x16xbf16>
    %convert_element_type3A_17 = arith.truncf %get3A_13 : vector<16x14xf32> to vector<16x14xbf16>
    %dot_general3A = arith.constant dense<0.000000e+00> : vector<512x14xf32>
    %dot_general3A_18 = tpu.matmul %convert_element_type3A, %convert_element_type3A_17, %dot_general3A {dimension_numbers = #tpu.dot_dimension_numbers<[1], [0], [0], [1], [0, 0, 1, 1], [], []>, transpose_lhs_hint = false} : vector<512x16xbf16>, vector<16x14xbf16>, vector<512x14xf32> -> vector<512x14xf32>
    %slice3A_19 = vector.extract_strided_slice %get3A_7 {offsets = [0, 0], sizes = [1, 14], strides = [1, 1]} : vector<8x14xf32> to vector<1x14xf32>
    %add3A = vector.broadcast %slice3A_19 : vector<1x14xf32> to vector<512x14xf32>
    %add3A_20 = arith.addf %dot_general3A_18, %add3A : vector<512x14xf32>
    %slice3A_21 = vector.extract_strided_slice %get3A_7 {offsets = [1, 0], sizes = [1, 14], strides = [1, 1]} : vector<8x14xf32> to vector<1x14xf32>
    %gt3A = arith.constant 0.000000e+00 : f32
    %gt3A_22 = vector.broadcast %gt3A : f32 to vector<512x14xf32>
    %gt3A_23 = arith.cmpf ogt, %add3A_20, %gt3A_22 : vector<512x14xf32>
    %min3A = arith.constant 0.000000e+00 : f32
    %min3A_24 = vector.broadcast %min3A : f32 to vector<512x14xf32>
    %min3A_25 = arith.minimumf %add3A_20, %min3A_24 : vector<512x14xf32>
    %exp3A = math.exp %min3A_25 : vector<512x14xf32>
    %sub3A_26 = arith.constant 1.000000e+00 : f32
    %sub3A_27 = vector.broadcast %sub3A_26 : f32 to vector<512x14xf32>
    %sub3A_28 = arith.subf %exp3A, %sub3A_27 : vector<512x14xf32>
    %select_n3A = arith.select %gt3A_23, %add3A_20, %sub3A_28 : vector<512x14xi1>, vector<512x14xf32>
    %mul3A = vector.broadcast %slice3A_21 : vector<1x14xf32> to vector<512x14xf32>
    %mul3A_29 = arith.mulf %mul3A, %select_n3A : vector<512x14xf32>
    %mul3A_30 = arith.constant 0.999994993 : f32
    %mul3A_31 = vector.broadcast %mul3A_30 : f32 to vector<512x14xf32>
    %mul3A_32 = arith.mulf %mul3A_29, %mul3A_31 : vector<512x14xf32>
    %slice3A_33 = vector.extract_strided_slice %get3A_7 {offsets = [2, 0], sizes = [1, 14], strides = [1, 1]} : vector<8x14xf32> to vector<1x14xf32>
    %add3A_34 = vector.broadcast %slice3A_33 : vector<1x14xf32> to vector<512x14xf32>
    %add3A_35 = arith.addf %mul3A_32, %add3A_34 : vector<512x14xf32>
    %convert_element_type3A_36 = arith.truncf %add3A_35 : vector<512x14xf32> to vector<512x14xbf16>
    %convert_element_type3A_37 = arith.truncf %get3A_16 : vector<14x14xf32> to vector<14x14xbf16>
    %dot_general3A_38 = arith.constant dense<0.000000e+00> : vector<512x14xf32>
    %dot_general3A_39 = tpu.matmul %convert_element_type3A_36, %convert_element_type3A_37, %dot_general3A_38 {dimension_numbers = #tpu.dot_dimension_numbers<[1], [0], [0], [1], [0, 0, 1, 1], [], []>, transpose_lhs_hint = false} : vector<512x14xbf16>, vector<14x14xbf16>, vector<512x14xf32> -> vector<512x14xf32>
    %slice3A_40 = vector.extract_strided_slice %get3A_7 {offsets = [3, 0], sizes = [1, 14], strides = [1, 1]} : vector<8x14xf32> to vector<1x14xf32>
    %add3A_41 = vector.broadcast %slice3A_40 : vector<1x14xf32> to vector<512x14xf32>
    %add3A_42 = arith.addf %dot_general3A_39, %add3A_41 : vector<512x14xf32>
    %slice3A_43 = vector.extract_strided_slice %get3A_7 {offsets = [4, 0], sizes = [1, 14], strides = [1, 1]} : vector<8x14xf32> to vector<1x14xf32>
    %gt3A_44 = arith.constant 0.000000e+00 : f32
    %gt3A_45 = vector.broadcast %gt3A_44 : f32 to vector<512x14xf32>
    %gt3A_46 = arith.cmpf ogt, %add3A_42, %gt3A_45 : vector<512x14xf32>
    %min3A_47 = arith.constant 0.000000e+00 : f32
    %min3A_48 = vector.broadcast %min3A_47 : f32 to vector<512x14xf32>
    %min3A_49 = arith.minimumf %add3A_42, %min3A_48 : vector<512x14xf32>
    %exp3A_50 = math.exp %min3A_49 : vector<512x14xf32>
    %sub3A_51 = arith.constant 1.000000e+00 : f32
    %sub3A_52 = vector.broadcast %sub3A_51 : f32 to vector<512x14xf32>
    %sub3A_53 = arith.subf %exp3A_50, %sub3A_52 : vector<512x14xf32>
    %select_n3A_54 = arith.select %gt3A_46, %add3A_42, %sub3A_53 : vector<512x14xi1>, vector<512x14xf32>
    %mul3A_55 = vector.broadcast %slice3A_43 : vector<1x14xf32> to vector<512x14xf32>
    %mul3A_56 = arith.mulf %mul3A_55, %select_n3A_54 : vector<512x14xf32>
    %mul3A_57 = arith.constant 0.999994993 : f32
    %mul3A_58 = vector.broadcast %mul3A_57 : f32 to vector<512x14xf32>
    %mul3A_59 = arith.mulf %mul3A_56, %mul3A_58 : vector<512x14xf32>
    %slice3A_60 = vector.extract_strided_slice %get3A_7 {offsets = [5, 0], sizes = [1, 14], strides = [1, 1]} : vector<8x14xf32> to vector<1x14xf32>
    %add3A_61 = vector.broadcast %slice3A_60 : vector<1x14xf32> to vector<512x14xf32>
    %add3A_62 = arith.addf %mul3A_59, %add3A_61 : vector<512x14xf32>
    %slice3A_63 = vector.extract_strided_slice %sub3A {offsets = [0, 16], sizes = [512, 16], strides = [1, 1]} : vector<512x48xf32> to vector<512x16xf32>
    %convert_element_type3A_64 = arith.truncf %slice3A_63 : vector<512x16xf32> to vector<512x16xbf16>
    %convert_element_type3A_65 = arith.truncf %get3A_13 : vector<16x14xf32> to vector<16x14xbf16>
    %dot_general3A_66 = arith.constant dense<0.000000e+00> : vector<512x14xf32>
    %dot_general3A_67 = tpu.matmul %convert_element_type3A_64, %convert_element_type3A_65, %dot_general3A_66 {dimension_numbers = #tpu.dot_dimension_numbers<[1], [0], [0], [1], [0, 0, 1, 1], [], []>, transpose_lhs_hint = false} : vector<512x16xbf16>, vector<16x14xbf16>, vector<512x14xf32> -> vector<512x14xf32>
    %slice3A_68 = vector.extract_strided_slice %get3A_7 {offsets = [0, 0], sizes = [1, 14], strides = [1, 1]} : vector<8x14xf32> to vector<1x14xf32>
    %add3A_69 = vector.broadcast %slice3A_68 : vector<1x14xf32> to vector<512x14xf32>
    %add3A_70 = arith.addf %dot_general3A_67, %add3A_69 : vector<512x14xf32>
    %slice3A_71 = vector.extract_strided_slice %get3A_7 {offsets = [1, 0], sizes = [1, 14], strides = [1, 1]} : vector<8x14xf32> to vector<1x14xf32>
    %gt3A_72 = arith.constant 0.000000e+00 : f32
    %gt3A_73 = vector.broadcast %gt3A_72 : f32 to vector<512x14xf32>
    %gt3A_74 = arith.cmpf ogt, %add3A_70, %gt3A_73 : vector<512x14xf32>
    %min3A_75 = arith.constant 0.000000e+00 : f32
    %min3A_76 = vector.broadcast %min3A_75 : f32 to vector<512x14xf32>
    %min3A_77 = arith.minimumf %add3A_70, %min3A_76 : vector<512x14xf32>
    %exp3A_78 = math.exp %min3A_77 : vector<512x14xf32>
    %sub3A_79 = arith.constant 1.000000e+00 : f32
    %sub3A_80 = vector.broadcast %sub3A_79 : f32 to vector<512x14xf32>
    %sub3A_81 = arith.subf %exp3A_78, %sub3A_80 : vector<512x14xf32>
    %select_n3A_82 = arith.select %gt3A_74, %add3A_70, %sub3A_81 : vector<512x14xi1>, vector<512x14xf32>
    %mul3A_83 = vector.broadcast %slice3A_71 : vector<1x14xf32> to vector<512x14xf32>
    %mul3A_84 = arith.mulf %mul3A_83, %select_n3A_82 : vector<512x14xf32>
    %mul3A_85 = arith.constant 0.999994993 : f32
    %mul3A_86 = vector.broadcast %mul3A_85 : f32 to vector<512x14xf32>
    %mul3A_87 = arith.mulf %mul3A_84, %mul3A_86 : vector<512x14xf32>
    %slice3A_88 = vector.extract_strided_slice %get3A_7 {offsets = [2, 0], sizes = [1, 14], strides = [1, 1]} : vector<8x14xf32> to vector<1x14xf32>
    %add3A_89 = vector.broadcast %slice3A_88 : vector<1x14xf32> to vector<512x14xf32>
    %add3A_90 = arith.addf %mul3A_87, %add3A_89 : vector<512x14xf32>
    %convert_element_type3A_91 = arith.truncf %add3A_90 : vector<512x14xf32> to vector<512x14xbf16>
    %convert_element_type3A_92 = arith.truncf %get3A_16 : vector<14x14xf32> to vector<14x14xbf16>
    %dot_general3A_93 = arith.constant dense<0.000000e+00> : vector<512x14xf32>
    %dot_general3A_94 = tpu.matmul %convert_element_type3A_91, %convert_element_type3A_92, %dot_general3A_93 {dimension_numbers = #tpu.dot_dimension_numbers<[1], [0], [0], [1], [0, 0, 1, 1], [], []>, transpose_lhs_hint = false} : vector<512x14xbf16>, vector<14x14xbf16>, vector<512x14xf32> -> vector<512x14xf32>
    %slice3A_95 = vector.extract_strided_slice %get3A_7 {offsets = [3, 0], sizes = [1, 14], strides = [1, 1]} : vector<8x14xf32> to vector<1x14xf32>
    %add3A_96 = vector.broadcast %slice3A_95 : vector<1x14xf32> to vector<512x14xf32>
    %add3A_97 = arith.addf %dot_general3A_94, %add3A_96 : vector<512x14xf32>
    %slice3A_98 = vector.extract_strided_slice %get3A_7 {offsets = [4, 0], sizes = [1, 14], strides = [1, 1]} : vector<8x14xf32> to vector<1x14xf32>
    %gt3A_99 = arith.constant 0.000000e+00 : f32
    %gt3A_100 = vector.broadcast %gt3A_99 : f32 to vector<512x14xf32>
    %gt3A_101 = arith.cmpf ogt, %add3A_97, %gt3A_100 : vector<512x14xf32>
    %min3A_102 = arith.constant 0.000000e+00 : f32
    %min3A_103 = vector.broadcast %min3A_102 : f32 to vector<512x14xf32>
    %min3A_104 = arith.minimumf %add3A_97, %min3A_103 : vector<512x14xf32>
    %exp3A_105 = math.exp %min3A_104 : vector<512x14xf32>
    %sub3A_106 = arith.constant 1.000000e+00 : f32
    %sub3A_107 = vector.broadcast %sub3A_106 : f32 to vector<512x14xf32>
    %sub3A_108 = arith.subf %exp3A_105, %sub3A_107 : vector<512x14xf32>
    %select_n3A_109 = arith.select %gt3A_101, %add3A_97, %sub3A_108 : vector<512x14xi1>, vector<512x14xf32>
    %mul3A_110 = vector.broadcast %slice3A_98 : vector<1x14xf32> to vector<512x14xf32>
    %mul3A_111 = arith.mulf %mul3A_110, %select_n3A_109 : vector<512x14xf32>
    %mul3A_112 = arith.constant 0.999994993 : f32
    %mul3A_113 = vector.broadcast %mul3A_112 : f32 to vector<512x14xf32>
    %mul3A_114 = arith.mulf %mul3A_111, %mul3A_113 : vector<512x14xf32>
    %slice3A_115 = vector.extract_strided_slice %get3A_7 {offsets = [5, 0], sizes = [1, 14], strides = [1, 1]} : vector<8x14xf32> to vector<1x14xf32>
    %add3A_116 = vector.broadcast %slice3A_115 : vector<1x14xf32> to vector<512x14xf32>
    %add3A_117 = arith.addf %mul3A_114, %add3A_116 : vector<512x14xf32>
    %slice3A_118 = vector.extract_strided_slice %sub3A {offsets = [0, 32], sizes = [512, 16], strides = [1, 1]} : vector<512x48xf32> to vector<512x16xf32>
    %convert_element_type3A_119 = arith.truncf %slice3A_118 : vector<512x16xf32> to vector<512x16xbf16>
    %convert_element_type3A_120 = arith.truncf %get3A_13 : vector<16x14xf32> to vector<16x14xbf16>
    %dot_general3A_121 = arith.constant dense<0.000000e+00> : vector<512x14xf32>
    %dot_general3A_122 = tpu.matmul %convert_element_type3A_119, %convert_element_type3A_120, %dot_general3A_121 {dimension_numbers = #tpu.dot_dimension_numbers<[1], [0], [0], [1], [0, 0, 1, 1], [], []>, transpose_lhs_hint = false} : vector<512x16xbf16>, vector<16x14xbf16>, vector<512x14xf32> -> vector<512x14xf32>
    %slice3A_123 = vector.extract_strided_slice %get3A_7 {offsets = [0, 0], sizes = [1, 14], strides = [1, 1]} : vector<8x14xf32> to vector<1x14xf32>
    %add3A_124 = vector.broadcast %slice3A_123 : vector<1x14xf32> to vector<512x14xf32>
    %add3A_125 = arith.addf %dot_general3A_122, %add3A_124 : vector<512x14xf32>
    %slice3A_126 = vector.extract_strided_slice %get3A_7 {offsets = [1, 0], sizes = [1, 14], strides = [1, 1]} : vector<8x14xf32> to vector<1x14xf32>
    %gt3A_127 = arith.constant 0.000000e+00 : f32
    %gt3A_128 = vector.broadcast %gt3A_127 : f32 to vector<512x14xf32>
    %gt3A_129 = arith.cmpf ogt, %add3A_125, %gt3A_128 : vector<512x14xf32>
    %min3A_130 = arith.constant 0.000000e+00 : f32
    %min3A_131 = vector.broadcast %min3A_130 : f32 to vector<512x14xf32>
    %min3A_132 = arith.minimumf %add3A_125, %min3A_131 : vector<512x14xf32>
    %exp3A_133 = math.exp %min3A_132 : vector<512x14xf32>
    %sub3A_134 = arith.constant 1.000000e+00 : f32
    %sub3A_135 = vector.broadcast %sub3A_134 : f32 to vector<512x14xf32>
    %sub3A_136 = arith.subf %exp3A_133, %sub3A_135 : vector<512x14xf32>
    %select_n3A_137 = arith.select %gt3A_129, %add3A_125, %sub3A_136 : vector<512x14xi1>, vector<512x14xf32>
    %mul3A_138 = vector.broadcast %slice3A_126 : vector<1x14xf32> to vector<512x14xf32>
    %mul3A_139 = arith.mulf %mul3A_138, %select_n3A_137 : vector<512x14xf32>
    %mul3A_140 = arith.constant 0.999994993 : f32
    %mul3A_141 = vector.broadcast %mul3A_140 : f32 to vector<512x14xf32>
    %mul3A_142 = arith.mulf %mul3A_139, %mul3A_141 : vector<512x14xf32>
    %slice3A_143 = vector.extract_strided_slice %get3A_7 {offsets = [2, 0], sizes = [1, 14], strides = [1, 1]} : vector<8x14xf32> to vector<1x14xf32>
    %add3A_144 = vector.broadcast %slice3A_143 : vector<1x14xf32> to vector<512x14xf32>
    %add3A_145 = arith.addf %mul3A_142, %add3A_144 : vector<512x14xf32>
    %convert_element_type3A_146 = arith.truncf %add3A_145 : vector<512x14xf32> to vector<512x14xbf16>
    %convert_element_type3A_147 = arith.truncf %get3A_16 : vector<14x14xf32> to vector<14x14xbf16>
    %dot_general3A_148 = arith.constant dense<0.000000e+00> : vector<512x14xf32>
    %dot_general3A_149 = tpu.matmul %convert_element_type3A_146, %convert_element_type3A_147, %dot_general3A_148 {dimension_numbers = #tpu.dot_dimension_numbers<[1], [0], [0], [1], [0, 0, 1, 1], [], []>, transpose_lhs_hint = false} : vector<512x14xbf16>, vector<14x14xbf16>, vector<512x14xf32> -> vector<512x14xf32>
    %slice3A_150 = vector.extract_strided_slice %get3A_7 {offsets = [3, 0], sizes = [1, 14], strides = [1, 1]} : vector<8x14xf32> to vector<1x14xf32>
    %add3A_151 = vector.broadcast %slice3A_150 : vector<1x14xf32> to vector<512x14xf32>
    %add3A_152 = arith.addf %dot_general3A_149, %add3A_151 : vector<512x14xf32>
    %slice3A_153 = vector.extract_strided_slice %get3A_7 {offsets = [4, 0], sizes = [1, 14], strides = [1, 1]} : vector<8x14xf32> to vector<1x14xf32>
    %gt3A_154 = arith.constant 0.000000e+00 : f32
    %gt3A_155 = vector.broadcast %gt3A_154 : f32 to vector<512x14xf32>
    %gt3A_156 = arith.cmpf ogt, %add3A_152, %gt3A_155 : vector<512x14xf32>
    %min3A_157 = arith.constant 0.000000e+00 : f32
    %min3A_158 = vector.broadcast %min3A_157 : f32 to vector<512x14xf32>
    %min3A_159 = arith.minimumf %add3A_152, %min3A_158 : vector<512x14xf32>
    %exp3A_160 = math.exp %min3A_159 : vector<512x14xf32>
    %sub3A_161 = arith.constant 1.000000e+00 : f32
    %sub3A_162 = vector.broadcast %sub3A_161 : f32 to vector<512x14xf32>
    %sub3A_163 = arith.subf %exp3A_160, %sub3A_162 : vector<512x14xf32>
    %select_n3A_164 = arith.select %gt3A_156, %add3A_152, %sub3A_163 : vector<512x14xi1>, vector<512x14xf32>
    %mul3A_165 = vector.broadcast %slice3A_153 : vector<1x14xf32> to vector<512x14xf32>
    %mul3A_166 = arith.mulf %mul3A_165, %select_n3A_164 : vector<512x14xf32>
    %mul3A_167 = arith.constant 0.999994993 : f32
    %mul3A_168 = vector.broadcast %mul3A_167 : f32 to vector<512x14xf32>
    %mul3A_169 = arith.mulf %mul3A_166, %mul3A_168 : vector<512x14xf32>
    %slice3A_170 = vector.extract_strided_slice %get3A_7 {offsets = [5, 0], sizes = [1, 14], strides = [1, 1]} : vector<8x14xf32> to vector<1x14xf32>
    %add3A_171 = vector.broadcast %slice3A_170 : vector<1x14xf32> to vector<512x14xf32>
    %add3A_172 = arith.addf %mul3A_169, %add3A_171 : vector<512x14xf32>
    %get3A_173 = arith.constant 0 : index
    %get3A_174 = arith.constant 0 : index
    %get3A_175 = vector.load %arg6[%get3A_173, %get3A_174] : memref<48x9xf32, #tpu.memory_space<vmem>>, vector<48x9xf32>
    %convert_element_type3A_176 = arith.truncf %sub3A : vector<512x48xf32> to vector<512x48xbf16>
    %convert_element_type3A_177 = arith.truncf %get3A_175 : vector<48x9xf32> to vector<48x9xbf16>
    %dot_general3A_178 = arith.constant dense<0.000000e+00> : vector<512x9xf32>
    %dot_general3A_179 = tpu.matmul %convert_element_type3A_176, %convert_element_type3A_177, %dot_general3A_178 {dimension_numbers = #tpu.dot_dimension_numbers<[1], [0], [0], [1], [0, 0, 1, 1], [], []>, transpose_lhs_hint = false} : vector<512x48xbf16>, vector<48x9xbf16>, vector<512x9xf32> -> vector<512x9xf32>
    %slice3A_180 = vector.extract_strided_slice %get3A_10 {offsets = [0, 0], sizes = [1, 9], strides = [1, 1]} : vector<16x9xf32> to vector<1x9xf32>
    %add3A_181 = vector.broadcast %slice3A_180 : vector<1x9xf32> to vector<512x9xf32>
    %add3A_182 = arith.addf %dot_general3A_179, %add3A_181 : vector<512x9xf32>
    %slice3A_183 = vector.extract_strided_slice %get3A_10 {offsets = [1, 0], sizes = [1, 9], strides = [1, 1]} : vector<16x9xf32> to vector<1x9xf32>
    %gt3A_184 = arith.constant 0.000000e+00 : f32
    %gt3A_185 = vector.broadcast %gt3A_184 : f32 to vector<512x9xf32>
    %gt3A_186 = arith.cmpf ogt, %add3A_182, %gt3A_185 : vector<512x9xf32>
    %min3A_187 = arith.constant 0.000000e+00 : f32
    %min3A_188 = vector.broadcast %min3A_187 : f32 to vector<512x9xf32>
    %min3A_189 = arith.minimumf %add3A_182, %min3A_188 : vector<512x9xf32>
    %exp3A_190 = math.exp %min3A_189 : vector<512x9xf32>
    %sub3A_191 = arith.constant 1.000000e+00 : f32
    %sub3A_192 = vector.broadcast %sub3A_191 : f32 to vector<512x9xf32>
    %sub3A_193 = arith.subf %exp3A_190, %sub3A_192 : vector<512x9xf32>
    %select_n3A_194 = arith.select %gt3A_186, %add3A_182, %sub3A_193 : vector<512x9xi1>, vector<512x9xf32>
    %mul3A_195 = vector.broadcast %slice3A_183 : vector<1x9xf32> to vector<512x9xf32>
    %mul3A_196 = arith.mulf %mul3A_195, %select_n3A_194 : vector<512x9xf32>
    %mul3A_197 = arith.constant 0.999994993 : f32
    %mul3A_198 = vector.broadcast %mul3A_197 : f32 to vector<512x9xf32>
    %mul3A_199 = arith.mulf %mul3A_196, %mul3A_198 : vector<512x9xf32>
    %slice3A_200 = vector.extract_strided_slice %get3A_10 {offsets = [2, 0], sizes = [1, 9], strides = [1, 1]} : vector<16x9xf32> to vector<1x9xf32>
    %add3A_201 = vector.broadcast %slice3A_200 : vector<1x9xf32> to vector<512x9xf32>
    %add3A_202 = arith.addf %mul3A_199, %add3A_201 : vector<512x9xf32>
    %get3A_203 = arith.constant 0 : index
    %get3A_204 = arith.constant 0 : index
    %get3A_205 = vector.load %arg7[%get3A_203, %get3A_204] : memref<9x9xf32, #tpu.memory_space<vmem>>, vector<9x9xf32>
    %dot_general3A_206 = arith.constant dense<0.000000e+00> : vector<512x9xf32>
    %dot_general3A_207 = tpu.matmul %add3A_202, %get3A_205, %dot_general3A_206 {dimension_numbers = #tpu.dot_dimension_numbers<[1], [0], [0], [1], [0, 0, 1, 1], [], []>, precision = #tpu.contract_precision<fp32>, transpose_lhs_hint = false} : vector<512x9xf32>, vector<9x9xf32>, vector<512x9xf32> -> vector<512x9xf32>
    %slice3A_208 = vector.extract_strided_slice %get3A_10 {offsets = [3, 0], sizes = [1, 9], strides = [1, 1]} : vector<16x9xf32> to vector<1x9xf32>
    %add3A_209 = vector.broadcast %slice3A_208 : vector<1x9xf32> to vector<512x9xf32>
    %add3A_210 = arith.addf %dot_general3A_207, %add3A_209 : vector<512x9xf32>
    %slice3A_211 = vector.extract_strided_slice %get3A_10 {offsets = [4, 0], sizes = [1, 9], strides = [1, 1]} : vector<16x9xf32> to vector<1x9xf32>
    %gt3A_212 = arith.constant 0.000000e+00 : f32
    %gt3A_213 = vector.broadcast %gt3A_212 : f32 to vector<512x9xf32>
    %gt3A_214 = arith.cmpf ogt, %add3A_210, %gt3A_213 : vector<512x9xf32>
    %min3A_215 = arith.constant 0.000000e+00 : f32
    %min3A_216 = vector.broadcast %min3A_215 : f32 to vector<512x9xf32>
    %min3A_217 = arith.minimumf %add3A_210, %min3A_216 : vector<512x9xf32>
    %exp3A_218 = math.exp %min3A_217 : vector<512x9xf32>
    %sub3A_219 = arith.constant 1.000000e+00 : f32
    %sub3A_220 = vector.broadcast %sub3A_219 : f32 to vector<512x9xf32>
    %sub3A_221 = arith.subf %exp3A_218, %sub3A_220 : vector<512x9xf32>
    %select_n3A_222 = arith.select %gt3A_214, %add3A_210, %sub3A_221 : vector<512x9xi1>, vector<512x9xf32>
    %mul3A_223 = vector.broadcast %slice3A_211 : vector<1x9xf32> to vector<512x9xf32>
    %mul3A_224 = arith.mulf %mul3A_223, %select_n3A_222 : vector<512x9xf32>
    %mul3A_225 = arith.constant 0.999994993 : f32
    %mul3A_226 = vector.broadcast %mul3A_225 : f32 to vector<512x9xf32>
    %mul3A_227 = arith.mulf %mul3A_224, %mul3A_226 : vector<512x9xf32>
    %slice3A_228 = vector.extract_strided_slice %get3A_10 {offsets = [5, 0], sizes = [1, 9], strides = [1, 1]} : vector<16x9xf32> to vector<1x9xf32>
    %add3A_229 = vector.broadcast %slice3A_228 : vector<1x9xf32> to vector<512x9xf32>
    %add3A_230 = arith.addf %mul3A_227, %add3A_229 : vector<512x9xf32>
    %get3A_231 = arith.constant 0 : index
    %get3A_232 = arith.constant 0 : index
    %get3A_233 = vector.load %arg8[%get3A_231, %get3A_232] : memref<9x9xf32, #tpu.memory_space<vmem>>, vector<9x9xf32>
    %dot_general3A_234 = arith.constant dense<0.000000e+00> : vector<512x9xf32>
    %dot_general3A_235 = tpu.matmul %add3A_230, %get3A_233, %dot_general3A_234 {dimension_numbers = #tpu.dot_dimension_numbers<[1], [0], [0], [1], [0, 0, 1, 1], [], []>, precision = #tpu.contract_precision<fp32>, transpose_lhs_hint = false} : vector<512x9xf32>, vector<9x9xf32>, vector<512x9xf32> -> vector<512x9xf32>
    %slice3A_236 = vector.extract_strided_slice %get3A_10 {offsets = [6, 0], sizes = [1, 9], strides = [1, 1]} : vector<16x9xf32> to vector<1x9xf32>
    %add3A_237 = vector.broadcast %slice3A_236 : vector<1x9xf32> to vector<512x9xf32>
    %add3A_238 = arith.addf %dot_general3A_235, %add3A_237 : vector<512x9xf32>
    %slice3A_239 = vector.extract_strided_slice %get3A_10 {offsets = [7, 0], sizes = [1, 9], strides = [1, 1]} : vector<16x9xf32> to vector<1x9xf32>
    %mul3A_240 = vector.broadcast %slice3A_239 : vector<1x9xf32> to vector<512x9xf32>
    %mul3A_241 = arith.mulf %mul3A_240, %add3A_238 : vector<512x9xf32>
    %mul3A_242 = arith.constant 0.999994993 : f32
    %mul3A_243 = vector.broadcast %mul3A_242 : f32 to vector<512x9xf32>
    %mul3A_244 = arith.mulf %mul3A_241, %mul3A_243 : vector<512x9xf32>
    %slice3A_245 = vector.extract_strided_slice %get3A_10 {offsets = [8, 0], sizes = [1, 9], strides = [1, 1]} : vector<16x9xf32> to vector<1x9xf32>
    %add3A_246 = vector.broadcast %slice3A_245 : vector<1x9xf32> to vector<512x9xf32>
    %add3A_247 = arith.addf %mul3A_244, %add3A_246 : vector<512x9xf32>
    %get3A_248 = arith.constant 0 : index
    %get3A_249 = arith.constant 0 : index
    %get3A_250 = vector.load %arg3[%get3A_248, %get3A_249] : memref<512x192xf32, #tpu.memory_space<vmem>>, vector<512x192xf32>
    %slice3A_251 = vector.extract_strided_slice %get3A_250 {offsets = [0, 0], sizes = [512, 57], strides = [1, 1]} : vector<512x192xf32> to vector<512x57xf32>
    %concatenate3A_252 = tpu.concatenate %add3A_62, %slice3A_251 in 1 : vector<512x14xf32>, vector<512x57xf32> -> vector<512x71xf32>
    %slice3A_253 = vector.extract_strided_slice %get3A_250 {offsets = [0, 64], sizes = [512, 57], strides = [1, 1]} : vector<512x192xf32> to vector<512x57xf32>
    %concatenate3A_254 = tpu.concatenate %add3A_117, %slice3A_253 in 1 : vector<512x14xf32>, vector<512x57xf32> -> vector<512x71xf32>
    %slice3A_255 = vector.extract_strided_slice %get3A_250 {offsets = [0, 128], sizes = [512, 57], strides = [1, 1]} : vector<512x192xf32> to vector<512x57xf32>
    %concatenate3A_256 = tpu.concatenate %add3A_172, %slice3A_255 in 1 : vector<512x14xf32>, vector<512x57xf32> -> vector<512x71xf32>
    %slice3A_257 = vector.extract_strided_slice %add3A_247 {offsets = [0, 0], sizes = [512, 1], strides = [1, 1]} : vector<512x9xf32> to vector<512x1xf32>
    %mul3A_258 = vector.broadcast %slice3A_257 : vector<512x1xf32> to vector<512x71xf32>
    %mul3A_259 = arith.mulf %concatenate3A_252, %mul3A_258 : vector<512x71xf32>
    %slice3A_260 = vector.extract_strided_slice %add3A_247 {offsets = [0, 3], sizes = [512, 1], strides = [1, 1]} : vector<512x9xf32> to vector<512x1xf32>
    %mul3A_261 = vector.broadcast %slice3A_260 : vector<512x1xf32> to vector<512x71xf32>
    %mul3A_262 = arith.mulf %concatenate3A_254, %mul3A_261 : vector<512x71xf32>
    %add3A_263 = arith.addf %mul3A_259, %mul3A_262 : vector<512x71xf32>
    %slice3A_264 = vector.extract_strided_slice %add3A_247 {offsets = [0, 6], sizes = [512, 1], strides = [1, 1]} : vector<512x9xf32> to vector<512x1xf32>
    %mul3A_265 = vector.broadcast %slice3A_264 : vector<512x1xf32> to vector<512x71xf32>
    %mul3A_266 = arith.mulf %concatenate3A_256, %mul3A_265 : vector<512x71xf32>
    %add3A_267 = arith.addf %add3A_263, %mul3A_266 : vector<512x71xf32>
    %slice3A_268 = vector.extract_strided_slice %add3A_247 {offsets = [0, 1], sizes = [512, 1], strides = [1, 1]} : vector<512x9xf32> to vector<512x1xf32>
    %mul3A_269 = vector.broadcast %slice3A_268 : vector<512x1xf32> to vector<512x71xf32>
    %mul3A_270 = arith.mulf %concatenate3A_252, %mul3A_269 : vector<512x71xf32>
    %slice3A_271 = vector.extract_strided_slice %add3A_247 {offsets = [0, 4], sizes = [512, 1], strides = [1, 1]} : vector<512x9xf32> to vector<512x1xf32>
    %mul3A_272 = vector.broadcast %slice3A_271 : vector<512x1xf32> to vector<512x71xf32>
    %mul3A_273 = arith.mulf %concatenate3A_254, %mul3A_272 : vector<512x71xf32>
    %add3A_274 = arith.addf %mul3A_270, %mul3A_273 : vector<512x71xf32>
    %slice3A_275 = vector.extract_strided_slice %add3A_247 {offsets = [0, 7], sizes = [512, 1], strides = [1, 1]} : vector<512x9xf32> to vector<512x1xf32>
    %mul3A_276 = vector.broadcast %slice3A_275 : vector<512x1xf32> to vector<512x71xf32>
    %mul3A_277 = arith.mulf %concatenate3A_256, %mul3A_276 : vector<512x71xf32>
    %add3A_278 = arith.addf %add3A_274, %mul3A_277 : vector<512x71xf32>
    %slice3A_279 = vector.extract_strided_slice %add3A_247 {offsets = [0, 2], sizes = [512, 1], strides = [1, 1]} : vector<512x9xf32> to vector<512x1xf32>
    %mul3A_280 = vector.broadcast %slice3A_279 : vector<512x1xf32> to vector<512x71xf32>
    %mul3A_281 = arith.mulf %concatenate3A_252, %mul3A_280 : vector<512x71xf32>
    %slice3A_282 = vector.extract_strided_slice %add3A_247 {offsets = [0, 5], sizes = [512, 1], strides = [1, 1]} : vector<512x9xf32> to vector<512x1xf32>
    %mul3A_283 = vector.broadcast %slice3A_282 : vector<512x1xf32> to vector<512x71xf32>
    %mul3A_284 = arith.mulf %concatenate3A_254, %mul3A_283 : vector<512x71xf32>
    %add3A_285 = arith.addf %mul3A_281, %mul3A_284 : vector<512x71xf32>
    %slice3A_286 = vector.extract_strided_slice %add3A_247 {offsets = [0, 8], sizes = [512, 1], strides = [1, 1]} : vector<512x9xf32> to vector<512x1xf32>
    %mul3A_287 = vector.broadcast %slice3A_286 : vector<512x1xf32> to vector<512x71xf32>
    %mul3A_288 = arith.mulf %concatenate3A_256, %mul3A_287 : vector<512x71xf32>
    %add3A_289 = arith.addf %add3A_285, %mul3A_288 : vector<512x71xf32>
    %get3A_290 = arith.constant 0 : index
    %get3A_291 = arith.constant 0 : index
    %get3A_292 = vector.load %arg11[%get3A_290, %get3A_291] : memref<8x71xf32, #tpu.memory_space<vmem>>, vector<8x71xf32>
    %get3A_293 = arith.constant 0 : index
    %get3A_294 = arith.constant 0 : index
    %get3A_295 = vector.load %arg13[%get3A_293, %get3A_294] : memref<8x128xf32, #tpu.memory_space<vmem>>, vector<8x128xf32>
    %slice3A_296 = vector.extract_strided_slice %get3A_292 {offsets = [0, 0], sizes = [1, 71], strides = [1, 1]} : vector<8x71xf32> to vector<1x71xf32>
    %mul3A_297 = vector.broadcast %slice3A_296 : vector<1x71xf32> to vector<512x71xf32>
    %mul3A_298 = arith.mulf %add3A_267, %mul3A_297 : vector<512x71xf32>
    %slice3A_299 = vector.extract_strided_slice %get3A_292 {offsets = [1, 0], sizes = [1, 71], strides = [1, 1]} : vector<8x71xf32> to vector<1x71xf32>
    %mul3A_300 = vector.broadcast %slice3A_299 : vector<1x71xf32> to vector<512x71xf32>
    %mul3A_301 = arith.mulf %add3A_278, %mul3A_300 : vector<512x71xf32>
    %add3A_302 = arith.addf %mul3A_298, %mul3A_301 : vector<512x71xf32>
    %slice3A_303 = vector.extract_strided_slice %get3A_292 {offsets = [2, 0], sizes = [1, 71], strides = [1, 1]} : vector<8x71xf32> to vector<1x71xf32>
    %mul3A_304 = vector.broadcast %slice3A_303 : vector<1x71xf32> to vector<512x71xf32>
    %mul3A_305 = arith.mulf %add3A_289, %mul3A_304 : vector<512x71xf32>
    %add3A_306 = arith.addf %add3A_302, %mul3A_305 : vector<512x71xf32>
    %slice3A_307 = vector.extract_strided_slice %get3A_292 {offsets = [6, 0], sizes = [1, 71], strides = [1, 1]} : vector<8x71xf32> to vector<1x71xf32>
    %add3A_308 = vector.broadcast %slice3A_307 : vector<1x71xf32> to vector<512x71xf32>
    %add3A_309 = arith.addf %add3A_306, %add3A_308 : vector<512x71xf32>
    %get3A_310 = arith.constant 0 : index
    %get3A_311 = arith.constant 0 : index
    %get3A_312 = vector.load %arg12[%get3A_310, %get3A_311] : memref<142x128xf32, #tpu.memory_space<vmem>>, vector<71x128xf32>
    %convert_element_type3A_313 = arith.truncf %add3A_309 : vector<512x71xf32> to vector<512x71xbf16>
    %convert_element_type3A_314 = arith.truncf %get3A_312 : vector<71x128xf32> to vector<71x128xbf16>
    %dot_general3A_315 = arith.constant dense<0.000000e+00> : vector<512x128xf32>
    %dot_general3A_316 = tpu.matmul %convert_element_type3A_313, %convert_element_type3A_314, %dot_general3A_315 {dimension_numbers = #tpu.dot_dimension_numbers<[1], [0], [0], [1], [0, 0, 1, 1], [], []>, transpose_lhs_hint = false} : vector<512x71xbf16>, vector<71x128xbf16>, vector<512x128xf32> -> vector<512x128xf32>
    %slice3A_317 = vector.extract_strided_slice %get3A_292 {offsets = [3, 0], sizes = [1, 71], strides = [1, 1]} : vector<8x71xf32> to vector<1x71xf32>
    %mul3A_318 = vector.broadcast %slice3A_317 : vector<1x71xf32> to vector<512x71xf32>
    %mul3A_319 = arith.mulf %add3A_267, %mul3A_318 : vector<512x71xf32>
    %slice3A_320 = vector.extract_strided_slice %get3A_292 {offsets = [4, 0], sizes = [1, 71], strides = [1, 1]} : vector<8x71xf32> to vector<1x71xf32>
    %mul3A_321 = vector.broadcast %slice3A_320 : vector<1x71xf32> to vector<512x71xf32>
    %mul3A_322 = arith.mulf %add3A_278, %mul3A_321 : vector<512x71xf32>
    %add3A_323 = arith.addf %mul3A_319, %mul3A_322 : vector<512x71xf32>
    %slice3A_324 = vector.extract_strided_slice %get3A_292 {offsets = [5, 0], sizes = [1, 71], strides = [1, 1]} : vector<8x71xf32> to vector<1x71xf32>
    %mul3A_325 = vector.broadcast %slice3A_324 : vector<1x71xf32> to vector<512x71xf32>
    %mul3A_326 = arith.mulf %add3A_289, %mul3A_325 : vector<512x71xf32>
    %add3A_327 = arith.addf %add3A_323, %mul3A_326 : vector<512x71xf32>
    %slice3A_328 = vector.extract_strided_slice %get3A_292 {offsets = [7, 0], sizes = [1, 71], strides = [1, 1]} : vector<8x71xf32> to vector<1x71xf32>
    %add3A_329 = vector.broadcast %slice3A_328 : vector<1x71xf32> to vector<512x71xf32>
    %add3A_330 = arith.addf %add3A_327, %add3A_329 : vector<512x71xf32>
    %get3A_331 = arith.constant 71 : index
    %get3A_332 = arith.constant 0 : index
    %get3A_333 = vector.load %arg12[%get3A_331, %get3A_332] : memref<142x128xf32, #tpu.memory_space<vmem>>, vector<71x128xf32>
    %convert_element_type3A_334 = arith.truncf %add3A_330 : vector<512x71xf32> to vector<512x71xbf16>
    %convert_element_type3A_335 = arith.truncf %get3A_333 : vector<71x128xf32> to vector<71x128xbf16>
    %dot_general3A_336 = arith.constant dense<0.000000e+00> : vector<512x128xf32>
    %dot_general3A_337 = tpu.matmul %convert_element_type3A_334, %convert_element_type3A_335, %dot_general3A_336 {dimension_numbers = #tpu.dot_dimension_numbers<[1], [0], [0], [1], [0, 0, 1, 1], [], []>, transpose_lhs_hint = false} : vector<512x71xbf16>, vector<71x128xbf16>, vector<512x128xf32> -> vector<512x128xf32>
    %add3A_338 = arith.addf %dot_general3A_316, %dot_general3A_337 : vector<512x128xf32>
    %slice3A_339 = vector.extract_strided_slice %get3A_295 {offsets = [0, 0], sizes = [1, 128], strides = [1, 1]} : vector<8x128xf32> to vector<1x128xf32>
    %add3A_340 = vector.broadcast %slice3A_339 : vector<1x128xf32> to vector<512x128xf32>
    %add3A_341 = arith.addf %add3A_338, %add3A_340 : vector<512x128xf32>
    %slice3A_342 = vector.extract_strided_slice %get3A_295 {offsets = [1, 0], sizes = [1, 128], strides = [1, 1]} : vector<8x128xf32> to vector<1x128xf32>
    %mul3A_343 = vector.broadcast %slice3A_342 : vector<1x128xf32> to vector<512x128xf32>
    %mul3A_344 = arith.mulf %mul3A_343, %add3A_341 : vector<512x128xf32>
    %mul3A_345 = arith.constant 0.999994993 : f32
    %mul3A_346 = vector.broadcast %mul3A_345 : f32 to vector<512x128xf32>
    %mul3A_347 = arith.mulf %mul3A_344, %mul3A_346 : vector<512x128xf32>
    %slice3A_348 = vector.extract_strided_slice %get3A_295 {offsets = [2, 0], sizes = [1, 128], strides = [1, 1]} : vector<8x128xf32> to vector<1x128xf32>
    %add3A_349 = vector.broadcast %slice3A_348 : vector<1x128xf32> to vector<512x128xf32>
    %add3A_350 = arith.addf %mul3A_347, %add3A_349 : vector<512x128xf32>
    %max3A = arith.constant 0.000000e+00 : f32
    %max3A_351 = vector.broadcast %max3A : f32 to vector<512x128xf32>
    %max3A_352 = arith.maximumf %add3A_350, %max3A_351 : vector<512x128xf32>
    %swap3A = arith.constant 0 : index
    %swap3A_353 = arith.constant 0 : index
    %swap3A_354 = vector.load %arg14[%swap3A, %swap3A_353] : memref<512x128xf32, #tpu.memory_space<vmem>>, vector<512x128xf32>
    tpu.vector_store %arg14[%swap3A, %swap3A_353], %max3A_352 {strides = array<i32>} : memref<512x128xf32, #tpu.memory_space<vmem>>, vector<512x128xf32>,
    return
  }
  func.func @transform_0(%arg0: i32) -> (i32, i32) {
    %c0_i32 = arith.constant 0 : i32
    %c0_i32_0 = arith.constant 0 : i32
    return %arg0, %c0_i32 : i32, i32
  }
  func.func @transform_1(%arg0: i32) -> (i32, i32) {
    %c0_i32 = arith.constant 0 : i32
    %c0_i32_0 = arith.constant 0 : i32
    return %arg0, %c0_i32 : i32, i32
  }
  func.func @transform_2(%arg0: i32) -> (i32, i32) {
    %c0_i32 = arith.constant 0 : i32
    %c0_i32_0 = arith.constant 0 : i32
    return %arg0, %c0_i32 : i32, i32
  }
  func.func @transform_3(%arg0: i32) -> (i32, i32) {
    %c0_i32 = arith.constant 0 : i32
    %c0_i32_0 = arith.constant 0 : i32
    %c0_i32_1 = arith.constant 0 : i32
    return %c0_i32, %c0_i32_0 : i32, i32
  }
  func.func @transform_4(%arg0: i32) -> (i32, i32) {
    %c0_i32 = arith.constant 0 : i32
    %c0_i32_0 = arith.constant 0 : i32
    %c0_i32_1 = arith.constant 0 : i32
    return %c0_i32, %c0_i32_0 : i32, i32
  }
  func.func @transform_5(%arg0: i32) -> (i32, i32) {
    %c0_i32 = arith.constant 0 : i32
    %c0_i32_0 = arith.constant 0 : i32
    %c0_i32_1 = arith.constant 0 : i32
    return %c0_i32, %c0_i32_0 : i32, i32
  }
  func.func @transform_6(%arg0: i32) -> (i32, i32) {
    %c0_i32 = arith.constant 0 : i32
    %c0_i32_0 = arith.constant 0 : i32
    %c0_i32_1 = arith.constant 0 : i32
    return %c0_i32, %c0_i32_0 : i32, i32
  }
  func.func @transform_7(%arg0: i32) -> (i32, i32) {
    %c0_i32 = arith.constant 0 : i32
    %c0_i32_0 = arith.constant 0 : i32
    %c0_i32_1 = arith.constant 0 : i32
    return %c0_i32, %c0_i32_0 : i32, i32
  }
  func.func @transform_8(%arg0: i32) -> (i32, i32) {
    %c0_i32 = arith.constant 0 : i32
    %c0_i32_0 = arith.constant 0 : i32
    %c0_i32_1 = arith.constant 0 : i32
    return %c0_i32, %c0_i32_0 : i32, i32
  }
  func.func @transform_9(%arg0: i32) -> (i32, i32) {
    %c0_i32 = arith.constant 0 : i32
    %c0_i32_0 = arith.constant 0 : i32
    %c0_i32_1 = arith.constant 0 : i32
    return %c0_i32, %c0_i32_0 : i32, i32
  }
  func.func @transform_10(%arg0: i32) -> (i32, i32) {
    %c0_i32 = arith.constant 0 : i32
    %c0_i32_0 = arith.constant 0 : i32
    %c0_i32_1 = arith.constant 0 : i32
    return %c0_i32, %c0_i32_0 : i32, i32
  }
  func.func @transform_11(%arg0: i32) -> (i32, i32) {
    %c0_i32 = arith.constant 0 : i32
    %c0_i32_0 = arith.constant 0 : i32
    %c0_i32_1 = arith.constant 0 : i32
    return %c0_i32, %c0_i32_0 : i32, i32
  }
  func.func @transform_12(%arg0: i32) -> (i32, i32) {
    %c0_i32 = arith.constant 0 : i32
    %c0_i32_0 = arith.constant 0 : i32
    %c0_i32_1 = arith.constant 0 : i32
    return %c0_i32, %c0_i32_0 : i32, i32
  }
  func.func @transform_13(%arg0: i32) -> (i32, i32) {
    %c0_i32 = arith.constant 0 : i32
    %c0_i32_0 = arith.constant 0 : i32
    return %arg0, %c0_i32 : i32, i32
  }
}

module attributes {stable_mosaic.version = 14 : i64} {
  func.func @body(%arg0: i32, %arg1: memref<512x16xf32, #tpu.memory_space<vmem>>, %arg2: memref<512x48xf32, #tpu.memory_space<vmem>>, %arg3: memref<512x384xf32, #tpu.memory_space<vmem>>, %arg4: memref<16x28xf32, #tpu.memory_space<vmem>>, %arg5: memref<28x28xf32, #tpu.memory_space<vmem>>, %arg6: memref<48x9xf32, #tpu.memory_space<vmem>>, %arg7: memref<9x9xf32, #tpu.memory_space<vmem>>, %arg8: memref<9x9xf32, #tpu.memory_space<vmem>>, %arg9: memref<8x28xf32, #tpu.memory_space<vmem>>, %arg10: memref<16x9xf32, #tpu.memory_space<vmem>>, %arg11: memref<8x142xf32, #tpu.memory_space<vmem>>, %arg12: memref<284x240xf32, #tpu.memory_space<vmem>>, %arg13: memref<8x240xf32, #tpu.memory_space<vmem>>, %arg14: memref<512x240xf32, #tpu.memory_space<vmem>>) attributes {dimension_semantics = [#tpu.dimension_semantics<arbitrary>], iteration_bounds = array<i64: 20>, scalar_prefetch = 0 : i64, scratch_operands = 0 : i64, tpu.core_type = #tpu.core_type<tc>, window_params = [{transform_indices = @transform_0, window_bounds = array<i64: 512, 16>}, {transform_indices = @transform_1, window_bounds = array<i64: 512, 48>}, {transform_indices = @transform_2, window_bounds = array<i64: 512, 384>}, {pipeline_mode = #tpu.pipeline_mode<synchronous>, transform_indices = @transform_3, window_bounds = array<i64: 16, 28>}, {pipeline_mode = #tpu.pipeline_mode<synchronous>, transform_indices = @transform_4, window_bounds = array<i64: 28, 28>}, {pipeline_mode = #tpu.pipeline_mode<synchronous>, transform_indices = @transform_5, window_bounds = array<i64: 48, 9>}, {pipeline_mode = #tpu.pipeline_mode<synchronous>, transform_indices = @transform_6, window_bounds = array<i64: 9, 9>}, {pipeline_mode = #tpu.pipeline_mode<synchronous>, transform_indices = @transform_7, window_bounds = array<i64: 9, 9>}, {pipeline_mode = #tpu.pipeline_mode<synchronous>, transform_indices = @transform_8, window_bounds = array<i64: 8, 28>}, {pipeline_mode = #tpu.pipeline_mode<synchronous>, transform_indices = @transform_9, window_bounds = array<i64: 16, 9>}, {pipeline_mode = #tpu.pipeline_mode<synchronous>, transform_indices = @transform_10, window_bounds = array<i64: 8, 142>}, {pipeline_mode = #tpu.pipeline_mode<synchronous>, transform_indices = @transform_11, window_bounds = array<i64: 284, 240>}, {pipeline_mode = #tpu.pipeline_mode<synchronous>, transform_indices = @transform_12, window_bounds = array<i64: 8, 240>}, {transform_indices = @transform_13, window_bounds = array<i64: 512, 240>}]} {
    %get3A = arith.constant 0 : index
    %get3A_0 = arith.constant 0 : index
    %get3A_1 = vector.load %arg1[%get3A, %get3A_0] : memref<512x16xf32, #tpu.memory_space<vmem>>, vector<512x16xf32>
    %get3A_2 = arith.constant 0 : index
    %get3A_3 = arith.constant 0 : index
    %get3A_4 = vector.load %arg2[%get3A_2, %get3A_3] : memref<512x48xf32, #tpu.memory_space<vmem>>, vector<512x48xf32>
    %concatenate3A = tpu.concatenate %get3A_1, %get3A_1, %get3A_1 in 1 : vector<512x16xf32>, vector<512x16xf32>, vector<512x16xf32> -> vector<512x48xf32>
    %sub3A = arith.subf %get3A_4, %concatenate3A : vector<512x48xf32>
    %get3A_5 = arith.constant 0 : index
    %get3A_6 = arith.constant 0 : index
    %get3A_7 = vector.load %arg9[%get3A_5, %get3A_6] : memref<8x28xf32, #tpu.memory_space<vmem>>, vector<8x28xf32>
    %get3A_8 = arith.constant 0 : index
    %get3A_9 = arith.constant 0 : index
    %get3A_10 = vector.load %arg10[%get3A_8, %get3A_9] : memref<16x9xf32, #tpu.memory_space<vmem>>, vector<16x9xf32>
    %get3A_11 = arith.constant 0 : index
    %get3A_12 = arith.constant 0 : index
    %get3A_13 = vector.load %arg4[%get3A_11, %get3A_12] : memref<16x28xf32, #tpu.memory_space<vmem>>, vector<16x28xf32>
    %get3A_14 = arith.constant 0 : index
    %get3A_15 = arith.constant 0 : index
    %get3A_16 = vector.load %arg5[%get3A_14, %get3A_15] : memref<28x28xf32, #tpu.memory_space<vmem>>, vector<28x28xf32>
    %slice3A = vector.extract_strided_slice %sub3A {offsets = [0, 0], sizes = [512, 16], strides = [1, 1]} : vector<512x48xf32> to vector<512x16xf32>
    %convert_element_type3A = arith.truncf %slice3A : vector<512x16xf32> to vector<512x16xbf16>
    %convert_element_type3A_17 = arith.truncf %get3A_13 : vector<16x28xf32> to vector<16x28xbf16>
    %dot_general3A = arith.constant dense<0.000000e+00> : vector<512x28xf32>
    %dot_general3A_18 = tpu.matmul %convert_element_type3A, %convert_element_type3A_17, %dot_general3A {dimension_numbers = #tpu.dot_dimension_numbers<[1], [0], [0], [1], [0, 0, 1, 1], [], []>, transpose_lhs_hint = false} : vector<512x16xbf16>, vector<16x28xbf16>, vector<512x28xf32> -> vector<512x28xf32>
    %slice3A_19 = vector.extract_strided_slice %get3A_7 {offsets = [0, 0], sizes = [1, 28], strides = [1, 1]} : vector<8x28xf32> to vector<1x28xf32>
    %add3A = vector.broadcast %slice3A_19 : vector<1x28xf32> to vector<512x28xf32>
    %add3A_20 = arith.addf %dot_general3A_18, %add3A : vector<512x28xf32>
    %slice3A_21 = vector.extract_strided_slice %get3A_7 {offsets = [1, 0], sizes = [1, 28], strides = [1, 1]} : vector<8x28xf32> to vector<1x28xf32>
    %gt3A = arith.constant 0.000000e+00 : f32
    %gt3A_22 = vector.broadcast %gt3A : f32 to vector<512x28xf32>
    %gt3A_23 = arith.cmpf ogt, %add3A_20, %gt3A_22 : vector<512x28xf32>
    %min3A = arith.constant 0.000000e+00 : f32
    %min3A_24 = vector.broadcast %min3A : f32 to vector<512x28xf32>
    %min3A_25 = arith.minimumf %add3A_20, %min3A_24 : vector<512x28xf32>
    %exp3A = math.exp %min3A_25 : vector<512x28xf32>
    %sub3A_26 = arith.constant 1.000000e+00 : f32
    %sub3A_27 = vector.broadcast %sub3A_26 : f32 to vector<512x28xf32>
    %sub3A_28 = arith.subf %exp3A, %sub3A_27 : vector<512x28xf32>
    %select_n3A = arith.select %gt3A_23, %add3A_20, %sub3A_28 : vector<512x28xi1>, vector<512x28xf32>
    %mul3A = vector.broadcast %slice3A_21 : vector<1x28xf32> to vector<512x28xf32>
    %mul3A_29 = arith.mulf %mul3A, %select_n3A : vector<512x28xf32>
    %mul3A_30 = arith.constant 0.999994993 : f32
    %mul3A_31 = vector.broadcast %mul3A_30 : f32 to vector<512x28xf32>
    %mul3A_32 = arith.mulf %mul3A_29, %mul3A_31 : vector<512x28xf32>
    %slice3A_33 = vector.extract_strided_slice %get3A_7 {offsets = [2, 0], sizes = [1, 28], strides = [1, 1]} : vector<8x28xf32> to vector<1x28xf32>
    %add3A_34 = vector.broadcast %slice3A_33 : vector<1x28xf32> to vector<512x28xf32>
    %add3A_35 = arith.addf %mul3A_32, %add3A_34 : vector<512x28xf32>
    %convert_element_type3A_36 = arith.truncf %add3A_35 : vector<512x28xf32> to vector<512x28xbf16>
    %convert_element_type3A_37 = arith.truncf %get3A_16 : vector<28x28xf32> to vector<28x28xbf16>
    %dot_general3A_38 = arith.constant dense<0.000000e+00> : vector<512x28xf32>
    %dot_general3A_39 = tpu.matmul %convert_element_type3A_36, %convert_element_type3A_37, %dot_general3A_38 {dimension_numbers = #tpu.dot_dimension_numbers<[1], [0], [0], [1], [0, 0, 1, 1], [], []>, transpose_lhs_hint = false} : vector<512x28xbf16>, vector<28x28xbf16>, vector<512x28xf32> -> vector<512x28xf32>
    %slice3A_40 = vector.extract_strided_slice %get3A_7 {offsets = [3, 0], sizes = [1, 28], strides = [1, 1]} : vector<8x28xf32> to vector<1x28xf32>
    %add3A_41 = vector.broadcast %slice3A_40 : vector<1x28xf32> to vector<512x28xf32>
    %add3A_42 = arith.addf %dot_general3A_39, %add3A_41 : vector<512x28xf32>
    %slice3A_43 = vector.extract_strided_slice %get3A_7 {offsets = [4, 0], sizes = [1, 28], strides = [1, 1]} : vector<8x28xf32> to vector<1x28xf32>
    %gt3A_44 = arith.constant 0.000000e+00 : f32
    %gt3A_45 = vector.broadcast %gt3A_44 : f32 to vector<512x28xf32>
    %gt3A_46 = arith.cmpf ogt, %add3A_42, %gt3A_45 : vector<512x28xf32>
    %min3A_47 = arith.constant 0.000000e+00 : f32
    %min3A_48 = vector.broadcast %min3A_47 : f32 to vector<512x28xf32>
    %min3A_49 = arith.minimumf %add3A_42, %min3A_48 : vector<512x28xf32>
    %exp3A_50 = math.exp %min3A_49 : vector<512x28xf32>
    %sub3A_51 = arith.constant 1.000000e+00 : f32
    %sub3A_52 = vector.broadcast %sub3A_51 : f32 to vector<512x28xf32>
    %sub3A_53 = arith.subf %exp3A_50, %sub3A_52 : vector<512x28xf32>
    %select_n3A_54 = arith.select %gt3A_46, %add3A_42, %sub3A_53 : vector<512x28xi1>, vector<512x28xf32>
    %mul3A_55 = vector.broadcast %slice3A_43 : vector<1x28xf32> to vector<512x28xf32>
    %mul3A_56 = arith.mulf %mul3A_55, %select_n3A_54 : vector<512x28xf32>
    %mul3A_57 = arith.constant 0.999994993 : f32
    %mul3A_58 = vector.broadcast %mul3A_57 : f32 to vector<512x28xf32>
    %mul3A_59 = arith.mulf %mul3A_56, %mul3A_58 : vector<512x28xf32>
    %slice3A_60 = vector.extract_strided_slice %get3A_7 {offsets = [5, 0], sizes = [1, 28], strides = [1, 1]} : vector<8x28xf32> to vector<1x28xf32>
    %add3A_61 = vector.broadcast %slice3A_60 : vector<1x28xf32> to vector<512x28xf32>
    %add3A_62 = arith.addf %mul3A_59, %add3A_61 : vector<512x28xf32>
    %slice3A_63 = vector.extract_strided_slice %sub3A {offsets = [0, 16], sizes = [512, 16], strides = [1, 1]} : vector<512x48xf32> to vector<512x16xf32>
    %convert_element_type3A_64 = arith.truncf %slice3A_63 : vector<512x16xf32> to vector<512x16xbf16>
    %convert_element_type3A_65 = arith.truncf %get3A_13 : vector<16x28xf32> to vector<16x28xbf16>
    %dot_general3A_66 = arith.constant dense<0.000000e+00> : vector<512x28xf32>
    %dot_general3A_67 = tpu.matmul %convert_element_type3A_64, %convert_element_type3A_65, %dot_general3A_66 {dimension_numbers = #tpu.dot_dimension_numbers<[1], [0], [0], [1], [0, 0, 1, 1], [], []>, transpose_lhs_hint = false} : vector<512x16xbf16>, vector<16x28xbf16>, vector<512x28xf32> -> vector<512x28xf32>
    %slice3A_68 = vector.extract_strided_slice %get3A_7 {offsets = [0, 0], sizes = [1, 28], strides = [1, 1]} : vector<8x28xf32> to vector<1x28xf32>
    %add3A_69 = vector.broadcast %slice3A_68 : vector<1x28xf32> to vector<512x28xf32>
    %add3A_70 = arith.addf %dot_general3A_67, %add3A_69 : vector<512x28xf32>
    %slice3A_71 = vector.extract_strided_slice %get3A_7 {offsets = [1, 0], sizes = [1, 28], strides = [1, 1]} : vector<8x28xf32> to vector<1x28xf32>
    %gt3A_72 = arith.constant 0.000000e+00 : f32
    %gt3A_73 = vector.broadcast %gt3A_72 : f32 to vector<512x28xf32>
    %gt3A_74 = arith.cmpf ogt, %add3A_70, %gt3A_73 : vector<512x28xf32>
    %min3A_75 = arith.constant 0.000000e+00 : f32
    %min3A_76 = vector.broadcast %min3A_75 : f32 to vector<512x28xf32>
    %min3A_77 = arith.minimumf %add3A_70, %min3A_76 : vector<512x28xf32>
    %exp3A_78 = math.exp %min3A_77 : vector<512x28xf32>
    %sub3A_79 = arith.constant 1.000000e+00 : f32
    %sub3A_80 = vector.broadcast %sub3A_79 : f32 to vector<512x28xf32>
    %sub3A_81 = arith.subf %exp3A_78, %sub3A_80 : vector<512x28xf32>
    %select_n3A_82 = arith.select %gt3A_74, %add3A_70, %sub3A_81 : vector<512x28xi1>, vector<512x28xf32>
    %mul3A_83 = vector.broadcast %slice3A_71 : vector<1x28xf32> to vector<512x28xf32>
    %mul3A_84 = arith.mulf %mul3A_83, %select_n3A_82 : vector<512x28xf32>
    %mul3A_85 = arith.constant 0.999994993 : f32
    %mul3A_86 = vector.broadcast %mul3A_85 : f32 to vector<512x28xf32>
    %mul3A_87 = arith.mulf %mul3A_84, %mul3A_86 : vector<512x28xf32>
    %slice3A_88 = vector.extract_strided_slice %get3A_7 {offsets = [2, 0], sizes = [1, 28], strides = [1, 1]} : vector<8x28xf32> to vector<1x28xf32>
    %add3A_89 = vector.broadcast %slice3A_88 : vector<1x28xf32> to vector<512x28xf32>
    %add3A_90 = arith.addf %mul3A_87, %add3A_89 : vector<512x28xf32>
    %convert_element_type3A_91 = arith.truncf %add3A_90 : vector<512x28xf32> to vector<512x28xbf16>
    %convert_element_type3A_92 = arith.truncf %get3A_16 : vector<28x28xf32> to vector<28x28xbf16>
    %dot_general3A_93 = arith.constant dense<0.000000e+00> : vector<512x28xf32>
    %dot_general3A_94 = tpu.matmul %convert_element_type3A_91, %convert_element_type3A_92, %dot_general3A_93 {dimension_numbers = #tpu.dot_dimension_numbers<[1], [0], [0], [1], [0, 0, 1, 1], [], []>, transpose_lhs_hint = false} : vector<512x28xbf16>, vector<28x28xbf16>, vector<512x28xf32> -> vector<512x28xf32>
    %slice3A_95 = vector.extract_strided_slice %get3A_7 {offsets = [3, 0], sizes = [1, 28], strides = [1, 1]} : vector<8x28xf32> to vector<1x28xf32>
    %add3A_96 = vector.broadcast %slice3A_95 : vector<1x28xf32> to vector<512x28xf32>
    %add3A_97 = arith.addf %dot_general3A_94, %add3A_96 : vector<512x28xf32>
    %slice3A_98 = vector.extract_strided_slice %get3A_7 {offsets = [4, 0], sizes = [1, 28], strides = [1, 1]} : vector<8x28xf32> to vector<1x28xf32>
    %gt3A_99 = arith.constant 0.000000e+00 : f32
    %gt3A_100 = vector.broadcast %gt3A_99 : f32 to vector<512x28xf32>
    %gt3A_101 = arith.cmpf ogt, %add3A_97, %gt3A_100 : vector<512x28xf32>
    %min3A_102 = arith.constant 0.000000e+00 : f32
    %min3A_103 = vector.broadcast %min3A_102 : f32 to vector<512x28xf32>
    %min3A_104 = arith.minimumf %add3A_97, %min3A_103 : vector<512x28xf32>
    %exp3A_105 = math.exp %min3A_104 : vector<512x28xf32>
    %sub3A_106 = arith.constant 1.000000e+00 : f32
    %sub3A_107 = vector.broadcast %sub3A_106 : f32 to vector<512x28xf32>
    %sub3A_108 = arith.subf %exp3A_105, %sub3A_107 : vector<512x28xf32>
    %select_n3A_109 = arith.select %gt3A_101, %add3A_97, %sub3A_108 : vector<512x28xi1>, vector<512x28xf32>
    %mul3A_110 = vector.broadcast %slice3A_98 : vector<1x28xf32> to vector<512x28xf32>
    %mul3A_111 = arith.mulf %mul3A_110, %select_n3A_109 : vector<512x28xf32>
    %mul3A_112 = arith.constant 0.999994993 : f32
    %mul3A_113 = vector.broadcast %mul3A_112 : f32 to vector<512x28xf32>
    %mul3A_114 = arith.mulf %mul3A_111, %mul3A_113 : vector<512x28xf32>
    %slice3A_115 = vector.extract_strided_slice %get3A_7 {offsets = [5, 0], sizes = [1, 28], strides = [1, 1]} : vector<8x28xf32> to vector<1x28xf32>
    %add3A_116 = vector.broadcast %slice3A_115 : vector<1x28xf32> to vector<512x28xf32>
    %add3A_117 = arith.addf %mul3A_114, %add3A_116 : vector<512x28xf32>
    %slice3A_118 = vector.extract_strided_slice %sub3A {offsets = [0, 32], sizes = [512, 16], strides = [1, 1]} : vector<512x48xf32> to vector<512x16xf32>
    %convert_element_type3A_119 = arith.truncf %slice3A_118 : vector<512x16xf32> to vector<512x16xbf16>
    %convert_element_type3A_120 = arith.truncf %get3A_13 : vector<16x28xf32> to vector<16x28xbf16>
    %dot_general3A_121 = arith.constant dense<0.000000e+00> : vector<512x28xf32>
    %dot_general3A_122 = tpu.matmul %convert_element_type3A_119, %convert_element_type3A_120, %dot_general3A_121 {dimension_numbers = #tpu.dot_dimension_numbers<[1], [0], [0], [1], [0, 0, 1, 1], [], []>, transpose_lhs_hint = false} : vector<512x16xbf16>, vector<16x28xbf16>, vector<512x28xf32> -> vector<512x28xf32>
    %slice3A_123 = vector.extract_strided_slice %get3A_7 {offsets = [0, 0], sizes = [1, 28], strides = [1, 1]} : vector<8x28xf32> to vector<1x28xf32>
    %add3A_124 = vector.broadcast %slice3A_123 : vector<1x28xf32> to vector<512x28xf32>
    %add3A_125 = arith.addf %dot_general3A_122, %add3A_124 : vector<512x28xf32>
    %slice3A_126 = vector.extract_strided_slice %get3A_7 {offsets = [1, 0], sizes = [1, 28], strides = [1, 1]} : vector<8x28xf32> to vector<1x28xf32>
    %gt3A_127 = arith.constant 0.000000e+00 : f32
    %gt3A_128 = vector.broadcast %gt3A_127 : f32 to vector<512x28xf32>
    %gt3A_129 = arith.cmpf ogt, %add3A_125, %gt3A_128 : vector<512x28xf32>
    %min3A_130 = arith.constant 0.000000e+00 : f32
    %min3A_131 = vector.broadcast %min3A_130 : f32 to vector<512x28xf32>
    %min3A_132 = arith.minimumf %add3A_125, %min3A_131 : vector<512x28xf32>
    %exp3A_133 = math.exp %min3A_132 : vector<512x28xf32>
    %sub3A_134 = arith.constant 1.000000e+00 : f32
    %sub3A_135 = vector.broadcast %sub3A_134 : f32 to vector<512x28xf32>
    %sub3A_136 = arith.subf %exp3A_133, %sub3A_135 : vector<512x28xf32>
    %select_n3A_137 = arith.select %gt3A_129, %add3A_125, %sub3A_136 : vector<512x28xi1>, vector<512x28xf32>
    %mul3A_138 = vector.broadcast %slice3A_126 : vector<1x28xf32> to vector<512x28xf32>
    %mul3A_139 = arith.mulf %mul3A_138, %select_n3A_137 : vector<512x28xf32>
    %mul3A_140 = arith.constant 0.999994993 : f32
    %mul3A_141 = vector.broadcast %mul3A_140 : f32 to vector<512x28xf32>
    %mul3A_142 = arith.mulf %mul3A_139, %mul3A_141 : vector<512x28xf32>
    %slice3A_143 = vector.extract_strided_slice %get3A_7 {offsets = [2, 0], sizes = [1, 28], strides = [1, 1]} : vector<8x28xf32> to vector<1x28xf32>
    %add3A_144 = vector.broadcast %slice3A_143 : vector<1x28xf32> to vector<512x28xf32>
    %add3A_145 = arith.addf %mul3A_142, %add3A_144 : vector<512x28xf32>
    %convert_element_type3A_146 = arith.truncf %add3A_145 : vector<512x28xf32> to vector<512x28xbf16>
    %convert_element_type3A_147 = arith.truncf %get3A_16 : vector<28x28xf32> to vector<28x28xbf16>
    %dot_general3A_148 = arith.constant dense<0.000000e+00> : vector<512x28xf32>
    %dot_general3A_149 = tpu.matmul %convert_element_type3A_146, %convert_element_type3A_147, %dot_general3A_148 {dimension_numbers = #tpu.dot_dimension_numbers<[1], [0], [0], [1], [0, 0, 1, 1], [], []>, transpose_lhs_hint = false} : vector<512x28xbf16>, vector<28x28xbf16>, vector<512x28xf32> -> vector<512x28xf32>
    %slice3A_150 = vector.extract_strided_slice %get3A_7 {offsets = [3, 0], sizes = [1, 28], strides = [1, 1]} : vector<8x28xf32> to vector<1x28xf32>
    %add3A_151 = vector.broadcast %slice3A_150 : vector<1x28xf32> to vector<512x28xf32>
    %add3A_152 = arith.addf %dot_general3A_149, %add3A_151 : vector<512x28xf32>
    %slice3A_153 = vector.extract_strided_slice %get3A_7 {offsets = [4, 0], sizes = [1, 28], strides = [1, 1]} : vector<8x28xf32> to vector<1x28xf32>
    %gt3A_154 = arith.constant 0.000000e+00 : f32
    %gt3A_155 = vector.broadcast %gt3A_154 : f32 to vector<512x28xf32>
    %gt3A_156 = arith.cmpf ogt, %add3A_152, %gt3A_155 : vector<512x28xf32>
    %min3A_157 = arith.constant 0.000000e+00 : f32
    %min3A_158 = vector.broadcast %min3A_157 : f32 to vector<512x28xf32>
    %min3A_159 = arith.minimumf %add3A_152, %min3A_158 : vector<512x28xf32>
    %exp3A_160 = math.exp %min3A_159 : vector<512x28xf32>
    %sub3A_161 = arith.constant 1.000000e+00 : f32
    %sub3A_162 = vector.broadcast %sub3A_161 : f32 to vector<512x28xf32>
    %sub3A_163 = arith.subf %exp3A_160, %sub3A_162 : vector<512x28xf32>
    %select_n3A_164 = arith.select %gt3A_156, %add3A_152, %sub3A_163 : vector<512x28xi1>, vector<512x28xf32>
    %mul3A_165 = vector.broadcast %slice3A_153 : vector<1x28xf32> to vector<512x28xf32>
    %mul3A_166 = arith.mulf %mul3A_165, %select_n3A_164 : vector<512x28xf32>
    %mul3A_167 = arith.constant 0.999994993 : f32
    %mul3A_168 = vector.broadcast %mul3A_167 : f32 to vector<512x28xf32>
    %mul3A_169 = arith.mulf %mul3A_166, %mul3A_168 : vector<512x28xf32>
    %slice3A_170 = vector.extract_strided_slice %get3A_7 {offsets = [5, 0], sizes = [1, 28], strides = [1, 1]} : vector<8x28xf32> to vector<1x28xf32>
    %add3A_171 = vector.broadcast %slice3A_170 : vector<1x28xf32> to vector<512x28xf32>
    %add3A_172 = arith.addf %mul3A_169, %add3A_171 : vector<512x28xf32>
    %get3A_173 = arith.constant 0 : index
    %get3A_174 = arith.constant 0 : index
    %get3A_175 = vector.load %arg6[%get3A_173, %get3A_174] : memref<48x9xf32, #tpu.memory_space<vmem>>, vector<48x9xf32>
    %convert_element_type3A_176 = arith.truncf %sub3A : vector<512x48xf32> to vector<512x48xbf16>
    %convert_element_type3A_177 = arith.truncf %get3A_175 : vector<48x9xf32> to vector<48x9xbf16>
    %dot_general3A_178 = arith.constant dense<0.000000e+00> : vector<512x9xf32>
    %dot_general3A_179 = tpu.matmul %convert_element_type3A_176, %convert_element_type3A_177, %dot_general3A_178 {dimension_numbers = #tpu.dot_dimension_numbers<[1], [0], [0], [1], [0, 0, 1, 1], [], []>, transpose_lhs_hint = false} : vector<512x48xbf16>, vector<48x9xbf16>, vector<512x9xf32> -> vector<512x9xf32>
    %slice3A_180 = vector.extract_strided_slice %get3A_10 {offsets = [0, 0], sizes = [1, 9], strides = [1, 1]} : vector<16x9xf32> to vector<1x9xf32>
    %add3A_181 = vector.broadcast %slice3A_180 : vector<1x9xf32> to vector<512x9xf32>
    %add3A_182 = arith.addf %dot_general3A_179, %add3A_181 : vector<512x9xf32>
    %slice3A_183 = vector.extract_strided_slice %get3A_10 {offsets = [1, 0], sizes = [1, 9], strides = [1, 1]} : vector<16x9xf32> to vector<1x9xf32>
    %gt3A_184 = arith.constant 0.000000e+00 : f32
    %gt3A_185 = vector.broadcast %gt3A_184 : f32 to vector<512x9xf32>
    %gt3A_186 = arith.cmpf ogt, %add3A_182, %gt3A_185 : vector<512x9xf32>
    %min3A_187 = arith.constant 0.000000e+00 : f32
    %min3A_188 = vector.broadcast %min3A_187 : f32 to vector<512x9xf32>
    %min3A_189 = arith.minimumf %add3A_182, %min3A_188 : vector<512x9xf32>
    %exp3A_190 = math.exp %min3A_189 : vector<512x9xf32>
    %sub3A_191 = arith.constant 1.000000e+00 : f32
    %sub3A_192 = vector.broadcast %sub3A_191 : f32 to vector<512x9xf32>
    %sub3A_193 = arith.subf %exp3A_190, %sub3A_192 : vector<512x9xf32>
    %select_n3A_194 = arith.select %gt3A_186, %add3A_182, %sub3A_193 : vector<512x9xi1>, vector<512x9xf32>
    %mul3A_195 = vector.broadcast %slice3A_183 : vector<1x9xf32> to vector<512x9xf32>
    %mul3A_196 = arith.mulf %mul3A_195, %select_n3A_194 : vector<512x9xf32>
    %mul3A_197 = arith.constant 0.999994993 : f32
    %mul3A_198 = vector.broadcast %mul3A_197 : f32 to vector<512x9xf32>
    %mul3A_199 = arith.mulf %mul3A_196, %mul3A_198 : vector<512x9xf32>
    %slice3A_200 = vector.extract_strided_slice %get3A_10 {offsets = [2, 0], sizes = [1, 9], strides = [1, 1]} : vector<16x9xf32> to vector<1x9xf32>
    %add3A_201 = vector.broadcast %slice3A_200 : vector<1x9xf32> to vector<512x9xf32>
    %add3A_202 = arith.addf %mul3A_199, %add3A_201 : vector<512x9xf32>
    %get3A_203 = arith.constant 0 : index
    %get3A_204 = arith.constant 0 : index
    %get3A_205 = vector.load %arg7[%get3A_203, %get3A_204] : memref<9x9xf32, #tpu.memory_space<vmem>>, vector<9x9xf32>
    %dot_general3A_206 = arith.constant dense<0.000000e+00> : vector<512x9xf32>
    %dot_general3A_207 = tpu.matmul %add3A_202, %get3A_205, %dot_general3A_206 {dimension_numbers = #tpu.dot_dimension_numbers<[1], [0], [0], [1], [0, 0, 1, 1], [], []>, precision = #tpu.contract_precision<fp32>, transpose_lhs_hint = false} : vector<512x9xf32>, vector<9x9xf32>, vector<512x9xf32> -> vector<512x9xf32>
    %slice3A_208 = vector.extract_strided_slice %get3A_10 {offsets = [3, 0], sizes = [1, 9], strides = [1, 1]} : vector<16x9xf32> to vector<1x9xf32>
    %add3A_209 = vector.broadcast %slice3A_208 : vector<1x9xf32> to vector<512x9xf32>
    %add3A_210 = arith.addf %dot_general3A_207, %add3A_209 : vector<512x9xf32>
    %slice3A_211 = vector.extract_strided_slice %get3A_10 {offsets = [4, 0], sizes = [1, 9], strides = [1, 1]} : vector<16x9xf32> to vector<1x9xf32>
    %gt3A_212 = arith.constant 0.000000e+00 : f32
    %gt3A_213 = vector.broadcast %gt3A_212 : f32 to vector<512x9xf32>
    %gt3A_214 = arith.cmpf ogt, %add3A_210, %gt3A_213 : vector<512x9xf32>
    %min3A_215 = arith.constant 0.000000e+00 : f32
    %min3A_216 = vector.broadcast %min3A_215 : f32 to vector<512x9xf32>
    %min3A_217 = arith.minimumf %add3A_210, %min3A_216 : vector<512x9xf32>
    %exp3A_218 = math.exp %min3A_217 : vector<512x9xf32>
    %sub3A_219 = arith.constant 1.000000e+00 : f32
    %sub3A_220 = vector.broadcast %sub3A_219 : f32 to vector<512x9xf32>
    %sub3A_221 = arith.subf %exp3A_218, %sub3A_220 : vector<512x9xf32>
    %select_n3A_222 = arith.select %gt3A_214, %add3A_210, %sub3A_221 : vector<512x9xi1>, vector<512x9xf32>
    %mul3A_223 = vector.broadcast %slice3A_211 : vector<1x9xf32> to vector<512x9xf32>
    %mul3A_224 = arith.mulf %mul3A_223, %select_n3A_222 : vector<512x9xf32>
    %mul3A_225 = arith.constant 0.999994993 : f32
    %mul3A_226 = vector.broadcast %mul3A_225 : f32 to vector<512x9xf32>
    %mul3A_227 = arith.mulf %mul3A_224, %mul3A_226 : vector<512x9xf32>
    %slice3A_228 = vector.extract_strided_slice %get3A_10 {offsets = [5, 0], sizes = [1, 9], strides = [1, 1]} : vector<16x9xf32> to vector<1x9xf32>
    %add3A_229 = vector.broadcast %slice3A_228 : vector<1x9xf32> to vector<512x9xf32>
    %add3A_230 = arith.addf %mul3A_227, %add3A_229 : vector<512x9xf32>
    %get3A_231 = arith.constant 0 : index
    %get3A_232 = arith.constant 0 : index
    %get3A_233 = vector.load %arg8[%get3A_231, %get3A_232] : memref<9x9xf32, #tpu.memory_space<vmem>>, vector<9x9xf32>
    %dot_general3A_234 = arith.constant dense<0.000000e+00> : vector<512x9xf32>
    %dot_general3A_235 = tpu.matmul %add3A_230, %get3A_233, %dot_general3A_234 {dimension_numbers = #tpu.dot_dimension_numbers<[1], [0], [0], [1], [0, 0, 1, 1], [], []>, precision = #tpu.contract_precision<fp32>, transpose_lhs_hint = false} : vector<512x9xf32>, vector<9x9xf32>, vector<512x9xf32> -> vector<512x9xf32>
    %slice3A_236 = vector.extract_strided_slice %get3A_10 {offsets = [6, 0], sizes = [1, 9], strides = [1, 1]} : vector<16x9xf32> to vector<1x9xf32>
    %add3A_237 = vector.broadcast %slice3A_236 : vector<1x9xf32> to vector<512x9xf32>
    %add3A_238 = arith.addf %dot_general3A_235, %add3A_237 : vector<512x9xf32>
    %slice3A_239 = vector.extract_strided_slice %get3A_10 {offsets = [7, 0], sizes = [1, 9], strides = [1, 1]} : vector<16x9xf32> to vector<1x9xf32>
    %mul3A_240 = vector.broadcast %slice3A_239 : vector<1x9xf32> to vector<512x9xf32>
    %mul3A_241 = arith.mulf %mul3A_240, %add3A_238 : vector<512x9xf32>
    %mul3A_242 = arith.constant 0.999994993 : f32
    %mul3A_243 = vector.broadcast %mul3A_242 : f32 to vector<512x9xf32>
    %mul3A_244 = arith.mulf %mul3A_241, %mul3A_243 : vector<512x9xf32>
    %slice3A_245 = vector.extract_strided_slice %get3A_10 {offsets = [8, 0], sizes = [1, 9], strides = [1, 1]} : vector<16x9xf32> to vector<1x9xf32>
    %add3A_246 = vector.broadcast %slice3A_245 : vector<1x9xf32> to vector<512x9xf32>
    %add3A_247 = arith.addf %mul3A_244, %add3A_246 : vector<512x9xf32>
    %get3A_248 = arith.constant 0 : index
    %get3A_249 = arith.constant 0 : index
    %get3A_250 = vector.load %arg3[%get3A_248, %get3A_249] : memref<512x384xf32, #tpu.memory_space<vmem>>, vector<512x384xf32>
    %slice3A_251 = vector.extract_strided_slice %get3A_250 {offsets = [0, 0], sizes = [512, 114], strides = [1, 1]} : vector<512x384xf32> to vector<512x114xf32>
    %concatenate3A_252 = tpu.concatenate %add3A_62, %slice3A_251 in 1 : vector<512x28xf32>, vector<512x114xf32> -> vector<512x142xf32>
    %slice3A_253 = vector.extract_strided_slice %get3A_250 {offsets = [0, 128], sizes = [512, 114], strides = [1, 1]} : vector<512x384xf32> to vector<512x114xf32>
    %concatenate3A_254 = tpu.concatenate %add3A_117, %slice3A_253 in 1 : vector<512x28xf32>, vector<512x114xf32> -> vector<512x142xf32>
    %slice3A_255 = vector.extract_strided_slice %get3A_250 {offsets = [0, 256], sizes = [512, 114], strides = [1, 1]} : vector<512x384xf32> to vector<512x114xf32>
    %concatenate3A_256 = tpu.concatenate %add3A_172, %slice3A_255 in 1 : vector<512x28xf32>, vector<512x114xf32> -> vector<512x142xf32>
    %slice3A_257 = vector.extract_strided_slice %add3A_247 {offsets = [0, 0], sizes = [512, 1], strides = [1, 1]} : vector<512x9xf32> to vector<512x1xf32>
    %mul3A_258 = vector.broadcast %slice3A_257 : vector<512x1xf32> to vector<512x142xf32>
    %mul3A_259 = arith.mulf %concatenate3A_252, %mul3A_258 : vector<512x142xf32>
    %slice3A_260 = vector.extract_strided_slice %add3A_247 {offsets = [0, 3], sizes = [512, 1], strides = [1, 1]} : vector<512x9xf32> to vector<512x1xf32>
    %mul3A_261 = vector.broadcast %slice3A_260 : vector<512x1xf32> to vector<512x142xf32>
    %mul3A_262 = arith.mulf %concatenate3A_254, %mul3A_261 : vector<512x142xf32>
    %add3A_263 = arith.addf %mul3A_259, %mul3A_262 : vector<512x142xf32>
    %slice3A_264 = vector.extract_strided_slice %add3A_247 {offsets = [0, 6], sizes = [512, 1], strides = [1, 1]} : vector<512x9xf32> to vector<512x1xf32>
    %mul3A_265 = vector.broadcast %slice3A_264 : vector<512x1xf32> to vector<512x142xf32>
    %mul3A_266 = arith.mulf %concatenate3A_256, %mul3A_265 : vector<512x142xf32>
    %add3A_267 = arith.addf %add3A_263, %mul3A_266 : vector<512x142xf32>
    %slice3A_268 = vector.extract_strided_slice %add3A_247 {offsets = [0, 1], sizes = [512, 1], strides = [1, 1]} : vector<512x9xf32> to vector<512x1xf32>
    %mul3A_269 = vector.broadcast %slice3A_268 : vector<512x1xf32> to vector<512x142xf32>
    %mul3A_270 = arith.mulf %concatenate3A_252, %mul3A_269 : vector<512x142xf32>
    %slice3A_271 = vector.extract_strided_slice %add3A_247 {offsets = [0, 4], sizes = [512, 1], strides = [1, 1]} : vector<512x9xf32> to vector<512x1xf32>
    %mul3A_272 = vector.broadcast %slice3A_271 : vector<512x1xf32> to vector<512x142xf32>
    %mul3A_273 = arith.mulf %concatenate3A_254, %mul3A_272 : vector<512x142xf32>
    %add3A_274 = arith.addf %mul3A_270, %mul3A_273 : vector<512x142xf32>
    %slice3A_275 = vector.extract_strided_slice %add3A_247 {offsets = [0, 7], sizes = [512, 1], strides = [1, 1]} : vector<512x9xf32> to vector<512x1xf32>
    %mul3A_276 = vector.broadcast %slice3A_275 : vector<512x1xf32> to vector<512x142xf32>
    %mul3A_277 = arith.mulf %concatenate3A_256, %mul3A_276 : vector<512x142xf32>
    %add3A_278 = arith.addf %add3A_274, %mul3A_277 : vector<512x142xf32>
    %slice3A_279 = vector.extract_strided_slice %add3A_247 {offsets = [0, 2], sizes = [512, 1], strides = [1, 1]} : vector<512x9xf32> to vector<512x1xf32>
    %mul3A_280 = vector.broadcast %slice3A_279 : vector<512x1xf32> to vector<512x142xf32>
    %mul3A_281 = arith.mulf %concatenate3A_252, %mul3A_280 : vector<512x142xf32>
    %slice3A_282 = vector.extract_strided_slice %add3A_247 {offsets = [0, 5], sizes = [512, 1], strides = [1, 1]} : vector<512x9xf32> to vector<512x1xf32>
    %mul3A_283 = vector.broadcast %slice3A_282 : vector<512x1xf32> to vector<512x142xf32>
    %mul3A_284 = arith.mulf %concatenate3A_254, %mul3A_283 : vector<512x142xf32>
    %add3A_285 = arith.addf %mul3A_281, %mul3A_284 : vector<512x142xf32>
    %slice3A_286 = vector.extract_strided_slice %add3A_247 {offsets = [0, 8], sizes = [512, 1], strides = [1, 1]} : vector<512x9xf32> to vector<512x1xf32>
    %mul3A_287 = vector.broadcast %slice3A_286 : vector<512x1xf32> to vector<512x142xf32>
    %mul3A_288 = arith.mulf %concatenate3A_256, %mul3A_287 : vector<512x142xf32>
    %add3A_289 = arith.addf %add3A_285, %mul3A_288 : vector<512x142xf32>
    %get3A_290 = arith.constant 0 : index
    %get3A_291 = arith.constant 0 : index
    %get3A_292 = vector.load %arg11[%get3A_290, %get3A_291] : memref<8x142xf32, #tpu.memory_space<vmem>>, vector<8x142xf32>
    %get3A_293 = arith.constant 0 : index
    %get3A_294 = arith.constant 0 : index
    %get3A_295 = vector.load %arg13[%get3A_293, %get3A_294] : memref<8x240xf32, #tpu.memory_space<vmem>>, vector<8x240xf32>
    %slice3A_296 = vector.extract_strided_slice %get3A_292 {offsets = [0, 0], sizes = [1, 142], strides = [1, 1]} : vector<8x142xf32> to vector<1x142xf32>
    %mul3A_297 = vector.broadcast %slice3A_296 : vector<1x142xf32> to vector<512x142xf32>
    %mul3A_298 = arith.mulf %add3A_267, %mul3A_297 : vector<512x142xf32>
    %slice3A_299 = vector.extract_strided_slice %get3A_292 {offsets = [1, 0], sizes = [1, 142], strides = [1, 1]} : vector<8x142xf32> to vector<1x142xf32>
    %mul3A_300 = vector.broadcast %slice3A_299 : vector<1x142xf32> to vector<512x142xf32>
    %mul3A_301 = arith.mulf %add3A_278, %mul3A_300 : vector<512x142xf32>
    %add3A_302 = arith.addf %mul3A_298, %mul3A_301 : vector<512x142xf32>
    %slice3A_303 = vector.extract_strided_slice %get3A_292 {offsets = [2, 0], sizes = [1, 142], strides = [1, 1]} : vector<8x142xf32> to vector<1x142xf32>
    %mul3A_304 = vector.broadcast %slice3A_303 : vector<1x142xf32> to vector<512x142xf32>
    %mul3A_305 = arith.mulf %add3A_289, %mul3A_304 : vector<512x142xf32>
    %add3A_306 = arith.addf %add3A_302, %mul3A_305 : vector<512x142xf32>
    %slice3A_307 = vector.extract_strided_slice %get3A_292 {offsets = [6, 0], sizes = [1, 142], strides = [1, 1]} : vector<8x142xf32> to vector<1x142xf32>
    %add3A_308 = vector.broadcast %slice3A_307 : vector<1x142xf32> to vector<512x142xf32>
    %add3A_309 = arith.addf %add3A_306, %add3A_308 : vector<512x142xf32>
    %get3A_310 = arith.constant 0 : index
    %get3A_311 = arith.constant 0 : index
    %get3A_312 = vector.load %arg12[%get3A_310, %get3A_311] : memref<284x240xf32, #tpu.memory_space<vmem>>, vector<142x240xf32>
    %convert_element_type3A_313 = arith.truncf %add3A_309 : vector<512x142xf32> to vector<512x142xbf16>
    %convert_element_type3A_314 = arith.truncf %get3A_312 : vector<142x240xf32> to vector<142x240xbf16>
    %dot_general3A_315 = arith.constant dense<0.000000e+00> : vector<512x240xf32>
    %dot_general3A_316 = tpu.matmul %convert_element_type3A_313, %convert_element_type3A_314, %dot_general3A_315 {dimension_numbers = #tpu.dot_dimension_numbers<[1], [0], [0], [1], [0, 0, 1, 1], [], []>, transpose_lhs_hint = false} : vector<512x142xbf16>, vector<142x240xbf16>, vector<512x240xf32> -> vector<512x240xf32>
    %slice3A_317 = vector.extract_strided_slice %get3A_292 {offsets = [3, 0], sizes = [1, 142], strides = [1, 1]} : vector<8x142xf32> to vector<1x142xf32>
    %mul3A_318 = vector.broadcast %slice3A_317 : vector<1x142xf32> to vector<512x142xf32>
    %mul3A_319 = arith.mulf %add3A_267, %mul3A_318 : vector<512x142xf32>
    %slice3A_320 = vector.extract_strided_slice %get3A_292 {offsets = [4, 0], sizes = [1, 142], strides = [1, 1]} : vector<8x142xf32> to vector<1x142xf32>
    %mul3A_321 = vector.broadcast %slice3A_320 : vector<1x142xf32> to vector<512x142xf32>
    %mul3A_322 = arith.mulf %add3A_278, %mul3A_321 : vector<512x142xf32>
    %add3A_323 = arith.addf %mul3A_319, %mul3A_322 : vector<512x142xf32>
    %slice3A_324 = vector.extract_strided_slice %get3A_292 {offsets = [5, 0], sizes = [1, 142], strides = [1, 1]} : vector<8x142xf32> to vector<1x142xf32>
    %mul3A_325 = vector.broadcast %slice3A_324 : vector<1x142xf32> to vector<512x142xf32>
    %mul3A_326 = arith.mulf %add3A_289, %mul3A_325 : vector<512x142xf32>
    %add3A_327 = arith.addf %add3A_323, %mul3A_326 : vector<512x142xf32>
    %slice3A_328 = vector.extract_strided_slice %get3A_292 {offsets = [7, 0], sizes = [1, 142], strides = [1, 1]} : vector<8x142xf32> to vector<1x142xf32>
    %add3A_329 = vector.broadcast %slice3A_328 : vector<1x142xf32> to vector<512x142xf32>
    %add3A_330 = arith.addf %add3A_327, %add3A_329 : vector<512x142xf32>
    %get3A_331 = arith.constant 142 : index
    %get3A_332 = arith.constant 0 : index
    %get3A_333 = vector.load %arg12[%get3A_331, %get3A_332] : memref<284x240xf32, #tpu.memory_space<vmem>>, vector<142x240xf32>
    %convert_element_type3A_334 = arith.truncf %add3A_330 : vector<512x142xf32> to vector<512x142xbf16>
    %convert_element_type3A_335 = arith.truncf %get3A_333 : vector<142x240xf32> to vector<142x240xbf16>
    %dot_general3A_336 = arith.constant dense<0.000000e+00> : vector<512x240xf32>
    %dot_general3A_337 = tpu.matmul %convert_element_type3A_334, %convert_element_type3A_335, %dot_general3A_336 {dimension_numbers = #tpu.dot_dimension_numbers<[1], [0], [0], [1], [0, 0, 1, 1], [], []>, transpose_lhs_hint = false} : vector<512x142xbf16>, vector<142x240xbf16>, vector<512x240xf32> -> vector<512x240xf32>
    %add3A_338 = arith.addf %dot_general3A_316, %dot_general3A_337 : vector<512x240xf32>
    %slice3A_339 = vector.extract_strided_slice %get3A_295 {offsets = [0, 0], sizes = [1, 240], strides = [1, 1]} : vector<8x240xf32> to vector<1x240xf32>
    %add3A_340 = vector.broadcast %slice3A_339 : vector<1x240xf32> to vector<512x240xf32>
    %add3A_341 = arith.addf %add3A_338, %add3A_340 : vector<512x240xf32>
    %slice3A_342 = vector.extract_strided_slice %get3A_295 {offsets = [1, 0], sizes = [1, 240], strides = [1, 1]} : vector<8x240xf32> to vector<1x240xf32>
    %mul3A_343 = vector.broadcast %slice3A_342 : vector<1x240xf32> to vector<512x240xf32>
    %mul3A_344 = arith.mulf %mul3A_343, %add3A_341 : vector<512x240xf32>
    %mul3A_345 = arith.constant 0.999994993 : f32
    %mul3A_346 = vector.broadcast %mul3A_345 : f32 to vector<512x240xf32>
    %mul3A_347 = arith.mulf %mul3A_344, %mul3A_346 : vector<512x240xf32>
    %slice3A_348 = vector.extract_strided_slice %get3A_295 {offsets = [2, 0], sizes = [1, 240], strides = [1, 1]} : vector<8x240xf32> to vector<1x240xf32>
    %add3A_349 = vector.broadcast %slice3A_348 : vector<1x240xf32> to vector<512x240xf32>
    %add3A_350 = arith.addf %mul3A_347, %add3A_349 : vector<512x240xf32>
    %max3A = arith.constant 0.000000e+00 : f32
    %max3A_351 = vector.broadcast %max3A : f32 to vector<512x240xf32>
    %max3A_352 = arith.maximumf %add3A_350, %max3A_351 : vector<512x240xf32>
    %swap3A = arith.constant 0 : index
    %swap3A_353 = arith.constant 0 : index
    %swap3A_354 = vector.load %arg14[%swap3A, %swap3A_353] : memref<512x240xf32, #tpu.memory_space<vmem>>, vector<512x240xf32>
    tpu.vector_store %arg14[%swap3A, %swap3A_353], %max3A_352 {strides = array<i32>} : memref<512x240xf32, #tpu.memory_space<vmem>>, vector<512x240xf32>,
    return
  }
  func.func @transform_0(%arg0: i32) -> (i32, i32) {
    %c0_i32 = arith.constant 0 : i32
    %c0_i32_0 = arith.constant 0 : i32
    return %arg0, %c0_i32 : i32, i32
  }
  func.func @transform_1(%arg0: i32) -> (i32, i32) {
    %c0_i32 = arith.constant 0 : i32
    %c0_i32_0 = arith.constant 0 : i32
    return %arg0, %c0_i32 : i32, i32
  }
  func.func @transform_2(%arg0: i32) -> (i32, i32) {
    %c0_i32 = arith.constant 0 : i32
    %c0_i32_0 = arith.constant 0 : i32
    return %arg0, %c0_i32 : i32, i32
  }
  func.func @transform_3(%arg0: i32) -> (i32, i32) {
    %c0_i32 = arith.constant 0 : i32
    %c0_i32_0 = arith.constant 0 : i32
    %c0_i32_1 = arith.constant 0 : i32
    return %c0_i32, %c0_i32_0 : i32, i32
  }
  func.func @transform_4(%arg0: i32) -> (i32, i32) {
    %c0_i32 = arith.constant 0 : i32
    %c0_i32_0 = arith.constant 0 : i32
    %c0_i32_1 = arith.constant 0 : i32
    return %c0_i32, %c0_i32_0 : i32, i32
  }
  func.func @transform_5(%arg0: i32) -> (i32, i32) {
    %c0_i32 = arith.constant 0 : i32
    %c0_i32_0 = arith.constant 0 : i32
    %c0_i32_1 = arith.constant 0 : i32
    return %c0_i32, %c0_i32_0 : i32, i32
  }
  func.func @transform_6(%arg0: i32) -> (i32, i32) {
    %c0_i32 = arith.constant 0 : i32
    %c0_i32_0 = arith.constant 0 : i32
    %c0_i32_1 = arith.constant 0 : i32
    return %c0_i32, %c0_i32_0 : i32, i32
  }
  func.func @transform_7(%arg0: i32) -> (i32, i32) {
    %c0_i32 = arith.constant 0 : i32
    %c0_i32_0 = arith.constant 0 : i32
    %c0_i32_1 = arith.constant 0 : i32
    return %c0_i32, %c0_i32_0 : i32, i32
  }
  func.func @transform_8(%arg0: i32) -> (i32, i32) {
    %c0_i32 = arith.constant 0 : i32
    %c0_i32_0 = arith.constant 0 : i32
    %c0_i32_1 = arith.constant 0 : i32
    return %c0_i32, %c0_i32_0 : i32, i32
  }
  func.func @transform_9(%arg0: i32) -> (i32, i32) {
    %c0_i32 = arith.constant 0 : i32
    %c0_i32_0 = arith.constant 0 : i32
    %c0_i32_1 = arith.constant 0 : i32
    return %c0_i32, %c0_i32_0 : i32, i32
  }
  func.func @transform_10(%arg0: i32) -> (i32, i32) {
    %c0_i32 = arith.constant 0 : i32
    %c0_i32_0 = arith.constant 0 : i32
    %c0_i32_1 = arith.constant 0 : i32
    return %c0_i32, %c0_i32_0 : i32, i32
  }
  func.func @transform_11(%arg0: i32) -> (i32, i32) {
    %c0_i32 = arith.constant 0 : i32
    %c0_i32_0 = arith.constant 0 : i32
    %c0_i32_1 = arith.constant 0 : i32
    return %c0_i32, %c0_i32_0 : i32, i32
  }
  func.func @transform_12(%arg0: i32) -> (i32, i32) {
    %c0_i32 = arith.constant 0 : i32
    %c0_i32_0 = arith.constant 0 : i32
    %c0_i32_1 = arith.constant 0 : i32
    return %c0_i32, %c0_i32_0 : i32, i32
  }
  func.func @transform_13(%arg0: i32) -> (i32, i32) {
    %c0_i32 = arith.constant 0 : i32
    %c0_i32_0 = arith.constant 0 : i32
    return %arg0, %c0_i32 : i32, i32
  }
}

module attributes {stable_mosaic.version = 14 : i64} {
  func.func @body(%arg0: i32, %arg1: memref<512x16xf32, #tpu.memory_space<vmem>>, %arg2: memref<512x48xf32, #tpu.memory_space<vmem>>, %arg3: memref<512x720xf32, #tpu.memory_space<vmem>>, %arg4: memref<16x57xf32, #tpu.memory_space<vmem>>, %arg5: memref<57x57xf32, #tpu.memory_space<vmem>>, %arg6: memref<48x9xf32, #tpu.memory_space<vmem>>, %arg7: memref<9x9xf32, #tpu.memory_space<vmem>>, %arg8: memref<9x9xf32, #tpu.memory_space<vmem>>, %arg9: memref<8x57xf32, #tpu.memory_space<vmem>>, %arg10: memref<16x9xf32, #tpu.memory_space<vmem>>, %arg11: memref<8x285xf32, #tpu.memory_space<vmem>>, %arg12: memref<570x304xf32, #tpu.memory_space<vmem>>, %arg13: memref<8x304xf32, #tpu.memory_space<vmem>>, %arg14: memref<512x304xf32, #tpu.memory_space<vmem>>) attributes {dimension_semantics = [#tpu.dimension_semantics<arbitrary>], iteration_bounds = array<i64: 20>, scalar_prefetch = 0 : i64, scratch_operands = 0 : i64, tpu.core_type = #tpu.core_type<tc>, window_params = [{transform_indices = @transform_0, window_bounds = array<i64: 512, 16>}, {transform_indices = @transform_1, window_bounds = array<i64: 512, 48>}, {transform_indices = @transform_2, window_bounds = array<i64: 512, 720>}, {pipeline_mode = #tpu.pipeline_mode<synchronous>, transform_indices = @transform_3, window_bounds = array<i64: 16, 57>}, {pipeline_mode = #tpu.pipeline_mode<synchronous>, transform_indices = @transform_4, window_bounds = array<i64: 57, 57>}, {pipeline_mode = #tpu.pipeline_mode<synchronous>, transform_indices = @transform_5, window_bounds = array<i64: 48, 9>}, {pipeline_mode = #tpu.pipeline_mode<synchronous>, transform_indices = @transform_6, window_bounds = array<i64: 9, 9>}, {pipeline_mode = #tpu.pipeline_mode<synchronous>, transform_indices = @transform_7, window_bounds = array<i64: 9, 9>}, {pipeline_mode = #tpu.pipeline_mode<synchronous>, transform_indices = @transform_8, window_bounds = array<i64: 8, 57>}, {pipeline_mode = #tpu.pipeline_mode<synchronous>, transform_indices = @transform_9, window_bounds = array<i64: 16, 9>}, {pipeline_mode = #tpu.pipeline_mode<synchronous>, transform_indices = @transform_10, window_bounds = array<i64: 8, 285>}, {pipeline_mode = #tpu.pipeline_mode<synchronous>, transform_indices = @transform_11, window_bounds = array<i64: 570, 304>}, {pipeline_mode = #tpu.pipeline_mode<synchronous>, transform_indices = @transform_12, window_bounds = array<i64: 8, 304>}, {transform_indices = @transform_13, window_bounds = array<i64: 512, 304>}]} {
    %get3A = arith.constant 0 : index
    %get3A_0 = arith.constant 0 : index
    %get3A_1 = vector.load %arg1[%get3A, %get3A_0] : memref<512x16xf32, #tpu.memory_space<vmem>>, vector<512x16xf32>
    %get3A_2 = arith.constant 0 : index
    %get3A_3 = arith.constant 0 : index
    %get3A_4 = vector.load %arg2[%get3A_2, %get3A_3] : memref<512x48xf32, #tpu.memory_space<vmem>>, vector<512x48xf32>
    %concatenate3A = tpu.concatenate %get3A_1, %get3A_1, %get3A_1 in 1 : vector<512x16xf32>, vector<512x16xf32>, vector<512x16xf32> -> vector<512x48xf32>
    %sub3A = arith.subf %get3A_4, %concatenate3A : vector<512x48xf32>
    %get3A_5 = arith.constant 0 : index
    %get3A_6 = arith.constant 0 : index
    %get3A_7 = vector.load %arg9[%get3A_5, %get3A_6] : memref<8x57xf32, #tpu.memory_space<vmem>>, vector<8x57xf32>
    %get3A_8 = arith.constant 0 : index
    %get3A_9 = arith.constant 0 : index
    %get3A_10 = vector.load %arg10[%get3A_8, %get3A_9] : memref<16x9xf32, #tpu.memory_space<vmem>>, vector<16x9xf32>
    %get3A_11 = arith.constant 0 : index
    %get3A_12 = arith.constant 0 : index
    %get3A_13 = vector.load %arg4[%get3A_11, %get3A_12] : memref<16x57xf32, #tpu.memory_space<vmem>>, vector<16x57xf32>
    %get3A_14 = arith.constant 0 : index
    %get3A_15 = arith.constant 0 : index
    %get3A_16 = vector.load %arg5[%get3A_14, %get3A_15] : memref<57x57xf32, #tpu.memory_space<vmem>>, vector<57x57xf32>
    %slice3A = vector.extract_strided_slice %sub3A {offsets = [0, 0], sizes = [512, 16], strides = [1, 1]} : vector<512x48xf32> to vector<512x16xf32>
    %convert_element_type3A = arith.truncf %slice3A : vector<512x16xf32> to vector<512x16xbf16>
    %convert_element_type3A_17 = arith.truncf %get3A_13 : vector<16x57xf32> to vector<16x57xbf16>
    %dot_general3A = arith.constant dense<0.000000e+00> : vector<512x57xf32>
    %dot_general3A_18 = tpu.matmul %convert_element_type3A, %convert_element_type3A_17, %dot_general3A {dimension_numbers = #tpu.dot_dimension_numbers<[1], [0], [0], [1], [0, 0, 1, 1], [], []>, transpose_lhs_hint = false} : vector<512x16xbf16>, vector<16x57xbf16>, vector<512x57xf32> -> vector<512x57xf32>
    %slice3A_19 = vector.extract_strided_slice %get3A_7 {offsets = [0, 0], sizes = [1, 57], strides = [1, 1]} : vector<8x57xf32> to vector<1x57xf32>
    %add3A = vector.broadcast %slice3A_19 : vector<1x57xf32> to vector<512x57xf32>
    %add3A_20 = arith.addf %dot_general3A_18, %add3A : vector<512x57xf32>
    %slice3A_21 = vector.extract_strided_slice %get3A_7 {offsets = [1, 0], sizes = [1, 57], strides = [1, 1]} : vector<8x57xf32> to vector<1x57xf32>
    %gt3A = arith.constant 0.000000e+00 : f32
    %gt3A_22 = vector.broadcast %gt3A : f32 to vector<512x57xf32>
    %gt3A_23 = arith.cmpf ogt, %add3A_20, %gt3A_22 : vector<512x57xf32>
    %min3A = arith.constant 0.000000e+00 : f32
    %min3A_24 = vector.broadcast %min3A : f32 to vector<512x57xf32>
    %min3A_25 = arith.minimumf %add3A_20, %min3A_24 : vector<512x57xf32>
    %exp3A = math.exp %min3A_25 : vector<512x57xf32>
    %sub3A_26 = arith.constant 1.000000e+00 : f32
    %sub3A_27 = vector.broadcast %sub3A_26 : f32 to vector<512x57xf32>
    %sub3A_28 = arith.subf %exp3A, %sub3A_27 : vector<512x57xf32>
    %select_n3A = arith.select %gt3A_23, %add3A_20, %sub3A_28 : vector<512x57xi1>, vector<512x57xf32>
    %mul3A = vector.broadcast %slice3A_21 : vector<1x57xf32> to vector<512x57xf32>
    %mul3A_29 = arith.mulf %mul3A, %select_n3A : vector<512x57xf32>
    %mul3A_30 = arith.constant 0.999994993 : f32
    %mul3A_31 = vector.broadcast %mul3A_30 : f32 to vector<512x57xf32>
    %mul3A_32 = arith.mulf %mul3A_29, %mul3A_31 : vector<512x57xf32>
    %slice3A_33 = vector.extract_strided_slice %get3A_7 {offsets = [2, 0], sizes = [1, 57], strides = [1, 1]} : vector<8x57xf32> to vector<1x57xf32>
    %add3A_34 = vector.broadcast %slice3A_33 : vector<1x57xf32> to vector<512x57xf32>
    %add3A_35 = arith.addf %mul3A_32, %add3A_34 : vector<512x57xf32>
    %convert_element_type3A_36 = arith.truncf %add3A_35 : vector<512x57xf32> to vector<512x57xbf16>
    %convert_element_type3A_37 = arith.truncf %get3A_16 : vector<57x57xf32> to vector<57x57xbf16>
    %dot_general3A_38 = arith.constant dense<0.000000e+00> : vector<512x57xf32>
    %dot_general3A_39 = tpu.matmul %convert_element_type3A_36, %convert_element_type3A_37, %dot_general3A_38 {dimension_numbers = #tpu.dot_dimension_numbers<[1], [0], [0], [1], [0, 0, 1, 1], [], []>, transpose_lhs_hint = false} : vector<512x57xbf16>, vector<57x57xbf16>, vector<512x57xf32> -> vector<512x57xf32>
    %slice3A_40 = vector.extract_strided_slice %get3A_7 {offsets = [3, 0], sizes = [1, 57], strides = [1, 1]} : vector<8x57xf32> to vector<1x57xf32>
    %add3A_41 = vector.broadcast %slice3A_40 : vector<1x57xf32> to vector<512x57xf32>
    %add3A_42 = arith.addf %dot_general3A_39, %add3A_41 : vector<512x57xf32>
    %slice3A_43 = vector.extract_strided_slice %get3A_7 {offsets = [4, 0], sizes = [1, 57], strides = [1, 1]} : vector<8x57xf32> to vector<1x57xf32>
    %gt3A_44 = arith.constant 0.000000e+00 : f32
    %gt3A_45 = vector.broadcast %gt3A_44 : f32 to vector<512x57xf32>
    %gt3A_46 = arith.cmpf ogt, %add3A_42, %gt3A_45 : vector<512x57xf32>
    %min3A_47 = arith.constant 0.000000e+00 : f32
    %min3A_48 = vector.broadcast %min3A_47 : f32 to vector<512x57xf32>
    %min3A_49 = arith.minimumf %add3A_42, %min3A_48 : vector<512x57xf32>
    %exp3A_50 = math.exp %min3A_49 : vector<512x57xf32>
    %sub3A_51 = arith.constant 1.000000e+00 : f32
    %sub3A_52 = vector.broadcast %sub3A_51 : f32 to vector<512x57xf32>
    %sub3A_53 = arith.subf %exp3A_50, %sub3A_52 : vector<512x57xf32>
    %select_n3A_54 = arith.select %gt3A_46, %add3A_42, %sub3A_53 : vector<512x57xi1>, vector<512x57xf32>
    %mul3A_55 = vector.broadcast %slice3A_43 : vector<1x57xf32> to vector<512x57xf32>
    %mul3A_56 = arith.mulf %mul3A_55, %select_n3A_54 : vector<512x57xf32>
    %mul3A_57 = arith.constant 0.999994993 : f32
    %mul3A_58 = vector.broadcast %mul3A_57 : f32 to vector<512x57xf32>
    %mul3A_59 = arith.mulf %mul3A_56, %mul3A_58 : vector<512x57xf32>
    %slice3A_60 = vector.extract_strided_slice %get3A_7 {offsets = [5, 0], sizes = [1, 57], strides = [1, 1]} : vector<8x57xf32> to vector<1x57xf32>
    %add3A_61 = vector.broadcast %slice3A_60 : vector<1x57xf32> to vector<512x57xf32>
    %add3A_62 = arith.addf %mul3A_59, %add3A_61 : vector<512x57xf32>
    %slice3A_63 = vector.extract_strided_slice %sub3A {offsets = [0, 16], sizes = [512, 16], strides = [1, 1]} : vector<512x48xf32> to vector<512x16xf32>
    %convert_element_type3A_64 = arith.truncf %slice3A_63 : vector<512x16xf32> to vector<512x16xbf16>
    %convert_element_type3A_65 = arith.truncf %get3A_13 : vector<16x57xf32> to vector<16x57xbf16>
    %dot_general3A_66 = arith.constant dense<0.000000e+00> : vector<512x57xf32>
    %dot_general3A_67 = tpu.matmul %convert_element_type3A_64, %convert_element_type3A_65, %dot_general3A_66 {dimension_numbers = #tpu.dot_dimension_numbers<[1], [0], [0], [1], [0, 0, 1, 1], [], []>, transpose_lhs_hint = false} : vector<512x16xbf16>, vector<16x57xbf16>, vector<512x57xf32> -> vector<512x57xf32>
    %slice3A_68 = vector.extract_strided_slice %get3A_7 {offsets = [0, 0], sizes = [1, 57], strides = [1, 1]} : vector<8x57xf32> to vector<1x57xf32>
    %add3A_69 = vector.broadcast %slice3A_68 : vector<1x57xf32> to vector<512x57xf32>
    %add3A_70 = arith.addf %dot_general3A_67, %add3A_69 : vector<512x57xf32>
    %slice3A_71 = vector.extract_strided_slice %get3A_7 {offsets = [1, 0], sizes = [1, 57], strides = [1, 1]} : vector<8x57xf32> to vector<1x57xf32>
    %gt3A_72 = arith.constant 0.000000e+00 : f32
    %gt3A_73 = vector.broadcast %gt3A_72 : f32 to vector<512x57xf32>
    %gt3A_74 = arith.cmpf ogt, %add3A_70, %gt3A_73 : vector<512x57xf32>
    %min3A_75 = arith.constant 0.000000e+00 : f32
    %min3A_76 = vector.broadcast %min3A_75 : f32 to vector<512x57xf32>
    %min3A_77 = arith.minimumf %add3A_70, %min3A_76 : vector<512x57xf32>
    %exp3A_78 = math.exp %min3A_77 : vector<512x57xf32>
    %sub3A_79 = arith.constant 1.000000e+00 : f32
    %sub3A_80 = vector.broadcast %sub3A_79 : f32 to vector<512x57xf32>
    %sub3A_81 = arith.subf %exp3A_78, %sub3A_80 : vector<512x57xf32>
    %select_n3A_82 = arith.select %gt3A_74, %add3A_70, %sub3A_81 : vector<512x57xi1>, vector<512x57xf32>
    %mul3A_83 = vector.broadcast %slice3A_71 : vector<1x57xf32> to vector<512x57xf32>
    %mul3A_84 = arith.mulf %mul3A_83, %select_n3A_82 : vector<512x57xf32>
    %mul3A_85 = arith.constant 0.999994993 : f32
    %mul3A_86 = vector.broadcast %mul3A_85 : f32 to vector<512x57xf32>
    %mul3A_87 = arith.mulf %mul3A_84, %mul3A_86 : vector<512x57xf32>
    %slice3A_88 = vector.extract_strided_slice %get3A_7 {offsets = [2, 0], sizes = [1, 57], strides = [1, 1]} : vector<8x57xf32> to vector<1x57xf32>
    %add3A_89 = vector.broadcast %slice3A_88 : vector<1x57xf32> to vector<512x57xf32>
    %add3A_90 = arith.addf %mul3A_87, %add3A_89 : vector<512x57xf32>
    %convert_element_type3A_91 = arith.truncf %add3A_90 : vector<512x57xf32> to vector<512x57xbf16>
    %convert_element_type3A_92 = arith.truncf %get3A_16 : vector<57x57xf32> to vector<57x57xbf16>
    %dot_general3A_93 = arith.constant dense<0.000000e+00> : vector<512x57xf32>
    %dot_general3A_94 = tpu.matmul %convert_element_type3A_91, %convert_element_type3A_92, %dot_general3A_93 {dimension_numbers = #tpu.dot_dimension_numbers<[1], [0], [0], [1], [0, 0, 1, 1], [], []>, transpose_lhs_hint = false} : vector<512x57xbf16>, vector<57x57xbf16>, vector<512x57xf32> -> vector<512x57xf32>
    %slice3A_95 = vector.extract_strided_slice %get3A_7 {offsets = [3, 0], sizes = [1, 57], strides = [1, 1]} : vector<8x57xf32> to vector<1x57xf32>
    %add3A_96 = vector.broadcast %slice3A_95 : vector<1x57xf32> to vector<512x57xf32>
    %add3A_97 = arith.addf %dot_general3A_94, %add3A_96 : vector<512x57xf32>
    %slice3A_98 = vector.extract_strided_slice %get3A_7 {offsets = [4, 0], sizes = [1, 57], strides = [1, 1]} : vector<8x57xf32> to vector<1x57xf32>
    %gt3A_99 = arith.constant 0.000000e+00 : f32
    %gt3A_100 = vector.broadcast %gt3A_99 : f32 to vector<512x57xf32>
    %gt3A_101 = arith.cmpf ogt, %add3A_97, %gt3A_100 : vector<512x57xf32>
    %min3A_102 = arith.constant 0.000000e+00 : f32
    %min3A_103 = vector.broadcast %min3A_102 : f32 to vector<512x57xf32>
    %min3A_104 = arith.minimumf %add3A_97, %min3A_103 : vector<512x57xf32>
    %exp3A_105 = math.exp %min3A_104 : vector<512x57xf32>
    %sub3A_106 = arith.constant 1.000000e+00 : f32
    %sub3A_107 = vector.broadcast %sub3A_106 : f32 to vector<512x57xf32>
    %sub3A_108 = arith.subf %exp3A_105, %sub3A_107 : vector<512x57xf32>
    %select_n3A_109 = arith.select %gt3A_101, %add3A_97, %sub3A_108 : vector<512x57xi1>, vector<512x57xf32>
    %mul3A_110 = vector.broadcast %slice3A_98 : vector<1x57xf32> to vector<512x57xf32>
    %mul3A_111 = arith.mulf %mul3A_110, %select_n3A_109 : vector<512x57xf32>
    %mul3A_112 = arith.constant 0.999994993 : f32
    %mul3A_113 = vector.broadcast %mul3A_112 : f32 to vector<512x57xf32>
    %mul3A_114 = arith.mulf %mul3A_111, %mul3A_113 : vector<512x57xf32>
    %slice3A_115 = vector.extract_strided_slice %get3A_7 {offsets = [5, 0], sizes = [1, 57], strides = [1, 1]} : vector<8x57xf32> to vector<1x57xf32>
    %add3A_116 = vector.broadcast %slice3A_115 : vector<1x57xf32> to vector<512x57xf32>
    %add3A_117 = arith.addf %mul3A_114, %add3A_116 : vector<512x57xf32>
    %slice3A_118 = vector.extract_strided_slice %sub3A {offsets = [0, 32], sizes = [512, 16], strides = [1, 1]} : vector<512x48xf32> to vector<512x16xf32>
    %convert_element_type3A_119 = arith.truncf %slice3A_118 : vector<512x16xf32> to vector<512x16xbf16>
    %convert_element_type3A_120 = arith.truncf %get3A_13 : vector<16x57xf32> to vector<16x57xbf16>
    %dot_general3A_121 = arith.constant dense<0.000000e+00> : vector<512x57xf32>
    %dot_general3A_122 = tpu.matmul %convert_element_type3A_119, %convert_element_type3A_120, %dot_general3A_121 {dimension_numbers = #tpu.dot_dimension_numbers<[1], [0], [0], [1], [0, 0, 1, 1], [], []>, transpose_lhs_hint = false} : vector<512x16xbf16>, vector<16x57xbf16>, vector<512x57xf32> -> vector<512x57xf32>
    %slice3A_123 = vector.extract_strided_slice %get3A_7 {offsets = [0, 0], sizes = [1, 57], strides = [1, 1]} : vector<8x57xf32> to vector<1x57xf32>
    %add3A_124 = vector.broadcast %slice3A_123 : vector<1x57xf32> to vector<512x57xf32>
    %add3A_125 = arith.addf %dot_general3A_122, %add3A_124 : vector<512x57xf32>
    %slice3A_126 = vector.extract_strided_slice %get3A_7 {offsets = [1, 0], sizes = [1, 57], strides = [1, 1]} : vector<8x57xf32> to vector<1x57xf32>
    %gt3A_127 = arith.constant 0.000000e+00 : f32
    %gt3A_128 = vector.broadcast %gt3A_127 : f32 to vector<512x57xf32>
    %gt3A_129 = arith.cmpf ogt, %add3A_125, %gt3A_128 : vector<512x57xf32>
    %min3A_130 = arith.constant 0.000000e+00 : f32
    %min3A_131 = vector.broadcast %min3A_130 : f32 to vector<512x57xf32>
    %min3A_132 = arith.minimumf %add3A_125, %min3A_131 : vector<512x57xf32>
    %exp3A_133 = math.exp %min3A_132 : vector<512x57xf32>
    %sub3A_134 = arith.constant 1.000000e+00 : f32
    %sub3A_135 = vector.broadcast %sub3A_134 : f32 to vector<512x57xf32>
    %sub3A_136 = arith.subf %exp3A_133, %sub3A_135 : vector<512x57xf32>
    %select_n3A_137 = arith.select %gt3A_129, %add3A_125, %sub3A_136 : vector<512x57xi1>, vector<512x57xf32>
    %mul3A_138 = vector.broadcast %slice3A_126 : vector<1x57xf32> to vector<512x57xf32>
    %mul3A_139 = arith.mulf %mul3A_138, %select_n3A_137 : vector<512x57xf32>
    %mul3A_140 = arith.constant 0.999994993 : f32
    %mul3A_141 = vector.broadcast %mul3A_140 : f32 to vector<512x57xf32>
    %mul3A_142 = arith.mulf %mul3A_139, %mul3A_141 : vector<512x57xf32>
    %slice3A_143 = vector.extract_strided_slice %get3A_7 {offsets = [2, 0], sizes = [1, 57], strides = [1, 1]} : vector<8x57xf32> to vector<1x57xf32>
    %add3A_144 = vector.broadcast %slice3A_143 : vector<1x57xf32> to vector<512x57xf32>
    %add3A_145 = arith.addf %mul3A_142, %add3A_144 : vector<512x57xf32>
    %convert_element_type3A_146 = arith.truncf %add3A_145 : vector<512x57xf32> to vector<512x57xbf16>
    %convert_element_type3A_147 = arith.truncf %get3A_16 : vector<57x57xf32> to vector<57x57xbf16>
    %dot_general3A_148 = arith.constant dense<0.000000e+00> : vector<512x57xf32>
    %dot_general3A_149 = tpu.matmul %convert_element_type3A_146, %convert_element_type3A_147, %dot_general3A_148 {dimension_numbers = #tpu.dot_dimension_numbers<[1], [0], [0], [1], [0, 0, 1, 1], [], []>, transpose_lhs_hint = false} : vector<512x57xbf16>, vector<57x57xbf16>, vector<512x57xf32> -> vector<512x57xf32>
    %slice3A_150 = vector.extract_strided_slice %get3A_7 {offsets = [3, 0], sizes = [1, 57], strides = [1, 1]} : vector<8x57xf32> to vector<1x57xf32>
    %add3A_151 = vector.broadcast %slice3A_150 : vector<1x57xf32> to vector<512x57xf32>
    %add3A_152 = arith.addf %dot_general3A_149, %add3A_151 : vector<512x57xf32>
    %slice3A_153 = vector.extract_strided_slice %get3A_7 {offsets = [4, 0], sizes = [1, 57], strides = [1, 1]} : vector<8x57xf32> to vector<1x57xf32>
    %gt3A_154 = arith.constant 0.000000e+00 : f32
    %gt3A_155 = vector.broadcast %gt3A_154 : f32 to vector<512x57xf32>
    %gt3A_156 = arith.cmpf ogt, %add3A_152, %gt3A_155 : vector<512x57xf32>
    %min3A_157 = arith.constant 0.000000e+00 : f32
    %min3A_158 = vector.broadcast %min3A_157 : f32 to vector<512x57xf32>
    %min3A_159 = arith.minimumf %add3A_152, %min3A_158 : vector<512x57xf32>
    %exp3A_160 = math.exp %min3A_159 : vector<512x57xf32>
    %sub3A_161 = arith.constant 1.000000e+00 : f32
    %sub3A_162 = vector.broadcast %sub3A_161 : f32 to vector<512x57xf32>
    %sub3A_163 = arith.subf %exp3A_160, %sub3A_162 : vector<512x57xf32>
    %select_n3A_164 = arith.select %gt3A_156, %add3A_152, %sub3A_163 : vector<512x57xi1>, vector<512x57xf32>
    %mul3A_165 = vector.broadcast %slice3A_153 : vector<1x57xf32> to vector<512x57xf32>
    %mul3A_166 = arith.mulf %mul3A_165, %select_n3A_164 : vector<512x57xf32>
    %mul3A_167 = arith.constant 0.999994993 : f32
    %mul3A_168 = vector.broadcast %mul3A_167 : f32 to vector<512x57xf32>
    %mul3A_169 = arith.mulf %mul3A_166, %mul3A_168 : vector<512x57xf32>
    %slice3A_170 = vector.extract_strided_slice %get3A_7 {offsets = [5, 0], sizes = [1, 57], strides = [1, 1]} : vector<8x57xf32> to vector<1x57xf32>
    %add3A_171 = vector.broadcast %slice3A_170 : vector<1x57xf32> to vector<512x57xf32>
    %add3A_172 = arith.addf %mul3A_169, %add3A_171 : vector<512x57xf32>
    %get3A_173 = arith.constant 0 : index
    %get3A_174 = arith.constant 0 : index
    %get3A_175 = vector.load %arg6[%get3A_173, %get3A_174] : memref<48x9xf32, #tpu.memory_space<vmem>>, vector<48x9xf32>
    %convert_element_type3A_176 = arith.truncf %sub3A : vector<512x48xf32> to vector<512x48xbf16>
    %convert_element_type3A_177 = arith.truncf %get3A_175 : vector<48x9xf32> to vector<48x9xbf16>
    %dot_general3A_178 = arith.constant dense<0.000000e+00> : vector<512x9xf32>
    %dot_general3A_179 = tpu.matmul %convert_element_type3A_176, %convert_element_type3A_177, %dot_general3A_178 {dimension_numbers = #tpu.dot_dimension_numbers<[1], [0], [0], [1], [0, 0, 1, 1], [], []>, transpose_lhs_hint = false} : vector<512x48xbf16>, vector<48x9xbf16>, vector<512x9xf32> -> vector<512x9xf32>
    %slice3A_180 = vector.extract_strided_slice %get3A_10 {offsets = [0, 0], sizes = [1, 9], strides = [1, 1]} : vector<16x9xf32> to vector<1x9xf32>
    %add3A_181 = vector.broadcast %slice3A_180 : vector<1x9xf32> to vector<512x9xf32>
    %add3A_182 = arith.addf %dot_general3A_179, %add3A_181 : vector<512x9xf32>
    %slice3A_183 = vector.extract_strided_slice %get3A_10 {offsets = [1, 0], sizes = [1, 9], strides = [1, 1]} : vector<16x9xf32> to vector<1x9xf32>
    %gt3A_184 = arith.constant 0.000000e+00 : f32
    %gt3A_185 = vector.broadcast %gt3A_184 : f32 to vector<512x9xf32>
    %gt3A_186 = arith.cmpf ogt, %add3A_182, %gt3A_185 : vector<512x9xf32>
    %min3A_187 = arith.constant 0.000000e+00 : f32
    %min3A_188 = vector.broadcast %min3A_187 : f32 to vector<512x9xf32>
    %min3A_189 = arith.minimumf %add3A_182, %min3A_188 : vector<512x9xf32>
    %exp3A_190 = math.exp %min3A_189 : vector<512x9xf32>
    %sub3A_191 = arith.constant 1.000000e+00 : f32
    %sub3A_192 = vector.broadcast %sub3A_191 : f32 to vector<512x9xf32>
    %sub3A_193 = arith.subf %exp3A_190, %sub3A_192 : vector<512x9xf32>
    %select_n3A_194 = arith.select %gt3A_186, %add3A_182, %sub3A_193 : vector<512x9xi1>, vector<512x9xf32>
    %mul3A_195 = vector.broadcast %slice3A_183 : vector<1x9xf32> to vector<512x9xf32>
    %mul3A_196 = arith.mulf %mul3A_195, %select_n3A_194 : vector<512x9xf32>
    %mul3A_197 = arith.constant 0.999994993 : f32
    %mul3A_198 = vector.broadcast %mul3A_197 : f32 to vector<512x9xf32>
    %mul3A_199 = arith.mulf %mul3A_196, %mul3A_198 : vector<512x9xf32>
    %slice3A_200 = vector.extract_strided_slice %get3A_10 {offsets = [2, 0], sizes = [1, 9], strides = [1, 1]} : vector<16x9xf32> to vector<1x9xf32>
    %add3A_201 = vector.broadcast %slice3A_200 : vector<1x9xf32> to vector<512x9xf32>
    %add3A_202 = arith.addf %mul3A_199, %add3A_201 : vector<512x9xf32>
    %get3A_203 = arith.constant 0 : index
    %get3A_204 = arith.constant 0 : index
    %get3A_205 = vector.load %arg7[%get3A_203, %get3A_204] : memref<9x9xf32, #tpu.memory_space<vmem>>, vector<9x9xf32>
    %dot_general3A_206 = arith.constant dense<0.000000e+00> : vector<512x9xf32>
    %dot_general3A_207 = tpu.matmul %add3A_202, %get3A_205, %dot_general3A_206 {dimension_numbers = #tpu.dot_dimension_numbers<[1], [0], [0], [1], [0, 0, 1, 1], [], []>, precision = #tpu.contract_precision<fp32>, transpose_lhs_hint = false} : vector<512x9xf32>, vector<9x9xf32>, vector<512x9xf32> -> vector<512x9xf32>
    %slice3A_208 = vector.extract_strided_slice %get3A_10 {offsets = [3, 0], sizes = [1, 9], strides = [1, 1]} : vector<16x9xf32> to vector<1x9xf32>
    %add3A_209 = vector.broadcast %slice3A_208 : vector<1x9xf32> to vector<512x9xf32>
    %add3A_210 = arith.addf %dot_general3A_207, %add3A_209 : vector<512x9xf32>
    %slice3A_211 = vector.extract_strided_slice %get3A_10 {offsets = [4, 0], sizes = [1, 9], strides = [1, 1]} : vector<16x9xf32> to vector<1x9xf32>
    %gt3A_212 = arith.constant 0.000000e+00 : f32
    %gt3A_213 = vector.broadcast %gt3A_212 : f32 to vector<512x9xf32>
    %gt3A_214 = arith.cmpf ogt, %add3A_210, %gt3A_213 : vector<512x9xf32>
    %min3A_215 = arith.constant 0.000000e+00 : f32
    %min3A_216 = vector.broadcast %min3A_215 : f32 to vector<512x9xf32>
    %min3A_217 = arith.minimumf %add3A_210, %min3A_216 : vector<512x9xf32>
    %exp3A_218 = math.exp %min3A_217 : vector<512x9xf32>
    %sub3A_219 = arith.constant 1.000000e+00 : f32
    %sub3A_220 = vector.broadcast %sub3A_219 : f32 to vector<512x9xf32>
    %sub3A_221 = arith.subf %exp3A_218, %sub3A_220 : vector<512x9xf32>
    %select_n3A_222 = arith.select %gt3A_214, %add3A_210, %sub3A_221 : vector<512x9xi1>, vector<512x9xf32>
    %mul3A_223 = vector.broadcast %slice3A_211 : vector<1x9xf32> to vector<512x9xf32>
    %mul3A_224 = arith.mulf %mul3A_223, %select_n3A_222 : vector<512x9xf32>
    %mul3A_225 = arith.constant 0.999994993 : f32
    %mul3A_226 = vector.broadcast %mul3A_225 : f32 to vector<512x9xf32>
    %mul3A_227 = arith.mulf %mul3A_224, %mul3A_226 : vector<512x9xf32>
    %slice3A_228 = vector.extract_strided_slice %get3A_10 {offsets = [5, 0], sizes = [1, 9], strides = [1, 1]} : vector<16x9xf32> to vector<1x9xf32>
    %add3A_229 = vector.broadcast %slice3A_228 : vector<1x9xf32> to vector<512x9xf32>
    %add3A_230 = arith.addf %mul3A_227, %add3A_229 : vector<512x9xf32>
    %get3A_231 = arith.constant 0 : index
    %get3A_232 = arith.constant 0 : index
    %get3A_233 = vector.load %arg8[%get3A_231, %get3A_232] : memref<9x9xf32, #tpu.memory_space<vmem>>, vector<9x9xf32>
    %dot_general3A_234 = arith.constant dense<0.000000e+00> : vector<512x9xf32>
    %dot_general3A_235 = tpu.matmul %add3A_230, %get3A_233, %dot_general3A_234 {dimension_numbers = #tpu.dot_dimension_numbers<[1], [0], [0], [1], [0, 0, 1, 1], [], []>, precision = #tpu.contract_precision<fp32>, transpose_lhs_hint = false} : vector<512x9xf32>, vector<9x9xf32>, vector<512x9xf32> -> vector<512x9xf32>
    %slice3A_236 = vector.extract_strided_slice %get3A_10 {offsets = [6, 0], sizes = [1, 9], strides = [1, 1]} : vector<16x9xf32> to vector<1x9xf32>
    %add3A_237 = vector.broadcast %slice3A_236 : vector<1x9xf32> to vector<512x9xf32>
    %add3A_238 = arith.addf %dot_general3A_235, %add3A_237 : vector<512x9xf32>
    %slice3A_239 = vector.extract_strided_slice %get3A_10 {offsets = [7, 0], sizes = [1, 9], strides = [1, 1]} : vector<16x9xf32> to vector<1x9xf32>
    %mul3A_240 = vector.broadcast %slice3A_239 : vector<1x9xf32> to vector<512x9xf32>
    %mul3A_241 = arith.mulf %mul3A_240, %add3A_238 : vector<512x9xf32>
    %mul3A_242 = arith.constant 0.999994993 : f32
    %mul3A_243 = vector.broadcast %mul3A_242 : f32 to vector<512x9xf32>
    %mul3A_244 = arith.mulf %mul3A_241, %mul3A_243 : vector<512x9xf32>
    %slice3A_245 = vector.extract_strided_slice %get3A_10 {offsets = [8, 0], sizes = [1, 9], strides = [1, 1]} : vector<16x9xf32> to vector<1x9xf32>
    %add3A_246 = vector.broadcast %slice3A_245 : vector<1x9xf32> to vector<512x9xf32>
    %add3A_247 = arith.addf %mul3A_244, %add3A_246 : vector<512x9xf32>
    %get3A_248 = arith.constant 0 : index
    %get3A_249 = arith.constant 0 : index
    %get3A_250 = vector.load %arg3[%get3A_248, %get3A_249] : memref<512x720xf32, #tpu.memory_space<vmem>>, vector<512x720xf32>
    %slice3A_251 = vector.extract_strided_slice %get3A_250 {offsets = [0, 0], sizes = [512, 228], strides = [1, 1]} : vector<512x720xf32> to vector<512x228xf32>
    %concatenate3A_252 = tpu.concatenate %add3A_62, %slice3A_251 in 1 : vector<512x57xf32>, vector<512x228xf32> -> vector<512x285xf32>
    %slice3A_253 = vector.extract_strided_slice %get3A_250 {offsets = [0, 240], sizes = [512, 228], strides = [1, 1]} : vector<512x720xf32> to vector<512x228xf32>
    %concatenate3A_254 = tpu.concatenate %add3A_117, %slice3A_253 in 1 : vector<512x57xf32>, vector<512x228xf32> -> vector<512x285xf32>
    %slice3A_255 = vector.extract_strided_slice %get3A_250 {offsets = [0, 480], sizes = [512, 228], strides = [1, 1]} : vector<512x720xf32> to vector<512x228xf32>
    %concatenate3A_256 = tpu.concatenate %add3A_172, %slice3A_255 in 1 : vector<512x57xf32>, vector<512x228xf32> -> vector<512x285xf32>
    %slice3A_257 = vector.extract_strided_slice %add3A_247 {offsets = [0, 0], sizes = [512, 1], strides = [1, 1]} : vector<512x9xf32> to vector<512x1xf32>
    %mul3A_258 = vector.broadcast %slice3A_257 : vector<512x1xf32> to vector<512x285xf32>
    %mul3A_259 = arith.mulf %concatenate3A_252, %mul3A_258 : vector<512x285xf32>
    %slice3A_260 = vector.extract_strided_slice %add3A_247 {offsets = [0, 3], sizes = [512, 1], strides = [1, 1]} : vector<512x9xf32> to vector<512x1xf32>
    %mul3A_261 = vector.broadcast %slice3A_260 : vector<512x1xf32> to vector<512x285xf32>
    %mul3A_262 = arith.mulf %concatenate3A_254, %mul3A_261 : vector<512x285xf32>
    %add3A_263 = arith.addf %mul3A_259, %mul3A_262 : vector<512x285xf32>
    %slice3A_264 = vector.extract_strided_slice %add3A_247 {offsets = [0, 6], sizes = [512, 1], strides = [1, 1]} : vector<512x9xf32> to vector<512x1xf32>
    %mul3A_265 = vector.broadcast %slice3A_264 : vector<512x1xf32> to vector<512x285xf32>
    %mul3A_266 = arith.mulf %concatenate3A_256, %mul3A_265 : vector<512x285xf32>
    %add3A_267 = arith.addf %add3A_263, %mul3A_266 : vector<512x285xf32>
    %slice3A_268 = vector.extract_strided_slice %add3A_247 {offsets = [0, 1], sizes = [512, 1], strides = [1, 1]} : vector<512x9xf32> to vector<512x1xf32>
    %mul3A_269 = vector.broadcast %slice3A_268 : vector<512x1xf32> to vector<512x285xf32>
    %mul3A_270 = arith.mulf %concatenate3A_252, %mul3A_269 : vector<512x285xf32>
    %slice3A_271 = vector.extract_strided_slice %add3A_247 {offsets = [0, 4], sizes = [512, 1], strides = [1, 1]} : vector<512x9xf32> to vector<512x1xf32>
    %mul3A_272 = vector.broadcast %slice3A_271 : vector<512x1xf32> to vector<512x285xf32>
    %mul3A_273 = arith.mulf %concatenate3A_254, %mul3A_272 : vector<512x285xf32>
    %add3A_274 = arith.addf %mul3A_270, %mul3A_273 : vector<512x285xf32>
    %slice3A_275 = vector.extract_strided_slice %add3A_247 {offsets = [0, 7], sizes = [512, 1], strides = [1, 1]} : vector<512x9xf32> to vector<512x1xf32>
    %mul3A_276 = vector.broadcast %slice3A_275 : vector<512x1xf32> to vector<512x285xf32>
    %mul3A_277 = arith.mulf %concatenate3A_256, %mul3A_276 : vector<512x285xf32>
    %add3A_278 = arith.addf %add3A_274, %mul3A_277 : vector<512x285xf32>
    %slice3A_279 = vector.extract_strided_slice %add3A_247 {offsets = [0, 2], sizes = [512, 1], strides = [1, 1]} : vector<512x9xf32> to vector<512x1xf32>
    %mul3A_280 = vector.broadcast %slice3A_279 : vector<512x1xf32> to vector<512x285xf32>
    %mul3A_281 = arith.mulf %concatenate3A_252, %mul3A_280 : vector<512x285xf32>
    %slice3A_282 = vector.extract_strided_slice %add3A_247 {offsets = [0, 5], sizes = [512, 1], strides = [1, 1]} : vector<512x9xf32> to vector<512x1xf32>
    %mul3A_283 = vector.broadcast %slice3A_282 : vector<512x1xf32> to vector<512x285xf32>
    %mul3A_284 = arith.mulf %concatenate3A_254, %mul3A_283 : vector<512x285xf32>
    %add3A_285 = arith.addf %mul3A_281, %mul3A_284 : vector<512x285xf32>
    %slice3A_286 = vector.extract_strided_slice %add3A_247 {offsets = [0, 8], sizes = [512, 1], strides = [1, 1]} : vector<512x9xf32> to vector<512x1xf32>
    %mul3A_287 = vector.broadcast %slice3A_286 : vector<512x1xf32> to vector<512x285xf32>
    %mul3A_288 = arith.mulf %concatenate3A_256, %mul3A_287 : vector<512x285xf32>
    %add3A_289 = arith.addf %add3A_285, %mul3A_288 : vector<512x285xf32>
    %get3A_290 = arith.constant 0 : index
    %get3A_291 = arith.constant 0 : index
    %get3A_292 = vector.load %arg11[%get3A_290, %get3A_291] : memref<8x285xf32, #tpu.memory_space<vmem>>, vector<8x285xf32>
    %get3A_293 = arith.constant 0 : index
    %get3A_294 = arith.constant 0 : index
    %get3A_295 = vector.load %arg13[%get3A_293, %get3A_294] : memref<8x304xf32, #tpu.memory_space<vmem>>, vector<8x304xf32>
    %slice3A_296 = vector.extract_strided_slice %get3A_292 {offsets = [0, 0], sizes = [1, 285], strides = [1, 1]} : vector<8x285xf32> to vector<1x285xf32>
    %mul3A_297 = vector.broadcast %slice3A_296 : vector<1x285xf32> to vector<512x285xf32>
    %mul3A_298 = arith.mulf %add3A_267, %mul3A_297 : vector<512x285xf32>
    %slice3A_299 = vector.extract_strided_slice %get3A_292 {offsets = [1, 0], sizes = [1, 285], strides = [1, 1]} : vector<8x285xf32> to vector<1x285xf32>
    %mul3A_300 = vector.broadcast %slice3A_299 : vector<1x285xf32> to vector<512x285xf32>
    %mul3A_301 = arith.mulf %add3A_278, %mul3A_300 : vector<512x285xf32>
    %add3A_302 = arith.addf %mul3A_298, %mul3A_301 : vector<512x285xf32>
    %slice3A_303 = vector.extract_strided_slice %get3A_292 {offsets = [2, 0], sizes = [1, 285], strides = [1, 1]} : vector<8x285xf32> to vector<1x285xf32>
    %mul3A_304 = vector.broadcast %slice3A_303 : vector<1x285xf32> to vector<512x285xf32>
    %mul3A_305 = arith.mulf %add3A_289, %mul3A_304 : vector<512x285xf32>
    %add3A_306 = arith.addf %add3A_302, %mul3A_305 : vector<512x285xf32>
    %slice3A_307 = vector.extract_strided_slice %get3A_292 {offsets = [6, 0], sizes = [1, 285], strides = [1, 1]} : vector<8x285xf32> to vector<1x285xf32>
    %add3A_308 = vector.broadcast %slice3A_307 : vector<1x285xf32> to vector<512x285xf32>
    %add3A_309 = arith.addf %add3A_306, %add3A_308 : vector<512x285xf32>
    %get3A_310 = arith.constant 0 : index
    %get3A_311 = arith.constant 0 : index
    %get3A_312 = vector.load %arg12[%get3A_310, %get3A_311] : memref<570x304xf32, #tpu.memory_space<vmem>>, vector<285x304xf32>
    %convert_element_type3A_313 = arith.truncf %add3A_309 : vector<512x285xf32> to vector<512x285xbf16>
    %convert_element_type3A_314 = arith.truncf %get3A_312 : vector<285x304xf32> to vector<285x304xbf16>
    %dot_general3A_315 = arith.constant dense<0.000000e+00> : vector<512x304xf32>
    %dot_general3A_316 = tpu.matmul %convert_element_type3A_313, %convert_element_type3A_314, %dot_general3A_315 {dimension_numbers = #tpu.dot_dimension_numbers<[1], [0], [0], [1], [0, 0, 1, 1], [], []>, transpose_lhs_hint = false} : vector<512x285xbf16>, vector<285x304xbf16>, vector<512x304xf32> -> vector<512x304xf32>
    %slice3A_317 = vector.extract_strided_slice %get3A_292 {offsets = [3, 0], sizes = [1, 285], strides = [1, 1]} : vector<8x285xf32> to vector<1x285xf32>
    %mul3A_318 = vector.broadcast %slice3A_317 : vector<1x285xf32> to vector<512x285xf32>
    %mul3A_319 = arith.mulf %add3A_267, %mul3A_318 : vector<512x285xf32>
    %slice3A_320 = vector.extract_strided_slice %get3A_292 {offsets = [4, 0], sizes = [1, 285], strides = [1, 1]} : vector<8x285xf32> to vector<1x285xf32>
    %mul3A_321 = vector.broadcast %slice3A_320 : vector<1x285xf32> to vector<512x285xf32>
    %mul3A_322 = arith.mulf %add3A_278, %mul3A_321 : vector<512x285xf32>
    %add3A_323 = arith.addf %mul3A_319, %mul3A_322 : vector<512x285xf32>
    %slice3A_324 = vector.extract_strided_slice %get3A_292 {offsets = [5, 0], sizes = [1, 285], strides = [1, 1]} : vector<8x285xf32> to vector<1x285xf32>
    %mul3A_325 = vector.broadcast %slice3A_324 : vector<1x285xf32> to vector<512x285xf32>
    %mul3A_326 = arith.mulf %add3A_289, %mul3A_325 : vector<512x285xf32>
    %add3A_327 = arith.addf %add3A_323, %mul3A_326 : vector<512x285xf32>
    %slice3A_328 = vector.extract_strided_slice %get3A_292 {offsets = [7, 0], sizes = [1, 285], strides = [1, 1]} : vector<8x285xf32> to vector<1x285xf32>
    %add3A_329 = vector.broadcast %slice3A_328 : vector<1x285xf32> to vector<512x285xf32>
    %add3A_330 = arith.addf %add3A_327, %add3A_329 : vector<512x285xf32>
    %get3A_331 = arith.constant 285 : index
    %get3A_332 = arith.constant 0 : index
    %get3A_333 = vector.load %arg12[%get3A_331, %get3A_332] : memref<570x304xf32, #tpu.memory_space<vmem>>, vector<285x304xf32>
    %convert_element_type3A_334 = arith.truncf %add3A_330 : vector<512x285xf32> to vector<512x285xbf16>
    %convert_element_type3A_335 = arith.truncf %get3A_333 : vector<285x304xf32> to vector<285x304xbf16>
    %dot_general3A_336 = arith.constant dense<0.000000e+00> : vector<512x304xf32>
    %dot_general3A_337 = tpu.matmul %convert_element_type3A_334, %convert_element_type3A_335, %dot_general3A_336 {dimension_numbers = #tpu.dot_dimension_numbers<[1], [0], [0], [1], [0, 0, 1, 1], [], []>, transpose_lhs_hint = false} : vector<512x285xbf16>, vector<285x304xbf16>, vector<512x304xf32> -> vector<512x304xf32>
    %add3A_338 = arith.addf %dot_general3A_316, %dot_general3A_337 : vector<512x304xf32>
    %slice3A_339 = vector.extract_strided_slice %get3A_295 {offsets = [0, 0], sizes = [1, 304], strides = [1, 1]} : vector<8x304xf32> to vector<1x304xf32>
    %add3A_340 = vector.broadcast %slice3A_339 : vector<1x304xf32> to vector<512x304xf32>
    %add3A_341 = arith.addf %add3A_338, %add3A_340 : vector<512x304xf32>
    %slice3A_342 = vector.extract_strided_slice %get3A_295 {offsets = [1, 0], sizes = [1, 304], strides = [1, 1]} : vector<8x304xf32> to vector<1x304xf32>
    %mul3A_343 = vector.broadcast %slice3A_342 : vector<1x304xf32> to vector<512x304xf32>
    %mul3A_344 = arith.mulf %mul3A_343, %add3A_341 : vector<512x304xf32>
    %mul3A_345 = arith.constant 0.999994993 : f32
    %mul3A_346 = vector.broadcast %mul3A_345 : f32 to vector<512x304xf32>
    %mul3A_347 = arith.mulf %mul3A_344, %mul3A_346 : vector<512x304xf32>
    %slice3A_348 = vector.extract_strided_slice %get3A_295 {offsets = [2, 0], sizes = [1, 304], strides = [1, 1]} : vector<8x304xf32> to vector<1x304xf32>
    %add3A_349 = vector.broadcast %slice3A_348 : vector<1x304xf32> to vector<512x304xf32>
    %add3A_350 = arith.addf %mul3A_347, %add3A_349 : vector<512x304xf32>
    %max3A = arith.constant 0.000000e+00 : f32
    %max3A_351 = vector.broadcast %max3A : f32 to vector<512x304xf32>
    %max3A_352 = arith.maximumf %add3A_350, %max3A_351 : vector<512x304xf32>
    %swap3A = arith.constant 0 : index
    %swap3A_353 = arith.constant 0 : index
    %swap3A_354 = vector.load %arg14[%swap3A, %swap3A_353] : memref<512x304xf32, #tpu.memory_space<vmem>>, vector<512x304xf32>
    tpu.vector_store %arg14[%swap3A, %swap3A_353], %max3A_352 {strides = array<i32>} : memref<512x304xf32, #tpu.memory_space<vmem>>, vector<512x304xf32>,
    return
  }
  func.func @transform_0(%arg0: i32) -> (i32, i32) {
    %c0_i32 = arith.constant 0 : i32
    %c0_i32_0 = arith.constant 0 : i32
    return %arg0, %c0_i32 : i32, i32
  }
  func.func @transform_1(%arg0: i32) -> (i32, i32) {
    %c0_i32 = arith.constant 0 : i32
    %c0_i32_0 = arith.constant 0 : i32
    return %arg0, %c0_i32 : i32, i32
  }
  func.func @transform_2(%arg0: i32) -> (i32, i32) {
    %c0_i32 = arith.constant 0 : i32
    %c0_i32_0 = arith.constant 0 : i32
    return %arg0, %c0_i32 : i32, i32
  }
  func.func @transform_3(%arg0: i32) -> (i32, i32) {
    %c0_i32 = arith.constant 0 : i32
    %c0_i32_0 = arith.constant 0 : i32
    %c0_i32_1 = arith.constant 0 : i32
    return %c0_i32, %c0_i32_0 : i32, i32
  }
  func.func @transform_4(%arg0: i32) -> (i32, i32) {
    %c0_i32 = arith.constant 0 : i32
    %c0_i32_0 = arith.constant 0 : i32
    %c0_i32_1 = arith.constant 0 : i32
    return %c0_i32, %c0_i32_0 : i32, i32
  }
  func.func @transform_5(%arg0: i32) -> (i32, i32) {
    %c0_i32 = arith.constant 0 : i32
    %c0_i32_0 = arith.constant 0 : i32
    %c0_i32_1 = arith.constant 0 : i32
    return %c0_i32, %c0_i32_0 : i32, i32
  }
  func.func @transform_6(%arg0: i32) -> (i32, i32) {
    %c0_i32 = arith.constant 0 : i32
    %c0_i32_0 = arith.constant 0 : i32
    %c0_i32_1 = arith.constant 0 : i32
    return %c0_i32, %c0_i32_0 : i32, i32
  }
  func.func @transform_7(%arg0: i32) -> (i32, i32) {
    %c0_i32 = arith.constant 0 : i32
    %c0_i32_0 = arith.constant 0 : i32
    %c0_i32_1 = arith.constant 0 : i32
    return %c0_i32, %c0_i32_0 : i32, i32
  }
  func.func @transform_8(%arg0: i32) -> (i32, i32) {
    %c0_i32 = arith.constant 0 : i32
    %c0_i32_0 = arith.constant 0 : i32
    %c0_i32_1 = arith.constant 0 : i32
    return %c0_i32, %c0_i32_0 : i32, i32
  }
  func.func @transform_9(%arg0: i32) -> (i32, i32) {
    %c0_i32 = arith.constant 0 : i32
    %c0_i32_0 = arith.constant 0 : i32
    %c0_i32_1 = arith.constant 0 : i32
    return %c0_i32, %c0_i32_0 : i32, i32
  }
  func.func @transform_10(%arg0: i32) -> (i32, i32) {
    %c0_i32 = arith.constant 0 : i32
    %c0_i32_0 = arith.constant 0 : i32
    %c0_i32_1 = arith.constant 0 : i32
    return %c0_i32, %c0_i32_0 : i32, i32
  }
  func.func @transform_11(%arg0: i32) -> (i32, i32) {
    %c0_i32 = arith.constant 0 : i32
    %c0_i32_0 = arith.constant 0 : i32
    %c0_i32_1 = arith.constant 0 : i32
    return %c0_i32, %c0_i32_0 : i32, i32
  }
  func.func @transform_12(%arg0: i32) -> (i32, i32) {
    %c0_i32 = arith.constant 0 : i32
    %c0_i32_0 = arith.constant 0 : i32
    %c0_i32_1 = arith.constant 0 : i32
    return %c0_i32, %c0_i32_0 : i32, i32
  }
  func.func @transform_13(%arg0: i32) -> (i32, i32) {
    %c0_i32 = arith.constant 0 : i32
    %c0_i32_0 = arith.constant 0 : i32
    return %arg0, %c0_i32 : i32, i32
  }
}

module attributes {stable_mosaic.version = 14 : i64} {
  func.func @body(%arg0: i32, %arg1: memref<512x16xf32, #tpu.memory_space<vmem>>, %arg2: memref<512x48xf32, #tpu.memory_space<vmem>>, %arg3: memref<512x912xf32, #tpu.memory_space<vmem>>, %arg4: memref<16x75xf32, #tpu.memory_space<vmem>>, %arg5: memref<75x75xf32, #tpu.memory_space<vmem>>, %arg6: memref<48x9xf32, #tpu.memory_space<vmem>>, %arg7: memref<9x9xf32, #tpu.memory_space<vmem>>, %arg8: memref<9x9xf32, #tpu.memory_space<vmem>>, %arg9: memref<8x75xf32, #tpu.memory_space<vmem>>, %arg10: memref<16x9xf32, #tpu.memory_space<vmem>>, %arg11: memref<8x375xf32, #tpu.memory_space<vmem>>, %arg12: memref<375x304xf32, #tpu.memory_space<vmem>>, %arg13: memref<8x304xf32, #tpu.memory_space<vmem>>, %arg14: memref<512x304xf32, #tpu.memory_space<vmem>>) attributes {dimension_semantics = [#tpu.dimension_semantics<arbitrary>], iteration_bounds = array<i64: 20>, scalar_prefetch = 0 : i64, scratch_operands = 0 : i64, tpu.core_type = #tpu.core_type<tc>, window_params = [{transform_indices = @transform_0, window_bounds = array<i64: 512, 16>}, {transform_indices = @transform_1, window_bounds = array<i64: 512, 48>}, {transform_indices = @transform_2, window_bounds = array<i64: 512, 912>}, {pipeline_mode = #tpu.pipeline_mode<synchronous>, transform_indices = @transform_3, window_bounds = array<i64: 16, 75>}, {pipeline_mode = #tpu.pipeline_mode<synchronous>, transform_indices = @transform_4, window_bounds = array<i64: 75, 75>}, {pipeline_mode = #tpu.pipeline_mode<synchronous>, transform_indices = @transform_5, window_bounds = array<i64: 48, 9>}, {pipeline_mode = #tpu.pipeline_mode<synchronous>, transform_indices = @transform_6, window_bounds = array<i64: 9, 9>}, {pipeline_mode = #tpu.pipeline_mode<synchronous>, transform_indices = @transform_7, window_bounds = array<i64: 9, 9>}, {pipeline_mode = #tpu.pipeline_mode<synchronous>, transform_indices = @transform_8, window_bounds = array<i64: 8, 75>}, {pipeline_mode = #tpu.pipeline_mode<synchronous>, transform_indices = @transform_9, window_bounds = array<i64: 16, 9>}, {pipeline_mode = #tpu.pipeline_mode<synchronous>, transform_indices = @transform_10, window_bounds = array<i64: 8, 375>}, {pipeline_mode = #tpu.pipeline_mode<synchronous>, transform_indices = @transform_11, window_bounds = array<i64: 375, 304>}, {pipeline_mode = #tpu.pipeline_mode<synchronous>, transform_indices = @transform_12, window_bounds = array<i64: 8, 304>}, {transform_indices = @transform_13, window_bounds = array<i64: 512, 304>}]} {
    %get3A = arith.constant 0 : index
    %get3A_0 = arith.constant 0 : index
    %get3A_1 = vector.load %arg1[%get3A, %get3A_0] : memref<512x16xf32, #tpu.memory_space<vmem>>, vector<512x16xf32>
    %get3A_2 = arith.constant 0 : index
    %get3A_3 = arith.constant 0 : index
    %get3A_4 = vector.load %arg2[%get3A_2, %get3A_3] : memref<512x48xf32, #tpu.memory_space<vmem>>, vector<512x48xf32>
    %concatenate3A = tpu.concatenate %get3A_1, %get3A_1, %get3A_1 in 1 : vector<512x16xf32>, vector<512x16xf32>, vector<512x16xf32> -> vector<512x48xf32>
    %sub3A = arith.subf %get3A_4, %concatenate3A : vector<512x48xf32>
    %get3A_5 = arith.constant 0 : index
    %get3A_6 = arith.constant 0 : index
    %get3A_7 = vector.load %arg9[%get3A_5, %get3A_6] : memref<8x75xf32, #tpu.memory_space<vmem>>, vector<8x75xf32>
    %get3A_8 = arith.constant 0 : index
    %get3A_9 = arith.constant 0 : index
    %get3A_10 = vector.load %arg10[%get3A_8, %get3A_9] : memref<16x9xf32, #tpu.memory_space<vmem>>, vector<16x9xf32>
    %get3A_11 = arith.constant 0 : index
    %get3A_12 = arith.constant 0 : index
    %get3A_13 = vector.load %arg4[%get3A_11, %get3A_12] : memref<16x75xf32, #tpu.memory_space<vmem>>, vector<16x75xf32>
    %get3A_14 = arith.constant 0 : index
    %get3A_15 = arith.constant 0 : index
    %get3A_16 = vector.load %arg5[%get3A_14, %get3A_15] : memref<75x75xf32, #tpu.memory_space<vmem>>, vector<75x75xf32>
    %slice3A = vector.extract_strided_slice %sub3A {offsets = [0, 0], sizes = [512, 16], strides = [1, 1]} : vector<512x48xf32> to vector<512x16xf32>
    %convert_element_type3A = arith.truncf %slice3A : vector<512x16xf32> to vector<512x16xbf16>
    %convert_element_type3A_17 = arith.truncf %get3A_13 : vector<16x75xf32> to vector<16x75xbf16>
    %dot_general3A = arith.constant dense<0.000000e+00> : vector<512x75xf32>
    %dot_general3A_18 = tpu.matmul %convert_element_type3A, %convert_element_type3A_17, %dot_general3A {dimension_numbers = #tpu.dot_dimension_numbers<[1], [0], [0], [1], [0, 0, 1, 1], [], []>, transpose_lhs_hint = false} : vector<512x16xbf16>, vector<16x75xbf16>, vector<512x75xf32> -> vector<512x75xf32>
    %slice3A_19 = vector.extract_strided_slice %get3A_7 {offsets = [0, 0], sizes = [1, 75], strides = [1, 1]} : vector<8x75xf32> to vector<1x75xf32>
    %add3A = vector.broadcast %slice3A_19 : vector<1x75xf32> to vector<512x75xf32>
    %add3A_20 = arith.addf %dot_general3A_18, %add3A : vector<512x75xf32>
    %slice3A_21 = vector.extract_strided_slice %get3A_7 {offsets = [1, 0], sizes = [1, 75], strides = [1, 1]} : vector<8x75xf32> to vector<1x75xf32>
    %gt3A = arith.constant 0.000000e+00 : f32
    %gt3A_22 = vector.broadcast %gt3A : f32 to vector<512x75xf32>
    %gt3A_23 = arith.cmpf ogt, %add3A_20, %gt3A_22 : vector<512x75xf32>
    %min3A = arith.constant 0.000000e+00 : f32
    %min3A_24 = vector.broadcast %min3A : f32 to vector<512x75xf32>
    %min3A_25 = arith.minimumf %add3A_20, %min3A_24 : vector<512x75xf32>
    %exp3A = math.exp %min3A_25 : vector<512x75xf32>
    %sub3A_26 = arith.constant 1.000000e+00 : f32
    %sub3A_27 = vector.broadcast %sub3A_26 : f32 to vector<512x75xf32>
    %sub3A_28 = arith.subf %exp3A, %sub3A_27 : vector<512x75xf32>
    %select_n3A = arith.select %gt3A_23, %add3A_20, %sub3A_28 : vector<512x75xi1>, vector<512x75xf32>
    %mul3A = vector.broadcast %slice3A_21 : vector<1x75xf32> to vector<512x75xf32>
    %mul3A_29 = arith.mulf %mul3A, %select_n3A : vector<512x75xf32>
    %mul3A_30 = arith.constant 0.999994993 : f32
    %mul3A_31 = vector.broadcast %mul3A_30 : f32 to vector<512x75xf32>
    %mul3A_32 = arith.mulf %mul3A_29, %mul3A_31 : vector<512x75xf32>
    %slice3A_33 = vector.extract_strided_slice %get3A_7 {offsets = [2, 0], sizes = [1, 75], strides = [1, 1]} : vector<8x75xf32> to vector<1x75xf32>
    %add3A_34 = vector.broadcast %slice3A_33 : vector<1x75xf32> to vector<512x75xf32>
    %add3A_35 = arith.addf %mul3A_32, %add3A_34 : vector<512x75xf32>
    %convert_element_type3A_36 = arith.truncf %add3A_35 : vector<512x75xf32> to vector<512x75xbf16>
    %convert_element_type3A_37 = arith.truncf %get3A_16 : vector<75x75xf32> to vector<75x75xbf16>
    %dot_general3A_38 = arith.constant dense<0.000000e+00> : vector<512x75xf32>
    %dot_general3A_39 = tpu.matmul %convert_element_type3A_36, %convert_element_type3A_37, %dot_general3A_38 {dimension_numbers = #tpu.dot_dimension_numbers<[1], [0], [0], [1], [0, 0, 1, 1], [], []>, transpose_lhs_hint = false} : vector<512x75xbf16>, vector<75x75xbf16>, vector<512x75xf32> -> vector<512x75xf32>
    %slice3A_40 = vector.extract_strided_slice %get3A_7 {offsets = [3, 0], sizes = [1, 75], strides = [1, 1]} : vector<8x75xf32> to vector<1x75xf32>
    %add3A_41 = vector.broadcast %slice3A_40 : vector<1x75xf32> to vector<512x75xf32>
    %add3A_42 = arith.addf %dot_general3A_39, %add3A_41 : vector<512x75xf32>
    %slice3A_43 = vector.extract_strided_slice %get3A_7 {offsets = [4, 0], sizes = [1, 75], strides = [1, 1]} : vector<8x75xf32> to vector<1x75xf32>
    %gt3A_44 = arith.constant 0.000000e+00 : f32
    %gt3A_45 = vector.broadcast %gt3A_44 : f32 to vector<512x75xf32>
    %gt3A_46 = arith.cmpf ogt, %add3A_42, %gt3A_45 : vector<512x75xf32>
    %min3A_47 = arith.constant 0.000000e+00 : f32
    %min3A_48 = vector.broadcast %min3A_47 : f32 to vector<512x75xf32>
    %min3A_49 = arith.minimumf %add3A_42, %min3A_48 : vector<512x75xf32>
    %exp3A_50 = math.exp %min3A_49 : vector<512x75xf32>
    %sub3A_51 = arith.constant 1.000000e+00 : f32
    %sub3A_52 = vector.broadcast %sub3A_51 : f32 to vector<512x75xf32>
    %sub3A_53 = arith.subf %exp3A_50, %sub3A_52 : vector<512x75xf32>
    %select_n3A_54 = arith.select %gt3A_46, %add3A_42, %sub3A_53 : vector<512x75xi1>, vector<512x75xf32>
    %mul3A_55 = vector.broadcast %slice3A_43 : vector<1x75xf32> to vector<512x75xf32>
    %mul3A_56 = arith.mulf %mul3A_55, %select_n3A_54 : vector<512x75xf32>
    %mul3A_57 = arith.constant 0.999994993 : f32
    %mul3A_58 = vector.broadcast %mul3A_57 : f32 to vector<512x75xf32>
    %mul3A_59 = arith.mulf %mul3A_56, %mul3A_58 : vector<512x75xf32>
    %slice3A_60 = vector.extract_strided_slice %get3A_7 {offsets = [5, 0], sizes = [1, 75], strides = [1, 1]} : vector<8x75xf32> to vector<1x75xf32>
    %add3A_61 = vector.broadcast %slice3A_60 : vector<1x75xf32> to vector<512x75xf32>
    %add3A_62 = arith.addf %mul3A_59, %add3A_61 : vector<512x75xf32>
    %slice3A_63 = vector.extract_strided_slice %sub3A {offsets = [0, 16], sizes = [512, 16], strides = [1, 1]} : vector<512x48xf32> to vector<512x16xf32>
    %convert_element_type3A_64 = arith.truncf %slice3A_63 : vector<512x16xf32> to vector<512x16xbf16>
    %convert_element_type3A_65 = arith.truncf %get3A_13 : vector<16x75xf32> to vector<16x75xbf16>
    %dot_general3A_66 = arith.constant dense<0.000000e+00> : vector<512x75xf32>
    %dot_general3A_67 = tpu.matmul %convert_element_type3A_64, %convert_element_type3A_65, %dot_general3A_66 {dimension_numbers = #tpu.dot_dimension_numbers<[1], [0], [0], [1], [0, 0, 1, 1], [], []>, transpose_lhs_hint = false} : vector<512x16xbf16>, vector<16x75xbf16>, vector<512x75xf32> -> vector<512x75xf32>
    %slice3A_68 = vector.extract_strided_slice %get3A_7 {offsets = [0, 0], sizes = [1, 75], strides = [1, 1]} : vector<8x75xf32> to vector<1x75xf32>
    %add3A_69 = vector.broadcast %slice3A_68 : vector<1x75xf32> to vector<512x75xf32>
    %add3A_70 = arith.addf %dot_general3A_67, %add3A_69 : vector<512x75xf32>
    %slice3A_71 = vector.extract_strided_slice %get3A_7 {offsets = [1, 0], sizes = [1, 75], strides = [1, 1]} : vector<8x75xf32> to vector<1x75xf32>
    %gt3A_72 = arith.constant 0.000000e+00 : f32
    %gt3A_73 = vector.broadcast %gt3A_72 : f32 to vector<512x75xf32>
    %gt3A_74 = arith.cmpf ogt, %add3A_70, %gt3A_73 : vector<512x75xf32>
    %min3A_75 = arith.constant 0.000000e+00 : f32
    %min3A_76 = vector.broadcast %min3A_75 : f32 to vector<512x75xf32>
    %min3A_77 = arith.minimumf %add3A_70, %min3A_76 : vector<512x75xf32>
    %exp3A_78 = math.exp %min3A_77 : vector<512x75xf32>
    %sub3A_79 = arith.constant 1.000000e+00 : f32
    %sub3A_80 = vector.broadcast %sub3A_79 : f32 to vector<512x75xf32>
    %sub3A_81 = arith.subf %exp3A_78, %sub3A_80 : vector<512x75xf32>
    %select_n3A_82 = arith.select %gt3A_74, %add3A_70, %sub3A_81 : vector<512x75xi1>, vector<512x75xf32>
    %mul3A_83 = vector.broadcast %slice3A_71 : vector<1x75xf32> to vector<512x75xf32>
    %mul3A_84 = arith.mulf %mul3A_83, %select_n3A_82 : vector<512x75xf32>
    %mul3A_85 = arith.constant 0.999994993 : f32
    %mul3A_86 = vector.broadcast %mul3A_85 : f32 to vector<512x75xf32>
    %mul3A_87 = arith.mulf %mul3A_84, %mul3A_86 : vector<512x75xf32>
    %slice3A_88 = vector.extract_strided_slice %get3A_7 {offsets = [2, 0], sizes = [1, 75], strides = [1, 1]} : vector<8x75xf32> to vector<1x75xf32>
    %add3A_89 = vector.broadcast %slice3A_88 : vector<1x75xf32> to vector<512x75xf32>
    %add3A_90 = arith.addf %mul3A_87, %add3A_89 : vector<512x75xf32>
    %convert_element_type3A_91 = arith.truncf %add3A_90 : vector<512x75xf32> to vector<512x75xbf16>
    %convert_element_type3A_92 = arith.truncf %get3A_16 : vector<75x75xf32> to vector<75x75xbf16>
    %dot_general3A_93 = arith.constant dense<0.000000e+00> : vector<512x75xf32>
    %dot_general3A_94 = tpu.matmul %convert_element_type3A_91, %convert_element_type3A_92, %dot_general3A_93 {dimension_numbers = #tpu.dot_dimension_numbers<[1], [0], [0], [1], [0, 0, 1, 1], [], []>, transpose_lhs_hint = false} : vector<512x75xbf16>, vector<75x75xbf16>, vector<512x75xf32> -> vector<512x75xf32>
    %slice3A_95 = vector.extract_strided_slice %get3A_7 {offsets = [3, 0], sizes = [1, 75], strides = [1, 1]} : vector<8x75xf32> to vector<1x75xf32>
    %add3A_96 = vector.broadcast %slice3A_95 : vector<1x75xf32> to vector<512x75xf32>
    %add3A_97 = arith.addf %dot_general3A_94, %add3A_96 : vector<512x75xf32>
    %slice3A_98 = vector.extract_strided_slice %get3A_7 {offsets = [4, 0], sizes = [1, 75], strides = [1, 1]} : vector<8x75xf32> to vector<1x75xf32>
    %gt3A_99 = arith.constant 0.000000e+00 : f32
    %gt3A_100 = vector.broadcast %gt3A_99 : f32 to vector<512x75xf32>
    %gt3A_101 = arith.cmpf ogt, %add3A_97, %gt3A_100 : vector<512x75xf32>
    %min3A_102 = arith.constant 0.000000e+00 : f32
    %min3A_103 = vector.broadcast %min3A_102 : f32 to vector<512x75xf32>
    %min3A_104 = arith.minimumf %add3A_97, %min3A_103 : vector<512x75xf32>
    %exp3A_105 = math.exp %min3A_104 : vector<512x75xf32>
    %sub3A_106 = arith.constant 1.000000e+00 : f32
    %sub3A_107 = vector.broadcast %sub3A_106 : f32 to vector<512x75xf32>
    %sub3A_108 = arith.subf %exp3A_105, %sub3A_107 : vector<512x75xf32>
    %select_n3A_109 = arith.select %gt3A_101, %add3A_97, %sub3A_108 : vector<512x75xi1>, vector<512x75xf32>
    %mul3A_110 = vector.broadcast %slice3A_98 : vector<1x75xf32> to vector<512x75xf32>
    %mul3A_111 = arith.mulf %mul3A_110, %select_n3A_109 : vector<512x75xf32>
    %mul3A_112 = arith.constant 0.999994993 : f32
    %mul3A_113 = vector.broadcast %mul3A_112 : f32 to vector<512x75xf32>
    %mul3A_114 = arith.mulf %mul3A_111, %mul3A_113 : vector<512x75xf32>
    %slice3A_115 = vector.extract_strided_slice %get3A_7 {offsets = [5, 0], sizes = [1, 75], strides = [1, 1]} : vector<8x75xf32> to vector<1x75xf32>
    %add3A_116 = vector.broadcast %slice3A_115 : vector<1x75xf32> to vector<512x75xf32>
    %add3A_117 = arith.addf %mul3A_114, %add3A_116 : vector<512x75xf32>
    %slice3A_118 = vector.extract_strided_slice %sub3A {offsets = [0, 32], sizes = [512, 16], strides = [1, 1]} : vector<512x48xf32> to vector<512x16xf32>
    %convert_element_type3A_119 = arith.truncf %slice3A_118 : vector<512x16xf32> to vector<512x16xbf16>
    %convert_element_type3A_120 = arith.truncf %get3A_13 : vector<16x75xf32> to vector<16x75xbf16>
    %dot_general3A_121 = arith.constant dense<0.000000e+00> : vector<512x75xf32>
    %dot_general3A_122 = tpu.matmul %convert_element_type3A_119, %convert_element_type3A_120, %dot_general3A_121 {dimension_numbers = #tpu.dot_dimension_numbers<[1], [0], [0], [1], [0, 0, 1, 1], [], []>, transpose_lhs_hint = false} : vector<512x16xbf16>, vector<16x75xbf16>, vector<512x75xf32> -> vector<512x75xf32>
    %slice3A_123 = vector.extract_strided_slice %get3A_7 {offsets = [0, 0], sizes = [1, 75], strides = [1, 1]} : vector<8x75xf32> to vector<1x75xf32>
    %add3A_124 = vector.broadcast %slice3A_123 : vector<1x75xf32> to vector<512x75xf32>
    %add3A_125 = arith.addf %dot_general3A_122, %add3A_124 : vector<512x75xf32>
    %slice3A_126 = vector.extract_strided_slice %get3A_7 {offsets = [1, 0], sizes = [1, 75], strides = [1, 1]} : vector<8x75xf32> to vector<1x75xf32>
    %gt3A_127 = arith.constant 0.000000e+00 : f32
    %gt3A_128 = vector.broadcast %gt3A_127 : f32 to vector<512x75xf32>
    %gt3A_129 = arith.cmpf ogt, %add3A_125, %gt3A_128 : vector<512x75xf32>
    %min3A_130 = arith.constant 0.000000e+00 : f32
    %min3A_131 = vector.broadcast %min3A_130 : f32 to vector<512x75xf32>
    %min3A_132 = arith.minimumf %add3A_125, %min3A_131 : vector<512x75xf32>
    %exp3A_133 = math.exp %min3A_132 : vector<512x75xf32>
    %sub3A_134 = arith.constant 1.000000e+00 : f32
    %sub3A_135 = vector.broadcast %sub3A_134 : f32 to vector<512x75xf32>
    %sub3A_136 = arith.subf %exp3A_133, %sub3A_135 : vector<512x75xf32>
    %select_n3A_137 = arith.select %gt3A_129, %add3A_125, %sub3A_136 : vector<512x75xi1>, vector<512x75xf32>
    %mul3A_138 = vector.broadcast %slice3A_126 : vector<1x75xf32> to vector<512x75xf32>
    %mul3A_139 = arith.mulf %mul3A_138, %select_n3A_137 : vector<512x75xf32>
    %mul3A_140 = arith.constant 0.999994993 : f32
    %mul3A_141 = vector.broadcast %mul3A_140 : f32 to vector<512x75xf32>
    %mul3A_142 = arith.mulf %mul3A_139, %mul3A_141 : vector<512x75xf32>
    %slice3A_143 = vector.extract_strided_slice %get3A_7 {offsets = [2, 0], sizes = [1, 75], strides = [1, 1]} : vector<8x75xf32> to vector<1x75xf32>
    %add3A_144 = vector.broadcast %slice3A_143 : vector<1x75xf32> to vector<512x75xf32>
    %add3A_145 = arith.addf %mul3A_142, %add3A_144 : vector<512x75xf32>
    %convert_element_type3A_146 = arith.truncf %add3A_145 : vector<512x75xf32> to vector<512x75xbf16>
    %convert_element_type3A_147 = arith.truncf %get3A_16 : vector<75x75xf32> to vector<75x75xbf16>
    %dot_general3A_148 = arith.constant dense<0.000000e+00> : vector<512x75xf32>
    %dot_general3A_149 = tpu.matmul %convert_element_type3A_146, %convert_element_type3A_147, %dot_general3A_148 {dimension_numbers = #tpu.dot_dimension_numbers<[1], [0], [0], [1], [0, 0, 1, 1], [], []>, transpose_lhs_hint = false} : vector<512x75xbf16>, vector<75x75xbf16>, vector<512x75xf32> -> vector<512x75xf32>
    %slice3A_150 = vector.extract_strided_slice %get3A_7 {offsets = [3, 0], sizes = [1, 75], strides = [1, 1]} : vector<8x75xf32> to vector<1x75xf32>
    %add3A_151 = vector.broadcast %slice3A_150 : vector<1x75xf32> to vector<512x75xf32>
    %add3A_152 = arith.addf %dot_general3A_149, %add3A_151 : vector<512x75xf32>
    %slice3A_153 = vector.extract_strided_slice %get3A_7 {offsets = [4, 0], sizes = [1, 75], strides = [1, 1]} : vector<8x75xf32> to vector<1x75xf32>
    %gt3A_154 = arith.constant 0.000000e+00 : f32
    %gt3A_155 = vector.broadcast %gt3A_154 : f32 to vector<512x75xf32>
    %gt3A_156 = arith.cmpf ogt, %add3A_152, %gt3A_155 : vector<512x75xf32>
    %min3A_157 = arith.constant 0.000000e+00 : f32
    %min3A_158 = vector.broadcast %min3A_157 : f32 to vector<512x75xf32>
    %min3A_159 = arith.minimumf %add3A_152, %min3A_158 : vector<512x75xf32>
    %exp3A_160 = math.exp %min3A_159 : vector<512x75xf32>
    %sub3A_161 = arith.constant 1.000000e+00 : f32
    %sub3A_162 = vector.broadcast %sub3A_161 : f32 to vector<512x75xf32>
    %sub3A_163 = arith.subf %exp3A_160, %sub3A_162 : vector<512x75xf32>
    %select_n3A_164 = arith.select %gt3A_156, %add3A_152, %sub3A_163 : vector<512x75xi1>, vector<512x75xf32>
    %mul3A_165 = vector.broadcast %slice3A_153 : vector<1x75xf32> to vector<512x75xf32>
    %mul3A_166 = arith.mulf %mul3A_165, %select_n3A_164 : vector<512x75xf32>
    %mul3A_167 = arith.constant 0.999994993 : f32
    %mul3A_168 = vector.broadcast %mul3A_167 : f32 to vector<512x75xf32>
    %mul3A_169 = arith.mulf %mul3A_166, %mul3A_168 : vector<512x75xf32>
    %slice3A_170 = vector.extract_strided_slice %get3A_7 {offsets = [5, 0], sizes = [1, 75], strides = [1, 1]} : vector<8x75xf32> to vector<1x75xf32>
    %add3A_171 = vector.broadcast %slice3A_170 : vector<1x75xf32> to vector<512x75xf32>
    %add3A_172 = arith.addf %mul3A_169, %add3A_171 : vector<512x75xf32>
    %get3A_173 = arith.constant 0 : index
    %get3A_174 = arith.constant 0 : index
    %get3A_175 = vector.load %arg6[%get3A_173, %get3A_174] : memref<48x9xf32, #tpu.memory_space<vmem>>, vector<48x9xf32>
    %convert_element_type3A_176 = arith.truncf %sub3A : vector<512x48xf32> to vector<512x48xbf16>
    %convert_element_type3A_177 = arith.truncf %get3A_175 : vector<48x9xf32> to vector<48x9xbf16>
    %dot_general3A_178 = arith.constant dense<0.000000e+00> : vector<512x9xf32>
    %dot_general3A_179 = tpu.matmul %convert_element_type3A_176, %convert_element_type3A_177, %dot_general3A_178 {dimension_numbers = #tpu.dot_dimension_numbers<[1], [0], [0], [1], [0, 0, 1, 1], [], []>, transpose_lhs_hint = false} : vector<512x48xbf16>, vector<48x9xbf16>, vector<512x9xf32> -> vector<512x9xf32>
    %slice3A_180 = vector.extract_strided_slice %get3A_10 {offsets = [0, 0], sizes = [1, 9], strides = [1, 1]} : vector<16x9xf32> to vector<1x9xf32>
    %add3A_181 = vector.broadcast %slice3A_180 : vector<1x9xf32> to vector<512x9xf32>
    %add3A_182 = arith.addf %dot_general3A_179, %add3A_181 : vector<512x9xf32>
    %slice3A_183 = vector.extract_strided_slice %get3A_10 {offsets = [1, 0], sizes = [1, 9], strides = [1, 1]} : vector<16x9xf32> to vector<1x9xf32>
    %gt3A_184 = arith.constant 0.000000e+00 : f32
    %gt3A_185 = vector.broadcast %gt3A_184 : f32 to vector<512x9xf32>
    %gt3A_186 = arith.cmpf ogt, %add3A_182, %gt3A_185 : vector<512x9xf32>
    %min3A_187 = arith.constant 0.000000e+00 : f32
    %min3A_188 = vector.broadcast %min3A_187 : f32 to vector<512x9xf32>
    %min3A_189 = arith.minimumf %add3A_182, %min3A_188 : vector<512x9xf32>
    %exp3A_190 = math.exp %min3A_189 : vector<512x9xf32>
    %sub3A_191 = arith.constant 1.000000e+00 : f32
    %sub3A_192 = vector.broadcast %sub3A_191 : f32 to vector<512x9xf32>
    %sub3A_193 = arith.subf %exp3A_190, %sub3A_192 : vector<512x9xf32>
    %select_n3A_194 = arith.select %gt3A_186, %add3A_182, %sub3A_193 : vector<512x9xi1>, vector<512x9xf32>
    %mul3A_195 = vector.broadcast %slice3A_183 : vector<1x9xf32> to vector<512x9xf32>
    %mul3A_196 = arith.mulf %mul3A_195, %select_n3A_194 : vector<512x9xf32>
    %mul3A_197 = arith.constant 0.999994993 : f32
    %mul3A_198 = vector.broadcast %mul3A_197 : f32 to vector<512x9xf32>
    %mul3A_199 = arith.mulf %mul3A_196, %mul3A_198 : vector<512x9xf32>
    %slice3A_200 = vector.extract_strided_slice %get3A_10 {offsets = [2, 0], sizes = [1, 9], strides = [1, 1]} : vector<16x9xf32> to vector<1x9xf32>
    %add3A_201 = vector.broadcast %slice3A_200 : vector<1x9xf32> to vector<512x9xf32>
    %add3A_202 = arith.addf %mul3A_199, %add3A_201 : vector<512x9xf32>
    %get3A_203 = arith.constant 0 : index
    %get3A_204 = arith.constant 0 : index
    %get3A_205 = vector.load %arg7[%get3A_203, %get3A_204] : memref<9x9xf32, #tpu.memory_space<vmem>>, vector<9x9xf32>
    %dot_general3A_206 = arith.constant dense<0.000000e+00> : vector<512x9xf32>
    %dot_general3A_207 = tpu.matmul %add3A_202, %get3A_205, %dot_general3A_206 {dimension_numbers = #tpu.dot_dimension_numbers<[1], [0], [0], [1], [0, 0, 1, 1], [], []>, precision = #tpu.contract_precision<fp32>, transpose_lhs_hint = false} : vector<512x9xf32>, vector<9x9xf32>, vector<512x9xf32> -> vector<512x9xf32>
    %slice3A_208 = vector.extract_strided_slice %get3A_10 {offsets = [3, 0], sizes = [1, 9], strides = [1, 1]} : vector<16x9xf32> to vector<1x9xf32>
    %add3A_209 = vector.broadcast %slice3A_208 : vector<1x9xf32> to vector<512x9xf32>
    %add3A_210 = arith.addf %dot_general3A_207, %add3A_209 : vector<512x9xf32>
    %slice3A_211 = vector.extract_strided_slice %get3A_10 {offsets = [4, 0], sizes = [1, 9], strides = [1, 1]} : vector<16x9xf32> to vector<1x9xf32>
    %gt3A_212 = arith.constant 0.000000e+00 : f32
    %gt3A_213 = vector.broadcast %gt3A_212 : f32 to vector<512x9xf32>
    %gt3A_214 = arith.cmpf ogt, %add3A_210, %gt3A_213 : vector<512x9xf32>
    %min3A_215 = arith.constant 0.000000e+00 : f32
    %min3A_216 = vector.broadcast %min3A_215 : f32 to vector<512x9xf32>
    %min3A_217 = arith.minimumf %add3A_210, %min3A_216 : vector<512x9xf32>
    %exp3A_218 = math.exp %min3A_217 : vector<512x9xf32>
    %sub3A_219 = arith.constant 1.000000e+00 : f32
    %sub3A_220 = vector.broadcast %sub3A_219 : f32 to vector<512x9xf32>
    %sub3A_221 = arith.subf %exp3A_218, %sub3A_220 : vector<512x9xf32>
    %select_n3A_222 = arith.select %gt3A_214, %add3A_210, %sub3A_221 : vector<512x9xi1>, vector<512x9xf32>
    %mul3A_223 = vector.broadcast %slice3A_211 : vector<1x9xf32> to vector<512x9xf32>
    %mul3A_224 = arith.mulf %mul3A_223, %select_n3A_222 : vector<512x9xf32>
    %mul3A_225 = arith.constant 0.999994993 : f32
    %mul3A_226 = vector.broadcast %mul3A_225 : f32 to vector<512x9xf32>
    %mul3A_227 = arith.mulf %mul3A_224, %mul3A_226 : vector<512x9xf32>
    %slice3A_228 = vector.extract_strided_slice %get3A_10 {offsets = [5, 0], sizes = [1, 9], strides = [1, 1]} : vector<16x9xf32> to vector<1x9xf32>
    %add3A_229 = vector.broadcast %slice3A_228 : vector<1x9xf32> to vector<512x9xf32>
    %add3A_230 = arith.addf %mul3A_227, %add3A_229 : vector<512x9xf32>
    %get3A_231 = arith.constant 0 : index
    %get3A_232 = arith.constant 0 : index
    %get3A_233 = vector.load %arg8[%get3A_231, %get3A_232] : memref<9x9xf32, #tpu.memory_space<vmem>>, vector<9x9xf32>
    %dot_general3A_234 = arith.constant dense<0.000000e+00> : vector<512x9xf32>
    %dot_general3A_235 = tpu.matmul %add3A_230, %get3A_233, %dot_general3A_234 {dimension_numbers = #tpu.dot_dimension_numbers<[1], [0], [0], [1], [0, 0, 1, 1], [], []>, precision = #tpu.contract_precision<fp32>, transpose_lhs_hint = false} : vector<512x9xf32>, vector<9x9xf32>, vector<512x9xf32> -> vector<512x9xf32>
    %slice3A_236 = vector.extract_strided_slice %get3A_10 {offsets = [6, 0], sizes = [1, 9], strides = [1, 1]} : vector<16x9xf32> to vector<1x9xf32>
    %add3A_237 = vector.broadcast %slice3A_236 : vector<1x9xf32> to vector<512x9xf32>
    %add3A_238 = arith.addf %dot_general3A_235, %add3A_237 : vector<512x9xf32>
    %slice3A_239 = vector.extract_strided_slice %get3A_10 {offsets = [7, 0], sizes = [1, 9], strides = [1, 1]} : vector<16x9xf32> to vector<1x9xf32>
    %mul3A_240 = vector.broadcast %slice3A_239 : vector<1x9xf32> to vector<512x9xf32>
    %mul3A_241 = arith.mulf %mul3A_240, %add3A_238 : vector<512x9xf32>
    %mul3A_242 = arith.constant 0.999994993 : f32
    %mul3A_243 = vector.broadcast %mul3A_242 : f32 to vector<512x9xf32>
    %mul3A_244 = arith.mulf %mul3A_241, %mul3A_243 : vector<512x9xf32>
    %slice3A_245 = vector.extract_strided_slice %get3A_10 {offsets = [8, 0], sizes = [1, 9], strides = [1, 1]} : vector<16x9xf32> to vector<1x9xf32>
    %add3A_246 = vector.broadcast %slice3A_245 : vector<1x9xf32> to vector<512x9xf32>
    %add3A_247 = arith.addf %mul3A_244, %add3A_246 : vector<512x9xf32>
    %get3A_248 = arith.constant 0 : index
    %get3A_249 = arith.constant 0 : index
    %get3A_250 = vector.load %arg3[%get3A_248, %get3A_249] : memref<512x912xf32, #tpu.memory_space<vmem>>, vector<512x912xf32>
    %slice3A_251 = vector.extract_strided_slice %get3A_250 {offsets = [0, 0], sizes = [512, 300], strides = [1, 1]} : vector<512x912xf32> to vector<512x300xf32>
    %concatenate3A_252 = tpu.concatenate %add3A_62, %slice3A_251 in 1 : vector<512x75xf32>, vector<512x300xf32> -> vector<512x375xf32>
    %slice3A_253 = vector.extract_strided_slice %get3A_250 {offsets = [0, 304], sizes = [512, 300], strides = [1, 1]} : vector<512x912xf32> to vector<512x300xf32>
    %concatenate3A_254 = tpu.concatenate %add3A_117, %slice3A_253 in 1 : vector<512x75xf32>, vector<512x300xf32> -> vector<512x375xf32>
    %slice3A_255 = vector.extract_strided_slice %get3A_250 {offsets = [0, 608], sizes = [512, 300], strides = [1, 1]} : vector<512x912xf32> to vector<512x300xf32>
    %concatenate3A_256 = tpu.concatenate %add3A_172, %slice3A_255 in 1 : vector<512x75xf32>, vector<512x300xf32> -> vector<512x375xf32>
    %slice3A_257 = vector.extract_strided_slice %add3A_247 {offsets = [0, 0], sizes = [512, 1], strides = [1, 1]} : vector<512x9xf32> to vector<512x1xf32>
    %mul3A_258 = vector.broadcast %slice3A_257 : vector<512x1xf32> to vector<512x375xf32>
    %mul3A_259 = arith.mulf %concatenate3A_252, %mul3A_258 : vector<512x375xf32>
    %slice3A_260 = vector.extract_strided_slice %add3A_247 {offsets = [0, 3], sizes = [512, 1], strides = [1, 1]} : vector<512x9xf32> to vector<512x1xf32>
    %mul3A_261 = vector.broadcast %slice3A_260 : vector<512x1xf32> to vector<512x375xf32>
    %mul3A_262 = arith.mulf %concatenate3A_254, %mul3A_261 : vector<512x375xf32>
    %add3A_263 = arith.addf %mul3A_259, %mul3A_262 : vector<512x375xf32>
    %slice3A_264 = vector.extract_strided_slice %add3A_247 {offsets = [0, 6], sizes = [512, 1], strides = [1, 1]} : vector<512x9xf32> to vector<512x1xf32>
    %mul3A_265 = vector.broadcast %slice3A_264 : vector<512x1xf32> to vector<512x375xf32>
    %mul3A_266 = arith.mulf %concatenate3A_256, %mul3A_265 : vector<512x375xf32>
    %add3A_267 = arith.addf %add3A_263, %mul3A_266 : vector<512x375xf32>
    %slice3A_268 = vector.extract_strided_slice %add3A_247 {offsets = [0, 1], sizes = [512, 1], strides = [1, 1]} : vector<512x9xf32> to vector<512x1xf32>
    %mul3A_269 = vector.broadcast %slice3A_268 : vector<512x1xf32> to vector<512x375xf32>
    %mul3A_270 = arith.mulf %concatenate3A_252, %mul3A_269 : vector<512x375xf32>
    %slice3A_271 = vector.extract_strided_slice %add3A_247 {offsets = [0, 4], sizes = [512, 1], strides = [1, 1]} : vector<512x9xf32> to vector<512x1xf32>
    %mul3A_272 = vector.broadcast %slice3A_271 : vector<512x1xf32> to vector<512x375xf32>
    %mul3A_273 = arith.mulf %concatenate3A_254, %mul3A_272 : vector<512x375xf32>
    %add3A_274 = arith.addf %mul3A_270, %mul3A_273 : vector<512x375xf32>
    %slice3A_275 = vector.extract_strided_slice %add3A_247 {offsets = [0, 7], sizes = [512, 1], strides = [1, 1]} : vector<512x9xf32> to vector<512x1xf32>
    %mul3A_276 = vector.broadcast %slice3A_275 : vector<512x1xf32> to vector<512x375xf32>
    %mul3A_277 = arith.mulf %concatenate3A_256, %mul3A_276 : vector<512x375xf32>
    %add3A_278 = arith.addf %add3A_274, %mul3A_277 : vector<512x375xf32>
    %slice3A_279 = vector.extract_strided_slice %add3A_247 {offsets = [0, 2], sizes = [512, 1], strides = [1, 1]} : vector<512x9xf32> to vector<512x1xf32>
    %mul3A_280 = vector.broadcast %slice3A_279 : vector<512x1xf32> to vector<512x375xf32>
    %mul3A_281 = arith.mulf %concatenate3A_252, %mul3A_280 : vector<512x375xf32>
    %slice3A_282 = vector.extract_strided_slice %add3A_247 {offsets = [0, 5], sizes = [512, 1], strides = [1, 1]} : vector<512x9xf32> to vector<512x1xf32>
    %mul3A_283 = vector.broadcast %slice3A_282 : vector<512x1xf32> to vector<512x375xf32>
    %mul3A_284 = arith.mulf %concatenate3A_254, %mul3A_283 : vector<512x375xf32>
    %add3A_285 = arith.addf %mul3A_281, %mul3A_284 : vector<512x375xf32>
    %slice3A_286 = vector.extract_strided_slice %add3A_247 {offsets = [0, 8], sizes = [512, 1], strides = [1, 1]} : vector<512x9xf32> to vector<512x1xf32>
    %mul3A_287 = vector.broadcast %slice3A_286 : vector<512x1xf32> to vector<512x375xf32>
    %mul3A_288 = arith.mulf %concatenate3A_256, %mul3A_287 : vector<512x375xf32>
    %add3A_289 = arith.addf %add3A_285, %mul3A_288 : vector<512x375xf32>
    %get3A_290 = arith.constant 0 : index
    %get3A_291 = arith.constant 0 : index
    %get3A_292 = vector.load %arg11[%get3A_290, %get3A_291] : memref<8x375xf32, #tpu.memory_space<vmem>>, vector<8x375xf32>
    %get3A_293 = arith.constant 0 : index
    %get3A_294 = arith.constant 0 : index
    %get3A_295 = vector.load %arg13[%get3A_293, %get3A_294] : memref<8x304xf32, #tpu.memory_space<vmem>>, vector<8x304xf32>
    %slice3A_296 = vector.extract_strided_slice %get3A_292 {offsets = [0, 0], sizes = [1, 375], strides = [1, 1]} : vector<8x375xf32> to vector<1x375xf32>
    %mul3A_297 = vector.broadcast %slice3A_296 : vector<1x375xf32> to vector<512x375xf32>
    %mul3A_298 = arith.mulf %add3A_267, %mul3A_297 : vector<512x375xf32>
    %slice3A_299 = vector.extract_strided_slice %get3A_292 {offsets = [1, 0], sizes = [1, 375], strides = [1, 1]} : vector<8x375xf32> to vector<1x375xf32>
    %mul3A_300 = vector.broadcast %slice3A_299 : vector<1x375xf32> to vector<512x375xf32>
    %mul3A_301 = arith.mulf %add3A_278, %mul3A_300 : vector<512x375xf32>
    %add3A_302 = arith.addf %mul3A_298, %mul3A_301 : vector<512x375xf32>
    %slice3A_303 = vector.extract_strided_slice %get3A_292 {offsets = [2, 0], sizes = [1, 375], strides = [1, 1]} : vector<8x375xf32> to vector<1x375xf32>
    %mul3A_304 = vector.broadcast %slice3A_303 : vector<1x375xf32> to vector<512x375xf32>
    %mul3A_305 = arith.mulf %add3A_289, %mul3A_304 : vector<512x375xf32>
    %add3A_306 = arith.addf %add3A_302, %mul3A_305 : vector<512x375xf32>
    %slice3A_307 = vector.extract_strided_slice %get3A_292 {offsets = [6, 0], sizes = [1, 375], strides = [1, 1]} : vector<8x375xf32> to vector<1x375xf32>
    %add3A_308 = vector.broadcast %slice3A_307 : vector<1x375xf32> to vector<512x375xf32>
    %add3A_309 = arith.addf %add3A_306, %add3A_308 : vector<512x375xf32>
    %get3A_310 = arith.constant 0 : index
    %get3A_311 = arith.constant 0 : index
    %get3A_312 = vector.load %arg12[%get3A_310, %get3A_311] : memref<375x304xf32, #tpu.memory_space<vmem>>, vector<375x304xf32>
    %convert_element_type3A_313 = arith.truncf %add3A_309 : vector<512x375xf32> to vector<512x375xbf16>
    %convert_element_type3A_314 = arith.truncf %get3A_312 : vector<375x304xf32> to vector<375x304xbf16>
    %dot_general3A_315 = arith.constant dense<0.000000e+00> : vector<512x304xf32>
    %dot_general3A_316 = tpu.matmul %convert_element_type3A_313, %convert_element_type3A_314, %dot_general3A_315 {dimension_numbers = #tpu.dot_dimension_numbers<[1], [0], [0], [1], [0, 0, 1, 1], [], []>, transpose_lhs_hint = false} : vector<512x375xbf16>, vector<375x304xbf16>, vector<512x304xf32> -> vector<512x304xf32>
    %slice3A_317 = vector.extract_strided_slice %get3A_295 {offsets = [0, 0], sizes = [1, 304], strides = [1, 1]} : vector<8x304xf32> to vector<1x304xf32>
    %add3A_318 = vector.broadcast %slice3A_317 : vector<1x304xf32> to vector<512x304xf32>
    %add3A_319 = arith.addf %dot_general3A_316, %add3A_318 : vector<512x304xf32>
    %slice3A_320 = vector.extract_strided_slice %get3A_295 {offsets = [1, 0], sizes = [1, 304], strides = [1, 1]} : vector<8x304xf32> to vector<1x304xf32>
    %mul3A_321 = vector.broadcast %slice3A_320 : vector<1x304xf32> to vector<512x304xf32>
    %mul3A_322 = arith.mulf %mul3A_321, %add3A_319 : vector<512x304xf32>
    %mul3A_323 = arith.constant 0.999994993 : f32
    %mul3A_324 = vector.broadcast %mul3A_323 : f32 to vector<512x304xf32>
    %mul3A_325 = arith.mulf %mul3A_322, %mul3A_324 : vector<512x304xf32>
    %slice3A_326 = vector.extract_strided_slice %get3A_295 {offsets = [2, 0], sizes = [1, 304], strides = [1, 1]} : vector<8x304xf32> to vector<1x304xf32>
    %add3A_327 = vector.broadcast %slice3A_326 : vector<1x304xf32> to vector<512x304xf32>
    %add3A_328 = arith.addf %mul3A_325, %add3A_327 : vector<512x304xf32>
    %max3A = arith.constant 0.000000e+00 : f32
    %max3A_329 = vector.broadcast %max3A : f32 to vector<512x304xf32>
    %max3A_330 = arith.maximumf %add3A_328, %max3A_329 : vector<512x304xf32>
    %swap3A = arith.constant 0 : index
    %swap3A_331 = arith.constant 0 : index
    %swap3A_332 = vector.load %arg14[%swap3A, %swap3A_331] : memref<512x304xf32, #tpu.memory_space<vmem>>, vector<512x304xf32>
    tpu.vector_store %arg14[%swap3A, %swap3A_331], %max3A_330 {strides = array<i32>} : memref<512x304xf32, #tpu.memory_space<vmem>>, vector<512x304xf32>,
    return
  }
  func.func @transform_0(%arg0: i32) -> (i32, i32) {
    %c0_i32 = arith.constant 0 : i32
    %c0_i32_0 = arith.constant 0 : i32
    return %arg0, %c0_i32 : i32, i32
  }
  func.func @transform_1(%arg0: i32) -> (i32, i32) {
    %c0_i32 = arith.constant 0 : i32
    %c0_i32_0 = arith.constant 0 : i32
    return %arg0, %c0_i32 : i32, i32
  }
  func.func @transform_2(%arg0: i32) -> (i32, i32) {
    %c0_i32 = arith.constant 0 : i32
    %c0_i32_0 = arith.constant 0 : i32
    return %arg0, %c0_i32 : i32, i32
  }
  func.func @transform_3(%arg0: i32) -> (i32, i32) {
    %c0_i32 = arith.constant 0 : i32
    %c0_i32_0 = arith.constant 0 : i32
    %c0_i32_1 = arith.constant 0 : i32
    return %c0_i32, %c0_i32_0 : i32, i32
  }
  func.func @transform_4(%arg0: i32) -> (i32, i32) {
    %c0_i32 = arith.constant 0 : i32
    %c0_i32_0 = arith.constant 0 : i32
    %c0_i32_1 = arith.constant 0 : i32
    return %c0_i32, %c0_i32_0 : i32, i32
  }
  func.func @transform_5(%arg0: i32) -> (i32, i32) {
    %c0_i32 = arith.constant 0 : i32
    %c0_i32_0 = arith.constant 0 : i32
    %c0_i32_1 = arith.constant 0 : i32
    return %c0_i32, %c0_i32_0 : i32, i32
  }
  func.func @transform_6(%arg0: i32) -> (i32, i32) {
    %c0_i32 = arith.constant 0 : i32
    %c0_i32_0 = arith.constant 0 : i32
    %c0_i32_1 = arith.constant 0 : i32
    return %c0_i32, %c0_i32_0 : i32, i32
  }
  func.func @transform_7(%arg0: i32) -> (i32, i32) {
    %c0_i32 = arith.constant 0 : i32
    %c0_i32_0 = arith.constant 0 : i32
    %c0_i32_1 = arith.constant 0 : i32
    return %c0_i32, %c0_i32_0 : i32, i32
  }
  func.func @transform_8(%arg0: i32) -> (i32, i32) {
    %c0_i32 = arith.constant 0 : i32
    %c0_i32_0 = arith.constant 0 : i32
    %c0_i32_1 = arith.constant 0 : i32
    return %c0_i32, %c0_i32_0 : i32, i32
  }
  func.func @transform_9(%arg0: i32) -> (i32, i32) {
    %c0_i32 = arith.constant 0 : i32
    %c0_i32_0 = arith.constant 0 : i32
    %c0_i32_1 = arith.constant 0 : i32
    return %c0_i32, %c0_i32_0 : i32, i32
  }
  func.func @transform_10(%arg0: i32) -> (i32, i32) {
    %c0_i32 = arith.constant 0 : i32
    %c0_i32_0 = arith.constant 0 : i32
    %c0_i32_1 = arith.constant 0 : i32
    return %c0_i32, %c0_i32_0 : i32, i32
  }
  func.func @transform_11(%arg0: i32) -> (i32, i32) {
    %c0_i32 = arith.constant 0 : i32
    %c0_i32_0 = arith.constant 0 : i32
    %c0_i32_1 = arith.constant 0 : i32
    return %c0_i32, %c0_i32_0 : i32, i32
  }
  func.func @transform_12(%arg0: i32) -> (i32, i32) {
    %c0_i32 = arith.constant 0 : i32
    %c0_i32_0 = arith.constant 0 : i32
    %c0_i32_1 = arith.constant 0 : i32
    return %c0_i32, %c0_i32_0 : i32, i32
  }
  func.func @transform_13(%arg0: i32) -> (i32, i32) {
    %c0_i32 = arith.constant 0 : i32
    %c0_i32_0 = arith.constant 0 : i32
    return %arg0, %c0_i32 : i32, i32
  }
}

module attributes {stable_mosaic.version = 14 : i64} {
  func.func @_pool_body(%arg0: i32, %arg1: memref<512x304xf32, #tpu.memory_space<vmem>>, %arg2: memref<1x1x512xi32, #tpu.memory_space<vmem>>, %arg3: memref<32x304xf32, #tpu.memory_space<vmem>>) attributes {dimension_semantics = [#tpu.dimension_semantics<arbitrary>], iteration_bounds = array<i64: 20>, scalar_prefetch = 0 : i64, scratch_operands = 0 : i64, tpu.core_type = #tpu.core_type<tc>, window_params = [{transform_indices = @transform_0, window_bounds = array<i64: 512, 304>}, {transform_indices = @transform_1, window_bounds = array<i64: 1, 1, 512>}, {pipeline_mode = #tpu.pipeline_mode<synchronous>, transform_indices = @transform_2, window_bounds = array<i64: 32, 304>}]} {
    %eq3A = arith.constant 0 : i32
    %eq3A_0 = arith.cmpi eq, %arg0, %eq3A : i32
    %convert_element_type3A = arith.extui %eq3A_0 : i1 to i32
    %cond3A = arith.constant 0 : i32
    %cond3A_1 = arith.cmpi ne, %convert_element_type3A, %cond3A : i32
    scf.if %cond3A_1 {
      %broadcast_in_dim3A = arith.constant 0.000000e+00 : f32
      %broadcast_in_dim3A_19 = vector.broadcast %broadcast_in_dim3A : f32 to vector<32x304xf32>
      %swap3A_20 = arith.constant 0 : index
      %swap3A_21 = arith.constant 0 : index
      %swap3A_22 = vector.load %arg3[%swap3A_20, %swap3A_21] : memref<32x304xf32, #tpu.memory_space<vmem>>, vector<32x304xf32>
      tpu.vector_store %arg3[%swap3A_20, %swap3A_21], %broadcast_in_dim3A_19 {strides = array<i32>} : memref<32x304xf32, #tpu.memory_space<vmem>>, vector<32x304xf32>,
    } else {
    }
    %get3A = arith.constant 0 : index
    %get3A_2 = arith.constant 0 : index
    %get3A_3 = arith.constant 0 : index
    %get3A_4 = vector.load %arg2[%get3A, %get3A_2, %get3A_3] : memref<1x1x512xi32, #tpu.memory_space<vmem>>, vector<1x1x512xi32>
    %get3A_5 = vector.shape_cast %get3A_4 : vector<1x1x512xi32> to vector<1x512xi32>
    %iota3A = tpu.iota {dimensions = array<i32: 0>} : vector<32x512xi32>
    %eq3A_6 = vector.broadcast %get3A_5 : vector<1x512xi32> to vector<32x512xi32>
    %eq3A_7 = arith.cmpi eq, %iota3A, %eq3A_6 : vector<32x512xi32>
    %convert_element_type3A_8 = arith.extui %eq3A_7 : vector<32x512xi1> to vector<32x512xi32>
    %convert_element_type3A_9 = arith.sitofp %convert_element_type3A_8 : vector<32x512xi32> to vector<32x512xf32>
    %get3A_10 = arith.constant 0 : index
    %get3A_11 = arith.constant 0 : index
    %get3A_12 = vector.load %arg3[%get3A_10, %get3A_11] : memref<32x304xf32, #tpu.memory_space<vmem>>, vector<32x304xf32>
    %get3A_13 = arith.constant 0 : index
    %get3A_14 = arith.constant 0 : index
    %get3A_15 = vector.load %arg1[%get3A_13, %get3A_14] : memref<512x304xf32, #tpu.memory_space<vmem>>, vector<512x304xf32>
    %dot_general3A = arith.constant dense<0.000000e+00> : vector<32x304xf32>
    %dot_general3A_16 = tpu.matmul %convert_element_type3A_9, %get3A_15, %dot_general3A {dimension_numbers = #tpu.dot_dimension_numbers<[1], [0], [0], [1], [0, 0, 1, 1], [], []>, precision = #tpu.contract_precision<fp32>, transpose_lhs_hint = false} : vector<32x512xf32>, vector<512x304xf32>, vector<32x304xf32> -> vector<32x304xf32>
    %add3A = arith.addf %get3A_12, %dot_general3A_16 : vector<32x304xf32>
    %swap3A = arith.constant 0 : index
    %swap3A_17 = arith.constant 0 : index
    %swap3A_18 = vector.load %arg3[%swap3A, %swap3A_17] : memref<32x304xf32, #tpu.memory_space<vmem>>, vector<32x304xf32>
    tpu.vector_store %arg3[%swap3A, %swap3A_17], %add3A {strides = array<i32>} : memref<32x304xf32, #tpu.memory_space<vmem>>, vector<32x304xf32>,
    return
  }
  func.func @transform_0(%arg0: i32) -> (i32, i32) {
    %c0_i32 = arith.constant 0 : i32
    %c0_i32_0 = arith.constant 0 : i32
    return %arg0, %c0_i32 : i32, i32
  }
  func.func @transform_1(%arg0: i32) -> (i32, i32, i32) {
    %c0_i32 = arith.constant 0 : i32
    %c0_i32_0 = arith.constant 0 : i32
    %c0_i32_1 = arith.constant 0 : i32
    return %arg0, %c0_i32, %c0_i32_0 : i32, i32, i32
  }
  func.func @transform_2(%arg0: i32) -> (i32, i32) {
    %c0_i32 = arith.constant 0 : i32
    %c0_i32_0 = arith.constant 0 : i32
    %c0_i32_1 = arith.constant 0 : i32
    return %c0_i32, %c0_i32_0 : i32, i32
  }
}

module attributes {stable_mosaic.version = 14 : i64} {
  func.func @_head_body(%arg0: memref<32x304xf32, #tpu.memory_space<vmem>>, %arg1: memref<32x1217xf32, #tpu.memory_space<vmem>>, %arg2: memref<304x1024xf32, #tpu.memory_space<vmem>>, %arg3: memref<1x1024xf32, #tpu.memory_space<vmem>>, %arg4: memref<1024x2048xf32, #tpu.memory_space<vmem>>, %arg5: memref<1217x2048xf32, #tpu.memory_space<vmem>>, %arg6: memref<1x2048xf32, #tpu.memory_space<vmem>>, %arg7: memref<2048x1024xf32, #tpu.memory_space<vmem>>, %arg8: memref<1x1024xf32, #tpu.memory_space<vmem>>, %arg9: memref<1024x512xf32, #tpu.memory_space<vmem>>, %arg10: memref<1x512xf32, #tpu.memory_space<vmem>>, %arg11: memref<512x256xf32, #tpu.memory_space<vmem>>, %arg12: memref<1x256xf32, #tpu.memory_space<vmem>>, %arg13: memref<256x1xf32, #tpu.memory_space<vmem>>, %arg14: memref<1x1xf32, #tpu.memory_space<vmem>>, %arg15: memref<32x1xf32, #tpu.memory_space<vmem>>) attributes {dimension_semantics = [], scalar_prefetch = 0 : i64, scratch_operands = 0 : i64, tpu.core_type = #tpu.core_type<tc>} {
    %get3A = arith.constant 0 : index
    %get3A_0 = arith.constant 0 : index
    %get3A_1 = vector.load %arg0[%get3A, %get3A_0] : memref<32x304xf32, #tpu.memory_space<vmem>>, vector<32x304xf32>
    %get3A_2 = arith.constant 0 : index
    %get3A_3 = arith.constant 0 : index
    %get3A_4 = vector.load %arg2[%get3A_2, %get3A_3] : memref<304x1024xf32, #tpu.memory_space<vmem>>, vector<304x1024xf32>
    %convert_element_type3A = arith.truncf %get3A_1 : vector<32x304xf32> to vector<32x304xbf16>
    %convert_element_type3A_5 = arith.truncf %get3A_4 : vector<304x1024xf32> to vector<304x1024xbf16>
    %dot_general3A = arith.constant dense<0.000000e+00> : vector<32x1024xf32>
    %dot_general3A_6 = tpu.matmul %convert_element_type3A, %convert_element_type3A_5, %dot_general3A {dimension_numbers = #tpu.dot_dimension_numbers<[1], [0], [0], [1], [0, 0, 1, 1], [], []>, transpose_lhs_hint = false} : vector<32x304xbf16>, vector<304x1024xbf16>, vector<32x1024xf32> -> vector<32x1024xf32>
    %get3A_7 = arith.constant 0 : index
    %get3A_8 = arith.constant 0 : index
    %get3A_9 = vector.load %arg3[%get3A_7, %get3A_8] : memref<1x1024xf32, #tpu.memory_space<vmem>>, vector<1x1024xf32>
    %add3A = vector.broadcast %get3A_9 : vector<1x1024xf32> to vector<32x1024xf32>
    %add3A_10 = arith.addf %dot_general3A_6, %add3A : vector<32x1024xf32>
    %max3A = arith.constant 0.000000e+00 : f32
    %max3A_11 = vector.broadcast %max3A : f32 to vector<32x1024xf32>
    %max3A_12 = arith.maximumf %add3A_10, %max3A_11 : vector<32x1024xf32>
    %get3A_13 = arith.constant 0 : index
    %get3A_14 = arith.constant 0 : index
    %get3A_15 = vector.load %arg4[%get3A_13, %get3A_14] : memref<1024x2048xf32, #tpu.memory_space<vmem>>, vector<1024x2048xf32>
    %convert_element_type3A_16 = arith.truncf %max3A_12 : vector<32x1024xf32> to vector<32x1024xbf16>
    %convert_element_type3A_17 = arith.truncf %get3A_15 : vector<1024x2048xf32> to vector<1024x2048xbf16>
    %dot_general3A_18 = arith.constant dense<0.000000e+00> : vector<32x2048xf32>
    %dot_general3A_19 = tpu.matmul %convert_element_type3A_16, %convert_element_type3A_17, %dot_general3A_18 {dimension_numbers = #tpu.dot_dimension_numbers<[1], [0], [0], [1], [0, 0, 1, 1], [], []>, transpose_lhs_hint = false} : vector<32x1024xbf16>, vector<1024x2048xbf16>, vector<32x2048xf32> -> vector<32x2048xf32>
    %get3A_20 = arith.constant 0 : index
    %get3A_21 = arith.constant 0 : index
    %get3A_22 = vector.load %arg1[%get3A_20, %get3A_21] : memref<32x1217xf32, #tpu.memory_space<vmem>>, vector<32x1217xf32>
    %get3A_23 = arith.constant 0 : index
    %get3A_24 = arith.constant 0 : index
    %get3A_25 = vector.load %arg5[%get3A_23, %get3A_24] : memref<1217x2048xf32, #tpu.memory_space<vmem>>, vector<1217x2048xf32>
    %convert_element_type3A_26 = arith.truncf %get3A_22 : vector<32x1217xf32> to vector<32x1217xbf16>
    %convert_element_type3A_27 = arith.truncf %get3A_25 : vector<1217x2048xf32> to vector<1217x2048xbf16>
    %dot_general3A_28 = arith.constant dense<0.000000e+00> : vector<32x2048xf32>
    %dot_general3A_29 = tpu.matmul %convert_element_type3A_26, %convert_element_type3A_27, %dot_general3A_28 {dimension_numbers = #tpu.dot_dimension_numbers<[1], [0], [0], [1], [0, 0, 1, 1], [], []>, transpose_lhs_hint = false} : vector<32x1217xbf16>, vector<1217x2048xbf16>, vector<32x2048xf32> -> vector<32x2048xf32>
    %add3A_30 = arith.addf %dot_general3A_19, %dot_general3A_29 : vector<32x2048xf32>
    %get3A_31 = arith.constant 0 : index
    %get3A_32 = arith.constant 0 : index
    %get3A_33 = vector.load %arg6[%get3A_31, %get3A_32] : memref<1x2048xf32, #tpu.memory_space<vmem>>, vector<1x2048xf32>
    %add3A_34 = vector.broadcast %get3A_33 : vector<1x2048xf32> to vector<32x2048xf32>
    %add3A_35 = arith.addf %add3A_30, %add3A_34 : vector<32x2048xf32>
    %max3A_36 = arith.constant 0.000000e+00 : f32
    %max3A_37 = vector.broadcast %max3A_36 : f32 to vector<32x2048xf32>
    %max3A_38 = arith.maximumf %add3A_35, %max3A_37 : vector<32x2048xf32>
    %get3A_39 = arith.constant 0 : index
    %get3A_40 = arith.constant 0 : index
    %get3A_41 = vector.load %arg7[%get3A_39, %get3A_40] : memref<2048x1024xf32, #tpu.memory_space<vmem>>, vector<2048x1024xf32>
    %convert_element_type3A_42 = arith.truncf %max3A_38 : vector<32x2048xf32> to vector<32x2048xbf16>
    %convert_element_type3A_43 = arith.truncf %get3A_41 : vector<2048x1024xf32> to vector<2048x1024xbf16>
    %dot_general3A_44 = arith.constant dense<0.000000e+00> : vector<32x1024xf32>
    %dot_general3A_45 = tpu.matmul %convert_element_type3A_42, %convert_element_type3A_43, %dot_general3A_44 {dimension_numbers = #tpu.dot_dimension_numbers<[1], [0], [0], [1], [0, 0, 1, 1], [], []>, transpose_lhs_hint = false} : vector<32x2048xbf16>, vector<2048x1024xbf16>, vector<32x1024xf32> -> vector<32x1024xf32>
    %get3A_46 = arith.constant 0 : index
    %get3A_47 = arith.constant 0 : index
    %get3A_48 = vector.load %arg8[%get3A_46, %get3A_47] : memref<1x1024xf32, #tpu.memory_space<vmem>>, vector<1x1024xf32>
    %add3A_49 = vector.broadcast %get3A_48 : vector<1x1024xf32> to vector<32x1024xf32>
    %add3A_50 = arith.addf %dot_general3A_45, %add3A_49 : vector<32x1024xf32>
    %max3A_51 = arith.constant 0.000000e+00 : f32
    %max3A_52 = vector.broadcast %max3A_51 : f32 to vector<32x1024xf32>
    %max3A_53 = arith.maximumf %add3A_50, %max3A_52 : vector<32x1024xf32>
    %get3A_54 = arith.constant 0 : index
    %get3A_55 = arith.constant 0 : index
    %get3A_56 = vector.load %arg9[%get3A_54, %get3A_55] : memref<1024x512xf32, #tpu.memory_space<vmem>>, vector<1024x512xf32>
    %convert_element_type3A_57 = arith.truncf %max3A_53 : vector<32x1024xf32> to vector<32x1024xbf16>
    %convert_element_type3A_58 = arith.truncf %get3A_56 : vector<1024x512xf32> to vector<1024x512xbf16>
    %dot_general3A_59 = arith.constant dense<0.000000e+00> : vector<32x512xf32>
    %dot_general3A_60 = tpu.matmul %convert_element_type3A_57, %convert_element_type3A_58, %dot_general3A_59 {dimension_numbers = #tpu.dot_dimension_numbers<[1], [0], [0], [1], [0, 0, 1, 1], [], []>, transpose_lhs_hint = false} : vector<32x1024xbf16>, vector<1024x512xbf16>, vector<32x512xf32> -> vector<32x512xf32>
    %get3A_61 = arith.constant 0 : index
    %get3A_62 = arith.constant 0 : index
    %get3A_63 = vector.load %arg10[%get3A_61, %get3A_62] : memref<1x512xf32, #tpu.memory_space<vmem>>, vector<1x512xf32>
    %add3A_64 = vector.broadcast %get3A_63 : vector<1x512xf32> to vector<32x512xf32>
    %add3A_65 = arith.addf %dot_general3A_60, %add3A_64 : vector<32x512xf32>
    %max3A_66 = arith.constant 0.000000e+00 : f32
    %max3A_67 = vector.broadcast %max3A_66 : f32 to vector<32x512xf32>
    %max3A_68 = arith.maximumf %add3A_65, %max3A_67 : vector<32x512xf32>
    %get3A_69 = arith.constant 0 : index
    %get3A_70 = arith.constant 0 : index
    %get3A_71 = vector.load %arg11[%get3A_69, %get3A_70] : memref<512x256xf32, #tpu.memory_space<vmem>>, vector<512x256xf32>
    %convert_element_type3A_72 = arith.truncf %max3A_68 : vector<32x512xf32> to vector<32x512xbf16>
    %convert_element_type3A_73 = arith.truncf %get3A_71 : vector<512x256xf32> to vector<512x256xbf16>
    %dot_general3A_74 = arith.constant dense<0.000000e+00> : vector<32x256xf32>
    %dot_general3A_75 = tpu.matmul %convert_element_type3A_72, %convert_element_type3A_73, %dot_general3A_74 {dimension_numbers = #tpu.dot_dimension_numbers<[1], [0], [0], [1], [0, 0, 1, 1], [], []>, transpose_lhs_hint = false} : vector<32x512xbf16>, vector<512x256xbf16>, vector<32x256xf32> -> vector<32x256xf32>
    %get3A_76 = arith.constant 0 : index
    %get3A_77 = arith.constant 0 : index
    %get3A_78 = vector.load %arg12[%get3A_76, %get3A_77] : memref<1x256xf32, #tpu.memory_space<vmem>>, vector<1x256xf32>
    %add3A_79 = vector.broadcast %get3A_78 : vector<1x256xf32> to vector<32x256xf32>
    %add3A_80 = arith.addf %dot_general3A_75, %add3A_79 : vector<32x256xf32>
    %max3A_81 = arith.constant 0.000000e+00 : f32
    %max3A_82 = vector.broadcast %max3A_81 : f32 to vector<32x256xf32>
    %max3A_83 = arith.maximumf %add3A_80, %max3A_82 : vector<32x256xf32>
    %get3A_84 = arith.constant 0 : index
    %get3A_85 = arith.constant 0 : index
    %get3A_86 = vector.load %arg13[%get3A_84, %get3A_85] : memref<256x1xf32, #tpu.memory_space<vmem>>, vector<256x1xf32>
    %convert_element_type3A_87 = arith.truncf %max3A_83 : vector<32x256xf32> to vector<32x256xbf16>
    %convert_element_type3A_88 = arith.truncf %get3A_86 : vector<256x1xf32> to vector<256x1xbf16>
    %dot_general3A_89 = arith.constant dense<0.000000e+00> : vector<32x1xf32>
    %dot_general3A_90 = tpu.matmul %convert_element_type3A_87, %convert_element_type3A_88, %dot_general3A_89 {dimension_numbers = #tpu.dot_dimension_numbers<[1], [0], [0], [1], [0, 0, 1, 1], [], []>, transpose_lhs_hint = false} : vector<32x256xbf16>, vector<256x1xbf16>, vector<32x1xf32> -> vector<32x1xf32>
    %get3A_91 = arith.constant 0 : index
    %get3A_92 = arith.constant 0 : index
    %get3A_93 = vector.load %arg14[%get3A_91, %get3A_92] : memref<1x1xf32, #tpu.memory_space<vmem>>, vector<1x1xf32>
    %add3A_94 = vector.broadcast %get3A_93 : vector<1x1xf32> to vector<32x1xf32>
    %add3A_95 = arith.addf %dot_general3A_90, %add3A_94 : vector<32x1xf32>
    %swap3A = arith.constant 0 : index
    %swap3A_96 = arith.constant 0 : index
    %swap3A_97 = vector.load %arg15[%swap3A, %swap3A_96] : memref<32x1xf32, #tpu.memory_space<vmem>>, vector<32x1xf32>
    tpu.vector_store %arg15[%swap3A, %swap3A_96], %add3A_95 {strides = array<i32>} : memref<32x1xf32, #tpu.memory_space<vmem>>, vector<32x1xf32>,
    return
  }
}

</mosaic_0001>

<sc_bundles>
// kernel: kernel.14.cloned.1.call-start
scs
__scs_entry_jumppad:
0x0: {  	(pc) =	sbr.rel $0x88, $3  }
0x1: {  	(tag) =	ssettag $0x0;
	lr =	simm.s32 $0x1  }
0x2: {  	[smem:$0x3F29] =	sst lr;
	_ =	strace $0xD0000000  }
0x3: {  	_ = 	snop  }
0x4: {  	_ = 	snop  }
0x5: {  	_ = 	snop  }
0x6: {  	_ = 	snop  }
0x7: {  	_ = 	snop  }
__scs_overlays_trampoline_lowered:
0x8: {  	[smem:$0x3F38] =	sst s0  }
0x9: {  	[smem:$0x3F39] =	sst s1  }
0xa: {  	[smem:$0x3F3A] =	sst s2  }
0xb: {  	[smem:$0x3F3B] =	sst s3  }
0xc: {  	[smem:$0x3F3C] =	sst s4  }
0xd: {  	[smem:$0x3F3D] =	sst s5  }
0xe: {  	[smem:$0x3F3E] =	sst s6  }
0xf: {  	[smem:$0x3F3F] =	sst s7  }
0x10: {  	[smem:$0x3F40] =	sst s8  }
0x11: {  	[smem:$0x3F41] =	sst s9;
	s0 =	simm.s32 @!p0 $0x0  }
0x12: {  	s1 =	sld [smem:$0x3F27];
	s0 =	simm.s32 @p0 $0x1  }
0x13: {  	[smem:$0x3F42] =	sst s0;
	s0 =	simm.s32 @!p1 $0x0  }
0x14: {  	s2 =	sld [smem:$0x3F26];
	s0 =	simm.s32 @p1 $0x1  }
0x15: {  	[smem:$0x3F43] =	sst s0;
	s0 =	simm.s32 @!p2 $0x0  }
0x16: {  	s3 =	sld [smem:$0x3FDB];
	s0 =	simm.s32 @p2 $0x1  }
0x17: {  	s4 =	simm.s32 $0x1BF5;
	[smem:$0x3F45] =	sst s0  }
0x18: {  	s0 =	sld [smem:$0x3F28];
	_ =	swait.ge [sflag:s4], $0x0  }
0x19: {  	s7 =	sld [smem:$0x3F29]  }
0x1a: {  	s8 =	sadd.s32 $0xFFFFE003, lr  }
0x1b: {  	s9 =	sadd.s32 $0xFFFFFEF7, lr;
	s5 =	simm.s32 $0xFFFFFFFF;
	p2 =	slt.u32 s8, $0xFFFFF086  }
0x1c: {  	p1 =	slt.u32 s9, $0xF7A;
	s5 =	simm.s32 @!p2 $0x0  }
0x1d: {  	s5 =	simm.s32 @p1 $0x1;
	p0 =	seq.s32 s7, s2  }
0x1e: {  	s7 =	smul.u32 @!p0 $0xF7A, s2;
	p2 =	seq.s32 @!p0 s5, $0x0  }
0x1f: {  	s9 =	smul.u32 $0xF7A, s1;
	s8 =	simm.s32 @!p0 $0x1BF5;
	p2 =	por !p2, p0  }
0x20: {  	[sflag:s8] =	ssyncset.s32 @!p0 $0xFFFFF086;
	s6 =	sadd.s32 @!p0 s3, s7;
	s7 =	simm.s32 @!p0 $0x108  }
0x21: {  	s3 =	sadd.s32 s3, s9;
	s6 =	sadd.s32 @!p0 $0x88, s6;
	s7 =	simm.s32 @p2 $0x1082  }
0x22: {  	[simem:s7], [sflag:s8] =	dma.local @!p0 [hbm:s6], $0xF7A  }
0x23: {  	s9 =	sor.u32 $0xD0000000, s2;
	s6 =	simm.s32 $0x108;
	_ =	swait.ge @!p0 [sflag:s8], $0x0  }
0x24: {  	s3 =	sadd.s32 $0x88, s3;
	s6 =	simm.s32 @!p1 $0x1082;
	[sflag:s4] =	ssyncset.s32 $0xFFFFF086  }
0x25: {  	[simem:s6], [sflag:s4] =	dma.local [hbm:s3], $0xF7A  }
0x26: {  	[smem:$0x3F29] =	sst s1;
	(tag) =	ssettag s2;
	_ =	strace s9  }
0x27: {  	s1 =	sld [smem:$0x3F39]  }
0x28: {  	s2 =	sld [smem:$0x3F3A]  }
0x29: {  	s4 =	sld [smem:$0x3F3C]  }
0x2a: {  	p0 =	seq.s32 s5, $0x0;
	s5 =	sld [smem:$0x3F3D]  }
0x2b: {  	s6 =	sld [smem:$0x3F3E]  }
0x2c: {  	s7 =	sld [smem:$0x3F3F]  }
0x2d: {  	s3 =	simm.s32 $0x108;
	s8 =	sld [smem:$0x3F40]  }
0x2e: {  	s3 =	simm.s32 @!p0 $0x1082;
	s9 =	sld [smem:$0x3F41]  }
0x2f: {  	lr =	sadd.s32 s0, s3;
	s0 =	sld [smem:$0x3F38]  }
0x30: {  	s3 =	sld [smem:$0x3F3B]  }
0x31: {  	[smem:$0x3F44] =	sst s10  }
0x32: {  	s10 =	sld [smem:$0x3F42];
	_ =	sdelay $0x3  }
0x33: {  	p0 =	seq.s32 s10, $0x1;
	s10 =	sld [smem:$0x3F44];
	_ =	sdelay $0x3  }
0x34: {  	[smem:$0x3F44] =	sst s10  }
0x35: {  	s10 =	sld [smem:$0x3F43];
	_ =	sdelay $0x3  }
0x36: {  	p1 =	seq.s32 s10, $0x1;
	s10 =	sld [smem:$0x3F44];
	_ =	sdelay $0x3  }
0x37: {  	[smem:$0x3F44] =	sst s10  }
0x38: {  	s10 =	sld [smem:$0x3F45]  }
0x39: {  	_ = 	snop;
	(pc) =	sbr.ind lr, $3  }
0x3a: {  	_ = 	snop  }
0x3b: {  	_ = 	snop  }
0x3c: {  	p2 =	seq.s32 s10, $0x1;
	s10 =	sld [smem:$0x3F44]  }
0x3d: {  	_ =	shalt  }
0x3e: {  	_ =	shalt  }
0x3f: {  	_ =	shalt  }
0x40: {  	_ =	shalt  }
0x41: {  	_ =	shalt  }
0x42: {  	_ =	shalt  }
0x43: {  	_ =	shalt  }
0x44: {  	_ =	shalt  }
0x45: {  	_ =	shalt  }
0x46: {  	_ =	shalt  }
0x47: {  	_ =	shalt  }
0x48: {  	_ =	shalt  }
0x49: {  	_ =	shalt  }
0x4a: {  	_ =	shalt  }
0x4b: {  	_ =	shalt  }
0x4c: {  	_ =	shalt  }
0x4d: {  	_ =	shalt  }
0x4e: {  	_ =	shalt  }
0x4f: {  	_ =	shalt  }
0x50: {  	_ =	shalt  }
0x51: {  	_ =	shalt  }
0x52: {  	_ =	shalt  }
0x53: {  	_ =	shalt  }
0x54: {  	_ =	shalt  }
0x55: {  	_ =	shalt  }
0x56: {  	_ =	shalt  }
0x57: {  	_ =	shalt  }
0x58: {  	_ =	shalt  }
0x59: {  	_ =	shalt  }
0x5a: {  	_ =	shalt  }
0x5b: {  	_ =	shalt  }
0x5c: {  	_ =	shalt  }
0x5d: {  	_ =	shalt  }
0x5e: {  	_ =	shalt  }
0x5f: {  	_ =	shalt  }
0x60: {  	_ =	shalt  }
0x61: {  	_ =	shalt  }
0x62: {  	_ =	shalt  }
0x63: {  	_ =	shalt  }
0x64: {  	_ =	shalt  }
0x65: {  	_ =	shalt  }
0x66: {  	_ =	shalt  }
0x67: {  	_ =	shalt  }
0x68: {  	_ =	shalt  }
0x69: {  	_ =	shalt  }
0x6a: {  	_ =	shalt  }
0x6b: {  	_ =	shalt  }
0x6c: {  	_ =	shalt  }
0x6d: {  	_ =	shalt  }
0x6e: {  	_ =	shalt  }
0x6f: {  	_ =	shalt  }
0x70: {  	_ =	shalt  }
0x71: {  	_ =	shalt  }
0x72: {  	_ =	shalt  }
0x73: {  	_ =	shalt  }
0x74: {  	_ =	shalt  }
0x75: {  	_ =	shalt  }
0x76: {  	_ =	shalt  }
0x77: {  	_ =	shalt  }
0x78: {  	_ =	shalt  }
0x79: {  	_ =	shalt  }
0x7a: {  	_ =	shalt  }
0x7b: {  	_ =	shalt  }
0x7c: {  	_ =	shalt  }
0x7d: {  	_ =	shalt  }
0x7e: {  	_ =	shalt  }
0x7f: {  	_ =	shalt  }
0x80: {  	_ =	shalt  }
0x81: {  	_ =	shalt  }
0x82: {  	_ =	shalt  }
0x83: {  	_ =	shalt  }
0x84: {  	_ =	shalt  }
0x85: {  	_ =	shalt  }
0x86: {  	_ =	shalt  }
0x87: {  	_ =	shalt  }
.Lfunc_end0:
.L_simem_size_0:
called_computation_lowered:
.L_overlay_start_0:
0x88: {  	s2 =	sld [smem:$0x3FD9]  }
0x89: {  	s3 =	sld [smem:$0x3FFE];
	_ =	sdelay $0x1  }
0x8a: {  	s1 =	srdreg.scid  }
0x8b: {  	s0 =	sand.u32 $0x1, s1  }
0x8c: {  	s16 =	sshll.u32 s0, $0xA;
	s2 =	sadd.s32 s3, s2  }
0x8d: {  	s2 =	sadd.s32 s2, s16  }
0x8e: {  	[smem:$0x3F50] =	sst s2  }
0x8f: {  	_ = 	snop  }
0x90: {  	(tm) =	ssettm $0x1  }
0x91: {  	s17 =	sld [smem:$0x3FFB];
	_ =	sdelay $0x3  }
0x92: {  	_ =	strace s17  }
0x93: {  	s2 =	sld [smem:$0x3FFC];
	_ =	sdelay $0x3  }
0x94: {  	_ =	strace s2  }
0x95: {  	s2 =	sld [smem:$0x3FFD];
	_ =	sdelay $0x3  }
0x96: {  	_ =	strace s2  }
0x97: {  	_ =	strace $0x8FFFFFFF  }
0x98: {  	s18 =	sld [smem:$0x3FDB];
	_ =	sdelay $0x1  }
0x99: {  	s19 =	simm.s32 $_scs_section_size  }
0x9a: {  	s4 =	simm.s32 $_size__tile_overlayer_lowered;
	s5 =	simm.s32 $_tile_overlayer_lowered  }
0x9b: {  	s22 =	simm.s32 $0x1BFF;
	s21 =	sshll.u32 s5, $0x1;
	s2 =	sadd.s32 s19, s18  }
0x9c: {  	s6 =	simm.s32 $0x0;
	s20 =	sshll.u32 s4, $0x1;
	s4 =	sadd.s32 s21, s2  }
0x9d: {  	[timem:s6], [sflag:s22] =	dma.local [hbm:s4], s20  }
0x9e: {  	_ =	swait.ge [sflag:s22], s20  }
0x9f: {  	s3 =	ssub.s32 $0x0, s20;
	[sflag:s22] =	ssyncset.done $0x0  }
0xa0: {  	[sflag:s22] =	ssyncadd.s32 s3;
	_ =	sdelay $0x1  }
0xa1: {  	s23 =	simm.s32 $0x1B8B  }
0xa2: {  	_ =	swait.ge [sflag:s23], $0x1  }
0xa3: {  	[sflag:s23] =	ssyncset.done $0x0  }
0xa4: {  	s25 =	simm.s32 $0x1B8E;
	s24 =	sld [smem:$0x3FFE];
	[sflag:s23] =	ssyncadd.s32 $0xFFFFFFFF  }
0xa5: {  	s26 =	simm.s32 $execute0_lowered;
	[smem:$0x3FD2] =	sst s25  }
0xa6: {  	s4 =	sshll.u32 s26, $0x1;
	_ =	strace $0x80000046;
	[dreg:$0x1] =	wrdreg $0xFFFFFFFF  }
0xa7: {  	s28 =	simm.s32 $_size_execute0_lowered;
	s2 =	sadd.s32 s2, s4;
	[dreg:$0x0] =	wrdreg $0x0  }
0xa8: {  	s4 =	sshll.u32 s28, $0x1;
	[dreg:$0x2] =	wrdreg s2  }
0xa9: {  	[dreg:$0x3] =	wrdreg s4  }
0xaa: {  	[dreg:$0x4] =	wrdreg $0xC0  }
0xab: {  	_ =	task [dreg:s6], $0x5FFFF  }
0xac: {  	[dreg:$0x1] =	wrdreg $0xFFFFFFFF  }
0xad: {  	[dreg:$0x0] =	wrdreg $0x60  }
0xae: {  	[dreg:$0x2] =	wrdreg s24  }
0xaf: {  	[dreg:$0x3] =	wrdreg $0x9  }
0xb0: {  	_ =	task.clear_ibuf [dreg:s6], $0x4FFFF;
	_ =	strace $0x90000046  }
0xb1: {  	s29 =	simm.s32 $0x9;
	_ =	strace $0x80000048  }
0xb2: {  	_ =	swait.ge [sflag:s29], $0x1  }
0xb3: {  	[sflag:s29] =	ssyncadd.s32 $0xFFFFFFFF  }
0xb4: {  	_ =	strace $0x90000048  }
0xb5: {  	_ =	sfence  }
0xb6: {  	s30 =	sld [smem:$0x0];
	_ =	sdelay $0x2  }
0xb7: {  	s31 =	sshll.u32 s1, $0xD;
	s1 =	sshrl.u32 s1, $0x2  }
0xb8: {  	s3 =	sand.u32 $0x4000, s31;
	s1 =	sadd.s32 s1, s30  }
0xb9: {  	s0 =	sor.u32 s3, s0;
	s1 =	sshll.u32 s1, $0x11  }
0xba: {  	s0 =	sor.u32 s1, s0  }
0xbb: {  	s0 =	sadd.s32 $0x8F2B, s0  }
0xbc: {  	[sflag:s0] =	ssyncadd.remote.s32 $0x1  }
0xbd: {  	_ =	sfence.sel $0xFFFF  }
0xbe: {  	[dreg:$0x0] =	wrdreg $0xFFFFFFFF;
	(pc) =	sbr.abs _section_cstart, $3  }
0xbf: {  	[dreg:$0x1] =	wrdreg $0xFFFFFFFF  }
0xc0: {  	_ =	task.clear_ibuf [dreg:s6], $0x2FFFF;
	_ =	strace $0x9FFFFFFF  }
0xc1: {  	(tm) =	ssettm $0x7FFFFFFF  }
tec
execute0_lowered:
.L_overlay_start_1:
0x0: {  	(tag) =	ssettag $0x1  }
0x1: {  	s1 =	srdreg.scid;
	s0 =	stileid.u32  }
0x2: {  	s14 =	sand.u32 $0x1, s1;
	s28 =	sshll.u32 s0, $0x1  }
0x3: {  	s8 =	sor.u32 s14, s28  }
0x4: {  	s9 =	rddreg [dreg:$0x0];
	s13 =	smul.u32 $0x3C0, s8  }
0x5: {  	s2 =	simm.s32 $0x0;
	s1 =	rddreg [dreg:$0x1]  }
0x6: {  	[smem:$0x7FF] =	sst s2;
	s15 =	sadd.s32 $0x10000, s9;
	s3 =	sshrl.u32 s13, $0x3  }
0x7: {  	_ =	strace $0x80000047;
	s4 =	sadd.s32 s15, s3;
	s3 =	simm.s32 $0x2  }
0x8: {  	[tilespmem:s2], [sflag:$0x2] =	stream.linear.gather [hbm4b:s4+s2], $0xF0, $0x38;
	[tilespmem:$0xFF0] =	vst v63  }
0x9: {  	_ =	swait.ge [sflag:s3], $0xF0  }
0xa: {  	s6 =	simm.s32 $0xF0;
	[sflag:s3] =	ssyncset.done $0x0  }
0xb: {  	s7 =	simm.s32 $0x1;
	s5 =	sadd.s32 $0xB000, s9;
	[sflag:s3] =	ssyncadd.s32 $0xFFFFFF10  }
0xc: {  	[tilespmem:s6], [sflag:$0x1] =	stream.indirect.gather [hbm4b:s5+s6], $0x10, s2, s6, $0xb8;
	[tilespmem:$0xFF0] =	vst v63  }
0xd: {  	s8 =	smul.u32 $0x780, s8;
	_ =	swait.ge [sflag:s7], $0xF00  }
0xe: {  	s16 =	sadd.s32 $0x11000, s9;
	[sflag:s7] =	ssyncset.done $0x0  }
0xf: {  	s8 =	sadd.s32 s16, s8;
	[sflag:s7] =	ssyncadd.s32 $0xFFFFF100  }
0x10: {  	[hbm4b:s8+s2] =	stream.linear.scatter [tilespmem:s6], [sflag:$0x2], $0xF00, $0x38;
	[tilespmem:$0xFF0] =	vst v63  }
0x11: {  	s10 =	sadd.s32 $0xF0, s13;
	_ =	swait.ge [sflag:s3], $0xF00  }
0x12: {  	s29 =	sshrl.u32 s10, $0x3;
	[sflag:s3] =	ssyncset.done $0x0  }
0x13: {  	s9 =	sadd.s32 s15, s29;
	[sflag:s3] =	ssyncadd.s32 $0xFFFFF100  }
0x14: {  	[tilespmem:s2], [sflag:$0x2] =	stream.linear.gather [hbm4b:s9+s2], $0xF0, $0x38;
	[tilespmem:$0xFF0] =	vst v63  }
0x15: {  	_ =	swait.ge [sflag:s3], $0xF0  }
0x16: {  	[sflag:s3] =	ssyncset.done $0x0  }
0x17: {  	[sflag:s3] =	ssyncadd.s32 $0xFFFFFF10  }
0x18: {  	[tilespmem:s6], [sflag:$0x1] =	stream.indirect.gather [hbm4b:s5+s6], $0x10, s2, s6, $0xb8;
	[tilespmem:$0xFF0] =	vst v63  }
0x19: {  	_ =	swait.ge [sflag:s7], $0xF00  }
0x1a: {  	s10 =	sshll.u32 s10, $0x1;
	[sflag:s7] =	ssyncset.done $0x0  }
0x1b: {  	s10 =	sadd.s32 s16, s10;
	[sflag:s7] =	ssyncadd.s32 $0xFFFFF100  }
0x1c: {  	[hbm4b:s10+s2] =	stream.linear.scatter [tilespmem:s6], [sflag:$0x2], $0xF00, $0x38;
	[tilespmem:$0xFF0] =	vst v63  }
0x1d: {  	s12 =	sadd.s32 $0x1E0, s13;
	_ =	swait.ge [sflag:s3], $0xF00  }
0x1e: {  	s11 =	sshrl.u32 s12, $0x3;
	[sflag:s3] =	ssyncset.done $0x0  }
0x1f: {  	s11 =	sadd.s32 s15, s11;
	[sflag:s3] =	ssyncadd.s32 $0xFFFFF100  }
0x20: {  	[tilespmem:s2], [sflag:$0x2] =	stream.linear.gather [hbm4b:s11+s2], $0xF0, $0x38;
	[tilespmem:$0xFF0] =	vst v63  }
0x21: {  	_ =	swait.ge [sflag:s3], $0xF0  }
0x22: {  	[sflag:s3] =	ssyncset.done $0x0  }
0x23: {  	[sflag:s3] =	ssyncadd.s32 $0xFFFFFF10  }
0x24: {  	[tilespmem:s6], [sflag:$0x1] =	stream.indirect.gather [hbm4b:s5+s6], $0x10, s2, s6, $0xb8;
	[tilespmem:$0xFF0] =	vst v63  }
0x25: {  	_ =	swait.ge [sflag:s7], $0xF00  }
0x26: {  	s12 =	sshll.u32 s12, $0x1;
	[sflag:s7] =	ssyncset.done $0x0  }
0x27: {  	s12 =	sadd.s32 s16, s12;
	[sflag:s7] =	ssyncadd.s32 $0xFFFFF100  }
0x28: {  	[hbm4b:s12+s2] =	stream.linear.scatter [tilespmem:s6], [sflag:$0x2], $0xF00, $0x38;
	[tilespmem:$0xFF0] =	vst v63  }
0x29: {  	s17 =	sadd.s32 $0x2D0, s13;
	_ =	swait.ge [sflag:s3], $0xF00  }
0x2a: {  	s13 =	sshrl.u32 s17, $0x3;
	[sflag:s3] =	ssyncset.done $0x0  }
0x2b: {  	s14 =	ssub.s32 $0x2, s14;
	s13 =	sadd.s32 s15, s13;
	[sflag:s3] =	ssyncadd.s32 $0xFFFFF100  }
0x2c: {  	[tilespmem:s2], [sflag:$0x2] =	stream.linear.gather [hbm4b:s13+s2], $0xF0, $0x38;
	[tilespmem:$0xFF0] =	vst v63  }
0x2d: {  	s30 =	sshrl.u32 s14, $0x1;
	_ =	swait.ge [sflag:s3], $0xF0  }
0x2e: {  	s15 =	ssub.s32 s14, s30;
	[sflag:s3] =	ssyncset.done $0x0  }
0x2f: {  	s15 =	smax.u32 s15, $0x1;
	[sflag:s3] =	ssyncadd.s32 $0xFFFFFF10  }
0x30: {  	[tilespmem:s6], [sflag:$0x1] =	stream.indirect.gather [hbm4b:s5+s6], $0x10, s2, s6, $0xb8;
	[tilespmem:$0xFF0] =	vst v63  }
0x31: {  	p0 =	sne.s32 s15, $0x1;
	_ =	swait.ge [sflag:s7], $0xF00  }
.Ltmp0:
0x32: {  	s31 =	sshll.u32 s17, $0x1;
	[sflag:s7] =	ssyncset.done $0x0;
	(pc) =	sbr.rel @!p0 .LBB2_2-.Ltmp0, $4  }
0x33: {  	s14 =	sadd.s32 s16, s31;
	[sflag:s7] =	ssyncadd.s32 $0xFFFFF100  }
0x34: {  	[hbm4b:s14+s2] =	stream.linear.scatter [tilespmem:s6], [sflag:$0x2], $0xF00, $0x38;
	[tilespmem:$0xFF0] =	vst v63  }
0x35: {  	_ =	swait.ge [sflag:s3], $0xF00  }
0x36: {  	s15 =	sadd.s32 $0xFFFFFFFF, s15;
	[sflag:s3] =	ssyncset.done $0x0  }
.LBB2_1:
0x37: {  	p0 =	sne.s32 s15, $0x1;
	s15 =	sadd.s32 $0xFFFFFFFF, s15;
	[sflag:s3] =	ssyncadd.s32 $0xFFFFF100  }
0x38: {  	[tilespmem:s2], [sflag:$0x2] =	stream.linear.gather [hbm4b:s4+s2], $0xF0, $0x38;
	[tilespmem:$0xFF0] =	vst v63  }
0x39: {  	_ =	swait.ge [sflag:s3], $0xF0  }
0x3a: {  	[sflag:s3] =	ssyncset.done $0x0  }
0x3b: {  	[sflag:s3] =	ssyncadd.s32 $0xFFFFFF10  }
0x3c: {  	[tilespmem:s6], [sflag:$0x1] =	stream.indirect.gather [hbm4b:s5+s6], $0x10, s2, s6, $0xb8;
	[tilespmem:$0xFF0] =	vst v63  }
0x3d: {  	_ =	swait.ge [sflag:s7], $0xF00  }
0x3e: {  	[sflag:s7] =	ssyncset.done $0x0  }
0x3f: {  	[sflag:s7] =	ssyncadd.s32 $0xFFFFF100  }
0x40: {  	[hbm4b:s8+s2] =	stream.linear.scatter [tilespmem:s6], [sflag:$0x2], $0xF00, $0x38;
	[tilespmem:$0xFF0] =	vst v63  }
0x41: {  	_ =	swait.ge [sflag:s3], $0xF00  }
0x42: {  	[sflag:s3] =	ssyncset.done $0x0  }
0x43: {  	[sflag:s3] =	ssyncadd.s32 $0xFFFFF100  }
0x44: {  	[tilespmem:s2], [sflag:$0x2] =	stream.linear.gather [hbm4b:s9+s2], $0xF0, $0x38;
	[tilespmem:$0xFF0] =	vst v63  }
0x45: {  	_ =	swait.ge [sflag:s3], $0xF0  }
0x46: {  	[sflag:s3] =	ssyncset.done $0x0  }
0x47: {  	[sflag:s3] =	ssyncadd.s32 $0xFFFFFF10  }
0x48: {  	[tilespmem:s6], [sflag:$0x1] =	stream.indirect.gather [hbm4b:s5+s6], $0x10, s2, s6, $0xb8;
	[tilespmem:$0xFF0] =	vst v63  }
0x49: {  	_ =	swait.ge [sflag:s7], $0xF00  }
0x4a: {  	[sflag:s7] =	ssyncset.done $0x0  }
0x4b: {  	[sflag:s7] =	ssyncadd.s32 $0xFFFFF100  }
0x4c: {  	[hbm4b:s10+s2] =	stream.linear.scatter [tilespmem:s6], [sflag:$0x2], $0xF00, $0x38;
	[tilespmem:$0xFF0] =	vst v63  }
0x4d: {  	_ =	swait.ge [sflag:s3], $0xF00  }
0x4e: {  	[sflag:s3] =	ssyncset.done $0x0  }
0x4f: {  	[sflag:s3] =	ssyncadd.s32 $0xFFFFF100  }
0x50: {  	[tilespmem:s2], [sflag:$0x2] =	stream.linear.gather [hbm4b:s11+s2], $0xF0, $0x38;
	[tilespmem:$0xFF0] =	vst v63  }
0x51: {  	_ =	swait.ge [sflag:s3], $0xF0  }
0x52: {  	[sflag:s3] =	ssyncset.done $0x0  }
0x53: {  	[sflag:s3] =	ssyncadd.s32 $0xFFFFFF10  }
0x54: {  	[tilespmem:s6], [sflag:$0x1] =	stream.indirect.gather [hbm4b:s5+s6], $0x10, s2, s6, $0xb8;
	[tilespmem:$0xFF0] =	vst v63  }
0x55: {  	_ =	swait.ge [sflag:s7], $0xF00  }
0x56: {  	[sflag:s7] =	ssyncset.done $0x0  }
0x57: {  	[sflag:s7] =	ssyncadd.s32 $0xFFFFF100  }
0x58: {  	[hbm4b:s12+s2] =	stream.linear.scatter [tilespmem:s6], [sflag:$0x2], $0xF00, $0x38;
	[tilespmem:$0xFF0] =	vst v63  }
0x59: {  	_ =	swait.ge [sflag:s3], $0xF00  }
0x5a: {  	[sflag:s3] =	ssyncset.done $0x0  }
0x5b: {  	[sflag:s3] =	ssyncadd.s32 $0xFFFFF100  }
0x5c: {  	[tilespmem:s2], [sflag:$0x2] =	stream.linear.gather [hbm4b:s13+s2], $0xF0, $0x38;
	[tilespmem:$0xFF0] =	vst v63  }
0x5d: {  	_ =	swait.ge [sflag:s3], $0xF0  }
0x5e: {  	[sflag:s3] =	ssyncset.done $0x0  }
0x5f: {  	[sflag:s3] =	ssyncadd.s32 $0xFFFFFF10  }
0x60: {  	[tilespmem:s6], [sflag:$0x1] =	stream.indirect.gather [hbm4b:s5+s6], $0x10, s2, s6, $0xb8;
	[tilespmem:$0xFF0] =	vst v63  }
0x61: {  	_ =	swait.ge [sflag:s7], $0xF00  }
.Ltmp1:
0x62: {  	[sflag:s7] =	ssyncset.done $0x0;
	(pc) =	sbr.rel @p0 .LBB2_1-.Ltmp1, $4  }
0x63: {  	[sflag:s7] =	ssyncadd.s32 $0xFFFFF100  }
0x64: {  	[hbm4b:s14+s2] =	stream.linear.scatter [tilespmem:s6], [sflag:$0x2], $0xF00, $0x38;
	[tilespmem:$0xFF0] =	vst v63  }
0x65: {  	_ =	swait.ge [sflag:s3], $0xF00  }
0x66: {  	[sflag:s3] =	ssyncset.done $0x0  }
.LBB2_2:
0x67: {  	[sflag:s3] =	ssyncadd.s32 $0xFFFFF100  }
0x68: {  	_ =	sfence.sel $0x180000  }
0x69: {  	[bflag:$0x0] =	sbarrier.arrive $0xFFFF  }
0x6a: {  	p0 =	sne.s32 s0, $0x0;
	_ =	strace $0x90000047  }
0x6b: {  	s0 =	sadd.s32 @!p0 $0x100000, s1;
	[bflag:$0x2] =	sbarrier.arrive $0xFFFF  }
0x6c: {  	[sflag:s0] =	ssyncadd.tile.s32 @!p0 $0x1;
	_ =	shalt  }
.Lfunc_end2:
_tile_overlayer_lowered:
.L_overlay_start_2:
0x6d: {  	(tag) =	ssettag $0x2  }
0x6e: {  	s0 =	rddreg [dreg:$0x0];
	s2 =	stileid.u32  }
0x6f: {  	s1 =	rddreg [dreg:$0x1];
	p0 =	sne.s32 s2, $0x0  }
0x70: {  	s3 =	rddreg [dreg:$0x2];
	[bflag:$0x3] =	sbarrier.arrive $0xFFFF;
	s2 =	simm.s32 @!p0 $0x1C02  }
0x71: {  	[timem:s3], [sflag:s2] =	dma.local @!p0 [hbm:s0], s1  }
0x72: {  	s0 =	simm.s32 @!p0 $0x2  }
0x73: {  	_ =	swait.ge @!p0 [sflag:s0], s1  }
0x74: {  	s1 =	ssub.s32 @!p0 $0x0, s1;
	[sflag:s0] =	ssyncset.done @!p0 $0x0  }
0x75: {  	[sflag:s0] =	ssyncadd.s32 @!p0 s1  }
0x76: {  	[bflag:$0x3] =	sbarrier.arrive $0xFFFF  }
0x77: {  	_ =	shalt  }

// kernel: kernel.17.cloned.1.call-start
scs
__scs_entry_jumppad:
0x0: {  	(pc) =	sbr.rel $0x88, $3  }
0x1: {  	(tag) =	ssettag $0x0;
	lr =	simm.s32 $0x1  }
0x2: {  	[smem:$0x3F29] =	sst lr;
	_ =	strace $0xD0000000  }
0x3: {  	_ = 	snop  }
0x4: {  	_ = 	snop  }
0x5: {  	_ = 	snop  }
0x6: {  	_ = 	snop  }
0x7: {  	_ = 	snop  }
__scs_overlays_trampoline_lowered:
0x8: {  	[smem:$0x3F38] =	sst s0  }
0x9: {  	[smem:$0x3F39] =	sst s1  }
0xa: {  	[smem:$0x3F3A] =	sst s2  }
0xb: {  	[smem:$0x3F3B] =	sst s3  }
0xc: {  	[smem:$0x3F3C] =	sst s4  }
0xd: {  	[smem:$0x3F3D] =	sst s5  }
0xe: {  	[smem:$0x3F3E] =	sst s6  }
0xf: {  	[smem:$0x3F3F] =	sst s7  }
0x10: {  	[smem:$0x3F40] =	sst s8  }
0x11: {  	[smem:$0x3F41] =	sst s9;
	s0 =	simm.s32 @!p0 $0x0  }
0x12: {  	s1 =	sld [smem:$0x3F27];
	s0 =	simm.s32 @p0 $0x1  }
0x13: {  	[smem:$0x3F42] =	sst s0;
	s0 =	simm.s32 @!p1 $0x0  }
0x14: {  	s2 =	sld [smem:$0x3F26];
	s0 =	simm.s32 @p1 $0x1  }
0x15: {  	[smem:$0x3F43] =	sst s0;
	s0 =	simm.s32 @!p2 $0x0  }
0x16: {  	s3 =	sld [smem:$0x3FDB];
	s0 =	simm.s32 @p2 $0x1  }
0x17: {  	s4 =	simm.s32 $0x1BF5;
	[smem:$0x3F45] =	sst s0  }
0x18: {  	s0 =	sld [smem:$0x3F28];
	_ =	swait.ge [sflag:s4], $0x0  }
0x19: {  	s7 =	sld [smem:$0x3F29]  }
0x1a: {  	s8 =	sadd.s32 $0xFFFFE003, lr  }
0x1b: {  	s9 =	sadd.s32 $0xFFFFFEF7, lr;
	s5 =	simm.s32 $0xFFFFFFFF;
	p2 =	slt.u32 s8, $0xFFFFF086  }
0x1c: {  	p1 =	slt.u32 s9, $0xF7A;
	s5 =	simm.s32 @!p2 $0x0  }
0x1d: {  	s5 =	simm.s32 @p1 $0x1;
	p0 =	seq.s32 s7, s2  }
0x1e: {  	s7 =	smul.u32 @!p0 $0xF7A, s2;
	p2 =	seq.s32 @!p0 s5, $0x0  }
0x1f: {  	s9 =	smul.u32 $0xF7A, s1;
	s8 =	simm.s32 @!p0 $0x1BF5;
	p2 =	por !p2, p0  }
0x20: {  	[sflag:s8] =	ssyncset.s32 @!p0 $0xFFFFF086;
	s6 =	sadd.s32 @!p0 s3, s7;
	s7 =	simm.s32 @!p0 $0x108  }
0x21: {  	s3 =	sadd.s32 s3, s9;
	s6 =	sadd.s32 @!p0 $0x88, s6;
	s7 =	simm.s32 @p2 $0x1082  }
0x22: {  	[simem:s7], [sflag:s8] =	dma.local @!p0 [hbm:s6], $0xF7A  }
0x23: {  	s9 =	sor.u32 $0xD0000000, s2;
	s6 =	simm.s32 $0x108;
	_ =	swait.ge @!p0 [sflag:s8], $0x0  }
0x24: {  	s3 =	sadd.s32 $0x88, s3;
	s6 =	simm.s32 @!p1 $0x1082;
	[sflag:s4] =	ssyncset.s32 $0xFFFFF086  }
0x25: {  	[simem:s6], [sflag:s4] =	dma.local [hbm:s3], $0xF7A  }
0x26: {  	[smem:$0x3F29] =	sst s1;
	(tag) =	ssettag s2;
	_ =	strace s9  }
0x27: {  	s1 =	sld [smem:$0x3F39]  }
0x28: {  	s2 =	sld [smem:$0x3F3A]  }
0x29: {  	s4 =	sld [smem:$0x3F3C]  }
0x2a: {  	p0 =	seq.s32 s5, $0x0;
	s5 =	sld [smem:$0x3F3D]  }
0x2b: {  	s6 =	sld [smem:$0x3F3E]  }
0x2c: {  	s7 =	sld [smem:$0x3F3F]  }
0x2d: {  	s3 =	simm.s32 $0x108;
	s8 =	sld [smem:$0x3F40]  }
0x2e: {  	s3 =	simm.s32 @!p0 $0x1082;
	s9 =	sld [smem:$0x3F41]  }
0x2f: {  	lr =	sadd.s32 s0, s3;
	s0 =	sld [smem:$0x3F38]  }
0x30: {  	s3 =	sld [smem:$0x3F3B]  }
0x31: {  	[smem:$0x3F44] =	sst s10  }
0x32: {  	s10 =	sld [smem:$0x3F42];
	_ =	sdelay $0x3  }
0x33: {  	p0 =	seq.s32 s10, $0x1;
	s10 =	sld [smem:$0x3F44];
	_ =	sdelay $0x3  }
0x34: {  	[smem:$0x3F44] =	sst s10  }
0x35: {  	s10 =	sld [smem:$0x3F43];
	_ =	sdelay $0x3  }
0x36: {  	p1 =	seq.s32 s10, $0x1;
	s10 =	sld [smem:$0x3F44];
	_ =	sdelay $0x3  }
0x37: {  	[smem:$0x3F44] =	sst s10  }
0x38: {  	s10 =	sld [smem:$0x3F45]  }
0x39: {  	_ = 	snop;
	(pc) =	sbr.ind lr, $3  }
0x3a: {  	_ = 	snop  }
0x3b: {  	_ = 	snop  }
0x3c: {  	p2 =	seq.s32 s10, $0x1;
	s10 =	sld [smem:$0x3F44]  }
0x3d: {  	_ =	shalt  }
0x3e: {  	_ =	shalt  }
0x3f: {  	_ =	shalt  }
0x40: {  	_ =	shalt  }
0x41: {  	_ =	shalt  }
0x42: {  	_ =	shalt  }
0x43: {  	_ =	shalt  }
0x44: {  	_ =	shalt  }
0x45: {  	_ =	shalt  }
0x46: {  	_ =	shalt  }
0x47: {  	_ =	shalt  }
0x48: {  	_ =	shalt  }
0x49: {  	_ =	shalt  }
0x4a: {  	_ =	shalt  }
0x4b: {  	_ =	shalt  }
0x4c: {  	_ =	shalt  }
0x4d: {  	_ =	shalt  }
0x4e: {  	_ =	shalt  }
0x4f: {  	_ =	shalt  }
0x50: {  	_ =	shalt  }
0x51: {  	_ =	shalt  }
0x52: {  	_ =	shalt  }
0x53: {  	_ =	shalt  }
0x54: {  	_ =	shalt  }
0x55: {  	_ =	shalt  }
0x56: {  	_ =	shalt  }
0x57: {  	_ =	shalt  }
0x58: {  	_ =	shalt  }
0x59: {  	_ =	shalt  }
0x5a: {  	_ =	shalt  }
0x5b: {  	_ =	shalt  }
0x5c: {  	_ =	shalt  }
0x5d: {  	_ =	shalt  }
0x5e: {  	_ =	shalt  }
0x5f: {  	_ =	shalt  }
0x60: {  	_ =	shalt  }
0x61: {  	_ =	shalt  }
0x62: {  	_ =	shalt  }
0x63: {  	_ =	shalt  }
0x64: {  	_ =	shalt  }
0x65: {  	_ =	shalt  }
0x66: {  	_ =	shalt  }
0x67: {  	_ =	shalt  }
0x68: {  	_ =	shalt  }
0x69: {  	_ =	shalt  }
0x6a: {  	_ =	shalt  }
0x6b: {  	_ =	shalt  }
0x6c: {  	_ =	shalt  }
0x6d: {  	_ =	shalt  }
0x6e: {  	_ =	shalt  }
0x6f: {  	_ =	shalt  }
0x70: {  	_ =	shalt  }
0x71: {  	_ =	shalt  }
0x72: {  	_ =	shalt  }
0x73: {  	_ =	shalt  }
0x74: {  	_ =	shalt  }
0x75: {  	_ =	shalt  }
0x76: {  	_ =	shalt  }
0x77: {  	_ =	shalt  }
0x78: {  	_ =	shalt  }
0x79: {  	_ =	shalt  }
0x7a: {  	_ =	shalt  }
0x7b: {  	_ =	shalt  }
0x7c: {  	_ =	shalt  }
0x7d: {  	_ =	shalt  }
0x7e: {  	_ =	shalt  }
0x7f: {  	_ =	shalt  }
0x80: {  	_ =	shalt  }
0x81: {  	_ =	shalt  }
0x82: {  	_ =	shalt  }
0x83: {  	_ =	shalt  }
0x84: {  	_ =	shalt  }
0x85: {  	_ =	shalt  }
0x86: {  	_ =	shalt  }
0x87: {  	_ =	shalt  }
.Lfunc_end0:
.L_simem_size_0:
called_computation.1_lowered:
.L_overlay_start_0:
0x88: {  	s2 =	sld [smem:$0x3FD9]  }
0x89: {  	s3 =	sld [smem:$0x3FFE];
	_ =	sdelay $0x1  }
0x8a: {  	s1 =	srdreg.scid  }
0x8b: {  	s0 =	sand.u32 $0x1, s1  }
0x8c: {  	s17 =	sshll.u32 s0, $0xA;
	s2 =	sadd.s32 s3, s2  }
0x8d: {  	s2 =	sadd.s32 s2, s17  }
0x8e: {  	[smem:$0x3F50] =	sst s2  }
0x8f: {  	_ = 	snop  }
0x90: {  	(tm) =	ssettm $0x1  }
0x91: {  	s18 =	sld [smem:$0x3FFB];
	_ =	sdelay $0x3  }
0x92: {  	_ =	strace s18  }
0x93: {  	s2 =	sld [smem:$0x3FFC];
	_ =	sdelay $0x3  }
0x94: {  	_ =	strace s2  }
0x95: {  	s2 =	sld [smem:$0x3FFD];
	_ =	sdelay $0x3  }
0x96: {  	_ =	strace s2  }
0x97: {  	_ =	strace $0x8FFFFFFF  }
0x98: {  	s19 =	sld [smem:$0x3FDB];
	_ =	sdelay $0x1  }
0x99: {  	s20 =	simm.s32 $_scs_section_size  }
0x9a: {  	s4 =	simm.s32 $_size__tile_overlayer_lowered;
	s5 =	simm.s32 $_tile_overlayer_lowered  }
0x9b: {  	s6 =	simm.s32 $0x1BFF;
	s21 =	sshll.u32 s5, $0x1;
	s3 =	sadd.s32 s20, s19  }
0x9c: {  	s22 =	simm.s32 $0x0;
	s4 =	sshll.u32 s4, $0x1;
	s5 =	sadd.s32 s21, s3  }
0x9d: {  	[timem:s22], [sflag:s6] =	dma.local [hbm:s5], s4  }
0x9e: {  	_ =	swait.ge [sflag:s6], s4  }
0x9f: {  	s4 =	ssub.s32 $0x0, s4;
	[sflag:s6] =	ssyncset.done $0x0  }
0xa0: {  	[sflag:s6] =	ssyncadd.s32 s4;
	_ =	sdelay $0x1  }
0xa1: {  	s23 =	simm.s32 $0x1B8B  }
0xa2: {  	_ =	swait.ge [sflag:s23], $0x1  }
0xa3: {  	[sflag:s23] =	ssyncset.done $0x0  }
0xa4: {  	[sflag:s23] =	ssyncadd.s32 $0xFFFFFFFF  }
0xa5: {  	s4 =	sld [smem:$0x0]  }
0xa6: {  	s5 =	sand.u32 $0xFFFFFFFE, s1  }
0xa7: {  	p0 =	sne.s32 s1, s5  }
0xa8: {  	s5 =	sshll.u32 @p0 s5, $0xE  }
0xa9: {  	s5 =	sadd.s32 @p0 $0x11B8D, s5;
	s6 =	sshll.u32 @p0 s4, $0x11  }
0xaa: {  	s5 =	sor.u32 @p0 s6, s5  }
0xab: {  	[sflag:s5] =	ssyncadd.remote.s32 @p0 $0x1;
	_ =	sdelay $0x1  }
0xac: {  	s5 =	simm.s32 @p0 $0x1B8D  }
0xad: {  	_ =	swait.eq @p0 [sflag:s5], $0x1  }
0xae: {  	[sflag:s5] =	ssyncadd.s32 @p0 $0xFFFFFFFF  }
0xaf: {  	s6 =	sshll.u32 @!p0 s1, $0xE  }
0xb0: {  	s6 =	sor.u32 @!p0 $0x4000, s6;
	s5 =	simm.s32 @!p0 $0x1B8D  }
0xb1: {  	s4 =	sshll.u32 @!p0 s4, $0x11;
	s6 =	sadd.s32 @!p0 $0x11B8D, s6;
	_ =	swait.eq @!p0 [sflag:s5], $0x1  }
0xb2: {  	s4 =	sor.u32 @!p0 s4, s6;
	[sflag:s5] =	ssyncadd.s32 @!p0 $0xFFFFFFFF  }
0xb3: {  	s25 =	simm.s32 $0x1B8E;
	s24 =	sld [smem:$0x3FFE];
	[sflag:s4] =	ssyncadd.remote.s32 @!p0 $0x1  }
0xb4: {  	s26 =	simm.s32 $execute0_lowered;
	[smem:$0x3FD2] =	sst s25  }
0xb5: {  	s5 =	sshll.u32 s26, $0x1;
	_ =	strace $0x80000049;
	[dreg:$0x1] =	wrdreg $0xFFFFFFFF  }
0xb6: {  	s28 =	simm.s32 $_size_execute0_lowered;
	s3 =	sadd.s32 s3, s5;
	[dreg:$0x0] =	wrdreg $0x0  }
0xb7: {  	s5 =	sshll.u32 s28, $0x1;
	[dreg:$0x2] =	wrdreg s3  }
0xb8: {  	[dreg:$0x3] =	wrdreg s5  }
0xb9: {  	[dreg:$0x4] =	wrdreg $0xC0  }
0xba: {  	_ =	task [dreg:s22], $0x5FFFF  }
0xbb: {  	[dreg:$0x1] =	wrdreg $0xFFFFFFFF  }
0xbc: {  	[dreg:$0x0] =	wrdreg $0x60  }
0xbd: {  	[dreg:$0x2] =	wrdreg s24  }
0xbe: {  	[dreg:$0x3] =	wrdreg $0xA  }
0xbf: {  	_ =	task.clear_ibuf [dreg:s22], $0x4FFFF;
	_ =	strace $0x90000049  }
0xc0: {  	s29 =	simm.s32 $0xA;
	_ =	strace $0x8000004B  }
0xc1: {  	_ =	swait.ge [sflag:s29], $0x1  }
0xc2: {  	[sflag:s29] =	ssyncadd.s32 $0xFFFFFFFF  }
0xc3: {  	_ =	strace $0x9000004B  }
0xc4: {  	_ =	sfence  }
0xc5: {  	s30 =	sld [smem:$0x0];
	_ =	sdelay $0x2  }
0xc6: {  	s31 =	sshll.u32 s1, $0xD;
	s1 =	sshrl.u32 s1, $0x2  }
0xc7: {  	s4 =	sand.u32 $0x4000, s31;
	s1 =	sadd.s32 s1, s30  }
0xc8: {  	s0 =	sor.u32 s4, s0;
	s1 =	sshll.u32 s1, $0x11  }
0xc9: {  	s0 =	sor.u32 s1, s0  }
0xca: {  	s0 =	sadd.s32 $0x8F2B, s0  }
0xcb: {  	[sflag:s0] =	ssyncadd.remote.s32 $0x1  }
0xcc: {  	_ =	sfence.sel $0xFFFF  }
0xcd: {  	[dreg:$0x0] =	wrdreg $0xFFFFFFFF;
	(pc) =	sbr.abs _section_cstart, $3  }
0xce: {  	[dreg:$0x1] =	wrdreg $0xFFFFFFFF  }
0xcf: {  	_ =	task.clear_ibuf [dreg:s22], $0x2FFFF;
	_ =	strace $0x9FFFFFFF  }
0xd0: {  	(tm) =	ssettm $0x7FFFFFFF  }
0xd1: {  	_ =	shalt  }
tec
execute0_lowered:
.L_overlay_start_1:
0x0: {  	(tag) =	ssettag $0x1  }
0x1: {  	s1 =	srdreg.scid;
	s0 =	stileid.u32  }
0x2: {  	s14 =	sand.u32 $0x1, s1;
	s28 =	sshll.u32 s0, $0x1  }
0x3: {  	s8 =	sor.u32 s14, s28  }
0x4: {  	s9 =	rddreg [dreg:$0x0];
	s13 =	smul.u32 $0x3C0, s8  }
0x5: {  	s2 =	simm.s32 $0x0;
	s1 =	rddreg [dreg:$0x1]  }
0x6: {  	[smem:$0x7FF] =	sst s2;
	s15 =	sadd.s32 $0x10000, s9;
	s3 =	sshrl.u32 s13, $0x3  }
0x7: {  	_ =	strace $0x8000004A;
	s4 =	sadd.s32 s15, s3;
	s3 =	simm.s32 $0x2  }
0x8: {  	[tilespmem:s2], [sflag:$0x2] =	stream.linear.gather [hbm4b:s4+s2], $0xF0, $0x38;
	[tilespmem:$0x3CF0] =	vst v63  }
0x9: {  	_ =	swait.ge [sflag:s3], $0xF0  }
0xa: {  	s6 =	simm.s32 $0xF0;
	[sflag:s3] =	ssyncset.done $0x0  }
0xb: {  	s7 =	simm.s32 $0x1;
	s5 =	sadd.s32 $0x20000, s9;
	[sflag:s3] =	ssyncadd.s32 $0xFFFFFF10  }
0xc: {  	[tilespmem:s6], [sflag:$0x1] =	stream.indirect.gather [hbm4b:s5+s6], $0x40, s2, s6, $0xb8;
	[tilespmem:$0x3CF0] =	vst v63  }
0xd: {  	s8 =	smul.u32 $0x1E00, s8;
	_ =	swait.ge [sflag:s7], $0x3C00  }
0xe: {  	s16 =	sadd.s32 $0x34000, s9;
	[sflag:s7] =	ssyncset.done $0x0  }
0xf: {  	s8 =	sadd.s32 s16, s8;
	[sflag:s7] =	ssyncadd.s32 $0xFFFFC400  }
0x10: {  	[hbm4b:s8+s2] =	stream.linear.scatter [tilespmem:s6], [sflag:$0x2], $0x3C00, $0x38;
	[tilespmem:$0x3CF0] =	vst v63  }
0x11: {  	s10 =	sadd.s32 $0xF0, s13;
	_ =	swait.ge [sflag:s3], $0x3C00  }
0x12: {  	s29 =	sshrl.u32 s10, $0x3;
	[sflag:s3] =	ssyncset.done $0x0  }
0x13: {  	s9 =	sadd.s32 s15, s29;
	[sflag:s3] =	ssyncadd.s32 $0xFFFFC400  }
0x14: {  	[tilespmem:s2], [sflag:$0x2] =	stream.linear.gather [hbm4b:s9+s2], $0xF0, $0x38;
	[tilespmem:$0x3CF0] =	vst v63  }
0x15: {  	_ =	swait.ge [sflag:s3], $0xF0  }
0x16: {  	[sflag:s3] =	ssyncset.done $0x0  }
0x17: {  	[sflag:s3] =	ssyncadd.s32 $0xFFFFFF10  }
0x18: {  	[tilespmem:s6], [sflag:$0x1] =	stream.indirect.gather [hbm4b:s5+s6], $0x40, s2, s6, $0xb8;
	[tilespmem:$0x3CF0] =	vst v63  }
0x19: {  	_ =	swait.ge [sflag:s7], $0x3C00  }
0x1a: {  	s10 =	sshll.u32 s10, $0x3;
	[sflag:s7] =	ssyncset.done $0x0  }
0x1b: {  	s10 =	sadd.s32 s16, s10;
	[sflag:s7] =	ssyncadd.s32 $0xFFFFC400  }
0x1c: {  	[hbm4b:s10+s2] =	stream.linear.scatter [tilespmem:s6], [sflag:$0x2], $0x3C00, $0x38;
	[tilespmem:$0x3CF0] =	vst v63  }
0x1d: {  	s12 =	sadd.s32 $0x1E0, s13;
	_ =	swait.ge [sflag:s3], $0x3C00  }
0x1e: {  	s11 =	sshrl.u32 s12, $0x3;
	[sflag:s3] =	ssyncset.done $0x0  }
0x1f: {  	s11 =	sadd.s32 s15, s11;
	[sflag:s3] =	ssyncadd.s32 $0xFFFFC400  }
0x20: {  	[tilespmem:s2], [sflag:$0x2] =	stream.linear.gather [hbm4b:s11+s2], $0xF0, $0x38;
	[tilespmem:$0x3CF0] =	vst v63  }
0x21: {  	_ =	swait.ge [sflag:s3], $0xF0  }
0x22: {  	[sflag:s3] =	ssyncset.done $0x0  }
0x23: {  	[sflag:s3] =	ssyncadd.s32 $0xFFFFFF10  }
0x24: {  	[tilespmem:s6], [sflag:$0x1] =	stream.indirect.gather [hbm4b:s5+s6], $0x40, s2, s6, $0xb8;
	[tilespmem:$0x3CF0] =	vst v63  }
0x25: {  	_ =	swait.ge [sflag:s7], $0x3C00  }
0x26: {  	s12 =	sshll.u32 s12, $0x3;
	[sflag:s7] =	ssyncset.done $0x0  }
0x27: {  	s12 =	sadd.s32 s16, s12;
	[sflag:s7] =	ssyncadd.s32 $0xFFFFC400  }
0x28: {  	[hbm4b:s12+s2] =	stream.linear.scatter [tilespmem:s6], [sflag:$0x2], $0x3C00, $0x38;
	[tilespmem:$0x3CF0] =	vst v63  }
0x29: {  	s17 =	sadd.s32 $0x2D0, s13;
	_ =	swait.ge [sflag:s3], $0x3C00  }
0x2a: {  	s13 =	sshrl.u32 s17, $0x3;
	[sflag:s3] =	ssyncset.done $0x0  }
0x2b: {  	s14 =	ssub.s32 $0x2, s14;
	s13 =	sadd.s32 s15, s13;
	[sflag:s3] =	ssyncadd.s32 $0xFFFFC400  }
0x2c: {  	[tilespmem:s2], [sflag:$0x2] =	stream.linear.gather [hbm4b:s13+s2], $0xF0, $0x38;
	[tilespmem:$0x3CF0] =	vst v63  }
0x2d: {  	s30 =	sshrl.u32 s14, $0x1;
	_ =	swait.ge [sflag:s3], $0xF0  }
0x2e: {  	s15 =	ssub.s32 s14, s30;
	[sflag:s3] =	ssyncset.done $0x0  }
0x2f: {  	s15 =	smax.u32 s15, $0x1;
	[sflag:s3] =	ssyncadd.s32 $0xFFFFFF10  }
0x30: {  	[tilespmem:s6], [sflag:$0x1] =	stream.indirect.gather [hbm4b:s5+s6], $0x40, s2, s6, $0xb8;
	[tilespmem:$0x3CF0] =	vst v63  }
0x31: {  	p0 =	sne.s32 s15, $0x1;
	_ =	swait.ge [sflag:s7], $0x3C00  }
.Ltmp0:
0x32: {  	s31 =	sshll.u32 s17, $0x3;
	[sflag:s7] =	ssyncset.done $0x0;
	(pc) =	sbr.rel @!p0 .LBB2_2-.Ltmp0, $4  }
0x33: {  	s14 =	sadd.s32 s16, s31;
	[sflag:s7] =	ssyncadd.s32 $0xFFFFC400  }
0x34: {  	[hbm4b:s14+s2] =	stream.linear.scatter [tilespmem:s6], [sflag:$0x2], $0x3C00, $0x38;
	[tilespmem:$0x3CF0] =	vst v63  }
0x35: {  	_ =	swait.ge [sflag:s3], $0x3C00  }
0x36: {  	s15 =	sadd.s32 $0xFFFFFFFF, s15;
	[sflag:s3] =	ssyncset.done $0x0  }
.LBB2_1:
0x37: {  	p0 =	sne.s32 s15, $0x1;
	s15 =	sadd.s32 $0xFFFFFFFF, s15;
	[sflag:s3] =	ssyncadd.s32 $0xFFFFC400  }
0x38: {  	[tilespmem:s2], [sflag:$0x2] =	stream.linear.gather [hbm4b:s4+s2], $0xF0, $0x38;
	[tilespmem:$0x3CF0] =	vst v63  }
0x39: {  	_ =	swait.ge [sflag:s3], $0xF0  }
0x3a: {  	[sflag:s3] =	ssyncset.done $0x0  }
0x3b: {  	[sflag:s3] =	ssyncadd.s32 $0xFFFFFF10  }
0x3c: {  	[tilespmem:s6], [sflag:$0x1] =	stream.indirect.gather [hbm4b:s5+s6], $0x40, s2, s6, $0xb8;
	[tilespmem:$0x3CF0] =	vst v63  }
0x3d: {  	_ =	swait.ge [sflag:s7], $0x3C00  }
0x3e: {  	[sflag:s7] =	ssyncset.done $0x0  }
0x3f: {  	[sflag:s7] =	ssyncadd.s32 $0xFFFFC400  }
0x40: {  	[hbm4b:s8+s2] =	stream.linear.scatter [tilespmem:s6], [sflag:$0x2], $0x3C00, $0x38;
	[tilespmem:$0x3CF0] =	vst v63  }
0x41: {  	_ =	swait.ge [sflag:s3], $0x3C00  }
0x42: {  	[sflag:s3] =	ssyncset.done $0x0  }
0x43: {  	[sflag:s3] =	ssyncadd.s32 $0xFFFFC400  }
0x44: {  	[tilespmem:s2], [sflag:$0x2] =	stream.linear.gather [hbm4b:s9+s2], $0xF0, $0x38;
	[tilespmem:$0x3CF0] =	vst v63  }
0x45: {  	_ =	swait.ge [sflag:s3], $0xF0  }
0x46: {  	[sflag:s3] =	ssyncset.done $0x0  }
0x47: {  	[sflag:s3] =	ssyncadd.s32 $0xFFFFFF10  }
0x48: {  	[tilespmem:s6], [sflag:$0x1] =	stream.indirect.gather [hbm4b:s5+s6], $0x40, s2, s6, $0xb8;
	[tilespmem:$0x3CF0] =	vst v63  }
0x49: {  	_ =	swait.ge [sflag:s7], $0x3C00  }
0x4a: {  	[sflag:s7] =	ssyncset.done $0x0  }
0x4b: {  	[sflag:s7] =	ssyncadd.s32 $0xFFFFC400  }
0x4c: {  	[hbm4b:s10+s2] =	stream.linear.scatter [tilespmem:s6], [sflag:$0x2], $0x3C00, $0x38;
	[tilespmem:$0x3CF0] =	vst v63  }
0x4d: {  	_ =	swait.ge [sflag:s3], $0x3C00  }
0x4e: {  	[sflag:s3] =	ssyncset.done $0x0  }
0x4f: {  	[sflag:s3] =	ssyncadd.s32 $0xFFFFC400  }
0x50: {  	[tilespmem:s2], [sflag:$0x2] =	stream.linear.gather [hbm4b:s11+s2], $0xF0, $0x38;
	[tilespmem:$0x3CF0] =	vst v63  }
0x51: {  	_ =	swait.ge [sflag:s3], $0xF0  }
0x52: {  	[sflag:s3] =	ssyncset.done $0x0  }
0x53: {  	[sflag:s3] =	ssyncadd.s32 $0xFFFFFF10  }
0x54: {  	[tilespmem:s6], [sflag:$0x1] =	stream.indirect.gather [hbm4b:s5+s6], $0x40, s2, s6, $0xb8;
	[tilespmem:$0x3CF0] =	vst v63  }
0x55: {  	_ =	swait.ge [sflag:s7], $0x3C00  }
0x56: {  	[sflag:s7] =	ssyncset.done $0x0  }
0x57: {  	[sflag:s7] =	ssyncadd.s32 $0xFFFFC400  }
0x58: {  	[hbm4b:s12+s2] =	stream.linear.scatter [tilespmem:s6], [sflag:$0x2], $0x3C00, $0x38;
	[tilespmem:$0x3CF0] =	vst v63  }
0x59: {  	_ =	swait.ge [sflag:s3], $0x3C00  }
0x5a: {  	[sflag:s3] =	ssyncset.done $0x0  }
0x5b: {  	[sflag:s3] =	ssyncadd.s32 $0xFFFFC400  }
0x5c: {  	[tilespmem:s2], [sflag:$0x2] =	stream.linear.gather [hbm4b:s13+s2], $0xF0, $0x38;
	[tilespmem:$0x3CF0] =	vst v63  }
0x5d: {  	_ =	swait.ge [sflag:s3], $0xF0  }
0x5e: {  	[sflag:s3] =	ssyncset.done $0x0  }
0x5f: {  	[sflag:s3] =	ssyncadd.s32 $0xFFFFFF10  }
0x60: {  	[tilespmem:s6], [sflag:$0x1] =	stream.indirect.gather [hbm4b:s5+s6], $0x40, s2, s6, $0xb8;
	[tilespmem:$0x3CF0] =	vst v63  }
0x61: {  	_ =	swait.ge [sflag:s7], $0x3C00  }
.Ltmp1:
0x62: {  	[sflag:s7] =	ssyncset.done $0x0;
	(pc) =	sbr.rel @p0 .LBB2_1-.Ltmp1, $4  }
0x63: {  	[sflag:s7] =	ssyncadd.s32 $0xFFFFC400  }
0x64: {  	[hbm4b:s14+s2] =	stream.linear.scatter [tilespmem:s6], [sflag:$0x2], $0x3C00, $0x38;
	[tilespmem:$0x3CF0] =	vst v63  }
0x65: {  	_ =	swait.ge [sflag:s3], $0x3C00  }
0x66: {  	[sflag:s3] =	ssyncset.done $0x0  }
.LBB2_2:
0x67: {  	[sflag:s3] =	ssyncadd.s32 $0xFFFFC400  }
0x68: {  	_ =	sfence.sel $0x180000  }
0x69: {  	[bflag:$0x0] =	sbarrier.arrive $0xFFFF  }
0x6a: {  	p0 =	sne.s32 s0, $0x0;
	_ =	strace $0x9000004A  }
0x6b: {  	s0 =	sadd.s32 @!p0 $0x100000, s1;
	[bflag:$0x2] =	sbarrier.arrive $0xFFFF  }
0x6c: {  	[sflag:s0] =	ssyncadd.tile.s32 @!p0 $0x1;
	_ =	shalt  }
.Lfunc_end2:
_tile_overlayer_lowered:
.L_overlay_start_2:
0x6d: {  	(tag) =	ssettag $0x2  }
0x6e: {  	s0 =	rddreg [dreg:$0x0];
	s2 =	stileid.u32  }
0x6f: {  	s1 =	rddreg [dreg:$0x1];
	p0 =	sne.s32 s2, $0x0  }
0x70: {  	s3 =	rddreg [dreg:$0x2];
	[bflag:$0x3] =	sbarrier.arrive $0xFFFF;
	s2 =	simm.s32 @!p0 $0x1C02  }
0x71: {  	[timem:s3], [sflag:s2] =	dma.local @!p0 [hbm:s0], s1  }
0x72: {  	s0 =	simm.s32 @!p0 $0x2  }
0x73: {  	_ =	swait.ge @!p0 [sflag:s0], s1  }
0x74: {  	s1 =	ssub.s32 @!p0 $0x0, s1;
	[sflag:s0] =	ssyncset.done @!p0 $0x0  }
0x75: {  	[sflag:s0] =	ssyncadd.s32 @!p0 s1  }
0x76: {  	[bflag:$0x3] =	sbarrier.arrive $0xFFFF  }
0x77: {  	_ =	shalt  }

// kernel: kernel.20.cloned.1.call-start
scs
__scs_entry_jumppad:
0x0: {  	(pc) =	sbr.rel $0x88, $3  }
0x1: {  	(tag) =	ssettag $0x0;
	lr =	simm.s32 $0x1  }
0x2: {  	[smem:$0x3F29] =	sst lr;
	_ =	strace $0xD0000000  }
0x3: {  	_ = 	snop  }
0x4: {  	_ = 	snop  }
0x5: {  	_ = 	snop  }
0x6: {  	_ = 	snop  }
0x7: {  	_ = 	snop  }
__scs_overlays_trampoline_lowered:
0x8: {  	[smem:$0x3F38] =	sst s0  }
0x9: {  	[smem:$0x3F39] =	sst s1  }
0xa: {  	[smem:$0x3F3A] =	sst s2  }
0xb: {  	[smem:$0x3F3B] =	sst s3  }
0xc: {  	[smem:$0x3F3C] =	sst s4  }
0xd: {  	[smem:$0x3F3D] =	sst s5  }
0xe: {  	[smem:$0x3F3E] =	sst s6  }
0xf: {  	[smem:$0x3F3F] =	sst s7  }
0x10: {  	[smem:$0x3F40] =	sst s8  }
0x11: {  	[smem:$0x3F41] =	sst s9;
	s0 =	simm.s32 @!p0 $0x0  }
0x12: {  	s1 =	sld [smem:$0x3F27];
	s0 =	simm.s32 @p0 $0x1  }
0x13: {  	[smem:$0x3F42] =	sst s0;
	s0 =	simm.s32 @!p1 $0x0  }
0x14: {  	s2 =	sld [smem:$0x3F26];
	s0 =	simm.s32 @p1 $0x1  }
0x15: {  	[smem:$0x3F43] =	sst s0;
	s0 =	simm.s32 @!p2 $0x0  }
0x16: {  	s3 =	sld [smem:$0x3FDB];
	s0 =	simm.s32 @p2 $0x1  }
0x17: {  	s4 =	simm.s32 $0x1BF5;
	[smem:$0x3F45] =	sst s0  }
0x18: {  	s0 =	sld [smem:$0x3F28];
	_ =	swait.ge [sflag:s4], $0x0  }
0x19: {  	s7 =	sld [smem:$0x3F29]  }
0x1a: {  	s8 =	sadd.s32 $0xFFFFE003, lr  }
0x1b: {  	s9 =	sadd.s32 $0xFFFFFEF7, lr;
	s5 =	simm.s32 $0xFFFFFFFF;
	p2 =	slt.u32 s8, $0xFFFFF086  }
0x1c: {  	p1 =	slt.u32 s9, $0xF7A;
	s5 =	simm.s32 @!p2 $0x0  }
0x1d: {  	s5 =	simm.s32 @p1 $0x1;
	p0 =	seq.s32 s7, s2  }
0x1e: {  	s7 =	smul.u32 @!p0 $0xF7A, s2;
	p2 =	seq.s32 @!p0 s5, $0x0  }
0x1f: {  	s9 =	smul.u32 $0xF7A, s1;
	s8 =	simm.s32 @!p0 $0x1BF5;
	p2 =	por !p2, p0  }
0x20: {  	[sflag:s8] =	ssyncset.s32 @!p0 $0xFFFFF086;
	s6 =	sadd.s32 @!p0 s3, s7;
	s7 =	simm.s32 @!p0 $0x108  }
0x21: {  	s3 =	sadd.s32 s3, s9;
	s6 =	sadd.s32 @!p0 $0x88, s6;
	s7 =	simm.s32 @p2 $0x1082  }
0x22: {  	[simem:s7], [sflag:s8] =	dma.local @!p0 [hbm:s6], $0xF7A  }
0x23: {  	s9 =	sor.u32 $0xD0000000, s2;
	s6 =	simm.s32 $0x108;
	_ =	swait.ge @!p0 [sflag:s8], $0x0  }
0x24: {  	s3 =	sadd.s32 $0x88, s3;
	s6 =	simm.s32 @!p1 $0x1082;
	[sflag:s4] =	ssyncset.s32 $0xFFFFF086  }
0x25: {  	[simem:s6], [sflag:s4] =	dma.local [hbm:s3], $0xF7A  }
0x26: {  	[smem:$0x3F29] =	sst s1;
	(tag) =	ssettag s2;
	_ =	strace s9  }
0x27: {  	s1 =	sld [smem:$0x3F39]  }
0x28: {  	s2 =	sld [smem:$0x3F3A]  }
0x29: {  	s4 =	sld [smem:$0x3F3C]  }
0x2a: {  	p0 =	seq.s32 s5, $0x0;
	s5 =	sld [smem:$0x3F3D]  }
0x2b: {  	s6 =	sld [smem:$0x3F3E]  }
0x2c: {  	s7 =	sld [smem:$0x3F3F]  }
0x2d: {  	s3 =	simm.s32 $0x108;
	s8 =	sld [smem:$0x3F40]  }
0x2e: {  	s3 =	simm.s32 @!p0 $0x1082;
	s9 =	sld [smem:$0x3F41]  }
0x2f: {  	lr =	sadd.s32 s0, s3;
	s0 =	sld [smem:$0x3F38]  }
0x30: {  	s3 =	sld [smem:$0x3F3B]  }
0x31: {  	[smem:$0x3F44] =	sst s10  }
0x32: {  	s10 =	sld [smem:$0x3F42];
	_ =	sdelay $0x3  }
0x33: {  	p0 =	seq.s32 s10, $0x1;
	s10 =	sld [smem:$0x3F44];
	_ =	sdelay $0x3  }
0x34: {  	[smem:$0x3F44] =	sst s10  }
0x35: {  	s10 =	sld [smem:$0x3F43];
	_ =	sdelay $0x3  }
0x36: {  	p1 =	seq.s32 s10, $0x1;
	s10 =	sld [smem:$0x3F44];
	_ =	sdelay $0x3  }
0x37: {  	[smem:$0x3F44] =	sst s10  }
0x38: {  	s10 =	sld [smem:$0x3F45]  }
0x39: {  	_ = 	snop;
	(pc) =	sbr.ind lr, $3  }
0x3a: {  	_ = 	snop  }
0x3b: {  	_ = 	snop  }
0x3c: {  	p2 =	seq.s32 s10, $0x1;
	s10 =	sld [smem:$0x3F44]  }
0x3d: {  	_ =	shalt  }
0x3e: {  	_ =	shalt  }
0x3f: {  	_ =	shalt  }
0x40: {  	_ =	shalt  }
0x41: {  	_ =	shalt  }
0x42: {  	_ =	shalt  }
0x43: {  	_ =	shalt  }
0x44: {  	_ =	shalt  }
0x45: {  	_ =	shalt  }
0x46: {  	_ =	shalt  }
0x47: {  	_ =	shalt  }
0x48: {  	_ =	shalt  }
0x49: {  	_ =	shalt  }
0x4a: {  	_ =	shalt  }
0x4b: {  	_ =	shalt  }
0x4c: {  	_ =	shalt  }
0x4d: {  	_ =	shalt  }
0x4e: {  	_ =	shalt  }
0x4f: {  	_ =	shalt  }
0x50: {  	_ =	shalt  }
0x51: {  	_ =	shalt  }
0x52: {  	_ =	shalt  }
0x53: {  	_ =	shalt  }
0x54: {  	_ =	shalt  }
0x55: {  	_ =	shalt  }
0x56: {  	_ =	shalt  }
0x57: {  	_ =	shalt  }
0x58: {  	_ =	shalt  }
0x59: {  	_ =	shalt  }
0x5a: {  	_ =	shalt  }
0x5b: {  	_ =	shalt  }
0x5c: {  	_ =	shalt  }
0x5d: {  	_ =	shalt  }
0x5e: {  	_ =	shalt  }
0x5f: {  	_ =	shalt  }
0x60: {  	_ =	shalt  }
0x61: {  	_ =	shalt  }
0x62: {  	_ =	shalt  }
0x63: {  	_ =	shalt  }
0x64: {  	_ =	shalt  }
0x65: {  	_ =	shalt  }
0x66: {  	_ =	shalt  }
0x67: {  	_ =	shalt  }
0x68: {  	_ =	shalt  }
0x69: {  	_ =	shalt  }
0x6a: {  	_ =	shalt  }
0x6b: {  	_ =	shalt  }
0x6c: {  	_ =	shalt  }
0x6d: {  	_ =	shalt  }
0x6e: {  	_ =	shalt  }
0x6f: {  	_ =	shalt  }
0x70: {  	_ =	shalt  }
0x71: {  	_ =	shalt  }
0x72: {  	_ =	shalt  }
0x73: {  	_ =	shalt  }
0x74: {  	_ =	shalt  }
0x75: {  	_ =	shalt  }
0x76: {  	_ =	shalt  }
0x77: {  	_ =	shalt  }
0x78: {  	_ =	shalt  }
0x79: {  	_ =	shalt  }
0x7a: {  	_ =	shalt  }
0x7b: {  	_ =	shalt  }
0x7c: {  	_ =	shalt  }
0x7d: {  	_ =	shalt  }
0x7e: {  	_ =	shalt  }
0x7f: {  	_ =	shalt  }
0x80: {  	_ =	shalt  }
0x81: {  	_ =	shalt  }
0x82: {  	_ =	shalt  }
0x83: {  	_ =	shalt  }
0x84: {  	_ =	shalt  }
0x85: {  	_ =	shalt  }
0x86: {  	_ =	shalt  }
0x87: {  	_ =	shalt  }
.Lfunc_end0:
.L_simem_size_0:
called_computation.2_lowered:
.L_overlay_start_0:
0x88: {  	s2 =	sld [smem:$0x3FD9]  }
0x89: {  	s3 =	sld [smem:$0x3FFE];
	_ =	sdelay $0x1  }
0x8a: {  	s1 =	srdreg.scid  }
0x8b: {  	s0 =	sand.u32 $0x1, s1  }
0x8c: {  	s16 =	sshll.u32 s0, $0xA;
	s2 =	sadd.s32 s3, s2  }
0x8d: {  	s2 =	sadd.s32 s2, s16  }
0x8e: {  	[smem:$0x3F50] =	sst s2  }
0x8f: {  	_ = 	snop  }
0x90: {  	(tm) =	ssettm $0x1  }
0x91: {  	s17 =	sld [smem:$0x3FFB];
	_ =	sdelay $0x3  }
0x92: {  	_ =	strace s17  }
0x93: {  	s2 =	sld [smem:$0x3FFC];
	_ =	sdelay $0x3  }
0x94: {  	_ =	strace s2  }
0x95: {  	s2 =	sld [smem:$0x3FFD];
	_ =	sdelay $0x3  }
0x96: {  	_ =	strace s2  }
0x97: {  	_ =	strace $0x8FFFFFFF  }
0x98: {  	s18 =	sld [smem:$0x3FDB];
	_ =	sdelay $0x1  }
0x99: {  	s19 =	simm.s32 $_scs_section_size  }
0x9a: {  	s4 =	simm.s32 $_size__tile_overlayer_lowered;
	s5 =	simm.s32 $_tile_overlayer_lowered  }
0x9b: {  	s22 =	simm.s32 $0x1BFF;
	s21 =	sshll.u32 s5, $0x1;
	s2 =	sadd.s32 s19, s18  }
0x9c: {  	s6 =	simm.s32 $0x0;
	s20 =	sshll.u32 s4, $0x1;
	s4 =	sadd.s32 s21, s2  }
0x9d: {  	[timem:s6], [sflag:s22] =	dma.local [hbm:s4], s20  }
0x9e: {  	_ =	swait.ge [sflag:s22], s20  }
0x9f: {  	s3 =	ssub.s32 $0x0, s20;
	[sflag:s22] =	ssyncset.done $0x0  }
0xa0: {  	[sflag:s22] =	ssyncadd.s32 s3;
	_ =	sdelay $0x1  }
0xa1: {  	s23 =	simm.s32 $0x1B8B  }
0xa2: {  	_ =	swait.ge [sflag:s23], $0x1  }
0xa3: {  	[sflag:s23] =	ssyncset.done $0x0  }
0xa4: {  	s25 =	simm.s32 $0x1B8E;
	s24 =	sld [smem:$0x3FFE];
	[sflag:s23] =	ssyncadd.s32 $0xFFFFFFFF  }
0xa5: {  	s26 =	simm.s32 $execute0_lowered;
	[smem:$0x3FD2] =	sst s25  }
0xa6: {  	s4 =	sshll.u32 s26, $0x1;
	_ =	strace $0x8000004C;
	[dreg:$0x1] =	wrdreg $0xFFFFFFFF  }
0xa7: {  	s28 =	simm.s32 $_size_execute0_lowered;
	s2 =	sadd.s32 s2, s4;
	[dreg:$0x0] =	wrdreg $0x0  }
0xa8: {  	s4 =	sshll.u32 s28, $0x1;
	[dreg:$0x2] =	wrdreg s2  }
0xa9: {  	[dreg:$0x3] =	wrdreg s4  }
0xaa: {  	[dreg:$0x4] =	wrdreg $0xC0  }
0xab: {  	_ =	task [dreg:s6], $0x5FFFF  }
0xac: {  	[dreg:$0x1] =	wrdreg $0xFFFFFFFF  }
0xad: {  	[dreg:$0x0] =	wrdreg $0x60  }
0xae: {  	[dreg:$0x2] =	wrdreg s24  }
0xaf: {  	[dreg:$0x3] =	wrdreg $0x9  }
0xb0: {  	_ =	task.clear_ibuf [dreg:s6], $0x4FFFF;
	_ =	strace $0x9000004C  }
0xb1: {  	s29 =	simm.s32 $0x9;
	_ =	strace $0x8000004E  }
0xb2: {  	_ =	swait.ge [sflag:s29], $0x1  }
0xb3: {  	[sflag:s29] =	ssyncadd.s32 $0xFFFFFFFF  }
0xb4: {  	_ =	strace $0x9000004E  }
0xb5: {  	_ =	sfence  }
0xb6: {  	s30 =	sld [smem:$0x0];
	_ =	sdelay $0x2  }
0xb7: {  	s31 =	sshll.u32 s1, $0xD;
	s1 =	sshrl.u32 s1, $0x2  }
0xb8: {  	s3 =	sand.u32 $0x4000, s31;
	s1 =	sadd.s32 s1, s30  }
0xb9: {  	s0 =	sor.u32 s3, s0;
	s1 =	sshll.u32 s1, $0x11  }
0xba: {  	s0 =	sor.u32 s1, s0  }
0xbb: {  	s0 =	sadd.s32 $0x8F2B, s0  }
0xbc: {  	[sflag:s0] =	ssyncadd.remote.s32 $0x1  }
0xbd: {  	_ =	sfence.sel $0xFFFF  }
0xbe: {  	[dreg:$0x0] =	wrdreg $0xFFFFFFFF;
	(pc) =	sbr.abs _section_cstart, $3  }
0xbf: {  	[dreg:$0x1] =	wrdreg $0xFFFFFFFF  }
0xc0: {  	_ =	task.clear_ibuf [dreg:s6], $0x2FFFF;
	_ =	strace $0x9FFFFFFF  }
0xc1: {  	(tm) =	ssettm $0x7FFFFFFF  }
tec
execute0_lowered:
.L_overlay_start_1:
0x0: {  	(tag) =	ssettag $0x1  }
0x1: {  	s1 =	srdreg.scid;
	s0 =	stileid.u32  }
0x2: {  	s14 =	sand.u32 $0x1, s1;
	s28 =	sshll.u32 s0, $0x1  }
0x3: {  	s8 =	sor.u32 s14, s28  }
0x4: {  	s9 =	rddreg [dreg:$0x0];
	s13 =	smul.u32 $0x3C0, s8  }
0x5: {  	s2 =	simm.s32 $0x0;
	s1 =	rddreg [dreg:$0x1]  }
0x6: {  	[smem:$0x7FF] =	sst s2;
	s15 =	sadd.s32 $0x10000, s9;
	s3 =	sshrl.u32 s13, $0x3  }
0x7: {  	_ =	strace $0x8000004D;
	s4 =	sadd.s32 s15, s3;
	s3 =	simm.s32 $0x2  }
0x8: {  	[tilespmem:s2], [sflag:$0x2] =	stream.linear.gather [hbm4b:s4+s2], $0xF0, $0x38;
	[tilespmem:$0x78F0] =	vst v63  }
0x9: {  	_ =	swait.ge [sflag:s3], $0xF0  }
0xa: {  	s6 =	simm.s32 $0xF0;
	[sflag:s3] =	ssyncset.done $0x0  }
0xb: {  	s7 =	simm.s32 $0x1;
	s5 =	sadd.s32 $0x11000, s9;
	[sflag:s3] =	ssyncadd.s32 $0xFFFFFF10  }
0xc: {  	[tilespmem:s6], [sflag:$0x1] =	stream.indirect.gather [hbm4b:s5+s6], $0x80, s2, s6, $0xb8;
	[tilespmem:$0x78F0] =	vst v63  }
0xd: {  	s8 =	smul.u32 $0x3C00, s8;
	_ =	swait.ge [sflag:s7], $0x7800  }
0xe: {  	s16 =	sadd.s32 $0x39000, s9;
	[sflag:s7] =	ssyncset.done $0x0  }
0xf: {  	s8 =	sadd.s32 s16, s8;
	[sflag:s7] =	ssyncadd.s32 $0xFFFF8800  }
0x10: {  	[hbm4b:s8+s2] =	stream.linear.scatter [tilespmem:s6], [sflag:$0x2], $0x7800, $0x38;
	[tilespmem:$0x78F0] =	vst v63  }
0x11: {  	s10 =	sadd.s32 $0xF0, s13;
	_ =	swait.ge [sflag:s3], $0x7800  }
0x12: {  	s29 =	sshrl.u32 s10, $0x3;
	[sflag:s3] =	ssyncset.done $0x0  }
0x13: {  	s9 =	sadd.s32 s15, s29;
	[sflag:s3] =	ssyncadd.s32 $0xFFFF8800  }
0x14: {  	[tilespmem:s2], [sflag:$0x2] =	stream.linear.gather [hbm4b:s9+s2], $0xF0, $0x38;
	[tilespmem:$0x78F0] =	vst v63  }
0x15: {  	_ =	swait.ge [sflag:s3], $0xF0  }
0x16: {  	[sflag:s3] =	ssyncset.done $0x0  }
0x17: {  	[sflag:s3] =	ssyncadd.s32 $0xFFFFFF10  }
0x18: {  	[tilespmem:s6], [sflag:$0x1] =	stream.indirect.gather [hbm4b:s5+s6], $0x80, s2, s6, $0xb8;
	[tilespmem:$0x78F0] =	vst v63  }
0x19: {  	_ =	swait.ge [sflag:s7], $0x7800  }
0x1a: {  	s10 =	sshll.u32 s10, $0x4;
	[sflag:s7] =	ssyncset.done $0x0  }
0x1b: {  	s10 =	sadd.s32 s16, s10;
	[sflag:s7] =	ssyncadd.s32 $0xFFFF8800  }
0x1c: {  	[hbm4b:s10+s2] =	stream.linear.scatter [tilespmem:s6], [sflag:$0x2], $0x7800, $0x38;
	[tilespmem:$0x78F0] =	vst v63  }
0x1d: {  	s12 =	sadd.s32 $0x1E0, s13;
	_ =	swait.ge [sflag:s3], $0x7800  }
0x1e: {  	s11 =	sshrl.u32 s12, $0x3;
	[sflag:s3] =	ssyncset.done $0x0  }
0x1f: {  	s11 =	sadd.s32 s15, s11;
	[sflag:s3] =	ssyncadd.s32 $0xFFFF8800  }
0x20: {  	[tilespmem:s2], [sflag:$0x2] =	stream.linear.gather [hbm4b:s11+s2], $0xF0, $0x38;
	[tilespmem:$0x78F0] =	vst v63  }
0x21: {  	_ =	swait.ge [sflag:s3], $0xF0  }
0x22: {  	[sflag:s3] =	ssyncset.done $0x0  }
0x23: {  	[sflag:s3] =	ssyncadd.s32 $0xFFFFFF10  }
0x24: {  	[tilespmem:s6], [sflag:$0x1] =	stream.indirect.gather [hbm4b:s5+s6], $0x80, s2, s6, $0xb8;
	[tilespmem:$0x78F0] =	vst v63  }
0x25: {  	_ =	swait.ge [sflag:s7], $0x7800  }
0x26: {  	s12 =	sshll.u32 s12, $0x4;
	[sflag:s7] =	ssyncset.done $0x0  }
0x27: {  	s12 =	sadd.s32 s16, s12;
	[sflag:s7] =	ssyncadd.s32 $0xFFFF8800  }
0x28: {  	[hbm4b:s12+s2] =	stream.linear.scatter [tilespmem:s6], [sflag:$0x2], $0x7800, $0x38;
	[tilespmem:$0x78F0] =	vst v63  }
0x29: {  	s17 =	sadd.s32 $0x2D0, s13;
	_ =	swait.ge [sflag:s3], $0x7800  }
0x2a: {  	s13 =	sshrl.u32 s17, $0x3;
	[sflag:s3] =	ssyncset.done $0x0  }
0x2b: {  	s14 =	ssub.s32 $0x2, s14;
	s13 =	sadd.s32 s15, s13;
	[sflag:s3] =	ssyncadd.s32 $0xFFFF8800  }
0x2c: {  	[tilespmem:s2], [sflag:$0x2] =	stream.linear.gather [hbm4b:s13+s2], $0xF0, $0x38;
	[tilespmem:$0x78F0] =	vst v63  }
0x2d: {  	s30 =	sshrl.u32 s14, $0x1;
	_ =	swait.ge [sflag:s3], $0xF0  }
0x2e: {  	s15 =	ssub.s32 s14, s30;
	[sflag:s3] =	ssyncset.done $0x0  }
0x2f: {  	s15 =	smax.u32 s15, $0x1;
	[sflag:s3] =	ssyncadd.s32 $0xFFFFFF10  }
0x30: {  	[tilespmem:s6], [sflag:$0x1] =	stream.indirect.gather [hbm4b:s5+s6], $0x80, s2, s6, $0xb8;
	[tilespmem:$0x78F0] =	vst v63  }
0x31: {  	p0 =	sne.s32 s15, $0x1;
	_ =	swait.ge [sflag:s7], $0x7800  }
.Ltmp0:
0x32: {  	s31 =	sshll.u32 s17, $0x4;
	[sflag:s7] =	ssyncset.done $0x0;
	(pc) =	sbr.rel @!p0 .LBB2_2-.Ltmp0, $4  }
0x33: {  	s14 =	sadd.s32 s16, s31;
	[sflag:s7] =	ssyncadd.s32 $0xFFFF8800  }
0x34: {  	[hbm4b:s14+s2] =	stream.linear.scatter [tilespmem:s6], [sflag:$0x2], $0x7800, $0x38;
	[tilespmem:$0x78F0] =	vst v63  }
0x35: {  	_ =	swait.ge [sflag:s3], $0x7800  }
0x36: {  	s15 =	sadd.s32 $0xFFFFFFFF, s15;
	[sflag:s3] =	ssyncset.done $0x0  }
.LBB2_1:
0x37: {  	p0 =	sne.s32 s15, $0x1;
	s15 =	sadd.s32 $0xFFFFFFFF, s15;
	[sflag:s3] =	ssyncadd.s32 $0xFFFF8800  }
0x38: {  	[tilespmem:s2], [sflag:$0x2] =	stream.linear.gather [hbm4b:s4+s2], $0xF0, $0x38;
	[tilespmem:$0x78F0] =	vst v63  }
0x39: {  	_ =	swait.ge [sflag:s3], $0xF0  }
0x3a: {  	[sflag:s3] =	ssyncset.done $0x0  }
0x3b: {  	[sflag:s3] =	ssyncadd.s32 $0xFFFFFF10  }
0x3c: {  	[tilespmem:s6], [sflag:$0x1] =	stream.indirect.gather [hbm4b:s5+s6], $0x80, s2, s6, $0xb8;
	[tilespmem:$0x78F0] =	vst v63  }
0x3d: {  	_ =	swait.ge [sflag:s7], $0x7800  }
0x3e: {  	[sflag:s7] =	ssyncset.done $0x0  }
0x3f: {  	[sflag:s7] =	ssyncadd.s32 $0xFFFF8800  }
0x40: {  	[hbm4b:s8+s2] =	stream.linear.scatter [tilespmem:s6], [sflag:$0x2], $0x7800, $0x38;
	[tilespmem:$0x78F0] =	vst v63  }
0x41: {  	_ =	swait.ge [sflag:s3], $0x7800  }
0x42: {  	[sflag:s3] =	ssyncset.done $0x0  }
0x43: {  	[sflag:s3] =	ssyncadd.s32 $0xFFFF8800  }
0x44: {  	[tilespmem:s2], [sflag:$0x2] =	stream.linear.gather [hbm4b:s9+s2], $0xF0, $0x38;
	[tilespmem:$0x78F0] =	vst v63  }
0x45: {  	_ =	swait.ge [sflag:s3], $0xF0  }
0x46: {  	[sflag:s3] =	ssyncset.done $0x0  }
0x47: {  	[sflag:s3] =	ssyncadd.s32 $0xFFFFFF10  }
0x48: {  	[tilespmem:s6], [sflag:$0x1] =	stream.indirect.gather [hbm4b:s5+s6], $0x80, s2, s6, $0xb8;
	[tilespmem:$0x78F0] =	vst v63  }
0x49: {  	_ =	swait.ge [sflag:s7], $0x7800  }
0x4a: {  	[sflag:s7] =	ssyncset.done $0x0  }
0x4b: {  	[sflag:s7] =	ssyncadd.s32 $0xFFFF8800  }
0x4c: {  	[hbm4b:s10+s2] =	stream.linear.scatter [tilespmem:s6], [sflag:$0x2], $0x7800, $0x38;
	[tilespmem:$0x78F0] =	vst v63  }
0x4d: {  	_ =	swait.ge [sflag:s3], $0x7800  }
0x4e: {  	[sflag:s3] =	ssyncset.done $0x0  }
0x4f: {  	[sflag:s3] =	ssyncadd.s32 $0xFFFF8800  }
0x50: {  	[tilespmem:s2], [sflag:$0x2] =	stream.linear.gather [hbm4b:s11+s2], $0xF0, $0x38;
	[tilespmem:$0x78F0] =	vst v63  }
0x51: {  	_ =	swait.ge [sflag:s3], $0xF0  }
0x52: {  	[sflag:s3] =	ssyncset.done $0x0  }
0x53: {  	[sflag:s3] =	ssyncadd.s32 $0xFFFFFF10  }
0x54: {  	[tilespmem:s6], [sflag:$0x1] =	stream.indirect.gather [hbm4b:s5+s6], $0x80, s2, s6, $0xb8;
	[tilespmem:$0x78F0] =	vst v63  }
0x55: {  	_ =	swait.ge [sflag:s7], $0x7800  }
0x56: {  	[sflag:s7] =	ssyncset.done $0x0  }
0x57: {  	[sflag:s7] =	ssyncadd.s32 $0xFFFF8800  }
0x58: {  	[hbm4b:s12+s2] =	stream.linear.scatter [tilespmem:s6], [sflag:$0x2], $0x7800, $0x38;
	[tilespmem:$0x78F0] =	vst v63  }
0x59: {  	_ =	swait.ge [sflag:s3], $0x7800  }
0x5a: {  	[sflag:s3] =	ssyncset.done $0x0  }
0x5b: {  	[sflag:s3] =	ssyncadd.s32 $0xFFFF8800  }
0x5c: {  	[tilespmem:s2], [sflag:$0x2] =	stream.linear.gather [hbm4b:s13+s2], $0xF0, $0x38;
	[tilespmem:$0x78F0] =	vst v63  }
0x5d: {  	_ =	swait.ge [sflag:s3], $0xF0  }
0x5e: {  	[sflag:s3] =	ssyncset.done $0x0  }
0x5f: {  	[sflag:s3] =	ssyncadd.s32 $0xFFFFFF10  }
0x60: {  	[tilespmem:s6], [sflag:$0x1] =	stream.indirect.gather [hbm4b:s5+s6], $0x80, s2, s6, $0xb8;
	[tilespmem:$0x78F0] =	vst v63  }
0x61: {  	_ =	swait.ge [sflag:s7], $0x7800  }
.Ltmp1:
0x62: {  	[sflag:s7] =	ssyncset.done $0x0;
	(pc) =	sbr.rel @p0 .LBB2_1-.Ltmp1, $4  }
0x63: {  	[sflag:s7] =	ssyncadd.s32 $0xFFFF8800  }
0x64: {  	[hbm4b:s14+s2] =	stream.linear.scatter [tilespmem:s6], [sflag:$0x2], $0x7800, $0x38;
	[tilespmem:$0x78F0] =	vst v63  }
0x65: {  	_ =	swait.ge [sflag:s3], $0x7800  }
0x66: {  	[sflag:s3] =	ssyncset.done $0x0  }
.LBB2_2:
0x67: {  	[sflag:s3] =	ssyncadd.s32 $0xFFFF8800  }
0x68: {  	_ =	sfence.sel $0x180000  }
0x69: {  	[bflag:$0x0] =	sbarrier.arrive $0xFFFF  }
0x6a: {  	p0 =	sne.s32 s0, $0x0;
	_ =	strace $0x9000004D  }
0x6b: {  	s0 =	sadd.s32 @!p0 $0x100000, s1;
	[bflag:$0x2] =	sbarrier.arrive $0xFFFF  }
0x6c: {  	[sflag:s0] =	ssyncadd.tile.s32 @!p0 $0x1;
	_ =	shalt  }
.Lfunc_end2:
_tile_overlayer_lowered:
.L_overlay_start_2:
0x6d: {  	(tag) =	ssettag $0x2  }
0x6e: {  	s0 =	rddreg [dreg:$0x0];
	s2 =	stileid.u32  }
0x6f: {  	s1 =	rddreg [dreg:$0x1];
	p0 =	sne.s32 s2, $0x0  }
0x70: {  	s3 =	rddreg [dreg:$0x2];
	[bflag:$0x3] =	sbarrier.arrive $0xFFFF;
	s2 =	simm.s32 @!p0 $0x1C02  }
0x71: {  	[timem:s3], [sflag:s2] =	dma.local @!p0 [hbm:s0], s1  }
0x72: {  	s0 =	simm.s32 @!p0 $0x2  }
0x73: {  	_ =	swait.ge @!p0 [sflag:s0], s1  }
0x74: {  	s1 =	ssub.s32 @!p0 $0x0, s1;
	[sflag:s0] =	ssyncset.done @!p0 $0x0  }
0x75: {  	[sflag:s0] =	ssyncadd.s32 @!p0 s1  }
0x76: {  	[bflag:$0x3] =	sbarrier.arrive $0xFFFF  }
0x77: {  	_ =	shalt  }

// kernel: kernel.23.cloned.1.call-start
scs
__scs_entry_jumppad:
0x0: {  	(pc) =	sbr.rel $0x88, $3  }
0x1: {  	(tag) =	ssettag $0x0;
	lr =	simm.s32 $0x1  }
0x2: {  	[smem:$0x3F29] =	sst lr;
	_ =	strace $0xD0000000  }
0x3: {  	_ = 	snop  }
0x4: {  	_ = 	snop  }
0x5: {  	_ = 	snop  }
0x6: {  	_ = 	snop  }
0x7: {  	_ = 	snop  }
__scs_overlays_trampoline_lowered:
0x8: {  	[smem:$0x3F38] =	sst s0  }
0x9: {  	[smem:$0x3F39] =	sst s1  }
0xa: {  	[smem:$0x3F3A] =	sst s2  }
0xb: {  	[smem:$0x3F3B] =	sst s3  }
0xc: {  	[smem:$0x3F3C] =	sst s4  }
0xd: {  	[smem:$0x3F3D] =	sst s5  }
0xe: {  	[smem:$0x3F3E] =	sst s6  }
0xf: {  	[smem:$0x3F3F] =	sst s7  }
0x10: {  	[smem:$0x3F40] =	sst s8  }
0x11: {  	[smem:$0x3F41] =	sst s9;
	s0 =	simm.s32 @!p0 $0x0  }
0x12: {  	s1 =	sld [smem:$0x3F27];
	s0 =	simm.s32 @p0 $0x1  }
0x13: {  	[smem:$0x3F42] =	sst s0;
	s0 =	simm.s32 @!p1 $0x0  }
0x14: {  	s2 =	sld [smem:$0x3F26];
	s0 =	simm.s32 @p1 $0x1  }
0x15: {  	[smem:$0x3F43] =	sst s0;
	s0 =	simm.s32 @!p2 $0x0  }
0x16: {  	s3 =	sld [smem:$0x3FDB];
	s0 =	simm.s32 @p2 $0x1  }
0x17: {  	s4 =	simm.s32 $0x1BF5;
	[smem:$0x3F45] =	sst s0  }
0x18: {  	s0 =	sld [smem:$0x3F28];
	_ =	swait.ge [sflag:s4], $0x0  }
0x19: {  	s7 =	sld [smem:$0x3F29]  }
0x1a: {  	s8 =	sadd.s32 $0xFFFFE003, lr  }
0x1b: {  	s9 =	sadd.s32 $0xFFFFFEF7, lr;
	s5 =	simm.s32 $0xFFFFFFFF;
	p2 =	slt.u32 s8, $0xFFFFF086  }
0x1c: {  	p1 =	slt.u32 s9, $0xF7A;
	s5 =	simm.s32 @!p2 $0x0  }
0x1d: {  	s5 =	simm.s32 @p1 $0x1;
	p0 =	seq.s32 s7, s2  }
0x1e: {  	s7 =	smul.u32 @!p0 $0xF7A, s2;
	p2 =	seq.s32 @!p0 s5, $0x0  }
0x1f: {  	s9 =	smul.u32 $0xF7A, s1;
	s8 =	simm.s32 @!p0 $0x1BF5;
	p2 =	por !p2, p0  }
0x20: {  	[sflag:s8] =	ssyncset.s32 @!p0 $0xFFFFF086;
	s6 =	sadd.s32 @!p0 s3, s7;
	s7 =	simm.s32 @!p0 $0x108  }
0x21: {  	s3 =	sadd.s32 s3, s9;
	s6 =	sadd.s32 @!p0 $0x88, s6;
	s7 =	simm.s32 @p2 $0x1082  }
0x22: {  	[simem:s7], [sflag:s8] =	dma.local @!p0 [hbm:s6], $0xF7A  }
0x23: {  	s9 =	sor.u32 $0xD0000000, s2;
	s6 =	simm.s32 $0x108;
	_ =	swait.ge @!p0 [sflag:s8], $0x0  }
0x24: {  	s3 =	sadd.s32 $0x88, s3;
	s6 =	simm.s32 @!p1 $0x1082;
	[sflag:s4] =	ssyncset.s32 $0xFFFFF086  }
0x25: {  	[simem:s6], [sflag:s4] =	dma.local [hbm:s3], $0xF7A  }
0x26: {  	[smem:$0x3F29] =	sst s1;
	(tag) =	ssettag s2;
	_ =	strace s9  }
0x27: {  	s1 =	sld [smem:$0x3F39]  }
0x28: {  	s2 =	sld [smem:$0x3F3A]  }
0x29: {  	s4 =	sld [smem:$0x3F3C]  }
0x2a: {  	p0 =	seq.s32 s5, $0x0;
	s5 =	sld [smem:$0x3F3D]  }
0x2b: {  	s6 =	sld [smem:$0x3F3E]  }
0x2c: {  	s7 =	sld [smem:$0x3F3F]  }
0x2d: {  	s3 =	simm.s32 $0x108;
	s8 =	sld [smem:$0x3F40]  }
0x2e: {  	s3 =	simm.s32 @!p0 $0x1082;
	s9 =	sld [smem:$0x3F41]  }
0x2f: {  	lr =	sadd.s32 s0, s3;
	s0 =	sld [smem:$0x3F38]  }
0x30: {  	s3 =	sld [smem:$0x3F3B]  }
0x31: {  	[smem:$0x3F44] =	sst s10  }
0x32: {  	s10 =	sld [smem:$0x3F42];
	_ =	sdelay $0x3  }
0x33: {  	p0 =	seq.s32 s10, $0x1;
	s10 =	sld [smem:$0x3F44];
	_ =	sdelay $0x3  }
0x34: {  	[smem:$0x3F44] =	sst s10  }
0x35: {  	s10 =	sld [smem:$0x3F43];
	_ =	sdelay $0x3  }
0x36: {  	p1 =	seq.s32 s10, $0x1;
	s10 =	sld [smem:$0x3F44];
	_ =	sdelay $0x3  }
0x37: {  	[smem:$0x3F44] =	sst s10  }
0x38: {  	s10 =	sld [smem:$0x3F45]  }
0x39: {  	_ = 	snop;
	(pc) =	sbr.ind lr, $3  }
0x3a: {  	_ = 	snop  }
0x3b: {  	_ = 	snop  }
0x3c: {  	p2 =	seq.s32 s10, $0x1;
	s10 =	sld [smem:$0x3F44]  }
0x3d: {  	_ =	shalt  }
0x3e: {  	_ =	shalt  }
0x3f: {  	_ =	shalt  }
0x40: {  	_ =	shalt  }
0x41: {  	_ =	shalt  }
0x42: {  	_ =	shalt  }
0x43: {  	_ =	shalt  }
0x44: {  	_ =	shalt  }
0x45: {  	_ =	shalt  }
0x46: {  	_ =	shalt  }
0x47: {  	_ =	shalt  }
0x48: {  	_ =	shalt  }
0x49: {  	_ =	shalt  }
0x4a: {  	_ =	shalt  }
0x4b: {  	_ =	shalt  }
0x4c: {  	_ =	shalt  }
0x4d: {  	_ =	shalt  }
0x4e: {  	_ =	shalt  }
0x4f: {  	_ =	shalt  }
0x50: {  	_ =	shalt  }
0x51: {  	_ =	shalt  }
0x52: {  	_ =	shalt  }
0x53: {  	_ =	shalt  }
0x54: {  	_ =	shalt  }
0x55: {  	_ =	shalt  }
0x56: {  	_ =	shalt  }
0x57: {  	_ =	shalt  }
0x58: {  	_ =	shalt  }
0x59: {  	_ =	shalt  }
0x5a: {  	_ =	shalt  }
0x5b: {  	_ =	shalt  }
0x5c: {  	_ =	shalt  }
0x5d: {  	_ =	shalt  }
0x5e: {  	_ =	shalt  }
0x5f: {  	_ =	shalt  }
0x60: {  	_ =	shalt  }
0x61: {  	_ =	shalt  }
0x62: {  	_ =	shalt  }
0x63: {  	_ =	shalt  }
0x64: {  	_ =	shalt  }
0x65: {  	_ =	shalt  }
0x66: {  	_ =	shalt  }
0x67: {  	_ =	shalt  }
0x68: {  	_ =	shalt  }
0x69: {  	_ =	shalt  }
0x6a: {  	_ =	shalt  }
0x6b: {  	_ =	shalt  }
0x6c: {  	_ =	shalt  }
0x6d: {  	_ =	shalt  }
0x6e: {  	_ =	shalt  }
0x6f: {  	_ =	shalt  }
0x70: {  	_ =	shalt  }
0x71: {  	_ =	shalt  }
0x72: {  	_ =	shalt  }
0x73: {  	_ =	shalt  }
0x74: {  	_ =	shalt  }
0x75: {  	_ =	shalt  }
0x76: {  	_ =	shalt  }
0x77: {  	_ =	shalt  }
0x78: {  	_ =	shalt  }
0x79: {  	_ =	shalt  }
0x7a: {  	_ =	shalt  }
0x7b: {  	_ =	shalt  }
0x7c: {  	_ =	shalt  }
0x7d: {  	_ =	shalt  }
0x7e: {  	_ =	shalt  }
0x7f: {  	_ =	shalt  }
0x80: {  	_ =	shalt  }
0x81: {  	_ =	shalt  }
0x82: {  	_ =	shalt  }
0x83: {  	_ =	shalt  }
0x84: {  	_ =	shalt  }
0x85: {  	_ =	shalt  }
0x86: {  	_ =	shalt  }
0x87: {  	_ =	shalt  }
.Lfunc_end0:
.L_simem_size_0:
called_computation.3_lowered:
.L_overlay_start_0:
0x88: {  	s2 =	sld [smem:$0x3FD9]  }
0x89: {  	s3 =	sld [smem:$0x3FFE];
	_ =	sdelay $0x1  }
0x8a: {  	s1 =	srdreg.scid  }
0x8b: {  	s0 =	sand.u32 $0x1, s1  }
0x8c: {  	s16 =	sshll.u32 s0, $0xA;
	s2 =	sadd.s32 s3, s2  }
0x8d: {  	s2 =	sadd.s32 s2, s16  }
0x8e: {  	[smem:$0x3F50] =	sst s2  }
0x8f: {  	_ = 	snop  }
0x90: {  	(tm) =	ssettm $0x1  }
0x91: {  	s17 =	sld [smem:$0x3FFB];
	_ =	sdelay $0x3  }
0x92: {  	_ =	strace s17  }
0x93: {  	s2 =	sld [smem:$0x3FFC];
	_ =	sdelay $0x3  }
0x94: {  	_ =	strace s2  }
0x95: {  	s2 =	sld [smem:$0x3FFD];
	_ =	sdelay $0x3  }
0x96: {  	_ =	strace s2  }
0x97: {  	_ =	strace $0x8FFFFFFF  }
0x98: {  	s18 =	sld [smem:$0x3FDB];
	_ =	sdelay $0x1  }
0x99: {  	s19 =	simm.s32 $_scs_section_size  }
0x9a: {  	s4 =	simm.s32 $_size__tile_overlayer_lowered;
	s5 =	simm.s32 $_tile_overlayer_lowered  }
0x9b: {  	s22 =	simm.s32 $0x1BFF;
	s21 =	sshll.u32 s5, $0x1;
	s2 =	sadd.s32 s19, s18  }
0x9c: {  	s6 =	simm.s32 $0x0;
	s20 =	sshll.u32 s4, $0x1;
	s4 =	sadd.s32 s21, s2  }
0x9d: {  	[timem:s6], [sflag:s22] =	dma.local [hbm:s4], s20  }
0x9e: {  	_ =	swait.ge [sflag:s22], s20  }
0x9f: {  	s3 =	ssub.s32 $0x0, s20;
	[sflag:s22] =	ssyncset.done $0x0  }
0xa0: {  	[sflag:s22] =	ssyncadd.s32 s3;
	_ =	sdelay $0x1  }
0xa1: {  	s23 =	simm.s32 $0x1B8B  }
0xa2: {  	_ =	swait.ge [sflag:s23], $0x1  }
0xa3: {  	[sflag:s23] =	ssyncset.done $0x0  }
0xa4: {  	s25 =	simm.s32 $0x1B8E;
	s24 =	sld [smem:$0x3FFE];
	[sflag:s23] =	ssyncadd.s32 $0xFFFFFFFF  }
0xa5: {  	s26 =	simm.s32 $execute0_lowered;
	[smem:$0x3FD2] =	sst s25  }
0xa6: {  	s4 =	sshll.u32 s26, $0x1;
	_ =	strace $0x8000004F;
	[dreg:$0x1] =	wrdreg $0xFFFFFFFF  }
0xa7: {  	s28 =	simm.s32 $_size_execute0_lowered;
	s2 =	sadd.s32 s2, s4;
	[dreg:$0x0] =	wrdreg $0x0  }
0xa8: {  	s4 =	sshll.u32 s28, $0x1;
	[dreg:$0x2] =	wrdreg s2  }
0xa9: {  	[dreg:$0x3] =	wrdreg s4  }
0xaa: {  	[dreg:$0x4] =	wrdreg $0xC0  }
0xab: {  	_ =	task [dreg:s6], $0x5FFFF  }
0xac: {  	[dreg:$0x1] =	wrdreg $0xFFFFFFFF  }
0xad: {  	[dreg:$0x0] =	wrdreg $0x60  }
0xae: {  	[dreg:$0x2] =	wrdreg s24  }
0xaf: {  	[dreg:$0x3] =	wrdreg $0x9  }
0xb0: {  	_ =	task.clear_ibuf [dreg:s6], $0x4FFFF;
	_ =	strace $0x9000004F  }
0xb1: {  	s29 =	simm.s32 $0x9;
	_ =	strace $0x80000051  }
0xb2: {  	_ =	swait.ge [sflag:s29], $0x1  }
0xb3: {  	[sflag:s29] =	ssyncadd.s32 $0xFFFFFFFF  }
0xb4: {  	_ =	strace $0x90000051  }
0xb5: {  	_ =	sfence  }
0xb6: {  	s30 =	sld [smem:$0x0];
	_ =	sdelay $0x2  }
0xb7: {  	s31 =	sshll.u32 s1, $0xD;
	s1 =	sshrl.u32 s1, $0x2  }
0xb8: {  	s3 =	sand.u32 $0x4000, s31;
	s1 =	sadd.s32 s1, s30  }
0xb9: {  	s0 =	sor.u32 s3, s0;
	s1 =	sshll.u32 s1, $0x11  }
0xba: {  	s0 =	sor.u32 s1, s0  }
0xbb: {  	s0 =	sadd.s32 $0x8F2B, s0  }
0xbc: {  	[sflag:s0] =	ssyncadd.remote.s32 $0x1  }
0xbd: {  	_ =	sfence.sel $0xFFFF  }
0xbe: {  	[dreg:$0x0] =	wrdreg $0xFFFFFFFF;
	(pc) =	sbr.abs _section_cstart, $3  }
0xbf: {  	[dreg:$0x1] =	wrdreg $0xFFFFFFFF  }
0xc0: {  	_ =	task.clear_ibuf [dreg:s6], $0x2FFFF;
	_ =	strace $0x9FFFFFFF  }
0xc1: {  	(tm) =	ssettm $0x7FFFFFFF  }
tec
execute0_lowered:
.L_overlay_start_1:
0x0: {  	(tag) =	ssettag $0x1  }
0x1: {  	s1 =	srdreg.scid;
	s0 =	stileid.u32  }
0x2: {  	s14 =	sand.u32 $0x1, s1;
	s30 =	sshll.u32 s0, $0x1  }
0x3: {  	s8 =	sor.u32 s14, s30  }
0x4: {  	s9 =	rddreg [dreg:$0x0];
	s10 =	smul.u32 $0x3C0, s8  }
0x5: {  	s2 =	simm.s32 $0x0;
	s1 =	rddreg [dreg:$0x1]  }
0x6: {  	[smem:$0x7FF] =	sst s2;
	s11 =	sadd.s32 $0x10000, s9;
	s3 =	sshrl.u32 s10, $0x3  }
0x7: {  	_ =	strace $0x80000050;
	s4 =	sadd.s32 s11, s3;
	s3 =	simm.s32 $0x2  }
0x8: {  	[tilespmem:s2], [sflag:$0x2] =	stream.linear.gather [hbm4b:s4+s2], $0xF0, $0x38;
	[tilespmem:$0xE1F0] =	vst v63  }
0x9: {  	_ =	swait.ge [sflag:s3], $0xF0  }
0xa: {  	s6 =	simm.s32 $0xF0;
	[sflag:s3] =	ssyncset.done $0x0  }
0xb: {  	s7 =	simm.s32 $0x1;
	s5 =	sadd.s32 $0x11000, s9;
	[sflag:s3] =	ssyncadd.s32 $0xFFFFFF10  }
0xc: {  	[tilespmem:s6], [sflag:$0x1] =	stream.indirect.gather [hbm4b:s5+s6], $0xF0, s2, s6, $0xb8;
	[tilespmem:$0xE1F0] =	vst v63  }
0xd: {  	s8 =	smul.u32 $0x7080, s8;
	_ =	swait.ge [sflag:s7], $0xE100  }
0xe: {  	s12 =	sadd.s32 $0x5C000, s9;
	[sflag:s7] =	ssyncset.done $0x0  }
0xf: {  	s8 =	sadd.s32 s12, s8;
	[sflag:s7] =	ssyncadd.s32 $0xFFFF1F00  }
0x10: {  	[hbm4b:s8+s2] =	stream.linear.scatter [tilespmem:s6], [sflag:$0x2], $0xE100, $0x38;
	[tilespmem:$0xE1F0] =	vst v63  }
0x11: {  	s10 =	sadd.s32 $0xF0, s10;
	_ =	swait.ge [sflag:s3], $0xE100  }
0x12: {  	s31 =	sshrl.u32 s10, $0x3;
	[sflag:s3] =	ssyncset.done $0x0  }
0x13: {  	s9 =	sadd.s32 s11, s31;
	[sflag:s3] =	ssyncadd.s32 $0xFFFF1F00  }
0x14: {  	[tilespmem:s2], [sflag:$0x2] =	stream.linear.gather [hbm4b:s9+s2], $0xF0, $0x38;
	[tilespmem:$0xE1F0] =	vst v63  }
0x15: {  	_ =	swait.ge [sflag:s3], $0xF0  }
0x16: {  	[sflag:s3] =	ssyncset.done $0x0  }
0x17: {  	[sflag:s3] =	ssyncadd.s32 $0xFFFFFF10  }
0x18: {  	[tilespmem:s6], [sflag:$0x1] =	stream.indirect.gather [hbm4b:s5+s6], $0xF0, s2, s6, $0xb8;
	[tilespmem:$0xE1F0] =	vst v63  }
0x19: {  	s10 =	smul.u32 $0x1E, s10;
	_ =	swait.ge [sflag:s7], $0xE100  }
0x1a: {  	[sflag:s7] =	ssyncset.done $0x0  }
0x1b: {  	s10 =	sadd.s32 s12, s10;
	[sflag:s7] =	ssyncadd.s32 $0xFFFF1F00  }
0x1c: {  	[hbm4b:s10+s2] =	stream.linear.scatter [tilespmem:s6], [sflag:$0x2], $0xE100, $0x38;
	[tilespmem:$0xE1F0] =	vst v63  }
0x1d: {  	_ =	swait.ge [sflag:s3], $0xE100  }
0x1e: {  	[sflag:s3] =	ssyncset.done $0x0  }
0x1f: {  	s11 =	sadd.s32 $0x3C, s4;
	[sflag:s3] =	ssyncadd.s32 $0xFFFF1F00  }
0x20: {  	[tilespmem:s2], [sflag:$0x2] =	stream.linear.gather [hbm4b:s11+s2], $0xF0, $0x38;
	[tilespmem:$0xE1F0] =	vst v63  }
0x21: {  	_ =	swait.ge [sflag:s3], $0xF0  }
0x22: {  	[sflag:s3] =	ssyncset.done $0x0  }
0x23: {  	[sflag:s3] =	ssyncadd.s32 $0xFFFFFF10  }
0x24: {  	[tilespmem:s6], [sflag:$0x1] =	stream.indirect.gather [hbm4b:s5+s6], $0xF0, s2, s6, $0xb8;
	[tilespmem:$0xE1F0] =	vst v63  }
0x25: {  	_ =	swait.ge [sflag:s7], $0xE100  }
0x26: {  	[sflag:s7] =	ssyncset.done $0x0  }
0x27: {  	s12 =	sadd.s32 $0x3840, s8;
	[sflag:s7] =	ssyncadd.s32 $0xFFFF1F00  }
0x28: {  	[hbm4b:s12+s2] =	stream.linear.scatter [tilespmem:s6], [sflag:$0x2], $0xE100, $0x38;
	[tilespmem:$0xE1F0] =	vst v63  }
0x29: {  	_ =	swait.ge [sflag:s3], $0xE100  }
0x2a: {  	[sflag:s3] =	ssyncset.done $0x0  }
0x2b: {  	s14 =	ssub.s32 $0x2, s14;
	s13 =	sadd.s32 $0x5A, s4;
	[sflag:s3] =	ssyncadd.s32 $0xFFFF1F00  }
0x2c: {  	[tilespmem:s2], [sflag:$0x2] =	stream.linear.gather [hbm4b:s13+s2], $0xF0, $0x38;
	[tilespmem:$0xE1F0] =	vst v63  }
0x2d: {  	s15 =	sshrl.u32 s14, $0x1;
	_ =	swait.ge [sflag:s3], $0xF0  }
0x2e: {  	s14 =	ssub.s32 s14, s15;
	[sflag:s3] =	ssyncset.done $0x0  }
0x2f: {  	s15 =	smax.u32 s14, $0x1;
	[sflag:s3] =	ssyncadd.s32 $0xFFFFFF10  }
0x30: {  	[tilespmem:s6], [sflag:$0x1] =	stream.indirect.gather [hbm4b:s5+s6], $0xF0, s2, s6, $0xb8;
	[tilespmem:$0xE1F0] =	vst v63  }
0x31: {  	p0 =	sne.s32 s15, $0x1;
	_ =	swait.ge [sflag:s7], $0xE100  }
.Ltmp0:
0x32: {  	[sflag:s7] =	ssyncset.done $0x0;
	(pc) =	sbr.rel @!p0 .LBB2_2-.Ltmp0, $4  }
0x33: {  	s14 =	sadd.s32 $0x5460, s8;
	[sflag:s7] =	ssyncadd.s32 $0xFFFF1F00  }
0x34: {  	[hbm4b:s14+s2] =	stream.linear.scatter [tilespmem:s6], [sflag:$0x2], $0xE100, $0x38;
	[tilespmem:$0xE1F0] =	vst v63  }
0x35: {  	_ =	swait.ge [sflag:s3], $0xE100  }
0x36: {  	s15 =	sadd.s32 $0xFFFFFFFF, s15;
	[sflag:s3] =	ssyncset.done $0x0  }
.LBB2_1:
0x37: {  	p0 =	sne.s32 s15, $0x1;
	s15 =	sadd.s32 $0xFFFFFFFF, s15;
	[sflag:s3] =	ssyncadd.s32 $0xFFFF1F00  }
0x38: {  	[tilespmem:s2], [sflag:$0x2] =	stream.linear.gather [hbm4b:s4+s2], $0xF0, $0x38;
	[tilespmem:$0xE1F0] =	vst v63  }
0x39: {  	_ =	swait.ge [sflag:s3], $0xF0  }
0x3a: {  	[sflag:s3] =	ssyncset.done $0x0  }
0x3b: {  	[sflag:s3] =	ssyncadd.s32 $0xFFFFFF10  }
0x3c: {  	[tilespmem:s6], [sflag:$0x1] =	stream.indirect.gather [hbm4b:s5+s6], $0xF0, s2, s6, $0xb8;
	[tilespmem:$0xE1F0] =	vst v63  }
0x3d: {  	_ =	swait.ge [sflag:s7], $0xE100  }
0x3e: {  	[sflag:s7] =	ssyncset.done $0x0  }
0x3f: {  	[sflag:s7] =	ssyncadd.s32 $0xFFFF1F00  }
0x40: {  	[hbm4b:s8+s2] =	stream.linear.scatter [tilespmem:s6], [sflag:$0x2], $0xE100, $0x38;
	[tilespmem:$0xE1F0] =	vst v63  }
0x41: {  	_ =	swait.ge [sflag:s3], $0xE100  }
0x42: {  	[sflag:s3] =	ssyncset.done $0x0  }
0x43: {  	[sflag:s3] =	ssyncadd.s32 $0xFFFF1F00  }
0x44: {  	[tilespmem:s2], [sflag:$0x2] =	stream.linear.gather [hbm4b:s9+s2], $0xF0, $0x38;
	[tilespmem:$0xE1F0] =	vst v63  }
0x45: {  	_ =	swait.ge [sflag:s3], $0xF0  }
0x46: {  	[sflag:s3] =	ssyncset.done $0x0  }
0x47: {  	[sflag:s3] =	ssyncadd.s32 $0xFFFFFF10  }
0x48: {  	[tilespmem:s6], [sflag:$0x1] =	stream.indirect.gather [hbm4b:s5+s6], $0xF0, s2, s6, $0xb8;
	[tilespmem:$0xE1F0] =	vst v63  }
0x49: {  	_ =	swait.ge [sflag:s7], $0xE100  }
0x4a: {  	[sflag:s7] =	ssyncset.done $0x0  }
0x4b: {  	[sflag:s7] =	ssyncadd.s32 $0xFFFF1F00  }
0x4c: {  	[hbm4b:s10+s2] =	stream.linear.scatter [tilespmem:s6], [sflag:$0x2], $0xE100, $0x38;
	[tilespmem:$0xE1F0] =	vst v63  }
0x4d: {  	_ =	swait.ge [sflag:s3], $0xE100  }
0x4e: {  	[sflag:s3] =	ssyncset.done $0x0  }
0x4f: {  	[sflag:s3] =	ssyncadd.s32 $0xFFFF1F00  }
0x50: {  	[tilespmem:s2], [sflag:$0x2] =	stream.linear.gather [hbm4b:s11+s2], $0xF0, $0x38;
	[tilespmem:$0xE1F0] =	vst v63  }
0x51: {  	_ =	swait.ge [sflag:s3], $0xF0  }
0x52: {  	[sflag:s3] =	ssyncset.done $0x0  }
0x53: {  	[sflag:s3] =	ssyncadd.s32 $0xFFFFFF10  }
0x54: {  	[tilespmem:s6], [sflag:$0x1] =	stream.indirect.gather [hbm4b:s5+s6], $0xF0, s2, s6, $0xb8;
	[tilespmem:$0xE1F0] =	vst v63  }
0x55: {  	_ =	swait.ge [sflag:s7], $0xE100  }
0x56: {  	[sflag:s7] =	ssyncset.done $0x0  }
0x57: {  	[sflag:s7] =	ssyncadd.s32 $0xFFFF1F00  }
0x58: {  	[hbm4b:s12+s2] =	stream.linear.scatter [tilespmem:s6], [sflag:$0x2], $0xE100, $0x38;
	[tilespmem:$0xE1F0] =	vst v63  }
0x59: {  	_ =	swait.ge [sflag:s3], $0xE100  }
0x5a: {  	[sflag:s3] =	ssyncset.done $0x0  }
0x5b: {  	[sflag:s3] =	ssyncadd.s32 $0xFFFF1F00  }
0x5c: {  	[tilespmem:s2], [sflag:$0x2] =	stream.linear.gather [hbm4b:s13+s2], $0xF0, $0x38;
	[tilespmem:$0xE1F0] =	vst v63  }
0x5d: {  	_ =	swait.ge [sflag:s3], $0xF0  }
0x5e: {  	[sflag:s3] =	ssyncset.done $0x0  }
0x5f: {  	[sflag:s3] =	ssyncadd.s32 $0xFFFFFF10  }
0x60: {  	[tilespmem:s6], [sflag:$0x1] =	stream.indirect.gather [hbm4b:s5+s6], $0xF0, s2, s6, $0xb8;
	[tilespmem:$0xE1F0] =	vst v63  }
0x61: {  	_ =	swait.ge [sflag:s7], $0xE100  }
.Ltmp1:
0x62: {  	[sflag:s7] =	ssyncset.done $0x0;
	(pc) =	sbr.rel @p0 .LBB2_1-.Ltmp1, $4  }
0x63: {  	[sflag:s7] =	ssyncadd.s32 $0xFFFF1F00  }
0x64: {  	[hbm4b:s14+s2] =	stream.linear.scatter [tilespmem:s6], [sflag:$0x2], $0xE100, $0x38;
	[tilespmem:$0xE1F0] =	vst v63  }
0x65: {  	_ =	swait.ge [sflag:s3], $0xE100  }
0x66: {  	[sflag:s3] =	ssyncset.done $0x0  }
.LBB2_2:
0x67: {  	[sflag:s3] =	ssyncadd.s32 $0xFFFF1F00  }
0x68: {  	_ =	sfence.sel $0x180000  }
0x69: {  	[bflag:$0x0] =	sbarrier.arrive $0xFFFF  }
0x6a: {  	p0 =	sne.s32 s0, $0x0;
	_ =	strace $0x90000050  }
0x6b: {  	s0 =	sadd.s32 @!p0 $0x100000, s1;
	[bflag:$0x2] =	sbarrier.arrive $0xFFFF  }
0x6c: {  	[sflag:s0] =	ssyncadd.tile.s32 @!p0 $0x1;
	_ =	shalt  }
.Lfunc_end2:
_tile_overlayer_lowered:
.L_overlay_start_2:
0x6d: {  	(tag) =	ssettag $0x2  }
0x6e: {  	s0 =	rddreg [dreg:$0x0];
	s2 =	stileid.u32  }
0x6f: {  	s1 =	rddreg [dreg:$0x1];
	p0 =	sne.s32 s2, $0x0  }
0x70: {  	s3 =	rddreg [dreg:$0x2];
	[bflag:$0x3] =	sbarrier.arrive $0xFFFF;
	s2 =	simm.s32 @!p0 $0x1C02  }
0x71: {  	[timem:s3], [sflag:s2] =	dma.local @!p0 [hbm:s0], s1  }
0x72: {  	s0 =	simm.s32 @!p0 $0x2  }
0x73: {  	_ =	swait.ge @!p0 [sflag:s0], s1  }
0x74: {  	s1 =	ssub.s32 @!p0 $0x0, s1;
	[sflag:s0] =	ssyncset.done @!p0 $0x0  }
0x75: {  	[sflag:s0] =	ssyncadd.s32 @!p0 s1  }
0x76: {  	[bflag:$0x3] =	sbarrier.arrive $0xFFFF  }
0x77: {  	_ =	shalt  }

// kernel: kernel.26.cloned.1.call-start
scs
__scs_entry_jumppad:
0x0: {  	(pc) =	sbr.rel $0x88, $3  }
0x1: {  	(tag) =	ssettag $0x0;
	lr =	simm.s32 $0x1  }
0x2: {  	[smem:$0x3F29] =	sst lr;
	_ =	strace $0xD0000000  }
0x3: {  	_ = 	snop  }
0x4: {  	_ = 	snop  }
0x5: {  	_ = 	snop  }
0x6: {  	_ = 	snop  }
0x7: {  	_ = 	snop  }
__scs_overlays_trampoline_lowered:
0x8: {  	[smem:$0x3F38] =	sst s0  }
0x9: {  	[smem:$0x3F39] =	sst s1  }
0xa: {  	[smem:$0x3F3A] =	sst s2  }
0xb: {  	[smem:$0x3F3B] =	sst s3  }
0xc: {  	[smem:$0x3F3C] =	sst s4  }
0xd: {  	[smem:$0x3F3D] =	sst s5  }
0xe: {  	[smem:$0x3F3E] =	sst s6  }
0xf: {  	[smem:$0x3F3F] =	sst s7  }
0x10: {  	[smem:$0x3F40] =	sst s8  }
0x11: {  	[smem:$0x3F41] =	sst s9;
	s0 =	simm.s32 @!p0 $0x0  }
0x12: {  	s1 =	sld [smem:$0x3F27];
	s0 =	simm.s32 @p0 $0x1  }
0x13: {  	[smem:$0x3F42] =	sst s0;
	s0 =	simm.s32 @!p1 $0x0  }
0x14: {  	s2 =	sld [smem:$0x3F26];
	s0 =	simm.s32 @p1 $0x1  }
0x15: {  	[smem:$0x3F43] =	sst s0;
	s0 =	simm.s32 @!p2 $0x0  }
0x16: {  	s3 =	sld [smem:$0x3FDB];
	s0 =	simm.s32 @p2 $0x1  }
0x17: {  	s4 =	simm.s32 $0x1BF5;
	[smem:$0x3F45] =	sst s0  }
0x18: {  	s0 =	sld [smem:$0x3F28];
	_ =	swait.ge [sflag:s4], $0x0  }
0x19: {  	s7 =	sld [smem:$0x3F29]  }
0x1a: {  	s8 =	sadd.s32 $0xFFFFE003, lr  }
0x1b: {  	s9 =	sadd.s32 $0xFFFFFEF7, lr;
	s5 =	simm.s32 $0xFFFFFFFF;
	p2 =	slt.u32 s8, $0xFFFFF086  }
0x1c: {  	p1 =	slt.u32 s9, $0xF7A;
	s5 =	simm.s32 @!p2 $0x0  }
0x1d: {  	s5 =	simm.s32 @p1 $0x1;
	p0 =	seq.s32 s7, s2  }
0x1e: {  	s7 =	smul.u32 @!p0 $0xF7A, s2;
	p2 =	seq.s32 @!p0 s5, $0x0  }
0x1f: {  	s9 =	smul.u32 $0xF7A, s1;
	s8 =	simm.s32 @!p0 $0x1BF5;
	p2 =	por !p2, p0  }
0x20: {  	[sflag:s8] =	ssyncset.s32 @!p0 $0xFFFFF086;
	s6 =	sadd.s32 @!p0 s3, s7;
	s7 =	simm.s32 @!p0 $0x108  }
0x21: {  	s3 =	sadd.s32 s3, s9;
	s6 =	sadd.s32 @!p0 $0x88, s6;
	s7 =	simm.s32 @p2 $0x1082  }
0x22: {  	[simem:s7], [sflag:s8] =	dma.local @!p0 [hbm:s6], $0xF7A  }
0x23: {  	s9 =	sor.u32 $0xD0000000, s2;
	s6 =	simm.s32 $0x108;
	_ =	swait.ge @!p0 [sflag:s8], $0x0  }
0x24: {  	s3 =	sadd.s32 $0x88, s3;
	s6 =	simm.s32 @!p1 $0x1082;
	[sflag:s4] =	ssyncset.s32 $0xFFFFF086  }
0x25: {  	[simem:s6], [sflag:s4] =	dma.local [hbm:s3], $0xF7A  }
0x26: {  	[smem:$0x3F29] =	sst s1;
	(tag) =	ssettag s2;
	_ =	strace s9  }
0x27: {  	s1 =	sld [smem:$0x3F39]  }
0x28: {  	s2 =	sld [smem:$0x3F3A]  }
0x29: {  	s4 =	sld [smem:$0x3F3C]  }
0x2a: {  	p0 =	seq.s32 s5, $0x0;
	s5 =	sld [smem:$0x3F3D]  }
0x2b: {  	s6 =	sld [smem:$0x3F3E]  }
0x2c: {  	s7 =	sld [smem:$0x3F3F]  }
0x2d: {  	s3 =	simm.s32 $0x108;
	s8 =	sld [smem:$0x3F40]  }
0x2e: {  	s3 =	simm.s32 @!p0 $0x1082;
	s9 =	sld [smem:$0x3F41]  }
0x2f: {  	lr =	sadd.s32 s0, s3;
	s0 =	sld [smem:$0x3F38]  }
0x30: {  	s3 =	sld [smem:$0x3F3B]  }
0x31: {  	[smem:$0x3F44] =	sst s10  }
0x32: {  	s10 =	sld [smem:$0x3F42];
	_ =	sdelay $0x3  }
0x33: {  	p0 =	seq.s32 s10, $0x1;
	s10 =	sld [smem:$0x3F44];
	_ =	sdelay $0x3  }
0x34: {  	[smem:$0x3F44] =	sst s10  }
0x35: {  	s10 =	sld [smem:$0x3F43];
	_ =	sdelay $0x3  }
0x36: {  	p1 =	seq.s32 s10, $0x1;
	s10 =	sld [smem:$0x3F44];
	_ =	sdelay $0x3  }
0x37: {  	[smem:$0x3F44] =	sst s10  }
0x38: {  	s10 =	sld [smem:$0x3F45]  }
0x39: {  	_ = 	snop;
	(pc) =	sbr.ind lr, $3  }
0x3a: {  	_ = 	snop  }
0x3b: {  	_ = 	snop  }
0x3c: {  	p2 =	seq.s32 s10, $0x1;
	s10 =	sld [smem:$0x3F44]  }
0x3d: {  	_ =	shalt  }
0x3e: {  	_ =	shalt  }
0x3f: {  	_ =	shalt  }
0x40: {  	_ =	shalt  }
0x41: {  	_ =	shalt  }
0x42: {  	_ =	shalt  }
0x43: {  	_ =	shalt  }
0x44: {  	_ =	shalt  }
0x45: {  	_ =	shalt  }
0x46: {  	_ =	shalt  }
0x47: {  	_ =	shalt  }
0x48: {  	_ =	shalt  }
0x49: {  	_ =	shalt  }
0x4a: {  	_ =	shalt  }
0x4b: {  	_ =	shalt  }
0x4c: {  	_ =	shalt  }
0x4d: {  	_ =	shalt  }
0x4e: {  	_ =	shalt  }
0x4f: {  	_ =	shalt  }
0x50: {  	_ =	shalt  }
0x51: {  	_ =	shalt  }
0x52: {  	_ =	shalt  }
0x53: {  	_ =	shalt  }
0x54: {  	_ =	shalt  }
0x55: {  	_ =	shalt  }
0x56: {  	_ =	shalt  }
0x57: {  	_ =	shalt  }
0x58: {  	_ =	shalt  }
0x59: {  	_ =	shalt  }
0x5a: {  	_ =	shalt  }
0x5b: {  	_ =	shalt  }
0x5c: {  	_ =	shalt  }
0x5d: {  	_ =	shalt  }
0x5e: {  	_ =	shalt  }
0x5f: {  	_ =	shalt  }
0x60: {  	_ =	shalt  }
0x61: {  	_ =	shalt  }
0x62: {  	_ =	shalt  }
0x63: {  	_ =	shalt  }
0x64: {  	_ =	shalt  }
0x65: {  	_ =	shalt  }
0x66: {  	_ =	shalt  }
0x67: {  	_ =	shalt  }
0x68: {  	_ =	shalt  }
0x69: {  	_ =	shalt  }
0x6a: {  	_ =	shalt  }
0x6b: {  	_ =	shalt  }
0x6c: {  	_ =	shalt  }
0x6d: {  	_ =	shalt  }
0x6e: {  	_ =	shalt  }
0x6f: {  	_ =	shalt  }
0x70: {  	_ =	shalt  }
0x71: {  	_ =	shalt  }
0x72: {  	_ =	shalt  }
0x73: {  	_ =	shalt  }
0x74: {  	_ =	shalt  }
0x75: {  	_ =	shalt  }
0x76: {  	_ =	shalt  }
0x77: {  	_ =	shalt  }
0x78: {  	_ =	shalt  }
0x79: {  	_ =	shalt  }
0x7a: {  	_ =	shalt  }
0x7b: {  	_ =	shalt  }
0x7c: {  	_ =	shalt  }
0x7d: {  	_ =	shalt  }
0x7e: {  	_ =	shalt  }
0x7f: {  	_ =	shalt  }
0x80: {  	_ =	shalt  }
0x81: {  	_ =	shalt  }
0x82: {  	_ =	shalt  }
0x83: {  	_ =	shalt  }
0x84: {  	_ =	shalt  }
0x85: {  	_ =	shalt  }
0x86: {  	_ =	shalt  }
0x87: {  	_ =	shalt  }
.Lfunc_end0:
.L_simem_size_0:
called_computation.4_lowered:
.L_overlay_start_0:
0x88: {  	s2 =	sld [smem:$0x3FD9]  }
0x89: {  	s3 =	sld [smem:$0x3FFE];
	_ =	sdelay $0x1  }
0x8a: {  	s1 =	srdreg.scid  }
0x8b: {  	s0 =	sand.u32 $0x1, s1  }
0x8c: {  	s16 =	sshll.u32 s0, $0xA;
	s2 =	sadd.s32 s3, s2  }
0x8d: {  	s2 =	sadd.s32 s2, s16  }
0x8e: {  	[smem:$0x3F50] =	sst s2  }
0x8f: {  	_ = 	snop  }
0x90: {  	(tm) =	ssettm $0x1  }
0x91: {  	s17 =	sld [smem:$0x3FFB];
	_ =	sdelay $0x3  }
0x92: {  	_ =	strace s17  }
0x93: {  	s2 =	sld [smem:$0x3FFC];
	_ =	sdelay $0x3  }
0x94: {  	_ =	strace s2  }
0x95: {  	s2 =	sld [smem:$0x3FFD];
	_ =	sdelay $0x3  }
0x96: {  	_ =	strace s2  }
0x97: {  	_ =	strace $0x8FFFFFFF  }
0x98: {  	s18 =	sld [smem:$0x3FDB];
	_ =	sdelay $0x1  }
0x99: {  	s19 =	simm.s32 $_scs_section_size  }
0x9a: {  	s4 =	simm.s32 $_size__tile_overlayer_lowered;
	s5 =	simm.s32 $_tile_overlayer_lowered  }
0x9b: {  	s22 =	simm.s32 $0x1BFF;
	s21 =	sshll.u32 s5, $0x1;
	s2 =	sadd.s32 s19, s18  }
0x9c: {  	s6 =	simm.s32 $0x0;
	s20 =	sshll.u32 s4, $0x1;
	s4 =	sadd.s32 s21, s2  }
0x9d: {  	[timem:s6], [sflag:s22] =	dma.local [hbm:s4], s20  }
0x9e: {  	_ =	swait.ge [sflag:s22], s20  }
0x9f: {  	s3 =	ssub.s32 $0x0, s20;
	[sflag:s22] =	ssyncset.done $0x0  }
0xa0: {  	[sflag:s22] =	ssyncadd.s32 s3;
	_ =	sdelay $0x1  }
0xa1: {  	s23 =	simm.s32 $0x1B8B  }
0xa2: {  	_ =	swait.ge [sflag:s23], $0x1  }
0xa3: {  	[sflag:s23] =	ssyncset.done $0x0  }
0xa4: {  	s25 =	simm.s32 $0x1B8E;
	s24 =	sld [smem:$0x3FFE];
	[sflag:s23] =	ssyncadd.s32 $0xFFFFFFFF  }
0xa5: {  	s26 =	simm.s32 $execute0_lowered;
	[smem:$0x3FD2] =	sst s25  }
0xa6: {  	s4 =	sshll.u32 s26, $0x1;
	_ =	strace $0x80000052;
	[dreg:$0x1] =	wrdreg $0xFFFFFFFF  }
0xa7: {  	s28 =	simm.s32 $_size_execute0_lowered;
	s2 =	sadd.s32 s2, s4;
	[dreg:$0x0] =	wrdreg $0x0  }
0xa8: {  	s4 =	sshll.u32 s28, $0x1;
	[dreg:$0x2] =	wrdreg s2  }
0xa9: {  	[dreg:$0x3] =	wrdreg s4  }
0xaa: {  	[dreg:$0x4] =	wrdreg $0xC0  }
0xab: {  	_ =	task [dreg:s6], $0x5FFFF  }
0xac: {  	[dreg:$0x1] =	wrdreg $0xFFFFFFFF  }
0xad: {  	[dreg:$0x0] =	wrdreg $0x60  }
0xae: {  	[dreg:$0x2] =	wrdreg s24  }
0xaf: {  	[dreg:$0x3] =	wrdreg $0x9  }
0xb0: {  	_ =	task.clear_ibuf [dreg:s6], $0x4FFFF;
	_ =	strace $0x90000052  }
0xb1: {  	s29 =	simm.s32 $0x9;
	_ =	strace $0x80000054  }
0xb2: {  	_ =	swait.ge [sflag:s29], $0x1  }
0xb3: {  	[sflag:s29] =	ssyncadd.s32 $0xFFFFFFFF  }
0xb4: {  	_ =	strace $0x90000054  }
0xb5: {  	_ =	sfence  }
0xb6: {  	s30 =	sld [smem:$0x0];
	_ =	sdelay $0x2  }
0xb7: {  	s31 =	sshll.u32 s1, $0xD;
	s1 =	sshrl.u32 s1, $0x2  }
0xb8: {  	s3 =	sand.u32 $0x4000, s31;
	s1 =	sadd.s32 s1, s30  }
0xb9: {  	s0 =	sor.u32 s3, s0;
	s1 =	sshll.u32 s1, $0x11  }
0xba: {  	s0 =	sor.u32 s1, s0  }
0xbb: {  	s0 =	sadd.s32 $0x8F2B, s0  }
0xbc: {  	[sflag:s0] =	ssyncadd.remote.s32 $0x1  }
0xbd: {  	_ =	sfence.sel $0xFFFF  }
0xbe: {  	[dreg:$0x0] =	wrdreg $0xFFFFFFFF;
	(pc) =	sbr.abs _section_cstart, $3  }
0xbf: {  	[dreg:$0x1] =	wrdreg $0xFFFFFFFF  }
0xc0: {  	_ =	task.clear_ibuf [dreg:s6], $0x2FFFF;
	_ =	strace $0x9FFFFFFF  }
0xc1: {  	(tm) =	ssettm $0x7FFFFFFF  }
tec
execute0_lowered:
.L_overlay_start_1:
0x0: {  	(tag) =	ssettag $0x1  }
0x1: {  	s1 =	srdreg.scid;
	s0 =	stileid.u32  }
0x2: {  	s14 =	sand.u32 $0x1, s1;
	s30 =	sshll.u32 s0, $0x1  }
0x3: {  	s8 =	sor.u32 s14, s30  }
0x4: {  	s9 =	rddreg [dreg:$0x0];
	s10 =	smul.u32 $0x3C0, s8  }
0x5: {  	s2 =	simm.s32 $0x0;
	s1 =	rddreg [dreg:$0x1]  }
0x6: {  	[smem:$0x7FF] =	sst s2;
	s11 =	sadd.s32 $0x10000, s9;
	s3 =	sshrl.u32 s10, $0x3  }
0x7: {  	_ =	strace $0x80000053;
	s4 =	sadd.s32 s11, s3;
	s3 =	simm.s32 $0x2  }
0x8: {  	[tilespmem:s2], [sflag:$0x2] =	stream.linear.gather [hbm4b:s4+s2], $0xF0, $0x38;
	[tilespmem:$0x11DF0] =	vst v63  }
0x9: {  	_ =	swait.ge [sflag:s3], $0xF0  }
0xa: {  	s6 =	simm.s32 $0xF0;
	[sflag:s3] =	ssyncset.done $0x0  }
0xb: {  	s7 =	simm.s32 $0x1;
	s5 =	sadd.s32 $0x89000, s9;
	[sflag:s3] =	ssyncadd.s32 $0xFFFFFF10  }
0xc: {  	[tilespmem:s6], [sflag:$0x1] =	stream.indirect.gather [hbm4b:s5+s6], $0x130, s2, s6, $0xb8;
	[tilespmem:$0x11DF0] =	vst v63  }
0xd: {  	s8 =	smul.u32 $0x8E80, s8;
	_ =	swait.ge [sflag:s7], $0x11D00  }
0xe: {  	s12 =	sadd.s32 $0xE8000, s9;
	[sflag:s7] =	ssyncset.done $0x0  }
0xf: {  	s8 =	sadd.s32 s12, s8;
	[sflag:s7] =	ssyncadd.s32 $0xFFFEE300  }
0x10: {  	[hbm4b:s8+s2] =	stream.linear.scatter [tilespmem:s6], [sflag:$0x2], $0x11D00, $0x38;
	[tilespmem:$0x11DF0] =	vst v63  }
0x11: {  	s10 =	sadd.s32 $0xF0, s10;
	_ =	swait.ge [sflag:s3], $0x11D00  }
0x12: {  	s31 =	sshrl.u32 s10, $0x3;
	[sflag:s3] =	ssyncset.done $0x0  }
0x13: {  	s9 =	sadd.s32 s11, s31;
	[sflag:s3] =	ssyncadd.s32 $0xFFFEE300  }
0x14: {  	[tilespmem:s2], [sflag:$0x2] =	stream.linear.gather [hbm4b:s9+s2], $0xF0, $0x38;
	[tilespmem:$0x11DF0] =	vst v63  }
0x15: {  	_ =	swait.ge [sflag:s3], $0xF0  }
0x16: {  	[sflag:s3] =	ssyncset.done $0x0  }
0x17: {  	[sflag:s3] =	ssyncadd.s32 $0xFFFFFF10  }
0x18: {  	[tilespmem:s6], [sflag:$0x1] =	stream.indirect.gather [hbm4b:s5+s6], $0x130, s2, s6, $0xb8;
	[tilespmem:$0x11DF0] =	vst v63  }
0x19: {  	s10 =	smul.u32 $0x26, s10;
	_ =	swait.ge [sflag:s7], $0x11D00  }
0x1a: {  	[sflag:s7] =	ssyncset.done $0x0  }
0x1b: {  	s10 =	sadd.s32 s12, s10;
	[sflag:s7] =	ssyncadd.s32 $0xFFFEE300  }
0x1c: {  	[hbm4b:s10+s2] =	stream.linear.scatter [tilespmem:s6], [sflag:$0x2], $0x11D00, $0x38;
	[tilespmem:$0x11DF0] =	vst v63  }
0x1d: {  	_ =	swait.ge [sflag:s3], $0x11D00  }
0x1e: {  	[sflag:s3] =	ssyncset.done $0x0  }
0x1f: {  	s11 =	sadd.s32 $0x3C, s4;
	[sflag:s3] =	ssyncadd.s32 $0xFFFEE300  }
0x20: {  	[tilespmem:s2], [sflag:$0x2] =	stream.linear.gather [hbm4b:s11+s2], $0xF0, $0x38;
	[tilespmem:$0x11DF0] =	vst v63  }
0x21: {  	_ =	swait.ge [sflag:s3], $0xF0  }
0x22: {  	[sflag:s3] =	ssyncset.done $0x0  }
0x23: {  	[sflag:s3] =	ssyncadd.s32 $0xFFFFFF10  }
0x24: {  	[tilespmem:s6], [sflag:$0x1] =	stream.indirect.gather [hbm4b:s5+s6], $0x130, s2, s6, $0xb8;
	[tilespmem:$0x11DF0] =	vst v63  }
0x25: {  	_ =	swait.ge [sflag:s7], $0x11D00  }
0x26: {  	[sflag:s7] =	ssyncset.done $0x0  }
0x27: {  	s12 =	sadd.s32 $0x4740, s8;
	[sflag:s7] =	ssyncadd.s32 $0xFFFEE300  }
0x28: {  	[hbm4b:s12+s2] =	stream.linear.scatter [tilespmem:s6], [sflag:$0x2], $0x11D00, $0x38;
	[tilespmem:$0x11DF0] =	vst v63  }
0x29: {  	_ =	swait.ge [sflag:s3], $0x11D00  }
0x2a: {  	[sflag:s3] =	ssyncset.done $0x0  }
0x2b: {  	s14 =	ssub.s32 $0x2, s14;
	s13 =	sadd.s32 $0x5A, s4;
	[sflag:s3] =	ssyncadd.s32 $0xFFFEE300  }
0x2c: {  	[tilespmem:s2], [sflag:$0x2] =	stream.linear.gather [hbm4b:s13+s2], $0xF0, $0x38;
	[tilespmem:$0x11DF0] =	vst v63  }
0x2d: {  	s15 =	sshrl.u32 s14, $0x1;
	_ =	swait.ge [sflag:s3], $0xF0  }
0x2e: {  	s14 =	ssub.s32 s14, s15;
	[sflag:s3] =	ssyncset.done $0x0  }
0x2f: {  	s15 =	smax.u32 s14, $0x1;
	[sflag:s3] =	ssyncadd.s32 $0xFFFFFF10  }
0x30: {  	[tilespmem:s6], [sflag:$0x1] =	stream.indirect.gather [hbm4b:s5+s6], $0x130, s2, s6, $0xb8;
	[tilespmem:$0x11DF0] =	vst v63  }
0x31: {  	p0 =	sne.s32 s15, $0x1;
	_ =	swait.ge [sflag:s7], $0x11D00  }
.Ltmp0:
0x32: {  	[sflag:s7] =	ssyncset.done $0x0;
	(pc) =	sbr.rel @!p0 .LBB2_2-.Ltmp0, $4  }
0x33: {  	s14 =	sadd.s32 $0x6AE0, s8;
	[sflag:s7] =	ssyncadd.s32 $0xFFFEE300  }
0x34: {  	[hbm4b:s14+s2] =	stream.linear.scatter [tilespmem:s6], [sflag:$0x2], $0x11D00, $0x38;
	[tilespmem:$0x11DF0] =	vst v63  }
0x35: {  	_ =	swait.ge [sflag:s3], $0x11D00  }
0x36: {  	s15 =	sadd.s32 $0xFFFFFFFF, s15;
	[sflag:s3] =	ssyncset.done $0x0  }
.LBB2_1:
0x37: {  	p0 =	sne.s32 s15, $0x1;
	s15 =	sadd.s32 $0xFFFFFFFF, s15;
	[sflag:s3] =	ssyncadd.s32 $0xFFFEE300  }
0x38: {  	[tilespmem:s2], [sflag:$0x2] =	stream.linear.gather [hbm4b:s4+s2], $0xF0, $0x38;
	[tilespmem:$0x11DF0] =	vst v63  }
0x39: {  	_ =	swait.ge [sflag:s3], $0xF0  }
0x3a: {  	[sflag:s3] =	ssyncset.done $0x0  }
0x3b: {  	[sflag:s3] =	ssyncadd.s32 $0xFFFFFF10  }
0x3c: {  	[tilespmem:s6], [sflag:$0x1] =	stream.indirect.gather [hbm4b:s5+s6], $0x130, s2, s6, $0xb8;
	[tilespmem:$0x11DF0] =	vst v63  }
0x3d: {  	_ =	swait.ge [sflag:s7], $0x11D00  }
0x3e: {  	[sflag:s7] =	ssyncset.done $0x0  }
0x3f: {  	[sflag:s7] =	ssyncadd.s32 $0xFFFEE300  }
0x40: {  	[hbm4b:s8+s2] =	stream.linear.scatter [tilespmem:s6], [sflag:$0x2], $0x11D00, $0x38;
	[tilespmem:$0x11DF0] =	vst v63  }
0x41: {  	_ =	swait.ge [sflag:s3], $0x11D00  }
0x42: {  	[sflag:s3] =	ssyncset.done $0x0  }
0x43: {  	[sflag:s3] =	ssyncadd.s32 $0xFFFEE300  }
0x44: {  	[tilespmem:s2], [sflag:$0x2] =	stream.linear.gather [hbm4b:s9+s2], $0xF0, $0x38;
	[tilespmem:$0x11DF0] =	vst v63  }
0x45: {  	_ =	swait.ge [sflag:s3], $0xF0  }
0x46: {  	[sflag:s3] =	ssyncset.done $0x0  }
0x47: {  	[sflag:s3] =	ssyncadd.s32 $0xFFFFFF10  }
0x48: {  	[tilespmem:s6], [sflag:$0x1] =	stream.indirect.gather [hbm4b:s5+s6], $0x130, s2, s6, $0xb8;
	[tilespmem:$0x11DF0] =	vst v63  }
0x49: {  	_ =	swait.ge [sflag:s7], $0x11D00  }
0x4a: {  	[sflag:s7] =	ssyncset.done $0x0  }
0x4b: {  	[sflag:s7] =	ssyncadd.s32 $0xFFFEE300  }
0x4c: {  	[hbm4b:s10+s2] =	stream.linear.scatter [tilespmem:s6], [sflag:$0x2], $0x11D00, $0x38;
	[tilespmem:$0x11DF0] =	vst v63  }
0x4d: {  	_ =	swait.ge [sflag:s3], $0x11D00  }
0x4e: {  	[sflag:s3] =	ssyncset.done $0x0  }
0x4f: {  	[sflag:s3] =	ssyncadd.s32 $0xFFFEE300  }
0x50: {  	[tilespmem:s2], [sflag:$0x2] =	stream.linear.gather [hbm4b:s11+s2], $0xF0, $0x38;
	[tilespmem:$0x11DF0] =	vst v63  }
0x51: {  	_ =	swait.ge [sflag:s3], $0xF0  }
0x52: {  	[sflag:s3] =	ssyncset.done $0x0  }
0x53: {  	[sflag:s3] =	ssyncadd.s32 $0xFFFFFF10  }
0x54: {  	[tilespmem:s6], [sflag:$0x1] =	stream.indirect.gather [hbm4b:s5+s6], $0x130, s2, s6, $0xb8;
	[tilespmem:$0x11DF0] =	vst v63  }
0x55: {  	_ =	swait.ge [sflag:s7], $0x11D00  }
0x56: {  	[sflag:s7] =	ssyncset.done $0x0  }
0x57: {  	[sflag:s7] =	ssyncadd.s32 $0xFFFEE300  }
0x58: {  	[hbm4b:s12+s2] =	stream.linear.scatter [tilespmem:s6], [sflag:$0x2], $0x11D00, $0x38;
	[tilespmem:$0x11DF0] =	vst v63  }
0x59: {  	_ =	swait.ge [sflag:s3], $0x11D00  }
0x5a: {  	[sflag:s3] =	ssyncset.done $0x0  }
0x5b: {  	[sflag:s3] =	ssyncadd.s32 $0xFFFEE300  }
0x5c: {  	[tilespmem:s2], [sflag:$0x2] =	stream.linear.gather [hbm4b:s13+s2], $0xF0, $0x38;
	[tilespmem:$0x11DF0] =	vst v63  }
0x5d: {  	_ =	swait.ge [sflag:s3], $0xF0  }
0x5e: {  	[sflag:s3] =	ssyncset.done $0x0  }
0x5f: {  	[sflag:s3] =	ssyncadd.s32 $0xFFFFFF10  }
0x60: {  	[tilespmem:s6], [sflag:$0x1] =	stream.indirect.gather [hbm4b:s5+s6], $0x130, s2, s6, $0xb8;
	[tilespmem:$0x11DF0] =	vst v63  }
0x61: {  	_ =	swait.ge [sflag:s7], $0x11D00  }
.Ltmp1:
0x62: {  	[sflag:s7] =	ssyncset.done $0x0;
	(pc) =	sbr.rel @p0 .LBB2_1-.Ltmp1, $4  }
0x63: {  	[sflag:s7] =	ssyncadd.s32 $0xFFFEE300  }
0x64: {  	[hbm4b:s14+s2] =	stream.linear.scatter [tilespmem:s6], [sflag:$0x2], $0x11D00, $0x38;
	[tilespmem:$0x11DF0] =	vst v63  }
0x65: {  	_ =	swait.ge [sflag:s3], $0x11D00  }
0x66: {  	[sflag:s3] =	ssyncset.done $0x0  }
.LBB2_2:
0x67: {  	[sflag:s3] =	ssyncadd.s32 $0xFFFEE300  }
0x68: {  	_ =	sfence.sel $0x180000  }
0x69: {  	[bflag:$0x0] =	sbarrier.arrive $0xFFFF  }
0x6a: {  	p0 =	sne.s32 s0, $0x0;
	_ =	strace $0x90000053  }
0x6b: {  	s0 =	sadd.s32 @!p0 $0x100000, s1;
	[bflag:$0x2] =	sbarrier.arrive $0xFFFF  }
0x6c: {  	[sflag:s0] =	ssyncadd.tile.s32 @!p0 $0x1;
	_ =	shalt  }
.Lfunc_end2:
_tile_overlayer_lowered:
.L_overlay_start_2:
0x6d: {  	(tag) =	ssettag $0x2  }
0x6e: {  	s0 =	rddreg [dreg:$0x0];
	s2 =	stileid.u32  }
0x6f: {  	s1 =	rddreg [dreg:$0x1];
	p0 =	sne.s32 s2, $0x0  }
0x70: {  	s3 =	rddreg [dreg:$0x2];
	[bflag:$0x3] =	sbarrier.arrive $0xFFFF;
	s2 =	simm.s32 @!p0 $0x1C02  }
0x71: {  	[timem:s3], [sflag:s2] =	dma.local @!p0 [hbm:s0], s1  }
0x72: {  	s0 =	simm.s32 @!p0 $0x2  }
0x73: {  	_ =	swait.ge @!p0 [sflag:s0], s1  }
0x74: {  	s1 =	ssub.s32 @!p0 $0x0, s1;
	[sflag:s0] =	ssyncset.done @!p0 $0x0  }
0x75: {  	[sflag:s0] =	ssyncadd.s32 @!p0 s1  }
0x76: {  	[bflag:$0x3] =	sbarrier.arrive $0xFFFF  }
0x77: {  	_ =	shalt  }

</sc_bundles>
